<compile_context>
chip_gen: v7x
topology: tpu7x:2x2x1
jax: 0.10.2.dev20260603
libtpu: 0.0.44.dev20260713+nightly
codegen_flags: <defaults>
</compile_context>

<pallas_src>
import functools

import jax
import jax.numpy as jnp
from jax import lax
from jax.experimental import pallas as pl
from jax.experimental.pallas import tpu as pltpu
import jax.experimental.pallas.tpu_sc as plsc

_GDN = lax.GatherDimensionNumbers(offset_dims=(), collapsed_slice_dims=(0,),
                                  start_index_map=(0,))


def _shuf(v, idx):
    return lax.gather(v, idx[:, None], _GDN, slice_sizes=(1,),
                      mode=lax.GatherScatterMode.PROMISE_IN_BOUNDS)


def _lanesum(v, lanes):
    for sh in (8, 4, 2, 1):
        v = v + _shuf(v, lanes ^ sh)
    return v

_N = 10000
_E = 320000
_D = 128
_HID = 32
_H1 = 4
_EP = _E + _N
_NW = 32
_CH1 = 72
_CH2 = 512


def _cpw(ch):
    c = -(-_EP // (_NW * ch))
    return c + c % 2


_EPAD = max(_NW * ch * _cpw(ch) for ch in (_CH1, _CH2))
_RB = 1000
_SC_PARAMS = pltpu.CompilerParams(needs_layout_passes=False,
                                  use_tc_tiling_on_sc=False)



def _stats_update(st_ref, yl, yr, first):
    mx_l = jnp.max(yl, axis=0, keepdims=True)
    mn_l = jnp.min(yl, axis=0, keepdims=True)
    mx_r = jnp.max(yr, axis=0, keepdims=True)
    mn_r = jnp.min(yr, axis=0, keepdims=True)

    @pl.when(first)
    def _():
        st_ref[0:1, :] = mx_l
        st_ref[1:2, :] = mn_l
        st_ref[2:3, :] = mx_r
        st_ref[3:4, :] = mn_r

    @pl.when(jnp.logical_not(first))
    def _():
        st_ref[0:1, :] = jnp.maximum(st_ref[0:1, :], mx_l)
        st_ref[1:2, :] = jnp.minimum(st_ref[1:2, :], mn_l)
        st_ref[2:3, :] = jnp.maximum(st_ref[2:3, :], mx_r)
        st_ref[3:4, :] = jnp.minimum(st_ref[3:4, :], mn_r)


def _lin2_body(x_ref, wl_ref, bl_ref, wr_ref, br_ref,
               ol_ref, or_ref, st_ref):
    xv = x_ref[...]
    yl = jnp.dot(xv, wl_ref[...],
                 preferred_element_type=jnp.float32) + bl_ref[...]
    yr = jnp.dot(xv, wr_ref[...],
                 preferred_element_type=jnp.float32) + br_ref[...]
    ol_ref[...] = yl
    or_ref[...] = yr
    _stats_update(st_ref, yl, yr, pl.program_id(0) == 0)


def _lin2(x, wl, bl, wr, br):
    din, dout = wl.shape
    return pl.pallas_call(
        _lin2_body,
        grid=(_N // _RB,),
        in_specs=[
            pl.BlockSpec((_RB, din), lambda i: (i, 0)),
            pl.BlockSpec((din, dout), lambda i: (0, 0)),
            pl.BlockSpec((dout,), lambda i: (0,)),
            pl.BlockSpec((din, dout), lambda i: (0, 0)),
            pl.BlockSpec((dout,), lambda i: (0,)),
        ],
        out_specs=[
            pl.BlockSpec((_RB, dout), lambda i: (i, 0)),
            pl.BlockSpec((_RB, dout), lambda i: (i, 0)),
            pl.BlockSpec((4, dout), lambda i: (0, 0)),
        ],
        out_shape=[jax.ShapeDtypeStruct((_N, dout), jnp.float32),
                   jax.ShapeDtypeStruct((_N, dout), jnp.float32),
                   jax.ShapeDtypeStruct((4, dout), jnp.float32)],
    )(x, wl, bl, wr, br)


def _elu(v):
    return jnp.where(v > 0, v, jnp.exp(v) - 1.0)


def _combine_lin_body(h, n0_ref, n1_ref, d0_ref, d1_ref, bias_ref,
                      wl_ref, bl_ref, wr_ref, br_ref,
                      ol_ref, or_ref, st_ref):
    num = n0_ref[...] + n1_ref[...]
    den = d0_ref[...] + d1_ref[...]
    parts = [jnp.broadcast_to(den[:, k:k + 1], (_RB, _HID)) for k in range(h)]
    denb = jnp.concatenate(parts, axis=1) if h > 1 else parts[0]
    hv = _elu(num / denb + bias_ref[...])
    yl = jnp.dot(hv, wl_ref[...],
                 preferred_element_type=jnp.float32) + bl_ref[...]
    yr = jnp.dot(hv, wr_ref[...],
                 preferred_element_type=jnp.float32) + br_ref[...]
    ol_ref[...] = yl
    or_ref[...] = yr
    _stats_update(st_ref, yl, yr, pl.program_id(0) == 0)


def _combine_lin(h, n0, n1, d0, d1, bias, wl, bl, wr, br):
    hc, dout = wl.shape[0], wl.shape[1]
    return pl.pallas_call(
        functools.partial(_combine_lin_body, h),
        grid=(_N // _RB,),
        in_specs=[
            pl.BlockSpec((_RB, hc), lambda i: (i, 0)),
            pl.BlockSpec((_RB, hc), lambda i: (i, 0)),
            pl.BlockSpec((_RB, 16), lambda i: (i, 0)),
            pl.BlockSpec((_RB, 16), lambda i: (i, 0)),
            pl.BlockSpec((hc,), lambda i: (0,)),
            pl.BlockSpec((hc, dout), lambda i: (0, 0)),
            pl.BlockSpec((dout,), lambda i: (0,)),
            pl.BlockSpec((hc, dout), lambda i: (0, 0)),
            pl.BlockSpec((dout,), lambda i: (0,)),
        ],
        out_specs=[
            pl.BlockSpec((_RB, dout), lambda i: (i, 0)),
            pl.BlockSpec((_RB, dout), lambda i: (i, 0)),
            pl.BlockSpec((4, dout), lambda i: (0, 0)),
        ],
        out_shape=[jax.ShapeDtypeStruct((_N, dout), jnp.float32),
                   jax.ShapeDtypeStruct((_N, dout), jnp.float32),
                   jax.ShapeDtypeStruct((4, dout), jnp.float32)],
    )(n0, n1, d0, d1, bias, wl, bl, wr, br)


def _final_body(n0_ref, n1_ref, d0_ref, d1_ref, bias_ref, wc_ref, bc_ref,
                out_ref):
    num = n0_ref[...] + n1_ref[...]
    den = d0_ref[...] + d1_ref[...]
    denb = jnp.broadcast_to(den[:, 0:1], (_RB, _HID))
    hv = _elu(num / denb + bias_ref[...])
    y = jnp.sum(hv * wc_ref[...][:, 0][None, :], axis=1,
                keepdims=True) + bc_ref[...]
    out_ref[...] = jax.nn.sigmoid(y)


def _final(n0, n1, d0, d1, bias, wc, bc):
    return pl.pallas_call(
        _final_body,
        grid=(_N // _RB,),
        in_specs=[
            pl.BlockSpec((_RB, _HID), lambda i: (i, 0)),
            pl.BlockSpec((_RB, _HID), lambda i: (i, 0)),
            pl.BlockSpec((_RB, 16), lambda i: (i, 0)),
            pl.BlockSpec((_RB, 16), lambda i: (i, 0)),
            pl.BlockSpec((_HID,), lambda i: (0,)),
            pl.BlockSpec((_HID, 1), lambda i: (0, 0)),
            pl.BlockSpec((1,), lambda i: (0,)),
        ],
        out_specs=pl.BlockSpec((_RB, 1), lambda i: (i, 0)),
        out_shape=jax.ShapeDtypeStruct((_N, 1), jnp.float32),
    )(n0, n1, d0, d1, bias, wc, bc)



@functools.lru_cache(maxsize=None)
def _make_edge(h, hc, ch, unroll):
    cpw = _cpw(ch)
    npairs = cpw // 2
    mesh = plsc.VectorSubcoreMesh(core_axis_name="c", subcore_axis_name="s",
                                  num_cores=2, num_subcores=16)
    rpt = 624

    @functools.partial(
        pl.kernel,
        out_type=[jax.ShapeDtypeStruct((2, _N, hc), jnp.float32),
                  jax.ShapeDtypeStruct((2, _N, 16), jnp.float32)],
        mesh=mesh,
        compiler_params=_SC_PARAMS,
        scratch_types=[
            pltpu.VMEM((2, ch), jnp.int32),
            pltpu.VMEM((2, ch), jnp.int32),
            pltpu.VMEM((ch, hc), jnp.float32),
            pltpu.VMEM((ch, hc), jnp.float32),
            pltpu.VMEM((ch, hc), jnp.float32),
            pltpu.VMEM((ch, hc), jnp.float32),
            pltpu.VMEM((hc,), jnp.float32),
            pltpu.VMEM((4, hc), jnp.float32),
            pltpu.VMEM((ch, 16), jnp.float32),
            pltpu.VMEM((ch, 16), jnp.float32),
            pltpu.VMEM_SHARED((_N, hc), jnp.float32),
            pltpu.VMEM_SHARED((_N, 16), jnp.float32),
            pltpu.SemaphoreType.DMA,
            pltpu.SemaphoreType.DMA,
            pltpu.SemaphoreType.DMA,
            pltpu.SemaphoreType.DMA,
        ],
    )
    def k(src_hbm, dst_hbm, xl_hbm, xr_hbm, att_hbm, st_hbm,
          num_out, den_out,
          sidx, didx, xlr0, xlr1, xrr0, xrr1, att_v, st_v,
          denv0, denv1, num_sh, den_sh, sl0, sl1, sr0, sr1):
        cid = lax.axis_index("c")
        sid = lax.axis_index("s")
        wid = sid * 2 + cid
        base0 = wid * (cpw * ch)
        lanes = lax.iota(jnp.int32, 16)
        zero16 = jnp.zeros((16,), jnp.float32)
        bufs = ((0, xlr0, xrr0, denv0, sl0, sr0),
                (1, xlr1, xrr1, denv1, sl1, sr1))

        def zrow(r, _):
            for j in range(hc // 16):
                xlr0[r, pl.ds(j * 16, 16)] = zero16
            denv0[r, pl.ds(0, 16)] = zero16
            denv1[r, pl.ds(0, 16)] = zero16
            return 0
        lax.fori_loop(0, ch, zrow, 0)
        r0 = sid * rpt
        nfull = rpt // ch
        rrem = rpt - nfull * ch
        for j in range(nfull):
            pltpu.sync_copy(xlr0, num_sh.at[pl.ds(r0 + j * ch, ch)])
            pltpu.sync_copy(denv0, den_sh.at[pl.ds(r0 + j * ch, ch)])
        pltpu.sync_copy(xlr0.at[pl.ds(0, rrem)],
                        num_sh.at[pl.ds(r0 + nfull * ch, rrem)])
        pltpu.sync_copy(denv0.at[pl.ds(0, rrem)],
                        den_sh.at[pl.ds(r0 + nfull * ch, rrem)])

        @pl.when(sid == 15)
        def _zero_tail():
            pltpu.sync_copy(xlr0.at[pl.ds(0, _N - 16 * rpt)],
                            num_sh.at[pl.ds(16 * rpt, _N - 16 * rpt)])
            pltpu.sync_copy(denv0.at[pl.ds(0, _N - 16 * rpt)],
                            den_sh.at[pl.ds(16 * rpt, _N - 16 * rpt)])

        plsc.subcore_barrier()

        pltpu.sync_copy(att_hbm, att_v)
        pltpu.sync_copy(st_hbm, st_v)
        gmax = None
        for hh in range(h):
            s = None
            for g in range(_HID // 16):
                sl = pl.ds(hh * _HID + g * 16, 16)
                ub = st_v[0, sl] + st_v[2, sl]
                lb = st_v[1, sl] + st_v[3, sl]
                av = att_v[sl]
                c1 = av * jnp.where(ub > 0, ub, 0.2 * ub)
                c2 = av * jnp.where(lb > 0, lb, 0.2 * lb)
                cm = jnp.maximum(c1, c2)
                s = cm if s is None else s + cm
            sh = jnp.sum(s)
            gmax = sh if gmax is None else jnp.maximum(gmax, sh)

        def issue(base, b):
            bi, xlr, xrr, _denv, seml, semr = b
            pltpu.sync_copy(src_hbm.at[pl.ds(base, ch)], sidx.at[bi])
            pltpu.sync_copy(dst_hbm.at[pl.ds(base, ch)], didx.at[bi])
            pltpu.async_copy(xl_hbm.at[sidx.at[bi]], xlr, seml)
            pltpu.async_copy(xr_hbm.at[didx.at[bi]], xrr, semr)

        ng = hc // 16
        atts = [att_v[pl.ds(g * 16, 16)] for g in range(ng)]
        lane0 = lanes == 0

        def compute(base, b):
            bi, xlr, xrr, denv, seml, semr = b
            pltpu.make_async_copy(xl_hbm.at[sidx.at[bi]], xlr, seml).wait()
            pltpu.make_async_copy(xr_hbm.at[didx.at[bi]], xrr, semr).wait()

            def e_body(e, _):
                ev = jnp.broadcast_to(e.astype(jnp.int32), (16,))
                keep = jnp.broadcast_to(base + e, (16,)) < _EP
                xls = [xlr[e, pl.ds(g * 16, 16)] for g in range(ng)]
                ts = []
                for g in range(ng):
                    s = xls[g] + xrr[e, pl.ds(g * 16, 16)]
                    s = jnp.where(s > 0, s, 0.2 * s)
                    ts.append(s * atts[g])
                for hh in range(h):
                    u = ts[2 * hh] + ts[2 * hh + 1]
                    u = _lanesum(u, lanes)
                    z = jnp.where(keep, jnp.exp(u - gmax), 0.0)
                    hv = jnp.broadcast_to(jnp.int32(hh), (16,))
                    plsc.store_scatter(denv, [ev, hv], z, mask=lane0)
                    xlr[e, pl.ds((2 * hh) * 16, 16)] = xls[2 * hh] * z
                    xlr[e, pl.ds((2 * hh + 1) * 16, 16)] = xls[2 * hh + 1] * z
                return 0

            def eu_body(ei, _):
                for j in range(unroll):
                    e_body(ei * unroll + j, 0)
                return 0

            lax.fori_loop(0, ch // unroll, eu_body, 0)
            pltpu.sync_copy(xlr, num_sh.at[didx.at[bi]], add=True)
            pltpu.sync_copy(denv, den_sh.at[didx.at[bi]], add=True)

        issue(base0, bufs[0])

        def pair_body(p, _):
            c0 = base0 + (2 * p) * ch
            issue(c0 + ch, bufs[1])
            compute(c0, bufs[0])

            @pl.when(p + 1 < npairs)
            def _():
                issue(c0 + 2 * ch, bufs[0])

            compute(c0 + ch, bufs[1])
            return 0

        lax.fori_loop(0, npairs, pair_body, 0)
        plsc.subcore_barrier()

        pltpu.sync_copy(num_sh.at[pl.ds(r0, rpt)],
                        num_out.at[cid, pl.ds(r0, rpt)])
        pltpu.sync_copy(den_sh.at[pl.ds(r0, rpt)],
                        den_out.at[cid, pl.ds(r0, rpt)])

        @pl.when(sid == 15)
        def _dump_tail():
            pltpu.sync_copy(num_sh.at[pl.ds(16 * rpt, _N - 16 * rpt)],
                            num_out.at[cid, pl.ds(16 * rpt, _N - 16 * rpt)])
            pltpu.sync_copy(den_sh.at[pl.ds(16 * rpt, _N - 16 * rpt)],
                            den_out.at[cid, pl.ds(16 * rpt, _N - 16 * rpt)])

    return k



def kernel(x, edge_index, Wl1, bl1, Wr1, br1, att1, bias1,
           Wl2, bl2, Wr2, br2, att2, bias2, Wc, bc):
    loops = jnp.arange(_N, dtype=edge_index.dtype)
    src = jnp.concatenate([edge_index[0], loops])
    dst = jnp.concatenate([edge_index[1], loops])
    src = jnp.pad(src, (0, _EPAD - _EP))
    dst = jnp.pad(dst, (0, _EPAD - _EP))

    xl1, xr1, st1 = _lin2(x, Wl1, bl1, Wr1, br1)
    num1, den1 = _make_edge(_H1, _H1 * _HID, _CH1, 1)(
        src, dst, xl1, xr1, att1.reshape(-1), st1)
    xl2, xr2, st2 = _combine_lin(_H1, num1[0], num1[1], den1[0], den1[1],
                                 bias1, Wl2, bl2, Wr2, br2)
    num2, den2 = _make_edge(1, _HID, _CH2, 4)(src, dst, xl2, xr2, att2.reshape(-1), st2)
    out = _final(num2[0], num2[1], den2[0], den2[1], bias2, Wc, bc)
    return out[:, 0]

# --- scband reference (transcript-rebuilt; emitter-appended) ---
"""Pipeline reference for scband-satark-gat-34806414967336 (READ-ONLY COPY).

The authoritative reference and input builder live on the scoring server;
editing this copy changes nothing except your own understanding.
"""

import jax, jax.numpy as jnp
import numpy as np

N = 10000
E = 320000
D = 128
HID = 32
H1 = 4

def glorot(k, shape):
    fan_in, fan_out = shape[0], shape[-1]
    s = jnp.sqrt(6.0 / (fan_in + fan_out))
    return jax.random.uniform(k, shape, minval=-s, maxval=s, dtype=jnp.float32)

def setup_inputs(seed: int = 0):
    key = jax.random.key(seed)
    ks = jax.random.split(key, 16)
    x = jax.random.normal(ks[0], (N, D), dtype=jnp.float32)
    edge_index = jax.random.randint(ks[1], (2, E), 0, N, dtype=jnp.int32)
    Wl1 = glorot(ks[2], (D, H1 * HID)); bl1 = jnp.zeros((H1 * HID,), jnp.float32)
    Wr1 = glorot(ks[3], (D, H1 * HID)); br1 = jnp.zeros((H1 * HID,), jnp.float32)
    att1 = glorot(ks[4], (H1, HID))
    bias1 = jnp.zeros((H1 * HID,), jnp.float32)
    Wl2 = glorot(ks[5], (H1 * HID, HID)); bl2 = jnp.zeros((HID,), jnp.float32)
    Wr2 = glorot(ks[6], (H1 * HID, HID)); br2 = jnp.zeros((HID,), jnp.float32)
    att2 = glorot(ks[7], (1, HID))
    bias2 = jnp.zeros((HID,), jnp.float32)
    Wc = glorot(ks[8], (HID, 1)); bc = jnp.zeros((1,), jnp.float32)
    return {"x": x, "edge_index": edge_index,
            "Wl1": Wl1, "bl1": bl1, "Wr1": Wr1, "br1": br1, "att1": att1, "bias1": bias1,
            "Wl2": Wl2, "bl2": bl2, "Wr2": Wr2, "br2": br2, "att2": att2, "bias2": bias2,
            "Wc": Wc, "bc": bc}

def gatv2_layer(x, src, dst, Wl, bl, Wr, br, att, heads, ch, concat, bias):
    # GATv2Conv (PyG semantics, eval mode so dropout is identity)
    xl = (x @ Wl + bl).reshape(-1, heads, ch)   # source transform
    xr = (x @ Wr + br).reshape(-1, heads, ch)   # target transform
    e = xl[src] + xr[dst]                       # [E, H, C] gather
    e = jnp.where(e > 0, e, 0.2 * e)            # leaky_relu(0.2)
    logits = (e * att[None, :, :]).sum(-1)      # [E, H]
    # softmax over incoming edges per destination node
    m = jax.ops.segment_max(logits, dst, num_segments=N)
    m = jnp.where(jnp.isfinite(m), m, 0.0)
    z = jnp.exp(logits - m[dst])
    denom = jax.ops.segment_sum(z, dst, num_segments=N)
    alpha = z / (denom[dst] + 1e-16)            # [E, H]
    msg = xl[src] * alpha[..., None]            # [E, H, C]
    out = jax.ops.segment_sum(msg, dst, num_segments=N)  # scatter-add
    if concat:
        out = out.reshape(N, heads * ch)
    else:
        out = out.mean(axis=1)
    return out + bias

def reference(x, edge_index, Wl1, bl1, Wr1, br1, att1, bias1, Wl2, bl2, Wr2, br2, att2, bias2, Wc, bc):
    # add self loops (PyG default add_self_loops=True)
    loops = jnp.arange(N, dtype=edge_index.dtype)
    src = jnp.concatenate([edge_index[0], loops])
    dst = jnp.concatenate([edge_index[1], loops])
    h = gatv2_layer(x, src, dst, Wl1, bl1, Wr1, br1, att1, H1, HID, True, bias1)
    h = jax.nn.elu(h)
    h = gatv2_layer(h, src, dst, Wl2, bl2, Wr2, br2, att2, 1, HID, False, bias2)
    h = jax.nn.elu(h)
    return jax.nn.sigmoid(h @ Wc + bc).squeeze(-1)

if __name__ == "__main__":
    import jax
    _d = setup_inputs()
    print(jax.jit(kernel)(*tuple(_d.values())))

</pallas_src>

<mosaic_0001>
#map = affine_map<(d0, d1) -> (0)>
#map1 = affine_map<(d0, d1) -> (0, 0)>
#map2 = affine_map<(d0, d1) -> (0, 0, 0)>
module attributes {stable_mosaic.version = 14 : i64} {
  func.func @k(%arg0: i32, %arg1: i32, %arg2: memref<360448xi32, #tpu.memory_space<hbm>>, %arg3: memref<360448xi32, #tpu.memory_space<hbm>>, %arg4: memref<10000x32xf32, #tpu.memory_space<hbm>>, %arg5: memref<10000x32xf32, #tpu.memory_space<hbm>>, %arg6: memref<32xf32, #tpu.memory_space<hbm>>, %arg7: memref<4x32xf32, #tpu.memory_space<hbm>>, %arg8: memref<2x10000x32xf32, #tpu.memory_space<hbm>>, %arg9: memref<2x10000x16xf32, #tpu.memory_space<hbm>>, %arg10: memref<2x512xi32, #tpu.memory_space<vmem>>, %arg11: memref<2x512xi32, #tpu.memory_space<vmem>>, %arg12: memref<512x32xf32, #tpu.memory_space<vmem>>, %arg13: memref<512x32xf32, #tpu.memory_space<vmem>>, %arg14: memref<512x32xf32, #tpu.memory_space<vmem>>, %arg15: memref<512x32xf32, #tpu.memory_space<vmem>>, %arg16: memref<32xf32, #tpu.memory_space<vmem>>, %arg17: memref<4x32xf32, #tpu.memory_space<vmem>>, %arg18: memref<512x16xf32, #tpu.memory_space<vmem>>, %arg19: memref<512x16xf32, #tpu.memory_space<vmem>>, %arg20: memref<10000x32xf32, #tpu.memory_space<vmem_shared>>, %arg21: memref<10000x16xf32, #tpu.memory_space<vmem_shared>>, %arg22: memref<!tpu.dma_semaphore, #tpu.memory_space<semaphore_mem>>, %arg23: memref<!tpu.dma_semaphore, #tpu.memory_space<semaphore_mem>>, %arg24: memref<!tpu.dma_semaphore, #tpu.memory_space<semaphore_mem>>, %arg25: memref<!tpu.dma_semaphore, #tpu.memory_space<semaphore_mem>>) attributes {dimension_semantics = [#tpu.dimension_semantics<core_parallel>, #tpu.dimension_semantics<subcore_parallel>], iteration_bounds = array<i64: 2, 16>, scalar_prefetch = 0 : i64, scratch_operands = 16 : i64, tpu.core_type = #tpu.core_type<sc_vector_subcore>, window_params = [{transform_indices = #map}, {transform_indices = #map}, {transform_indices = #map1}, {transform_indices = #map1}, {transform_indices = #map}, {transform_indices = #map1}, {transform_indices = #map2}, {transform_indices = #map2}]} {
    %mul3A = arith.constant 2 : i32
    %mul3A_0 = arith.muli %arg1, %mul3A : i32
    %add3A = arith.addi %mul3A_0, %arg0 : i32
    %mul3A_1 = arith.constant 11264 : i32
    %mul3A_2 = arith.muli %add3A, %mul3A_1 : i32
    %iota3A = tpu.iota {dimensions = array<i32: 0>} : vector<16xi32>
    %broadcast_in_dim3A = arith.constant 0.000000e+00 : f32
    %broadcast_in_dim3A_3 = vector.broadcast %broadcast_in_dim3A : f32 to vector<16xf32>
    %scan3A = arith.constant 0 : i32
    %scan3A_4 = arith.constant 0 : i32
    %scan3A_5 = arith.constant 512 : i32
    %scan3A_6 = arith.addi %scan3A_4, %scan3A_5 : i32
    %scan3A_7 = arith.constant 1 : i32
    %scan3A_8 = scf.for %scan3A_130 = %scan3A_4 to %scan3A_6 step %scan3A_7 iter_args(%scan3A_131 = %scan3A) -> (i32)  : i32 {
      %swap3A = arith.index_cast %scan3A_130 : i32 to index
      %swap3A_132 = arith.constant 0 : index
      %swap3A_133 = tpu.vector_load %arg12[%swap3A, %swap3A_132] {strides = array<i32>} : memref<512x32xf32, #tpu.memory_space<vmem>>, vector<16xf32>,
      tpu.vector_store %arg12[%swap3A, %swap3A_132], %broadcast_in_dim3A_3 {strides = array<i32>} : memref<512x32xf32, #tpu.memory_space<vmem>>, vector<16xf32>,
      %swap3A_134 = arith.index_cast %scan3A_130 : i32 to index
      %swap3A_135 = arith.constant 16 : index
      %swap3A_136 = tpu.vector_load %arg12[%swap3A_134, %swap3A_135] {strides = array<i32>} : memref<512x32xf32, #tpu.memory_space<vmem>>, vector<16xf32>,
      tpu.vector_store %arg12[%swap3A_134, %swap3A_135], %broadcast_in_dim3A_3 {strides = array<i32>} : memref<512x32xf32, #tpu.memory_space<vmem>>, vector<16xf32>,
      %swap3A_137 = arith.index_cast %scan3A_130 : i32 to index
      %swap3A_138 = arith.constant 0 : index
      %swap3A_139 = tpu.vector_load %arg18[%swap3A_137, %swap3A_138] {strides = array<i32>} : memref<512x16xf32, #tpu.memory_space<vmem>>, vector<16xf32>,
      tpu.vector_store %arg18[%swap3A_137, %swap3A_138], %broadcast_in_dim3A_3 {strides = array<i32>} : memref<512x16xf32, #tpu.memory_space<vmem>>, vector<16xf32>,
      %swap3A_140 = arith.index_cast %scan3A_130 : i32 to index
      %swap3A_141 = arith.constant 0 : index
      %swap3A_142 = tpu.vector_load %arg19[%swap3A_140, %swap3A_141] {strides = array<i32>} : memref<512x16xf32, #tpu.memory_space<vmem>>, vector<16xf32>,
      tpu.vector_store %arg19[%swap3A_140, %swap3A_141], %broadcast_in_dim3A_3 {strides = array<i32>} : memref<512x16xf32, #tpu.memory_space<vmem>>, vector<16xf32>,
      %scan3A_143 = arith.constant 0 : i32
      scf.yield %scan3A_143 : i32
    }
    %scan3A_9 = arith.constant 512 : i32
    %mul3A_10 = arith.constant 624 : i32
    %mul3A_11 = arith.muli %arg1, %mul3A_10 : i32
    %add3A_12 = arith.constant 0 : i32
    %add3A_13 = arith.addi %mul3A_11, %add3A_12 : i32
    "tpu.region"() ({
      %run_scoped3A_130 = tpu.sem_alloc : memref<!tpu.dma_semaphore, #tpu.memory_space<semaphore_mem>>
      %dma_start3A_131 = arith.constant 0 : i32
      %dma_start3A_132 = tpu.memref_slice %arg20[%add3A_13, %dma_start3A_131] : memref<10000x32xf32, #tpu.memory_space<vmem_shared>> -> memref<512x32xf32, #tpu.memory_space<vmem_shared>>
      %dma_start3A_133 = arith.constant 0 : i32
      %dma_start3A_134 = tpu.memref_slice %arg20[%add3A_13, %dma_start3A_133] : memref<10000x32xf32, #tpu.memory_space<vmem_shared>> -> memref<512x32xf32, #tpu.memory_space<vmem_shared>>
      tpu.enqueue_dma source(%arg12 : memref<512x32xf32, #tpu.memory_space<vmem>>) target(%dma_start3A_134 : memref<512x32xf32, #tpu.memory_space<vmem_shared>>) target_semaphore(%run_scoped3A_130 : memref<!tpu.dma_semaphore, #tpu.memory_space<semaphore_mem>>)
      %dma_wait3A = arith.constant 0 : i32
      %dma_wait3A_135 = tpu.memref_slice %arg20[%add3A_13, %dma_wait3A] : memref<10000x32xf32, #tpu.memory_space<vmem_shared>> -> memref<512x32xf32, #tpu.memory_space<vmem_shared>>
      %dma_wait3A_136 = arith.constant 0 : i32
      %dma_wait3A_137 = tpu.memref_slice %arg20[%add3A_13, %dma_wait3A_136] : memref<10000x32xf32, #tpu.memory_space<vmem_shared>> -> memref<512x32xf32, #tpu.memory_space<vmem_shared>>
      tpu.wait_dma2 semaphore(%run_scoped3A_130 : memref<!tpu.dma_semaphore, #tpu.memory_space<semaphore_mem>>) src(%arg12 : memref<512x32xf32, #tpu.memory_space<vmem>>) dst(%dma_wait3A_137 : memref<512x32xf32, #tpu.memory_space<vmem_shared>>)
      tpu.yield
    }) : () -> ()
    %add3A_14 = arith.constant 0 : i32
    %add3A_15 = arith.addi %mul3A_11, %add3A_14 : i32
    "tpu.region"() ({
      %run_scoped3A_130 = tpu.sem_alloc : memref<!tpu.dma_semaphore, #tpu.memory_space<semaphore_mem>>
      %dma_start3A_131 = arith.constant 0 : i32
      %dma_start3A_132 = tpu.memref_slice %arg21[%add3A_15, %dma_start3A_131] : memref<10000x16xf32, #tpu.memory_space<vmem_shared>> -> memref<512x16xf32, #tpu.memory_space<vmem_shared>>
      %dma_start3A_133 = arith.constant 0 : i32
      %dma_start3A_134 = tpu.memref_slice %arg21[%add3A_15, %dma_start3A_133] : memref<10000x16xf32, #tpu.memory_space<vmem_shared>> -> memref<512x16xf32, #tpu.memory_space<vmem_shared>>
      tpu.enqueue_dma source(%arg18 : memref<512x16xf32, #tpu.memory_space<vmem>>) target(%dma_start3A_134 : memref<512x16xf32, #tpu.memory_space<vmem_shared>>) target_semaphore(%run_scoped3A_130 : memref<!tpu.dma_semaphore, #tpu.memory_space<semaphore_mem>>)
      %dma_wait3A = arith.constant 0 : i32
      %dma_wait3A_135 = tpu.memref_slice %arg21[%add3A_15, %dma_wait3A] : memref<10000x16xf32, #tpu.memory_space<vmem_shared>> -> memref<512x16xf32, #tpu.memory_space<vmem_shared>>
      %dma_wait3A_136 = arith.constant 0 : i32
      %dma_wait3A_137 = tpu.memref_slice %arg21[%add3A_15, %dma_wait3A_136] : memref<10000x16xf32, #tpu.memory_space<vmem_shared>> -> memref<512x16xf32, #tpu.memory_space<vmem_shared>>
      tpu.wait_dma2 semaphore(%run_scoped3A_130 : memref<!tpu.dma_semaphore, #tpu.memory_space<semaphore_mem>>) src(%arg18 : memref<512x16xf32, #tpu.memory_space<vmem>>) dst(%dma_wait3A_137 : memref<512x16xf32, #tpu.memory_space<vmem_shared>>)
      tpu.yield
    }) : () -> ()
    %add3A_16 = arith.constant 512 : i32
    %add3A_17 = arith.addi %mul3A_11, %add3A_16 : i32
    "tpu.region"() ({
      %run_scoped3A_130 = tpu.sem_alloc : memref<!tpu.dma_semaphore, #tpu.memory_space<semaphore_mem>>
      %dma_start3A_131 = arith.constant 0 : i32
      %dma_start3A_132 = arith.constant 0 : i32
      %dma_start3A_133 = tpu.memref_slice %arg12[%dma_start3A_131, %dma_start3A_132] : memref<512x32xf32, #tpu.memory_space<vmem>> -> memref<112x32xf32, #tpu.memory_space<vmem>>
      %dma_start3A_134 = arith.constant 0 : i32
      %dma_start3A_135 = tpu.memref_slice %arg20[%add3A_17, %dma_start3A_134] : memref<10000x32xf32, #tpu.memory_space<vmem_shared>> -> memref<112x32xf32, #tpu.memory_space<vmem_shared>>
      %dma_start3A_136 = arith.constant 0 : i32
      %dma_start3A_137 = tpu.memref_slice %arg20[%add3A_17, %dma_start3A_136] : memref<10000x32xf32, #tpu.memory_space<vmem_shared>> -> memref<112x32xf32, #tpu.memory_space<vmem_shared>>
      %dma_start3A_138 = arith.constant 0 : i32
      %dma_start3A_139 = arith.constant 0 : i32
      %dma_start3A_140 = tpu.memref_slice %arg12[%dma_start3A_138, %dma_start3A_139] : memref<512x32xf32, #tpu.memory_space<vmem>> -> memref<112x32xf32, #tpu.memory_space<vmem>>
      tpu.enqueue_dma source(%dma_start3A_140 : memref<112x32xf32, #tpu.memory_space<vmem>>) target(%dma_start3A_137 : memref<112x32xf32, #tpu.memory_space<vmem_shared>>) target_semaphore(%run_scoped3A_130 : memref<!tpu.dma_semaphore, #tpu.memory_space<semaphore_mem>>)
      %dma_wait3A = arith.constant 0 : i32
      %dma_wait3A_141 = arith.constant 0 : i32
      %dma_wait3A_142 = tpu.memref_slice %arg12[%dma_wait3A, %dma_wait3A_141] : memref<512x32xf32, #tpu.memory_space<vmem>> -> memref<112x32xf32, #tpu.memory_space<vmem>>
      %dma_wait3A_143 = arith.constant 0 : i32
      %dma_wait3A_144 = tpu.memref_slice %arg20[%add3A_17, %dma_wait3A_143] : memref<10000x32xf32, #tpu.memory_space<vmem_shared>> -> memref<112x32xf32, #tpu.memory_space<vmem_shared>>
      %dma_wait3A_145 = arith.constant 0 : i32
      %dma_wait3A_146 = tpu.memref_slice %arg20[%add3A_17, %dma_wait3A_145] : memref<10000x32xf32, #tpu.memory_space<vmem_shared>> -> memref<112x32xf32, #tpu.memory_space<vmem_shared>>
      %dma_wait3A_147 = arith.constant 0 : i32
      %dma_wait3A_148 = arith.constant 0 : i32
      %dma_wait3A_149 = tpu.memref_slice %arg12[%dma_wait3A_147, %dma_wait3A_148] : memref<512x32xf32, #tpu.memory_space<vmem>> -> memref<112x32xf32, #tpu.memory_space<vmem>>
      tpu.wait_dma2 semaphore(%run_scoped3A_130 : memref<!tpu.dma_semaphore, #tpu.memory_space<semaphore_mem>>) src(%dma_wait3A_149 : memref<112x32xf32, #tpu.memory_space<vmem>>) dst(%dma_wait3A_146 : memref<112x32xf32, #tpu.memory_space<vmem_shared>>)
      tpu.yield
    }) : () -> ()
    %add3A_18 = arith.constant 512 : i32
    %add3A_19 = arith.addi %mul3A_11, %add3A_18 : i32
    "tpu.region"() ({
      %run_scoped3A_130 = tpu.sem_alloc : memref<!tpu.dma_semaphore, #tpu.memory_space<semaphore_mem>>
      %dma_start3A_131 = arith.constant 0 : i32
      %dma_start3A_132 = arith.constant 0 : i32
      %dma_start3A_133 = tpu.memref_slice %arg18[%dma_start3A_131, %dma_start3A_132] : memref<512x16xf32, #tpu.memory_space<vmem>> -> memref<112x16xf32, #tpu.memory_space<vmem>>
      %dma_start3A_134 = arith.constant 0 : i32
      %dma_start3A_135 = tpu.memref_slice %arg21[%add3A_19, %dma_start3A_134] : memref<10000x16xf32, #tpu.memory_space<vmem_shared>> -> memref<112x16xf32, #tpu.memory_space<vmem_shared>>
      %dma_start3A_136 = arith.constant 0 : i32
      %dma_start3A_137 = tpu.memref_slice %arg21[%add3A_19, %dma_start3A_136] : memref<10000x16xf32, #tpu.memory_space<vmem_shared>> -> memref<112x16xf32, #tpu.memory_space<vmem_shared>>
      %dma_start3A_138 = arith.constant 0 : i32
      %dma_start3A_139 = arith.constant 0 : i32
      %dma_start3A_140 = tpu.memref_slice %arg18[%dma_start3A_138, %dma_start3A_139] : memref<512x16xf32, #tpu.memory_space<vmem>> -> memref<112x16xf32, #tpu.memory_space<vmem>>
      tpu.enqueue_dma source(%dma_start3A_140 : memref<112x16xf32, #tpu.memory_space<vmem>>) target(%dma_start3A_137 : memref<112x16xf32, #tpu.memory_space<vmem_shared>>) target_semaphore(%run_scoped3A_130 : memref<!tpu.dma_semaphore, #tpu.memory_space<semaphore_mem>>)
      %dma_wait3A = arith.constant 0 : i32
      %dma_wait3A_141 = arith.constant 0 : i32
      %dma_wait3A_142 = tpu.memref_slice %arg18[%dma_wait3A, %dma_wait3A_141] : memref<512x16xf32, #tpu.memory_space<vmem>> -> memref<112x16xf32, #tpu.memory_space<vmem>>
      %dma_wait3A_143 = arith.constant 0 : i32
      %dma_wait3A_144 = tpu.memref_slice %arg21[%add3A_19, %dma_wait3A_143] : memref<10000x16xf32, #tpu.memory_space<vmem_shared>> -> memref<112x16xf32, #tpu.memory_space<vmem_shared>>
      %dma_wait3A_145 = arith.constant 0 : i32
      %dma_wait3A_146 = tpu.memref_slice %arg21[%add3A_19, %dma_wait3A_145] : memref<10000x16xf32, #tpu.memory_space<vmem_shared>> -> memref<112x16xf32, #tpu.memory_space<vmem_shared>>
      %dma_wait3A_147 = arith.constant 0 : i32
      %dma_wait3A_148 = arith.constant 0 : i32
      %dma_wait3A_149 = tpu.memref_slice %arg18[%dma_wait3A_147, %dma_wait3A_148] : memref<512x16xf32, #tpu.memory_space<vmem>> -> memref<112x16xf32, #tpu.memory_space<vmem>>
      tpu.wait_dma2 semaphore(%run_scoped3A_130 : memref<!tpu.dma_semaphore, #tpu.memory_space<semaphore_mem>>) src(%dma_wait3A_149 : memref<112x16xf32, #tpu.memory_space<vmem>>) dst(%dma_wait3A_146 : memref<112x16xf32, #tpu.memory_space<vmem_shared>>)
      tpu.yield
    }) : () -> ()
    %eq3A = arith.constant 15 : i32
    %eq3A_20 = arith.cmpi eq, %arg1, %eq3A : i32
    %convert_element_type3A = arith.extui %eq3A_20 : i1 to i32
    %cond3A = arith.constant 0 : i32
    %cond3A_21 = arith.cmpi ne, %convert_element_type3A, %cond3A : i32
    scf.if %cond3A_21 {
      "tpu.region"() ({
        %run_scoped3A_130 = tpu.sem_alloc : memref<!tpu.dma_semaphore, #tpu.memory_space<semaphore_mem>>
        %dma_start3A_131 = arith.constant 0 : i32
        %dma_start3A_132 = arith.constant 0 : i32
        %dma_start3A_133 = tpu.memref_slice %arg12[%dma_start3A_131, %dma_start3A_132] : memref<512x32xf32, #tpu.memory_space<vmem>> -> memref<16x32xf32, #tpu.memory_space<vmem>>
        %dma_start3A_134 = arith.constant 9984 : i32
        %dma_start3A_135 = arith.constant 0 : i32
        %dma_start3A_136 = tpu.memref_slice %arg20[%dma_start3A_134, %dma_start3A_135] : memref<10000x32xf32, #tpu.memory_space<vmem_shared>> -> memref<16x32xf32, #tpu.memory_space<vmem_shared>>
        %dma_start3A_137 = arith.constant 9984 : i32
        %dma_start3A_138 = arith.constant 0 : i32
        %dma_start3A_139 = tpu.memref_slice %arg20[%dma_start3A_137, %dma_start3A_138] : memref<10000x32xf32, #tpu.memory_space<vmem_shared>> -> memref<16x32xf32, #tpu.memory_space<vmem_shared>>
        %dma_start3A_140 = arith.constant 0 : i32
        %dma_start3A_141 = arith.constant 0 : i32
        %dma_start3A_142 = tpu.memref_slice %arg12[%dma_start3A_140, %dma_start3A_141] : memref<512x32xf32, #tpu.memory_space<vmem>> -> memref<16x32xf32, #tpu.memory_space<vmem>>
        tpu.enqueue_dma source(%dma_start3A_142 : memref<16x32xf32, #tpu.memory_space<vmem>>) target(%dma_start3A_139 : memref<16x32xf32, #tpu.memory_space<vmem_shared>>) target_semaphore(%run_scoped3A_130 : memref<!tpu.dma_semaphore, #tpu.memory_space<semaphore_mem>>)
        %dma_wait3A = arith.constant 0 : i32
        %dma_wait3A_143 = arith.constant 0 : i32
        %dma_wait3A_144 = tpu.memref_slice %arg12[%dma_wait3A, %dma_wait3A_143] : memref<512x32xf32, #tpu.memory_space<vmem>> -> memref<16x32xf32, #tpu.memory_space<vmem>>
        %dma_wait3A_145 = arith.constant 9984 : i32
        %dma_wait3A_146 = arith.constant 0 : i32
        %dma_wait3A_147 = tpu.memref_slice %arg20[%dma_wait3A_145, %dma_wait3A_146] : memref<10000x32xf32, #tpu.memory_space<vmem_shared>> -> memref<16x32xf32, #tpu.memory_space<vmem_shared>>
        %dma_wait3A_148 = arith.constant 9984 : i32
        %dma_wait3A_149 = arith.constant 0 : i32
        %dma_wait3A_150 = tpu.memref_slice %arg20[%dma_wait3A_148, %dma_wait3A_149] : memref<10000x32xf32, #tpu.memory_space<vmem_shared>> -> memref<16x32xf32, #tpu.memory_space<vmem_shared>>
        %dma_wait3A_151 = arith.constant 0 : i32
        %dma_wait3A_152 = arith.constant 0 : i32
        %dma_wait3A_153 = tpu.memref_slice %arg12[%dma_wait3A_151, %dma_wait3A_152] : memref<512x32xf32, #tpu.memory_space<vmem>> -> memref<16x32xf32, #tpu.memory_space<vmem>>
        tpu.wait_dma2 semaphore(%run_scoped3A_130 : memref<!tpu.dma_semaphore, #tpu.memory_space<semaphore_mem>>) src(%dma_wait3A_153 : memref<16x32xf32, #tpu.memory_space<vmem>>) dst(%dma_wait3A_150 : memref<16x32xf32, #tpu.memory_space<vmem_shared>>)
        tpu.yield
      }) : () -> ()
      "tpu.region"() ({
        %run_scoped3A_130 = tpu.sem_alloc : memref<!tpu.dma_semaphore, #tpu.memory_space<semaphore_mem>>
        %dma_start3A_131 = arith.constant 0 : i32
        %dma_start3A_132 = arith.constant 0 : i32
        %dma_start3A_133 = tpu.memref_slice %arg18[%dma_start3A_131, %dma_start3A_132] : memref<512x16xf32, #tpu.memory_space<vmem>> -> memref<16x16xf32, #tpu.memory_space<vmem>>
        %dma_start3A_134 = arith.constant 9984 : i32
        %dma_start3A_135 = arith.constant 0 : i32
        %dma_start3A_136 = tpu.memref_slice %arg21[%dma_start3A_134, %dma_start3A_135] : memref<10000x16xf32, #tpu.memory_space<vmem_shared>> -> memref<16x16xf32, #tpu.memory_space<vmem_shared>>
        %dma_start3A_137 = arith.constant 9984 : i32
        %dma_start3A_138 = arith.constant 0 : i32
        %dma_start3A_139 = tpu.memref_slice %arg21[%dma_start3A_137, %dma_start3A_138] : memref<10000x16xf32, #tpu.memory_space<vmem_shared>> -> memref<16x16xf32, #tpu.memory_space<vmem_shared>>
        %dma_start3A_140 = arith.constant 0 : i32
        %dma_start3A_141 = arith.constant 0 : i32
        %dma_start3A_142 = tpu.memref_slice %arg18[%dma_start3A_140, %dma_start3A_141] : memref<512x16xf32, #tpu.memory_space<vmem>> -> memref<16x16xf32, #tpu.memory_space<vmem>>
        tpu.enqueue_dma source(%dma_start3A_142 : memref<16x16xf32, #tpu.memory_space<vmem>>) target(%dma_start3A_139 : memref<16x16xf32, #tpu.memory_space<vmem_shared>>) target_semaphore(%run_scoped3A_130 : memref<!tpu.dma_semaphore, #tpu.memory_space<semaphore_mem>>)
        %dma_wait3A = arith.constant 0 : i32
        %dma_wait3A_143 = arith.constant 0 : i32
        %dma_wait3A_144 = tpu.memref_slice %arg18[%dma_wait3A, %dma_wait3A_143] : memref<512x16xf32, #tpu.memory_space<vmem>> -> memref<16x16xf32, #tpu.memory_space<vmem>>
        %dma_wait3A_145 = arith.constant 9984 : i32
        %dma_wait3A_146 = arith.constant 0 : i32
        %dma_wait3A_147 = tpu.memref_slice %arg21[%dma_wait3A_145, %dma_wait3A_146] : memref<10000x16xf32, #tpu.memory_space<vmem_shared>> -> memref<16x16xf32, #tpu.memory_space<vmem_shared>>
        %dma_wait3A_148 = arith.constant 9984 : i32
        %dma_wait3A_149 = arith.constant 0 : i32
        %dma_wait3A_150 = tpu.memref_slice %arg21[%dma_wait3A_148, %dma_wait3A_149] : memref<10000x16xf32, #tpu.memory_space<vmem_shared>> -> memref<16x16xf32, #tpu.memory_space<vmem_shared>>
        %dma_wait3A_151 = arith.constant 0 : i32
        %dma_wait3A_152 = arith.constant 0 : i32
        %dma_wait3A_153 = tpu.memref_slice %arg18[%dma_wait3A_151, %dma_wait3A_152] : memref<512x16xf32, #tpu.memory_space<vmem>> -> memref<16x16xf32, #tpu.memory_space<vmem>>
        tpu.wait_dma2 semaphore(%run_scoped3A_130 : memref<!tpu.dma_semaphore, #tpu.memory_space<semaphore_mem>>) src(%dma_wait3A_153 : memref<16x16xf32, #tpu.memory_space<vmem>>) dst(%dma_wait3A_150 : memref<16x16xf32, #tpu.memory_space<vmem_shared>>)
        tpu.yield
      }) : () -> ()
    } else {
    }
    %barrier3A = arith.constant 0 : index
    tpu.barrier barrier_id(%barrier3A)
    "tpu.region"() ({
      %run_scoped3A_130 = tpu.sem_alloc : memref<!tpu.dma_semaphore, #tpu.memory_space<semaphore_mem>>
      tpu.enqueue_dma source(%arg6 : memref<32xf32, #tpu.memory_space<hbm>>) target(%arg16 : memref<32xf32, #tpu.memory_space<vmem>>) target_semaphore(%run_scoped3A_130 : memref<!tpu.dma_semaphore, #tpu.memory_space<semaphore_mem>>)
      tpu.wait_dma2 semaphore(%run_scoped3A_130 : memref<!tpu.dma_semaphore, #tpu.memory_space<semaphore_mem>>) src(%arg6 : memref<32xf32, #tpu.memory_space<hbm>>) dst(%arg16 : memref<32xf32, #tpu.memory_space<vmem>>)
      tpu.yield
    }) : () -> ()
    "tpu.region"() ({
      %run_scoped3A_130 = tpu.sem_alloc : memref<!tpu.dma_semaphore, #tpu.memory_space<semaphore_mem>>
      tpu.enqueue_dma source(%arg7 : memref<4x32xf32, #tpu.memory_space<hbm>>) target(%arg17 : memref<4x32xf32, #tpu.memory_space<vmem>>) target_semaphore(%run_scoped3A_130 : memref<!tpu.dma_semaphore, #tpu.memory_space<semaphore_mem>>)
      tpu.wait_dma2 semaphore(%run_scoped3A_130 : memref<!tpu.dma_semaphore, #tpu.memory_space<semaphore_mem>>) src(%arg7 : memref<4x32xf32, #tpu.memory_space<hbm>>) dst(%arg17 : memref<4x32xf32, #tpu.memory_space<vmem>>)
      tpu.yield
    }) : () -> ()
    %get3A = arith.constant 0 : i32
    %get3A_22 = arith.index_cast %get3A : i32 to index
    %get3A_23 = arith.constant 0 : index
    %get3A_24 = tpu.vector_load %arg17[%get3A_22, %get3A_23] {strides = array<i32>} : memref<4x32xf32, #tpu.memory_space<vmem>>, vector<16xf32>,
    %get3A_25 = arith.constant 2 : i32
    %get3A_26 = arith.index_cast %get3A_25 : i32 to index
    %get3A_27 = arith.constant 0 : index
    %get3A_28 = tpu.vector_load %arg17[%get3A_26, %get3A_27] {strides = array<i32>} : memref<4x32xf32, #tpu.memory_space<vmem>>, vector<16xf32>,
    %add3A_29 = arith.addf %get3A_24, %get3A_28 : vector<16xf32>
    %get3A_30 = arith.constant 1 : i32
    %get3A_31 = arith.index_cast %get3A_30 : i32 to index
    %get3A_32 = arith.constant 0 : index
    %get3A_33 = tpu.vector_load %arg17[%get3A_31, %get3A_32] {strides = array<i32>} : memref<4x32xf32, #tpu.memory_space<vmem>>, vector<16xf32>,
    %get3A_34 = arith.constant 3 : i32
    %get3A_35 = arith.index_cast %get3A_34 : i32 to index
    %get3A_36 = arith.constant 0 : index
    %get3A_37 = tpu.vector_load %arg17[%get3A_35, %get3A_36] {strides = array<i32>} : memref<4x32xf32, #tpu.memory_space<vmem>>, vector<16xf32>,
    %add3A_38 = arith.addf %get3A_33, %get3A_37 : vector<16xf32>
    %get3A_39 = arith.constant 0 : index
    %get3A_40 = tpu.vector_load %arg16[%get3A_39] {strides = array<i32>} : memref<32xf32, #tpu.memory_space<vmem>>, vector<16xf32>,
    %gt3A = arith.constant 0.000000e+00 : f32
    %gt3A_41 = vector.broadcast %gt3A : f32 to vector<16xf32>
    %gt3A_42 = arith.cmpf ogt, %add3A_29, %gt3A_41 : vector<16xf32>
    %mul3A_43 = arith.constant 2.000000e-01 : f32
    %mul3A_44 = vector.broadcast %mul3A_43 : f32 to vector<16xf32>
    %mul3A_45 = arith.mulf %mul3A_44, %add3A_29 : vector<16xf32>
    %select_n3A = arith.select %gt3A_42, %add3A_29, %mul3A_45 : vector<16xi1>, vector<16xf32>
    %mul3A_46 = arith.mulf %get3A_40, %select_n3A : vector<16xf32>
    %gt3A_47 = arith.constant 0.000000e+00 : f32
    %gt3A_48 = vector.broadcast %gt3A_47 : f32 to vector<16xf32>
    %gt3A_49 = arith.cmpf ogt, %add3A_38, %gt3A_48 : vector<16xf32>
    %mul3A_50 = arith.constant 2.000000e-01 : f32
    %mul3A_51 = vector.broadcast %mul3A_50 : f32 to vector<16xf32>
    %mul3A_52 = arith.mulf %mul3A_51, %add3A_38 : vector<16xf32>
    %select_n3A_53 = arith.select %gt3A_49, %add3A_38, %mul3A_52 : vector<16xi1>, vector<16xf32>
    %mul3A_54 = arith.mulf %get3A_40, %select_n3A_53 : vector<16xf32>
    %max3A = arith.maximumf %mul3A_46, %mul3A_54 : vector<16xf32>
    %get3A_55 = arith.constant 0 : i32
    %get3A_56 = arith.index_cast %get3A_55 : i32 to index
    %get3A_57 = arith.constant 16 : index
    %get3A_58 = tpu.vector_load %arg17[%get3A_56, %get3A_57] {strides = array<i32>} : memref<4x32xf32, #tpu.memory_space<vmem>>, vector<16xf32>,
    %get3A_59 = arith.constant 2 : i32
    %get3A_60 = arith.index_cast %get3A_59 : i32 to index
    %get3A_61 = arith.constant 16 : index
    %get3A_62 = tpu.vector_load %arg17[%get3A_60, %get3A_61] {strides = array<i32>} : memref<4x32xf32, #tpu.memory_space<vmem>>, vector<16xf32>,
    %add3A_63 = arith.addf %get3A_58, %get3A_62 : vector<16xf32>
    %get3A_64 = arith.constant 1 : i32
    %get3A_65 = arith.index_cast %get3A_64 : i32 to index
    %get3A_66 = arith.constant 16 : index
    %get3A_67 = tpu.vector_load %arg17[%get3A_65, %get3A_66] {strides = array<i32>} : memref<4x32xf32, #tpu.memory_space<vmem>>, vector<16xf32>,
    %get3A_68 = arith.constant 3 : i32
    %get3A_69 = arith.index_cast %get3A_68 : i32 to index
    %get3A_70 = arith.constant 16 : index
    %get3A_71 = tpu.vector_load %arg17[%get3A_69, %get3A_70] {strides = array<i32>} : memref<4x32xf32, #tpu.memory_space<vmem>>, vector<16xf32>,
    %add3A_72 = arith.addf %get3A_67, %get3A_71 : vector<16xf32>
    %get3A_73 = arith.constant 16 : index
    %get3A_74 = tpu.vector_load %arg16[%get3A_73] {strides = array<i32>} : memref<32xf32, #tpu.memory_space<vmem>>, vector<16xf32>,
    %gt3A_75 = arith.constant 0.000000e+00 : f32
    %gt3A_76 = vector.broadcast %gt3A_75 : f32 to vector<16xf32>
    %gt3A_77 = arith.cmpf ogt, %add3A_63, %gt3A_76 : vector<16xf32>
    %mul3A_78 = arith.constant 2.000000e-01 : f32
    %mul3A_79 = vector.broadcast %mul3A_78 : f32 to vector<16xf32>
    %mul3A_80 = arith.mulf %mul3A_79, %add3A_63 : vector<16xf32>
    %select_n3A_81 = arith.select %gt3A_77, %add3A_63, %mul3A_80 : vector<16xi1>, vector<16xf32>
    %mul3A_82 = arith.mulf %get3A_74, %select_n3A_81 : vector<16xf32>
    %gt3A_83 = arith.constant 0.000000e+00 : f32
    %gt3A_84 = vector.broadcast %gt3A_83 : f32 to vector<16xf32>
    %gt3A_85 = arith.cmpf ogt, %add3A_72, %gt3A_84 : vector<16xf32>
    %mul3A_86 = arith.constant 2.000000e-01 : f32
    %mul3A_87 = vector.broadcast %mul3A_86 : f32 to vector<16xf32>
    %mul3A_88 = arith.mulf %mul3A_87, %add3A_72 : vector<16xf32>
    %select_n3A_89 = arith.select %gt3A_85, %add3A_72, %mul3A_88 : vector<16xi1>, vector<16xf32>
    %mul3A_90 = arith.mulf %get3A_74, %select_n3A_89 : vector<16xf32>
    %max3A_91 = arith.maximumf %mul3A_82, %mul3A_90 : vector<16xf32>
    %add3A_92 = arith.addf %max3A, %max3A_91 : vector<16xf32>
    %reduce_sum3A = arith.constant true
    %reduce_sum3A_93 = vector.broadcast %reduce_sum3A : i1 to vector<16xi1>
    %reduce_sum3A_94 = tpu.scan <sum>, %add3A_92 masked %reduce_sum3A_93 : vector<16xf32>, vector<16xi1> -> vector<16xf32>
    %reduce_sum3A_95 = vector.extract %reduce_sum3A_94[15] : f32 from vector<16xf32>
    %get3A_96 = arith.constant 0 : index
    %get3A_97 = tpu.vector_load %arg16[%get3A_96] {strides = array<i32>} : memref<32xf32, #tpu.memory_space<vmem>>, vector<16xf32>,
    %get3A_98 = arith.constant 16 : index
    %get3A_99 = tpu.vector_load %arg16[%get3A_98] {strides = array<i32>} : memref<32xf32, #tpu.memory_space<vmem>>, vector<16xf32>,
    %eq3A_100 = arith.constant 0 : i32
    %eq3A_101 = vector.broadcast %eq3A_100 : i32 to vector<16xi32>
    %eq3A_102 = arith.cmpi eq, %iota3A, %eq3A_101 : vector<16xi32>
    %run_scoped3A = arith.constant 0 : i32
    "tpu.region"() ({
      %run_scoped3A_130 = tpu.sem_alloc : memref<!tpu.dma_semaphore, #tpu.memory_space<semaphore_mem>>
      %dma_start3A_131 = arith.constant 0 : i32
      %dma_start3A_132 = tpu.memref_slice %arg10[%run_scoped3A, %dma_start3A_131] : memref<2x512xi32, #tpu.memory_space<vmem>> -> memref<1x512xi32, #tpu.memory_space<vmem>>
      %dma_start3A_133 = tpu.memref_squeeze %dma_start3A_132 : memref<1x512xi32, #tpu.memory_space<vmem>> -> memref<512xi32, #tpu.memory_space<vmem>>
      %dma_start3A_134 = tpu.memref_slice %arg2[%mul3A_2] : memref<360448xi32, #tpu.memory_space<hbm>> -> memref<512xi32, #tpu.memory_space<hbm>>
      %dma_start3A_135 = arith.constant 0 : i32
      %dma_start3A_136 = tpu.memref_slice %arg10[%run_scoped3A, %dma_start3A_135] : memref<2x512xi32, #tpu.memory_space<vmem>> -> memref<1x512xi32, #tpu.memory_space<vmem>>
      %dma_start3A_137 = tpu.memref_squeeze %dma_start3A_136 : memref<1x512xi32, #tpu.memory_space<vmem>> -> memref<512xi32, #tpu.memory_space<vmem>>
      %dma_start3A_138 = tpu.memref_slice %arg2[%mul3A_2] : memref<360448xi32, #tpu.memory_space<hbm>> -> memref<512xi32, #tpu.memory_space<hbm>>
      tpu.enqueue_dma source(%dma_start3A_138 : memref<512xi32, #tpu.memory_space<hbm>>) target(%dma_start3A_137 : memref<512xi32, #tpu.memory_space<vmem>>) target_semaphore(%run_scoped3A_130 : memref<!tpu.dma_semaphore, #tpu.memory_space<semaphore_mem>>)
      %dma_wait3A = arith.constant 0 : i32
      %dma_wait3A_139 = tpu.memref_slice %arg10[%run_scoped3A, %dma_wait3A] : memref<2x512xi32, #tpu.memory_space<vmem>> -> memref<1x512xi32, #tpu.memory_space<vmem>>
      %dma_wait3A_140 = tpu.memref_squeeze %dma_wait3A_139 : memref<1x512xi32, #tpu.memory_space<vmem>> -> memref<512xi32, #tpu.memory_space<vmem>>
      %dma_wait3A_141 = tpu.memref_slice %arg2[%mul3A_2] : memref<360448xi32, #tpu.memory_space<hbm>> -> memref<512xi32, #tpu.memory_space<hbm>>
      %dma_wait3A_142 = arith.constant 0 : i32
      %dma_wait3A_143 = tpu.memref_slice %arg10[%run_scoped3A, %dma_wait3A_142] : memref<2x512xi32, #tpu.memory_space<vmem>> -> memref<1x512xi32, #tpu.memory_space<vmem>>
      %dma_wait3A_144 = tpu.memref_squeeze %dma_wait3A_143 : memref<1x512xi32, #tpu.memory_space<vmem>> -> memref<512xi32, #tpu.memory_space<vmem>>
      %dma_wait3A_145 = tpu.memref_slice %arg2[%mul3A_2] : memref<360448xi32, #tpu.memory_space<hbm>> -> memref<512xi32, #tpu.memory_space<hbm>>
      tpu.wait_dma2 semaphore(%run_scoped3A_130 : memref<!tpu.dma_semaphore, #tpu.memory_space<semaphore_mem>>) src(%dma_wait3A_145 : memref<512xi32, #tpu.memory_space<hbm>>) dst(%dma_wait3A_144 : memref<512xi32, #tpu.memory_space<vmem>>)
      tpu.yield
    }) : () -> ()
    %run_scoped3A_103 = arith.constant 0 : i32
    "tpu.region"() ({
      %run_scoped3A_130 = tpu.sem_alloc : memref<!tpu.dma_semaphore, #tpu.memory_space<semaphore_mem>>
      %dma_start3A_131 = arith.constant 0 : i32
      %dma_start3A_132 = tpu.memref_slice %arg11[%run_scoped3A_103, %dma_start3A_131] : memref<2x512xi32, #tpu.memory_space<vmem>> -> memref<1x512xi32, #tpu.memory_space<vmem>>
      %dma_start3A_133 = tpu.memref_squeeze %dma_start3A_132 : memref<1x512xi32, #tpu.memory_space<vmem>> -> memref<512xi32, #tpu.memory_space<vmem>>
      %dma_start3A_134 = tpu.memref_slice %arg3[%mul3A_2] : memref<360448xi32, #tpu.memory_space<hbm>> -> memref<512xi32, #tpu.memory_space<hbm>>
      %dma_start3A_135 = arith.constant 0 : i32
      %dma_start3A_136 = tpu.memref_slice %arg11[%run_scoped3A_103, %dma_start3A_135] : memref<2x512xi32, #tpu.memory_space<vmem>> -> memref<1x512xi32, #tpu.memory_space<vmem>>
      %dma_start3A_137 = tpu.memref_squeeze %dma_start3A_136 : memref<1x512xi32, #tpu.memory_space<vmem>> -> memref<512xi32, #tpu.memory_space<vmem>>
      %dma_start3A_138 = tpu.memref_slice %arg3[%mul3A_2] : memref<360448xi32, #tpu.memory_space<hbm>> -> memref<512xi32, #tpu.memory_space<hbm>>
      tpu.enqueue_dma source(%dma_start3A_138 : memref<512xi32, #tpu.memory_space<hbm>>) target(%dma_start3A_137 : memref<512xi32, #tpu.memory_space<vmem>>) target_semaphore(%run_scoped3A_130 : memref<!tpu.dma_semaphore, #tpu.memory_space<semaphore_mem>>)
      %dma_wait3A = arith.constant 0 : i32
      %dma_wait3A_139 = tpu.memref_slice %arg11[%run_scoped3A_103, %dma_wait3A] : memref<2x512xi32, #tpu.memory_space<vmem>> -> memref<1x512xi32, #tpu.memory_space<vmem>>
      %dma_wait3A_140 = tpu.memref_squeeze %dma_wait3A_139 : memref<1x512xi32, #tpu.memory_space<vmem>> -> memref<512xi32, #tpu.memory_space<vmem>>
      %dma_wait3A_141 = tpu.memref_slice %arg3[%mul3A_2] : memref<360448xi32, #tpu.memory_space<hbm>> -> memref<512xi32, #tpu.memory_space<hbm>>
      %dma_wait3A_142 = arith.constant 0 : i32
      %dma_wait3A_143 = tpu.memref_slice %arg11[%run_scoped3A_103, %dma_wait3A_142] : memref<2x512xi32, #tpu.memory_space<vmem>> -> memref<1x512xi32, #tpu.memory_space<vmem>>
      %dma_wait3A_144 = tpu.memref_squeeze %dma_wait3A_143 : memref<1x512xi32, #tpu.memory_space<vmem>> -> memref<512xi32, #tpu.memory_space<vmem>>
      %dma_wait3A_145 = tpu.memref_slice %arg3[%mul3A_2] : memref<360448xi32, #tpu.memory_space<hbm>> -> memref<512xi32, #tpu.memory_space<hbm>>
      tpu.wait_dma2 semaphore(%run_scoped3A_130 : memref<!tpu.dma_semaphore, #tpu.memory_space<semaphore_mem>>) src(%dma_wait3A_145 : memref<512xi32, #tpu.memory_space<hbm>>) dst(%dma_wait3A_144 : memref<512xi32, #tpu.memory_space<vmem>>)
      tpu.yield
    }) : () -> ()
    %dma_start3A = arith.constant 0 : i32
    %dma_start3A_104 = arith.constant 0 : i32
    %dma_start3A_105 = tpu.memref_slice %arg10[%dma_start3A, %dma_start3A_104] : memref<2x512xi32, #tpu.memory_space<vmem>> -> memref<1x512xi32, #tpu.memory_space<vmem>>
    %dma_start3A_106 = tpu.memref_squeeze %dma_start3A_105 : memref<1x512xi32, #tpu.memory_space<vmem>> -> memref<512xi32, #tpu.memory_space<vmem>>
    %dma_start3A_107 = arith.constant 0 : i32
    %dma_start3A_108 = arith.constant 0 : i32
    %dma_start3A_109 = tpu.memref_slice %arg4[%dma_start3A_107, %dma_start3A_108] : memref<10000x32xf32, #tpu.memory_space<hbm>> -> memref<10000x32xf32, #tpu.memory_space<hbm>>
    tpu.enqueue_indirect_dma source(%dma_start3A_109 : memref<10000x32xf32, #tpu.memory_space<hbm>>) target(%arg12 : memref<512x32xf32, #tpu.memory_space<vmem>>) offsets(%dma_start3A_106 : memref<512xi32, #tpu.memory_space<vmem>>) semaphore(%arg22 : memref<!tpu.dma_semaphore, #tpu.memory_space<semaphore_mem>>)
    %dma_start3A_110 = arith.constant 0 : i32
    %dma_start3A_111 = arith.constant 0 : i32
    %dma_start3A_112 = tpu.memref_slice %arg11[%dma_start3A_110, %dma_start3A_111] : memref<2x512xi32, #tpu.memory_space<vmem>> -> memref<1x512xi32, #tpu.memory_space<vmem>>
    %dma_start3A_113 = tpu.memref_squeeze %dma_start3A_112 : memref<1x512xi32, #tpu.memory_space<vmem>> -> memref<512xi32, #tpu.memory_space<vmem>>
    %dma_start3A_114 = arith.constant 0 : i32
    %dma_start3A_115 = arith.constant 0 : i32
    %dma_start3A_116 = tpu.memref_slice %arg5[%dma_start3A_114, %dma_start3A_115] : memref<10000x32xf32, #tpu.memory_space<hbm>> -> memref<10000x32xf32, #tpu.memory_space<hbm>>
    tpu.enqueue_indirect_dma source(%dma_start3A_116 : memref<10000x32xf32, #tpu.memory_space<hbm>>) target(%arg14 : memref<512x32xf32, #tpu.memory_space<vmem>>) offsets(%dma_start3A_113 : memref<512xi32, #tpu.memory_space<vmem>>) semaphore(%arg24 : memref<!tpu.dma_semaphore, #tpu.memory_space<semaphore_mem>>)
    %scan3A_117 = arith.constant 0 : i32
    %scan3A_118 = arith.constant 0 : i32
    %scan3A_119 = arith.constant 11 : i32
    %scan3A_120 = arith.addi %scan3A_118, %scan3A_119 : i32
    %scan3A_121 = arith.constant 1 : i32
    %scan3A_122 = scf.for %scan3A_130 = %scan3A_118 to %scan3A_120 step %scan3A_121 iter_args(%scan3A_131 = %scan3A_117) -> (i32)  : i32 {
      %mul3A_132 = arith.constant 2 : i32
      %mul3A_133 = arith.muli %mul3A_132, %scan3A_130 : i32
      %mul3A_134 = arith.constant 512 : i32
      %mul3A_135 = arith.muli %mul3A_133, %mul3A_134 : i32
      %add3A_136 = arith.addi %mul3A_2, %mul3A_135 : i32
      %add3A_137 = arith.constant 512 : i32
      %add3A_138 = arith.addi %add3A_136, %add3A_137 : i32
      %run_scoped3A_139 = arith.constant 1 : i32
      "tpu.region"() ({
        %run_scoped3A_209 = tpu.sem_alloc : memref<!tpu.dma_semaphore, #tpu.memory_space<semaphore_mem>>
        %dma_start3A_210 = arith.constant 0 : i32
        %dma_start3A_211 = tpu.memref_slice %arg10[%run_scoped3A_139, %dma_start3A_210] : memref<2x512xi32, #tpu.memory_space<vmem>> -> memref<1x512xi32, #tpu.memory_space<vmem>>
        %dma_start3A_212 = tpu.memref_squeeze %dma_start3A_211 : memref<1x512xi32, #tpu.memory_space<vmem>> -> memref<512xi32, #tpu.memory_space<vmem>>
        %dma_start3A_213 = tpu.memref_slice %arg2[%add3A_138] : memref<360448xi32, #tpu.memory_space<hbm>> -> memref<512xi32, #tpu.memory_space<hbm>>
        %dma_start3A_214 = arith.constant 0 : i32
        %dma_start3A_215 = tpu.memref_slice %arg10[%run_scoped3A_139, %dma_start3A_214] : memref<2x512xi32, #tpu.memory_space<vmem>> -> memref<1x512xi32, #tpu.memory_space<vmem>>
        %dma_start3A_216 = tpu.memref_squeeze %dma_start3A_215 : memref<1x512xi32, #tpu.memory_space<vmem>> -> memref<512xi32, #tpu.memory_space<vmem>>
        %dma_start3A_217 = tpu.memref_slice %arg2[%add3A_138] : memref<360448xi32, #tpu.memory_space<hbm>> -> memref<512xi32, #tpu.memory_space<hbm>>
        tpu.enqueue_dma source(%dma_start3A_217 : memref<512xi32, #tpu.memory_space<hbm>>) target(%dma_start3A_216 : memref<512xi32, #tpu.memory_space<vmem>>) target_semaphore(%run_scoped3A_209 : memref<!tpu.dma_semaphore, #tpu.memory_space<semaphore_mem>>)
        %dma_wait3A_218 = arith.constant 0 : i32
        %dma_wait3A_219 = tpu.memref_slice %arg10[%run_scoped3A_139, %dma_wait3A_218] : memref<2x512xi32, #tpu.memory_space<vmem>> -> memref<1x512xi32, #tpu.memory_space<vmem>>
        %dma_wait3A_220 = tpu.memref_squeeze %dma_wait3A_219 : memref<1x512xi32, #tpu.memory_space<vmem>> -> memref<512xi32, #tpu.memory_space<vmem>>
        %dma_wait3A_221 = tpu.memref_slice %arg2[%add3A_138] : memref<360448xi32, #tpu.memory_space<hbm>> -> memref<512xi32, #tpu.memory_space<hbm>>
        %dma_wait3A_222 = arith.constant 0 : i32
        %dma_wait3A_223 = tpu.memref_slice %arg10[%run_scoped3A_139, %dma_wait3A_222] : memref<2x512xi32, #tpu.memory_space<vmem>> -> memref<1x512xi32, #tpu.memory_space<vmem>>
        %dma_wait3A_224 = tpu.memref_squeeze %dma_wait3A_223 : memref<1x512xi32, #tpu.memory_space<vmem>> -> memref<512xi32, #tpu.memory_space<vmem>>
        %dma_wait3A_225 = tpu.memref_slice %arg2[%add3A_138] : memref<360448xi32, #tpu.memory_space<hbm>> -> memref<512xi32, #tpu.memory_space<hbm>>
        tpu.wait_dma2 semaphore(%run_scoped3A_209 : memref<!tpu.dma_semaphore, #tpu.memory_space<semaphore_mem>>) src(%dma_wait3A_225 : memref<512xi32, #tpu.memory_space<hbm>>) dst(%dma_wait3A_224 : memref<512xi32, #tpu.memory_space<vmem>>)
        tpu.yield
      }) : () -> ()
      %run_scoped3A_140 = arith.constant 1 : i32
      "tpu.region"() ({
        %run_scoped3A_209 = tpu.sem_alloc : memref<!tpu.dma_semaphore, #tpu.memory_space<semaphore_mem>>
        %dma_start3A_210 = arith.constant 0 : i32
        %dma_start3A_211 = tpu.memref_slice %arg11[%run_scoped3A_140, %dma_start3A_210] : memref<2x512xi32, #tpu.memory_space<vmem>> -> memref<1x512xi32, #tpu.memory_space<vmem>>
        %dma_start3A_212 = tpu.memref_squeeze %dma_start3A_211 : memref<1x512xi32, #tpu.memory_space<vmem>> -> memref<512xi32, #tpu.memory_space<vmem>>
        %dma_start3A_213 = tpu.memref_slice %arg3[%add3A_138] : memref<360448xi32, #tpu.memory_space<hbm>> -> memref<512xi32, #tpu.memory_space<hbm>>
        %dma_start3A_214 = arith.constant 0 : i32
        %dma_start3A_215 = tpu.memref_slice %arg11[%run_scoped3A_140, %dma_start3A_214] : memref<2x512xi32, #tpu.memory_space<vmem>> -> memref<1x512xi32, #tpu.memory_space<vmem>>
        %dma_start3A_216 = tpu.memref_squeeze %dma_start3A_215 : memref<1x512xi32, #tpu.memory_space<vmem>> -> memref<512xi32, #tpu.memory_space<vmem>>
        %dma_start3A_217 = tpu.memref_slice %arg3[%add3A_138] : memref<360448xi32, #tpu.memory_space<hbm>> -> memref<512xi32, #tpu.memory_space<hbm>>
        tpu.enqueue_dma source(%dma_start3A_217 : memref<512xi32, #tpu.memory_space<hbm>>) target(%dma_start3A_216 : memref<512xi32, #tpu.memory_space<vmem>>) target_semaphore(%run_scoped3A_209 : memref<!tpu.dma_semaphore, #tpu.memory_space<semaphore_mem>>)
        %dma_wait3A_218 = arith.constant 0 : i32
        %dma_wait3A_219 = tpu.memref_slice %arg11[%run_scoped3A_140, %dma_wait3A_218] : memref<2x512xi32, #tpu.memory_space<vmem>> -> memref<1x512xi32, #tpu.memory_space<vmem>>
        %dma_wait3A_220 = tpu.memref_squeeze %dma_wait3A_219 : memref<1x512xi32, #tpu.memory_space<vmem>> -> memref<512xi32, #tpu.memory_space<vmem>>
        %dma_wait3A_221 = tpu.memref_slice %arg3[%add3A_138] : memref<360448xi32, #tpu.memory_space<hbm>> -> memref<512xi32, #tpu.memory_space<hbm>>
        %dma_wait3A_222 = arith.constant 0 : i32
        %dma_wait3A_223 = tpu.memref_slice %arg11[%run_scoped3A_140, %dma_wait3A_222] : memref<2x512xi32, #tpu.memory_space<vmem>> -> memref<1x512xi32, #tpu.memory_space<vmem>>
        %dma_wait3A_224 = tpu.memref_squeeze %dma_wait3A_223 : memref<1x512xi32, #tpu.memory_space<vmem>> -> memref<512xi32, #tpu.memory_space<vmem>>
        %dma_wait3A_225 = tpu.memref_slice %arg3[%add3A_138] : memref<360448xi32, #tpu.memory_space<hbm>> -> memref<512xi32, #tpu.memory_space<hbm>>
        tpu.wait_dma2 semaphore(%run_scoped3A_209 : memref<!tpu.dma_semaphore, #tpu.memory_space<semaphore_mem>>) src(%dma_wait3A_225 : memref<512xi32, #tpu.memory_space<hbm>>) dst(%dma_wait3A_224 : memref<512xi32, #tpu.memory_space<vmem>>)
        tpu.yield
      }) : () -> ()
      %dma_start3A_141 = arith.constant 1 : i32
      %dma_start3A_142 = arith.constant 0 : i32
      %dma_start3A_143 = tpu.memref_slice %arg10[%dma_start3A_141, %dma_start3A_142] : memref<2x512xi32, #tpu.memory_space<vmem>> -> memref<1x512xi32, #tpu.memory_space<vmem>>
      %dma_start3A_144 = tpu.memref_squeeze %dma_start3A_143 : memref<1x512xi32, #tpu.memory_space<vmem>> -> memref<512xi32, #tpu.memory_space<vmem>>
      %dma_start3A_145 = arith.constant 0 : i32
      %dma_start3A_146 = arith.constant 0 : i32
      %dma_start3A_147 = tpu.memref_slice %arg4[%dma_start3A_145, %dma_start3A_146] : memref<10000x32xf32, #tpu.memory_space<hbm>> -> memref<10000x32xf32, #tpu.memory_space<hbm>>
      tpu.enqueue_indirect_dma source(%dma_start3A_147 : memref<10000x32xf32, #tpu.memory_space<hbm>>) target(%arg13 : memref<512x32xf32, #tpu.memory_space<vmem>>) offsets(%dma_start3A_144 : memref<512xi32, #tpu.memory_space<vmem>>) semaphore(%arg23 : memref<!tpu.dma_semaphore, #tpu.memory_space<semaphore_mem>>)
      %dma_start3A_148 = arith.constant 1 : i32
      %dma_start3A_149 = arith.constant 0 : i32
      %dma_start3A_150 = tpu.memref_slice %arg11[%dma_start3A_148, %dma_start3A_149] : memref<2x512xi32, #tpu.memory_space<vmem>> -> memref<1x512xi32, #tpu.memory_space<vmem>>
      %dma_start3A_151 = tpu.memref_squeeze %dma_start3A_150 : memref<1x512xi32, #tpu.memory_space<vmem>> -> memref<512xi32, #tpu.memory_space<vmem>>
      %dma_start3A_152 = arith.constant 0 : i32
      %dma_start3A_153 = arith.constant 0 : i32
      %dma_start3A_154 = tpu.memref_slice %arg5[%dma_start3A_152, %dma_start3A_153] : memref<10000x32xf32, #tpu.memory_space<hbm>> -> memref<10000x32xf32, #tpu.memory_space<hbm>>
      tpu.enqueue_indirect_dma source(%dma_start3A_154 : memref<10000x32xf32, #tpu.memory_space<hbm>>) target(%arg15 : memref<512x32xf32, #tpu.memory_space<vmem>>) offsets(%dma_start3A_151 : memref<512xi32, #tpu.memory_space<vmem>>) semaphore(%arg25 : memref<!tpu.dma_semaphore, #tpu.memory_space<semaphore_mem>>)
      %dma_wait3A = arith.constant 0 : i32
      %dma_wait3A_155 = arith.constant 0 : i32
      %dma_wait3A_156 = tpu.memref_slice %arg10[%dma_wait3A, %dma_wait3A_155] : memref<2x512xi32, #tpu.memory_space<vmem>> -> memref<1x512xi32, #tpu.memory_space<vmem>>
      %dma_wait3A_157 = tpu.memref_squeeze %dma_wait3A_156 : memref<1x512xi32, #tpu.memory_space<vmem>> -> memref<512xi32, #tpu.memory_space<vmem>>
      %dma_wait3A_158 = arith.constant 0 : i32
      %dma_wait3A_159 = arith.constant 0 : i32
      %dma_wait3A_160 = tpu.memref_slice %arg4[%dma_wait3A_158, %dma_wait3A_159] : memref<10000x32xf32, #tpu.memory_space<hbm>> -> memref<10000x32xf32, #tpu.memory_space<hbm>>
      tpu.wait_indirect_dma semaphore(%arg22 : memref<!tpu.dma_semaphore, #tpu.memory_space<semaphore_mem>>) src(%dma_wait3A_160 : memref<10000x32xf32, #tpu.memory_space<hbm>>) dst(%arg12 : memref<512x32xf32, #tpu.memory_space<vmem>>)
      %dma_wait3A_161 = arith.constant 0 : i32
      %dma_wait3A_162 = arith.constant 0 : i32
      %dma_wait3A_163 = tpu.memref_slice %arg11[%dma_wait3A_161, %dma_wait3A_162] : memref<2x512xi32, #tpu.memory_space<vmem>> -> memref<1x512xi32, #tpu.memory_space<vmem>>
      %dma_wait3A_164 = tpu.memref_squeeze %dma_wait3A_163 : memref<1x512xi32, #tpu.memory_space<vmem>> -> memref<512xi32, #tpu.memory_space<vmem>>
      %dma_wait3A_165 = arith.constant 0 : i32
      %dma_wait3A_166 = arith.constant 0 : i32
      %dma_wait3A_167 = tpu.memref_slice %arg5[%dma_wait3A_165, %dma_wait3A_166] : memref<10000x32xf32, #tpu.memory_space<hbm>> -> memref<10000x32xf32, #tpu.memory_space<hbm>>
      tpu.wait_indirect_dma semaphore(%arg24 : memref<!tpu.dma_semaphore, #tpu.memory_space<semaphore_mem>>) src(%dma_wait3A_167 : memref<10000x32xf32, #tpu.memory_space<hbm>>) dst(%arg14 : memref<512x32xf32, #tpu.memory_space<vmem>>)
      %scan3A_168 = arith.constant 0 : i32
      %scan3A_169 = arith.constant 0 : i32
      %scan3A_170 = arith.constant 128 : i32
      %scan3A_171 = arith.addi %scan3A_169, %scan3A_170 : i32
      %scan3A_172 = arith.constant 1 : i32
      %scan3A_173 = scf.for %scan3A_209 = %scan3A_169 to %scan3A_171 step %scan3A_172 iter_args(%scan3A_210 = %scan3A_168) -> (i32)  : i32 {
        %mul3A_211 = arith.constant 4 : i32
        %mul3A_212 = arith.muli %scan3A_209, %mul3A_211 : i32
        %add3A_213 = arith.constant 0 : i32
        %add3A_214 = arith.addi %mul3A_212, %add3A_213 : i32
        %broadcast_in_dim3A_215 = vector.broadcast %add3A_214 : i32 to vector<16xi32>
        %add3A_216 = arith.addi %add3A_136, %add3A_214 : i32
        %broadcast_in_dim3A_217 = vector.broadcast %add3A_216 : i32 to vector<16xi32>
        %lt3A_218 = arith.constant 330000 : i32
        %lt3A_219 = vector.broadcast %lt3A_218 : i32 to vector<16xi32>
        %lt3A_220 = arith.cmpi slt, %broadcast_in_dim3A_217, %lt3A_219 : vector<16xi32>
        %get3A_221 = arith.index_cast %add3A_214 : i32 to index
        %get3A_222 = arith.constant 0 : index
        %get3A_223 = tpu.vector_load %arg12[%get3A_221, %get3A_222] {strides = array<i32>} : memref<512x32xf32, #tpu.memory_space<vmem>>, vector<16xf32>,
        %get3A_224 = arith.index_cast %add3A_214 : i32 to index
        %get3A_225 = arith.constant 16 : index
        %get3A_226 = tpu.vector_load %arg12[%get3A_224, %get3A_225] {strides = array<i32>} : memref<512x32xf32, #tpu.memory_space<vmem>>, vector<16xf32>,
        %get3A_227 = arith.index_cast %add3A_214 : i32 to index
        %get3A_228 = arith.constant 0 : index
        %get3A_229 = tpu.vector_load %arg14[%get3A_227, %get3A_228] {strides = array<i32>} : memref<512x32xf32, #tpu.memory_space<vmem>>, vector<16xf32>,
        %add3A_230 = arith.addf %get3A_223, %get3A_229 : vector<16xf32>
        %gt3A_231 = arith.constant 0.000000e+00 : f32
        %gt3A_232 = vector.broadcast %gt3A_231 : f32 to vector<16xf32>
        %gt3A_233 = arith.cmpf ogt, %add3A_230, %gt3A_232 : vector<16xf32>
        %mul3A_234 = arith.constant 2.000000e-01 : f32
        %mul3A_235 = vector.broadcast %mul3A_234 : f32 to vector<16xf32>
        %mul3A_236 = arith.mulf %mul3A_235, %add3A_230 : vector<16xf32>
        %select_n3A_237 = arith.select %gt3A_233, %add3A_230, %mul3A_236 : vector<16xi1>, vector<16xf32>
        %mul3A_238 = arith.mulf %select_n3A_237, %get3A_97 : vector<16xf32>
        %get3A_239 = arith.index_cast %add3A_214 : i32 to index
        %get3A_240 = arith.constant 16 : index
        %get3A_241 = tpu.vector_load %arg14[%get3A_239, %get3A_240] {strides = array<i32>} : memref<512x32xf32, #tpu.memory_space<vmem>>, vector<16xf32>,
        %add3A_242 = arith.addf %get3A_226, %get3A_241 : vector<16xf32>
        %gt3A_243 = arith.constant 0.000000e+00 : f32
        %gt3A_244 = vector.broadcast %gt3A_243 : f32 to vector<16xf32>
        %gt3A_245 = arith.cmpf ogt, %add3A_242, %gt3A_244 : vector<16xf32>
        %mul3A_246 = arith.constant 2.000000e-01 : f32
        %mul3A_247 = vector.broadcast %mul3A_246 : f32 to vector<16xf32>
        %mul3A_248 = arith.mulf %mul3A_247, %add3A_242 : vector<16xf32>
        %select_n3A_249 = arith.select %gt3A_245, %add3A_242, %mul3A_248 : vector<16xi1>, vector<16xf32>
        %mul3A_250 = arith.mulf %select_n3A_249, %get3A_99 : vector<16xf32>
        %add3A_251 = arith.addf %mul3A_238, %mul3A_250 : vector<16xf32>
        %xor3A = arith.constant 8 : i32
        %xor3A_252 = vector.broadcast %xor3A : i32 to vector<16xi32>
        %xor3A_253 = arith.xori %iota3A, %xor3A_252 : vector<16xi32>
        %broadcast_in_dim3A_254 = vector.shape_cast %xor3A_253 : vector<16xi32> to vector<16x1xi32>
        %gather3A = vector.shape_cast %broadcast_in_dim3A_254 : vector<16x1xi32> to vector<16xi32>
        %gather3A_255 = tpu.dynamic_gather %add3A_251[%gather3A] in [0] : vector<16xf32>, vector<16xi32> -> vector<16xf32>
        %add3A_256 = arith.addf %add3A_251, %gather3A_255 : vector<16xf32>
        %xor3A_257 = arith.constant 4 : i32
        %xor3A_258 = vector.broadcast %xor3A_257 : i32 to vector<16xi32>
        %xor3A_259 = arith.xori %iota3A, %xor3A_258 : vector<16xi32>
        %broadcast_in_dim3A_260 = vector.shape_cast %xor3A_259 : vector<16xi32> to vector<16x1xi32>
        %gather3A_261 = vector.shape_cast %broadcast_in_dim3A_260 : vector<16x1xi32> to vector<16xi32>
        %gather3A_262 = tpu.dynamic_gather %add3A_256[%gather3A_261] in [0] : vector<16xf32>, vector<16xi32> -> vector<16xf32>
        %add3A_263 = arith.addf %add3A_256, %gather3A_262 : vector<16xf32>
        %xor3A_264 = arith.constant 2 : i32
        %xor3A_265 = vector.broadcast %xor3A_264 : i32 to vector<16xi32>
        %xor3A_266 = arith.xori %iota3A, %xor3A_265 : vector<16xi32>
        %broadcast_in_dim3A_267 = vector.shape_cast %xor3A_266 : vector<16xi32> to vector<16x1xi32>
        %gather3A_268 = vector.shape_cast %broadcast_in_dim3A_267 : vector<16x1xi32> to vector<16xi32>
        %gather3A_269 = tpu.dynamic_gather %add3A_263[%gather3A_268] in [0] : vector<16xf32>, vector<16xi32> -> vector<16xf32>
        %add3A_270 = arith.addf %add3A_263, %gather3A_269 : vector<16xf32>
        %xor3A_271 = arith.constant 1 : i32
        %xor3A_272 = vector.broadcast %xor3A_271 : i32 to vector<16xi32>
        %xor3A_273 = arith.xori %iota3A, %xor3A_272 : vector<16xi32>
        %broadcast_in_dim3A_274 = vector.shape_cast %xor3A_273 : vector<16xi32> to vector<16x1xi32>
        %gather3A_275 = vector.shape_cast %broadcast_in_dim3A_274 : vector<16x1xi32> to vector<16xi32>
        %gather3A_276 = tpu.dynamic_gather %add3A_270[%gather3A_275] in [0] : vector<16xf32>, vector<16xi32> -> vector<16xf32>
        %add3A_277 = arith.addf %add3A_270, %gather3A_276 : vector<16xf32>
        %sub3A = vector.broadcast %reduce_sum3A_95 : f32 to vector<16xf32>
        %sub3A_278 = arith.subf %add3A_277, %sub3A : vector<16xf32>
        %exp3A = math.exp %sub3A_278 : vector<16xf32>
        %jit3A = arith.constant 0.000000e+00 : f32
        %broadcast_in_dim3A_279 = vector.broadcast %jit3A : f32 to vector<16xf32>
        %select_n3A_280 = arith.select %lt3A_220, %exp3A, %broadcast_in_dim3A_279 : vector<16xi1>, vector<16xf32>
        %broadcast_in_dim3A_281 = arith.constant 0 : i32
        %broadcast_in_dim3A_282 = vector.broadcast %broadcast_in_dim3A_281 : i32 to vector<16xi32>
        tpu.vector_store_idx %arg18[%broadcast_in_dim3A_215, %broadcast_in_dim3A_282], %select_n3A_280 masked %eq3A_102 : memref<512x16xf32, #tpu.memory_space<vmem>>[vector<16xi32>, vector<16xi32>], vector<16xf32>, vector<16xi1>
        %mul3A_283 = arith.mulf %get3A_223, %select_n3A_280 : vector<16xf32>
        %swap3A = arith.index_cast %add3A_214 : i32 to index
        %swap3A_284 = arith.constant 0 : index
        %swap3A_285 = tpu.vector_load %arg12[%swap3A, %swap3A_284] {strides = array<i32>} : memref<512x32xf32, #tpu.memory_space<vmem>>, vector<16xf32>,
        tpu.vector_store %arg12[%swap3A, %swap3A_284], %mul3A_283 {strides = array<i32>} : memref<512x32xf32, #tpu.memory_space<vmem>>, vector<16xf32>,
        %mul3A_286 = arith.mulf %get3A_226, %select_n3A_280 : vector<16xf32>
        %swap3A_287 = arith.index_cast %add3A_214 : i32 to index
        %swap3A_288 = arith.constant 16 : index
        %swap3A_289 = tpu.vector_load %arg12[%swap3A_287, %swap3A_288] {strides = array<i32>} : memref<512x32xf32, #tpu.memory_space<vmem>>, vector<16xf32>,
        tpu.vector_store %arg12[%swap3A_287, %swap3A_288], %mul3A_286 {strides = array<i32>} : memref<512x32xf32, #tpu.memory_space<vmem>>, vector<16xf32>,
        %mul3A_290 = arith.constant 4 : i32
        %mul3A_291 = arith.muli %scan3A_209, %mul3A_290 : i32
        %add3A_292 = arith.constant 1 : i32
        %add3A_293 = arith.addi %mul3A_291, %add3A_292 : i32
        %broadcast_in_dim3A_294 = vector.broadcast %add3A_293 : i32 to vector<16xi32>
        %add3A_295 = arith.addi %add3A_136, %add3A_293 : i32
        %broadcast_in_dim3A_296 = vector.broadcast %add3A_295 : i32 to vector<16xi32>
        %lt3A_297 = arith.constant 330000 : i32
        %lt3A_298 = vector.broadcast %lt3A_297 : i32 to vector<16xi32>
        %lt3A_299 = arith.cmpi slt, %broadcast_in_dim3A_296, %lt3A_298 : vector<16xi32>
        %get3A_300 = arith.index_cast %add3A_293 : i32 to index
        %get3A_301 = arith.constant 0 : index
        %get3A_302 = tpu.vector_load %arg12[%get3A_300, %get3A_301] {strides = array<i32>} : memref<512x32xf32, #tpu.memory_space<vmem>>, vector<16xf32>,
        %get3A_303 = arith.index_cast %add3A_293 : i32 to index
        %get3A_304 = arith.constant 16 : index
        %get3A_305 = tpu.vector_load %arg12[%get3A_303, %get3A_304] {strides = array<i32>} : memref<512x32xf32, #tpu.memory_space<vmem>>, vector<16xf32>,
        %get3A_306 = arith.index_cast %add3A_293 : i32 to index
        %get3A_307 = arith.constant 0 : index
        %get3A_308 = tpu.vector_load %arg14[%get3A_306, %get3A_307] {strides = array<i32>} : memref<512x32xf32, #tpu.memory_space<vmem>>, vector<16xf32>,
        %add3A_309 = arith.addf %get3A_302, %get3A_308 : vector<16xf32>
        %gt3A_310 = arith.constant 0.000000e+00 : f32
        %gt3A_311 = vector.broadcast %gt3A_310 : f32 to vector<16xf32>
        %gt3A_312 = arith.cmpf ogt, %add3A_309, %gt3A_311 : vector<16xf32>
        %mul3A_313 = arith.constant 2.000000e-01 : f32
        %mul3A_314 = vector.broadcast %mul3A_313 : f32 to vector<16xf32>
        %mul3A_315 = arith.mulf %mul3A_314, %add3A_309 : vector<16xf32>
        %select_n3A_316 = arith.select %gt3A_312, %add3A_309, %mul3A_315 : vector<16xi1>, vector<16xf32>
        %mul3A_317 = arith.mulf %select_n3A_316, %get3A_97 : vector<16xf32>
        %get3A_318 = arith.index_cast %add3A_293 : i32 to index
        %get3A_319 = arith.constant 16 : index
        %get3A_320 = tpu.vector_load %arg14[%get3A_318, %get3A_319] {strides = array<i32>} : memref<512x32xf32, #tpu.memory_space<vmem>>, vector<16xf32>,
        %add3A_321 = arith.addf %get3A_305, %get3A_320 : vector<16xf32>
        %gt3A_322 = arith.constant 0.000000e+00 : f32
        %gt3A_323 = vector.broadcast %gt3A_322 : f32 to vector<16xf32>
        %gt3A_324 = arith.cmpf ogt, %add3A_321, %gt3A_323 : vector<16xf32>
        %mul3A_325 = arith.constant 2.000000e-01 : f32
        %mul3A_326 = vector.broadcast %mul3A_325 : f32 to vector<16xf32>
        %mul3A_327 = arith.mulf %mul3A_326, %add3A_321 : vector<16xf32>
        %select_n3A_328 = arith.select %gt3A_324, %add3A_321, %mul3A_327 : vector<16xi1>, vector<16xf32>
        %mul3A_329 = arith.mulf %select_n3A_328, %get3A_99 : vector<16xf32>
        %add3A_330 = arith.addf %mul3A_317, %mul3A_329 : vector<16xf32>
        %xor3A_331 = arith.constant 8 : i32
        %xor3A_332 = vector.broadcast %xor3A_331 : i32 to vector<16xi32>
        %xor3A_333 = arith.xori %iota3A, %xor3A_332 : vector<16xi32>
        %broadcast_in_dim3A_334 = vector.shape_cast %xor3A_333 : vector<16xi32> to vector<16x1xi32>
        %gather3A_335 = vector.shape_cast %broadcast_in_dim3A_334 : vector<16x1xi32> to vector<16xi32>
        %gather3A_336 = tpu.dynamic_gather %add3A_330[%gather3A_335] in [0] : vector<16xf32>, vector<16xi32> -> vector<16xf32>
        %add3A_337 = arith.addf %add3A_330, %gather3A_336 : vector<16xf32>
        %xor3A_338 = arith.constant 4 : i32
        %xor3A_339 = vector.broadcast %xor3A_338 : i32 to vector<16xi32>
        %xor3A_340 = arith.xori %iota3A, %xor3A_339 : vector<16xi32>
        %broadcast_in_dim3A_341 = vector.shape_cast %xor3A_340 : vector<16xi32> to vector<16x1xi32>
        %gather3A_342 = vector.shape_cast %broadcast_in_dim3A_341 : vector<16x1xi32> to vector<16xi32>
        %gather3A_343 = tpu.dynamic_gather %add3A_337[%gather3A_342] in [0] : vector<16xf32>, vector<16xi32> -> vector<16xf32>
        %add3A_344 = arith.addf %add3A_337, %gather3A_343 : vector<16xf32>
        %xor3A_345 = arith.constant 2 : i32
        %xor3A_346 = vector.broadcast %xor3A_345 : i32 to vector<16xi32>
        %xor3A_347 = arith.xori %iota3A, %xor3A_346 : vector<16xi32>
        %broadcast_in_dim3A_348 = vector.shape_cast %xor3A_347 : vector<16xi32> to vector<16x1xi32>
        %gather3A_349 = vector.shape_cast %broadcast_in_dim3A_348 : vector<16x1xi32> to vector<16xi32>
        %gather3A_350 = tpu.dynamic_gather %add3A_344[%gather3A_349] in [0] : vector<16xf32>, vector<16xi32> -> vector<16xf32>
        %add3A_351 = arith.addf %add3A_344, %gather3A_350 : vector<16xf32>
        %xor3A_352 = arith.constant 1 : i32
        %xor3A_353 = vector.broadcast %xor3A_352 : i32 to vector<16xi32>
        %xor3A_354 = arith.xori %iota3A, %xor3A_353 : vector<16xi32>
        %broadcast_in_dim3A_355 = vector.shape_cast %xor3A_354 : vector<16xi32> to vector<16x1xi32>
        %gather3A_356 = vector.shape_cast %broadcast_in_dim3A_355 : vector<16x1xi32> to vector<16xi32>
        %gather3A_357 = tpu.dynamic_gather %add3A_351[%gather3A_356] in [0] : vector<16xf32>, vector<16xi32> -> vector<16xf32>
        %add3A_358 = arith.addf %add3A_351, %gather3A_357 : vector<16xf32>
        %sub3A_359 = vector.broadcast %reduce_sum3A_95 : f32 to vector<16xf32>
        %sub3A_360 = arith.subf %add3A_358, %sub3A_359 : vector<16xf32>
        %exp3A_361 = math.exp %sub3A_360 : vector<16xf32>
        %jit3A_362 = arith.constant 0.000000e+00 : f32
        %broadcast_in_dim3A_363 = vector.broadcast %jit3A_362 : f32 to vector<16xf32>
        %select_n3A_364 = arith.select %lt3A_299, %exp3A_361, %broadcast_in_dim3A_363 : vector<16xi1>, vector<16xf32>
        %broadcast_in_dim3A_365 = arith.constant 0 : i32
        %broadcast_in_dim3A_366 = vector.broadcast %broadcast_in_dim3A_365 : i32 to vector<16xi32>
        tpu.vector_store_idx %arg18[%broadcast_in_dim3A_294, %broadcast_in_dim3A_366], %select_n3A_364 masked %eq3A_102 : memref<512x16xf32, #tpu.memory_space<vmem>>[vector<16xi32>, vector<16xi32>], vector<16xf32>, vector<16xi1>
        %mul3A_367 = arith.mulf %get3A_302, %select_n3A_364 : vector<16xf32>
        %swap3A_368 = arith.index_cast %add3A_293 : i32 to index
        %swap3A_369 = arith.constant 0 : index
        %swap3A_370 = tpu.vector_load %arg12[%swap3A_368, %swap3A_369] {strides = array<i32>} : memref<512x32xf32, #tpu.memory_space<vmem>>, vector<16xf32>,
        tpu.vector_store %arg12[%swap3A_368, %swap3A_369], %mul3A_367 {strides = array<i32>} : memref<512x32xf32, #tpu.memory_space<vmem>>, vector<16xf32>,
        %mul3A_371 = arith.mulf %get3A_305, %select_n3A_364 : vector<16xf32>
        %swap3A_372 = arith.index_cast %add3A_293 : i32 to index
        %swap3A_373 = arith.constant 16 : index
        %swap3A_374 = tpu.vector_load %arg12[%swap3A_372, %swap3A_373] {strides = array<i32>} : memref<512x32xf32, #tpu.memory_space<vmem>>, vector<16xf32>,
        tpu.vector_store %arg12[%swap3A_372, %swap3A_373], %mul3A_371 {strides = array<i32>} : memref<512x32xf32, #tpu.memory_space<vmem>>, vector<16xf32>,
        %mul3A_375 = arith.constant 4 : i32
        %mul3A_376 = arith.muli %scan3A_209, %mul3A_375 : i32
        %add3A_377 = arith.constant 2 : i32
        %add3A_378 = arith.addi %mul3A_376, %add3A_377 : i32
        %broadcast_in_dim3A_379 = vector.broadcast %add3A_378 : i32 to vector<16xi32>
        %add3A_380 = arith.addi %add3A_136, %add3A_378 : i32
        %broadcast_in_dim3A_381 = vector.broadcast %add3A_380 : i32 to vector<16xi32>
        %lt3A_382 = arith.constant 330000 : i32
        %lt3A_383 = vector.broadcast %lt3A_382 : i32 to vector<16xi32>
        %lt3A_384 = arith.cmpi slt, %broadcast_in_dim3A_381, %lt3A_383 : vector<16xi32>
        %get3A_385 = arith.index_cast %add3A_378 : i32 to index
        %get3A_386 = arith.constant 0 : index
        %get3A_387 = tpu.vector_load %arg12[%get3A_385, %get3A_386] {strides = array<i32>} : memref<512x32xf32, #tpu.memory_space<vmem>>, vector<16xf32>,
        %get3A_388 = arith.index_cast %add3A_378 : i32 to index
        %get3A_389 = arith.constant 16 : index
        %get3A_390 = tpu.vector_load %arg12[%get3A_388, %get3A_389] {strides = array<i32>} : memref<512x32xf32, #tpu.memory_space<vmem>>, vector<16xf32>,
        %get3A_391 = arith.index_cast %add3A_378 : i32 to index
        %get3A_392 = arith.constant 0 : index
        %get3A_393 = tpu.vector_load %arg14[%get3A_391, %get3A_392] {strides = array<i32>} : memref<512x32xf32, #tpu.memory_space<vmem>>, vector<16xf32>,
        %add3A_394 = arith.addf %get3A_387, %get3A_393 : vector<16xf32>
        %gt3A_395 = arith.constant 0.000000e+00 : f32
        %gt3A_396 = vector.broadcast %gt3A_395 : f32 to vector<16xf32>
        %gt3A_397 = arith.cmpf ogt, %add3A_394, %gt3A_396 : vector<16xf32>
        %mul3A_398 = arith.constant 2.000000e-01 : f32
        %mul3A_399 = vector.broadcast %mul3A_398 : f32 to vector<16xf32>
        %mul3A_400 = arith.mulf %mul3A_399, %add3A_394 : vector<16xf32>
        %select_n3A_401 = arith.select %gt3A_397, %add3A_394, %mul3A_400 : vector<16xi1>, vector<16xf32>
        %mul3A_402 = arith.mulf %select_n3A_401, %get3A_97 : vector<16xf32>
        %get3A_403 = arith.index_cast %add3A_378 : i32 to index
        %get3A_404 = arith.constant 16 : index
        %get3A_405 = tpu.vector_load %arg14[%get3A_403, %get3A_404] {strides = array<i32>} : memref<512x32xf32, #tpu.memory_space<vmem>>, vector<16xf32>,
        %add3A_406 = arith.addf %get3A_390, %get3A_405 : vector<16xf32>
        %gt3A_407 = arith.constant 0.000000e+00 : f32
        %gt3A_408 = vector.broadcast %gt3A_407 : f32 to vector<16xf32>
        %gt3A_409 = arith.cmpf ogt, %add3A_406, %gt3A_408 : vector<16xf32>
        %mul3A_410 = arith.constant 2.000000e-01 : f32
        %mul3A_411 = vector.broadcast %mul3A_410 : f32 to vector<16xf32>
        %mul3A_412 = arith.mulf %mul3A_411, %add3A_406 : vector<16xf32>
        %select_n3A_413 = arith.select %gt3A_409, %add3A_406, %mul3A_412 : vector<16xi1>, vector<16xf32>
        %mul3A_414 = arith.mulf %select_n3A_413, %get3A_99 : vector<16xf32>
        %add3A_415 = arith.addf %mul3A_402, %mul3A_414 : vector<16xf32>
        %xor3A_416 = arith.constant 8 : i32
        %xor3A_417 = vector.broadcast %xor3A_416 : i32 to vector<16xi32>
        %xor3A_418 = arith.xori %iota3A, %xor3A_417 : vector<16xi32>
        %broadcast_in_dim3A_419 = vector.shape_cast %xor3A_418 : vector<16xi32> to vector<16x1xi32>
        %gather3A_420 = vector.shape_cast %broadcast_in_dim3A_419 : vector<16x1xi32> to vector<16xi32>
        %gather3A_421 = tpu.dynamic_gather %add3A_415[%gather3A_420] in [0] : vector<16xf32>, vector<16xi32> -> vector<16xf32>
        %add3A_422 = arith.addf %add3A_415, %gather3A_421 : vector<16xf32>
        %xor3A_423 = arith.constant 4 : i32
        %xor3A_424 = vector.broadcast %xor3A_423 : i32 to vector<16xi32>
        %xor3A_425 = arith.xori %iota3A, %xor3A_424 : vector<16xi32>
        %broadcast_in_dim3A_426 = vector.shape_cast %xor3A_425 : vector<16xi32> to vector<16x1xi32>
        %gather3A_427 = vector.shape_cast %broadcast_in_dim3A_426 : vector<16x1xi32> to vector<16xi32>
        %gather3A_428 = tpu.dynamic_gather %add3A_422[%gather3A_427] in [0] : vector<16xf32>, vector<16xi32> -> vector<16xf32>
        %add3A_429 = arith.addf %add3A_422, %gather3A_428 : vector<16xf32>
        %xor3A_430 = arith.constant 2 : i32
        %xor3A_431 = vector.broadcast %xor3A_430 : i32 to vector<16xi32>
        %xor3A_432 = arith.xori %iota3A, %xor3A_431 : vector<16xi32>
        %broadcast_in_dim3A_433 = vector.shape_cast %xor3A_432 : vector<16xi32> to vector<16x1xi32>
        %gather3A_434 = vector.shape_cast %broadcast_in_dim3A_433 : vector<16x1xi32> to vector<16xi32>
        %gather3A_435 = tpu.dynamic_gather %add3A_429[%gather3A_434] in [0] : vector<16xf32>, vector<16xi32> -> vector<16xf32>
        %add3A_436 = arith.addf %add3A_429, %gather3A_435 : vector<16xf32>
        %xor3A_437 = arith.constant 1 : i32
        %xor3A_438 = vector.broadcast %xor3A_437 : i32 to vector<16xi32>
        %xor3A_439 = arith.xori %iota3A, %xor3A_438 : vector<16xi32>
        %broadcast_in_dim3A_440 = vector.shape_cast %xor3A_439 : vector<16xi32> to vector<16x1xi32>
        %gather3A_441 = vector.shape_cast %broadcast_in_dim3A_440 : vector<16x1xi32> to vector<16xi32>
        %gather3A_442 = tpu.dynamic_gather %add3A_436[%gather3A_441] in [0] : vector<16xf32>, vector<16xi32> -> vector<16xf32>
        %add3A_443 = arith.addf %add3A_436, %gather3A_442 : vector<16xf32>
        %sub3A_444 = vector.broadcast %reduce_sum3A_95 : f32 to vector<16xf32>
        %sub3A_445 = arith.subf %add3A_443, %sub3A_444 : vector<16xf32>
        %exp3A_446 = math.exp %sub3A_445 : vector<16xf32>
        %jit3A_447 = arith.constant 0.000000e+00 : f32
        %broadcast_in_dim3A_448 = vector.broadcast %jit3A_447 : f32 to vector<16xf32>
        %select_n3A_449 = arith.select %lt3A_384, %exp3A_446, %broadcast_in_dim3A_448 : vector<16xi1>, vector<16xf32>
        %broadcast_in_dim3A_450 = arith.constant 0 : i32
        %broadcast_in_dim3A_451 = vector.broadcast %broadcast_in_dim3A_450 : i32 to vector<16xi32>
        tpu.vector_store_idx %arg18[%broadcast_in_dim3A_379, %broadcast_in_dim3A_451], %select_n3A_449 masked %eq3A_102 : memref<512x16xf32, #tpu.memory_space<vmem>>[vector<16xi32>, vector<16xi32>], vector<16xf32>, vector<16xi1>
        %mul3A_452 = arith.mulf %get3A_387, %select_n3A_449 : vector<16xf32>
        %swap3A_453 = arith.index_cast %add3A_378 : i32 to index
        %swap3A_454 = arith.constant 0 : index
        %swap3A_455 = tpu.vector_load %arg12[%swap3A_453, %swap3A_454] {strides = array<i32>} : memref<512x32xf32, #tpu.memory_space<vmem>>, vector<16xf32>,
        tpu.vector_store %arg12[%swap3A_453, %swap3A_454], %mul3A_452 {strides = array<i32>} : memref<512x32xf32, #tpu.memory_space<vmem>>, vector<16xf32>,
        %mul3A_456 = arith.mulf %get3A_390, %select_n3A_449 : vector<16xf32>
        %swap3A_457 = arith.index_cast %add3A_378 : i32 to index
        %swap3A_458 = arith.constant 16 : index
        %swap3A_459 = tpu.vector_load %arg12[%swap3A_457, %swap3A_458] {strides = array<i32>} : memref<512x32xf32, #tpu.memory_space<vmem>>, vector<16xf32>,
        tpu.vector_store %arg12[%swap3A_457, %swap3A_458], %mul3A_456 {strides = array<i32>} : memref<512x32xf32, #tpu.memory_space<vmem>>, vector<16xf32>,
        %mul3A_460 = arith.constant 4 : i32
        %mul3A_461 = arith.muli %scan3A_209, %mul3A_460 : i32
        %add3A_462 = arith.constant 3 : i32
        %add3A_463 = arith.addi %mul3A_461, %add3A_462 : i32
        %broadcast_in_dim3A_464 = vector.broadcast %add3A_463 : i32 to vector<16xi32>
        %add3A_465 = arith.addi %add3A_136, %add3A_463 : i32
        %broadcast_in_dim3A_466 = vector.broadcast %add3A_465 : i32 to vector<16xi32>
        %lt3A_467 = arith.constant 330000 : i32
        %lt3A_468 = vector.broadcast %lt3A_467 : i32 to vector<16xi32>
        %lt3A_469 = arith.cmpi slt, %broadcast_in_dim3A_466, %lt3A_468 : vector<16xi32>
        %get3A_470 = arith.index_cast %add3A_463 : i32 to index
        %get3A_471 = arith.constant 0 : index
        %get3A_472 = tpu.vector_load %arg12[%get3A_470, %get3A_471] {strides = array<i32>} : memref<512x32xf32, #tpu.memory_space<vmem>>, vector<16xf32>,
        %get3A_473 = arith.index_cast %add3A_463 : i32 to index
        %get3A_474 = arith.constant 16 : index
        %get3A_475 = tpu.vector_load %arg12[%get3A_473, %get3A_474] {strides = array<i32>} : memref<512x32xf32, #tpu.memory_space<vmem>>, vector<16xf32>,
        %get3A_476 = arith.index_cast %add3A_463 : i32 to index
        %get3A_477 = arith.constant 0 : index
        %get3A_478 = tpu.vector_load %arg14[%get3A_476, %get3A_477] {strides = array<i32>} : memref<512x32xf32, #tpu.memory_space<vmem>>, vector<16xf32>,
        %add3A_479 = arith.addf %get3A_472, %get3A_478 : vector<16xf32>
        %gt3A_480 = arith.constant 0.000000e+00 : f32
        %gt3A_481 = vector.broadcast %gt3A_480 : f32 to vector<16xf32>
        %gt3A_482 = arith.cmpf ogt, %add3A_479, %gt3A_481 : vector<16xf32>
        %mul3A_483 = arith.constant 2.000000e-01 : f32
        %mul3A_484 = vector.broadcast %mul3A_483 : f32 to vector<16xf32>
        %mul3A_485 = arith.mulf %mul3A_484, %add3A_479 : vector<16xf32>
        %select_n3A_486 = arith.select %gt3A_482, %add3A_479, %mul3A_485 : vector<16xi1>, vector<16xf32>
        %mul3A_487 = arith.mulf %select_n3A_486, %get3A_97 : vector<16xf32>
        %get3A_488 = arith.index_cast %add3A_463 : i32 to index
        %get3A_489 = arith.constant 16 : index
        %get3A_490 = tpu.vector_load %arg14[%get3A_488, %get3A_489] {strides = array<i32>} : memref<512x32xf32, #tpu.memory_space<vmem>>, vector<16xf32>,
        %add3A_491 = arith.addf %get3A_475, %get3A_490 : vector<16xf32>
        %gt3A_492 = arith.constant 0.000000e+00 : f32
        %gt3A_493 = vector.broadcast %gt3A_492 : f32 to vector<16xf32>
        %gt3A_494 = arith.cmpf ogt, %add3A_491, %gt3A_493 : vector<16xf32>
        %mul3A_495 = arith.constant 2.000000e-01 : f32
        %mul3A_496 = vector.broadcast %mul3A_495 : f32 to vector<16xf32>
        %mul3A_497 = arith.mulf %mul3A_496, %add3A_491 : vector<16xf32>
        %select_n3A_498 = arith.select %gt3A_494, %add3A_491, %mul3A_497 : vector<16xi1>, vector<16xf32>
        %mul3A_499 = arith.mulf %select_n3A_498, %get3A_99 : vector<16xf32>
        %add3A_500 = arith.addf %mul3A_487, %mul3A_499 : vector<16xf32>
        %xor3A_501 = arith.constant 8 : i32
        %xor3A_502 = vector.broadcast %xor3A_501 : i32 to vector<16xi32>
        %xor3A_503 = arith.xori %iota3A, %xor3A_502 : vector<16xi32>
        %broadcast_in_dim3A_504 = vector.shape_cast %xor3A_503 : vector<16xi32> to vector<16x1xi32>
        %gather3A_505 = vector.shape_cast %broadcast_in_dim3A_504 : vector<16x1xi32> to vector<16xi32>
        %gather3A_506 = tpu.dynamic_gather %add3A_500[%gather3A_505] in [0] : vector<16xf32>, vector<16xi32> -> vector<16xf32>
        %add3A_507 = arith.addf %add3A_500, %gather3A_506 : vector<16xf32>
        %xor3A_508 = arith.constant 4 : i32
        %xor3A_509 = vector.broadcast %xor3A_508 : i32 to vector<16xi32>
        %xor3A_510 = arith.xori %iota3A, %xor3A_509 : vector<16xi32>
        %broadcast_in_dim3A_511 = vector.shape_cast %xor3A_510 : vector<16xi32> to vector<16x1xi32>
        %gather3A_512 = vector.shape_cast %broadcast_in_dim3A_511 : vector<16x1xi32> to vector<16xi32>
        %gather3A_513 = tpu.dynamic_gather %add3A_507[%gather3A_512] in [0] : vector<16xf32>, vector<16xi32> -> vector<16xf32>
        %add3A_514 = arith.addf %add3A_507, %gather3A_513 : vector<16xf32>
        %xor3A_515 = arith.constant 2 : i32
        %xor3A_516 = vector.broadcast %xor3A_515 : i32 to vector<16xi32>
        %xor3A_517 = arith.xori %iota3A, %xor3A_516 : vector<16xi32>
        %broadcast_in_dim3A_518 = vector.shape_cast %xor3A_517 : vector<16xi32> to vector<16x1xi32>
        %gather3A_519 = vector.shape_cast %broadcast_in_dim3A_518 : vector<16x1xi32> to vector<16xi32>
        %gather3A_520 = tpu.dynamic_gather %add3A_514[%gather3A_519] in [0] : vector<16xf32>, vector<16xi32> -> vector<16xf32>
        %add3A_521 = arith.addf %add3A_514, %gather3A_520 : vector<16xf32>
        %xor3A_522 = arith.constant 1 : i32
        %xor3A_523 = vector.broadcast %xor3A_522 : i32 to vector<16xi32>
        %xor3A_524 = arith.xori %iota3A, %xor3A_523 : vector<16xi32>
        %broadcast_in_dim3A_525 = vector.shape_cast %xor3A_524 : vector<16xi32> to vector<16x1xi32>
        %gather3A_526 = vector.shape_cast %broadcast_in_dim3A_525 : vector<16x1xi32> to vector<16xi32>
        %gather3A_527 = tpu.dynamic_gather %add3A_521[%gather3A_526] in [0] : vector<16xf32>, vector<16xi32> -> vector<16xf32>
        %add3A_528 = arith.addf %add3A_521, %gather3A_527 : vector<16xf32>
        %sub3A_529 = vector.broadcast %reduce_sum3A_95 : f32 to vector<16xf32>
        %sub3A_530 = arith.subf %add3A_528, %sub3A_529 : vector<16xf32>
        %exp3A_531 = math.exp %sub3A_530 : vector<16xf32>
        %jit3A_532 = arith.constant 0.000000e+00 : f32
        %broadcast_in_dim3A_533 = vector.broadcast %jit3A_532 : f32 to vector<16xf32>
        %select_n3A_534 = arith.select %lt3A_469, %exp3A_531, %broadcast_in_dim3A_533 : vector<16xi1>, vector<16xf32>
        %broadcast_in_dim3A_535 = arith.constant 0 : i32
        %broadcast_in_dim3A_536 = vector.broadcast %broadcast_in_dim3A_535 : i32 to vector<16xi32>
        tpu.vector_store_idx %arg18[%broadcast_in_dim3A_464, %broadcast_in_dim3A_536], %select_n3A_534 masked %eq3A_102 : memref<512x16xf32, #tpu.memory_space<vmem>>[vector<16xi32>, vector<16xi32>], vector<16xf32>, vector<16xi1>
        %mul3A_537 = arith.mulf %get3A_472, %select_n3A_534 : vector<16xf32>
        %swap3A_538 = arith.index_cast %add3A_463 : i32 to index
        %swap3A_539 = arith.constant 0 : index
        %swap3A_540 = tpu.vector_load %arg12[%swap3A_538, %swap3A_539] {strides = array<i32>} : memref<512x32xf32, #tpu.memory_space<vmem>>, vector<16xf32>,
        tpu.vector_store %arg12[%swap3A_538, %swap3A_539], %mul3A_537 {strides = array<i32>} : memref<512x32xf32, #tpu.memory_space<vmem>>, vector<16xf32>,
        %mul3A_541 = arith.mulf %get3A_475, %select_n3A_534 : vector<16xf32>
        %swap3A_542 = arith.index_cast %add3A_463 : i32 to index
        %swap3A_543 = arith.constant 16 : index
        %swap3A_544 = tpu.vector_load %arg12[%swap3A_542, %swap3A_543] {strides = array<i32>} : memref<512x32xf32, #tpu.memory_space<vmem>>, vector<16xf32>,
        tpu.vector_store %arg12[%swap3A_542, %swap3A_543], %mul3A_541 {strides = array<i32>} : memref<512x32xf32, #tpu.memory_space<vmem>>, vector<16xf32>,
        %scan3A_545 = arith.constant 0 : i32
        scf.yield %scan3A_545 : i32
      }
      %scan3A_174 = arith.constant 128 : i32
      %run_scoped3A_175 = arith.constant 0 : i32
      "tpu.region"() ({
        %run_scoped3A_209 = tpu.sem_alloc : memref<!tpu.dma_semaphore, #tpu.memory_space<semaphore_mem>>
        %dma_start3A_210 = arith.constant 0 : i32
        %dma_start3A_211 = tpu.memref_slice %arg11[%run_scoped3A_175, %dma_start3A_210] : memref<2x512xi32, #tpu.memory_space<vmem>> -> memref<1x512xi32, #tpu.memory_space<vmem>>
        %dma_start3A_212 = tpu.memref_squeeze %dma_start3A_211 : memref<1x512xi32, #tpu.memory_space<vmem>> -> memref<512xi32, #tpu.memory_space<vmem>>
        %dma_start3A_213 = arith.constant 0 : i32
        %dma_start3A_214 = arith.constant 0 : i32
        %dma_start3A_215 = tpu.memref_slice %arg20[%dma_start3A_213, %dma_start3A_214] : memref<10000x32xf32, #tpu.memory_space<vmem_shared>> -> memref<10000x32xf32, #tpu.memory_space<vmem_shared>>
        tpu.enqueue_indirect_dma source(%arg12 : memref<512x32xf32, #tpu.memory_space<vmem>>) target(%dma_start3A_215 : memref<10000x32xf32, #tpu.memory_space<vmem_shared>>) offsets(%dma_start3A_212 : memref<512xi32, #tpu.memory_space<vmem>>) semaphore(%run_scoped3A_209 : memref<!tpu.dma_semaphore, #tpu.memory_space<semaphore_mem>>) {add = true}
        %dma_wait3A_216 = arith.constant 0 : i32
        %dma_wait3A_217 = tpu.memref_slice %arg11[%run_scoped3A_175, %dma_wait3A_216] : memref<2x512xi32, #tpu.memory_space<vmem>> -> memref<1x512xi32, #tpu.memory_space<vmem>>
        %dma_wait3A_218 = tpu.memref_squeeze %dma_wait3A_217 : memref<1x512xi32, #tpu.memory_space<vmem>> -> memref<512xi32, #tpu.memory_space<vmem>>
        %dma_wait3A_219 = arith.constant 0 : i32
        %dma_wait3A_220 = arith.constant 0 : i32
        %dma_wait3A_221 = tpu.memref_slice %arg20[%dma_wait3A_219, %dma_wait3A_220] : memref<10000x32xf32, #tpu.memory_space<vmem_shared>> -> memref<10000x32xf32, #tpu.memory_space<vmem_shared>>
        tpu.wait_indirect_dma semaphore(%run_scoped3A_209 : memref<!tpu.dma_semaphore, #tpu.memory_space<semaphore_mem>>) src(%arg12 : memref<512x32xf32, #tpu.memory_space<vmem>>) dst(%dma_wait3A_221 : memref<10000x32xf32, #tpu.memory_space<vmem_shared>>)
        tpu.yield
      }) : () -> ()
      %run_scoped3A_176 = arith.constant 0 : i32
      "tpu.region"() ({
        %run_scoped3A_209 = tpu.sem_alloc : memref<!tpu.dma_semaphore, #tpu.memory_space<semaphore_mem>>
        %dma_start3A_210 = arith.constant 0 : i32
        %dma_start3A_211 = tpu.memref_slice %arg11[%run_scoped3A_176, %dma_start3A_210] : memref<2x512xi32, #tpu.memory_space<vmem>> -> memref<1x512xi32, #tpu.memory_space<vmem>>
        %dma_start3A_212 = tpu.memref_squeeze %dma_start3A_211 : memref<1x512xi32, #tpu.memory_space<vmem>> -> memref<512xi32, #tpu.memory_space<vmem>>
        %dma_start3A_213 = arith.constant 0 : i32
        %dma_start3A_214 = arith.constant 0 : i32
        %dma_start3A_215 = tpu.memref_slice %arg21[%dma_start3A_213, %dma_start3A_214] : memref<10000x16xf32, #tpu.memory_space<vmem_shared>> -> memref<10000x16xf32, #tpu.memory_space<vmem_shared>>
        tpu.enqueue_indirect_dma source(%arg18 : memref<512x16xf32, #tpu.memory_space<vmem>>) target(%dma_start3A_215 : memref<10000x16xf32, #tpu.memory_space<vmem_shared>>) offsets(%dma_start3A_212 : memref<512xi32, #tpu.memory_space<vmem>>) semaphore(%run_scoped3A_209 : memref<!tpu.dma_semaphore, #tpu.memory_space<semaphore_mem>>) {add = true}
        %dma_wait3A_216 = arith.constant 0 : i32
        %dma_wait3A_217 = tpu.memref_slice %arg11[%run_scoped3A_176, %dma_wait3A_216] : memref<2x512xi32, #tpu.memory_space<vmem>> -> memref<1x512xi32, #tpu.memory_space<vmem>>
        %dma_wait3A_218 = tpu.memref_squeeze %dma_wait3A_217 : memref<1x512xi32, #tpu.memory_space<vmem>> -> memref<512xi32, #tpu.memory_space<vmem>>
        %dma_wait3A_219 = arith.constant 0 : i32
        %dma_wait3A_220 = arith.constant 0 : i32
        %dma_wait3A_221 = tpu.memref_slice %arg21[%dma_wait3A_219, %dma_wait3A_220] : memref<10000x16xf32, #tpu.memory_space<vmem_shared>> -> memref<10000x16xf32, #tpu.memory_space<vmem_shared>>
        tpu.wait_indirect_dma semaphore(%run_scoped3A_209 : memref<!tpu.dma_semaphore, #tpu.memory_space<semaphore_mem>>) src(%arg18 : memref<512x16xf32, #tpu.memory_space<vmem>>) dst(%dma_wait3A_221 : memref<10000x16xf32, #tpu.memory_space<vmem_shared>>)
        tpu.yield
      }) : () -> ()
      %add3A_177 = arith.constant 1 : i32
      %add3A_178 = arith.addi %scan3A_130, %add3A_177 : i32
      %lt3A = arith.constant 11 : i32
      %lt3A_179 = arith.cmpi slt, %add3A_178, %lt3A : i32
      %convert_element_type3A_180 = arith.extui %lt3A_179 : i1 to i32
      %cond3A_181 = arith.constant 0 : i32
      %cond3A_182 = arith.cmpi ne, %convert_element_type3A_180, %cond3A_181 : i32
      scf.if %cond3A_182 {
        %add3A_209 = arith.constant 1024 : i32
        %add3A_210 = arith.addi %add3A_136, %add3A_209 : i32
        %run_scoped3A_211 = arith.constant 0 : i32
        "tpu.region"() ({
          %run_scoped3A_227 = tpu.sem_alloc : memref<!tpu.dma_semaphore, #tpu.memory_space<semaphore_mem>>
          %dma_start3A_228 = arith.constant 0 : i32
          %dma_start3A_229 = tpu.memref_slice %arg10[%run_scoped3A_211, %dma_start3A_228] : memref<2x512xi32, #tpu.memory_space<vmem>> -> memref<1x512xi32, #tpu.memory_space<vmem>>
          %dma_start3A_230 = tpu.memref_squeeze %dma_start3A_229 : memref<1x512xi32, #tpu.memory_space<vmem>> -> memref<512xi32, #tpu.memory_space<vmem>>
          %dma_start3A_231 = tpu.memref_slice %arg2[%add3A_210] : memref<360448xi32, #tpu.memory_space<hbm>> -> memref<512xi32, #tpu.memory_space<hbm>>
          %dma_start3A_232 = arith.constant 0 : i32
          %dma_start3A_233 = tpu.memref_slice %arg10[%run_scoped3A_211, %dma_start3A_232] : memref<2x512xi32, #tpu.memory_space<vmem>> -> memref<1x512xi32, #tpu.memory_space<vmem>>
          %dma_start3A_234 = tpu.memref_squeeze %dma_start3A_233 : memref<1x512xi32, #tpu.memory_space<vmem>> -> memref<512xi32, #tpu.memory_space<vmem>>
          %dma_start3A_235 = tpu.memref_slice %arg2[%add3A_210] : memref<360448xi32, #tpu.memory_space<hbm>> -> memref<512xi32, #tpu.memory_space<hbm>>
          tpu.enqueue_dma source(%dma_start3A_235 : memref<512xi32, #tpu.memory_space<hbm>>) target(%dma_start3A_234 : memref<512xi32, #tpu.memory_space<vmem>>) target_semaphore(%run_scoped3A_227 : memref<!tpu.dma_semaphore, #tpu.memory_space<semaphore_mem>>)
          %dma_wait3A_236 = arith.constant 0 : i32
          %dma_wait3A_237 = tpu.memref_slice %arg10[%run_scoped3A_211, %dma_wait3A_236] : memref<2x512xi32, #tpu.memory_space<vmem>> -> memref<1x512xi32, #tpu.memory_space<vmem>>
          %dma_wait3A_238 = tpu.memref_squeeze %dma_wait3A_237 : memref<1x512xi32, #tpu.memory_space<vmem>> -> memref<512xi32, #tpu.memory_space<vmem>>
          %dma_wait3A_239 = tpu.memref_slice %arg2[%add3A_210] : memref<360448xi32, #tpu.memory_space<hbm>> -> memref<512xi32, #tpu.memory_space<hbm>>
          %dma_wait3A_240 = arith.constant 0 : i32
          %dma_wait3A_241 = tpu.memref_slice %arg10[%run_scoped3A_211, %dma_wait3A_240] : memref<2x512xi32, #tpu.memory_space<vmem>> -> memref<1x512xi32, #tpu.memory_space<vmem>>
          %dma_wait3A_242 = tpu.memref_squeeze %dma_wait3A_241 : memref<1x512xi32, #tpu.memory_space<vmem>> -> memref<512xi32, #tpu.memory_space<vmem>>
          %dma_wait3A_243 = tpu.memref_slice %arg2[%add3A_210] : memref<360448xi32, #tpu.memory_space<hbm>> -> memref<512xi32, #tpu.memory_space<hbm>>
          tpu.wait_dma2 semaphore(%run_scoped3A_227 : memref<!tpu.dma_semaphore, #tpu.memory_space<semaphore_mem>>) src(%dma_wait3A_243 : memref<512xi32, #tpu.memory_space<hbm>>) dst(%dma_wait3A_242 : memref<512xi32, #tpu.memory_space<vmem>>)
          tpu.yield
        }) : () -> ()
        %run_scoped3A_212 = arith.constant 0 : i32
        "tpu.region"() ({
          %run_scoped3A_227 = tpu.sem_alloc : memref<!tpu.dma_semaphore, #tpu.memory_space<semaphore_mem>>
          %dma_start3A_228 = arith.constant 0 : i32
          %dma_start3A_229 = tpu.memref_slice %arg11[%run_scoped3A_212, %dma_start3A_228] : memref<2x512xi32, #tpu.memory_space<vmem>> -> memref<1x512xi32, #tpu.memory_space<vmem>>
          %dma_start3A_230 = tpu.memref_squeeze %dma_start3A_229 : memref<1x512xi32, #tpu.memory_space<vmem>> -> memref<512xi32, #tpu.memory_space<vmem>>
          %dma_start3A_231 = tpu.memref_slice %arg3[%add3A_210] : memref<360448xi32, #tpu.memory_space<hbm>> -> memref<512xi32, #tpu.memory_space<hbm>>
          %dma_start3A_232 = arith.constant 0 : i32
          %dma_start3A_233 = tpu.memref_slice %arg11[%run_scoped3A_212, %dma_start3A_232] : memref<2x512xi32, #tpu.memory_space<vmem>> -> memref<1x512xi32, #tpu.memory_space<vmem>>
          %dma_start3A_234 = tpu.memref_squeeze %dma_start3A_233 : memref<1x512xi32, #tpu.memory_space<vmem>> -> memref<512xi32, #tpu.memory_space<vmem>>
          %dma_start3A_235 = tpu.memref_slice %arg3[%add3A_210] : memref<360448xi32, #tpu.memory_space<hbm>> -> memref<512xi32, #tpu.memory_space<hbm>>
          tpu.enqueue_dma source(%dma_start3A_235 : memref<512xi32, #tpu.memory_space<hbm>>) target(%dma_start3A_234 : memref<512xi32, #tpu.memory_space<vmem>>) target_semaphore(%run_scoped3A_227 : memref<!tpu.dma_semaphore, #tpu.memory_space<semaphore_mem>>)
          %dma_wait3A_236 = arith.constant 0 : i32
          %dma_wait3A_237 = tpu.memref_slice %arg11[%run_scoped3A_212, %dma_wait3A_236] : memref<2x512xi32, #tpu.memory_space<vmem>> -> memref<1x512xi32, #tpu.memory_space<vmem>>
          %dma_wait3A_238 = tpu.memref_squeeze %dma_wait3A_237 : memref<1x512xi32, #tpu.memory_space<vmem>> -> memref<512xi32, #tpu.memory_space<vmem>>
          %dma_wait3A_239 = tpu.memref_slice %arg3[%add3A_210] : memref<360448xi32, #tpu.memory_space<hbm>> -> memref<512xi32, #tpu.memory_space<hbm>>
          %dma_wait3A_240 = arith.constant 0 : i32
          %dma_wait3A_241 = tpu.memref_slice %arg11[%run_scoped3A_212, %dma_wait3A_240] : memref<2x512xi32, #tpu.memory_space<vmem>> -> memref<1x512xi32, #tpu.memory_space<vmem>>
          %dma_wait3A_242 = tpu.memref_squeeze %dma_wait3A_241 : memref<1x512xi32, #tpu.memory_space<vmem>> -> memref<512xi32, #tpu.memory_space<vmem>>
          %dma_wait3A_243 = tpu.memref_slice %arg3[%add3A_210] : memref<360448xi32, #tpu.memory_space<hbm>> -> memref<512xi32, #tpu.memory_space<hbm>>
          tpu.wait_dma2 semaphore(%run_scoped3A_227 : memref<!tpu.dma_semaphore, #tpu.memory_space<semaphore_mem>>) src(%dma_wait3A_243 : memref<512xi32, #tpu.memory_space<hbm>>) dst(%dma_wait3A_242 : memref<512xi32, #tpu.memory_space<vmem>>)
          tpu.yield
        }) : () -> ()
        %dma_start3A_213 = arith.constant 0 : i32
        %dma_start3A_214 = arith.constant 0 : i32
        %dma_start3A_215 = tpu.memref_slice %arg10[%dma_start3A_213, %dma_start3A_214] : memref<2x512xi32, #tpu.memory_space<vmem>> -> memref<1x512xi32, #tpu.memory_space<vmem>>
        %dma_start3A_216 = tpu.memref_squeeze %dma_start3A_215 : memref<1x512xi32, #tpu.memory_space<vmem>> -> memref<512xi32, #tpu.memory_space<vmem>>
        %dma_start3A_217 = arith.constant 0 : i32
        %dma_start3A_218 = arith.constant 0 : i32
        %dma_start3A_219 = tpu.memref_slice %arg4[%dma_start3A_217, %dma_start3A_218] : memref<10000x32xf32, #tpu.memory_space<hbm>> -> memref<10000x32xf32, #tpu.memory_space<hbm>>
        tpu.enqueue_indirect_dma source(%dma_start3A_219 : memref<10000x32xf32, #tpu.memory_space<hbm>>) target(%arg12 : memref<512x32xf32, #tpu.memory_space<vmem>>) offsets(%dma_start3A_216 : memref<512xi32, #tpu.memory_space<vmem>>) semaphore(%arg22 : memref<!tpu.dma_semaphore, #tpu.memory_space<semaphore_mem>>)
        %dma_start3A_220 = arith.constant 0 : i32
        %dma_start3A_221 = arith.constant 0 : i32
        %dma_start3A_222 = tpu.memref_slice %arg11[%dma_start3A_220, %dma_start3A_221] : memref<2x512xi32, #tpu.memory_space<vmem>> -> memref<1x512xi32, #tpu.memory_space<vmem>>
        %dma_start3A_223 = tpu.memref_squeeze %dma_start3A_222 : memref<1x512xi32, #tpu.memory_space<vmem>> -> memref<512xi32, #tpu.memory_space<vmem>>
        %dma_start3A_224 = arith.constant 0 : i32
        %dma_start3A_225 = arith.constant 0 : i32
        %dma_start3A_226 = tpu.memref_slice %arg5[%dma_start3A_224, %dma_start3A_225] : memref<10000x32xf32, #tpu.memory_space<hbm>> -> memref<10000x32xf32, #tpu.memory_space<hbm>>
        tpu.enqueue_indirect_dma source(%dma_start3A_226 : memref<10000x32xf32, #tpu.memory_space<hbm>>) target(%arg14 : memref<512x32xf32, #tpu.memory_space<vmem>>) offsets(%dma_start3A_223 : memref<512xi32, #tpu.memory_space<vmem>>) semaphore(%arg24 : memref<!tpu.dma_semaphore, #tpu.memory_space<semaphore_mem>>)
      } else {
      }
      %add3A_183 = arith.constant 512 : i32
      %add3A_184 = arith.addi %add3A_136, %add3A_183 : i32
      %dma_wait3A_185 = arith.constant 1 : i32
      %dma_wait3A_186 = arith.constant 0 : i32
      %dma_wait3A_187 = tpu.memref_slice %arg10[%dma_wait3A_185, %dma_wait3A_186] : memref<2x512xi32, #tpu.memory_space<vmem>> -> memref<1x512xi32, #tpu.memory_space<vmem>>
      %dma_wait3A_188 = tpu.memref_squeeze %dma_wait3A_187 : memref<1x512xi32, #tpu.memory_space<vmem>> -> memref<512xi32, #tpu.memory_space<vmem>>
      %dma_wait3A_189 = arith.constant 0 : i32
      %dma_wait3A_190 = arith.constant 0 : i32
      %dma_wait3A_191 = tpu.memref_slice %arg4[%dma_wait3A_189, %dma_wait3A_190] : memref<10000x32xf32, #tpu.memory_space<hbm>> -> memref<10000x32xf32, #tpu.memory_space<hbm>>
      tpu.wait_indirect_dma semaphore(%arg23 : memref<!tpu.dma_semaphore, #tpu.memory_space<semaphore_mem>>) src(%dma_wait3A_191 : memref<10000x32xf32, #tpu.memory_space<hbm>>) dst(%arg13 : memref<512x32xf32, #tpu.memory_space<vmem>>)
      %dma_wait3A_192 = arith.constant 1 : i32
      %dma_wait3A_193 = arith.constant 0 : i32
      %dma_wait3A_194 = tpu.memref_slice %arg11[%dma_wait3A_192, %dma_wait3A_193] : memref<2x512xi32, #tpu.memory_space<vmem>> -> memref<1x512xi32, #tpu.memory_space<vmem>>
      %dma_wait3A_195 = tpu.memref_squeeze %dma_wait3A_194 : memref<1x512xi32, #tpu.memory_space<vmem>> -> memref<512xi32, #tpu.memory_space<vmem>>
      %dma_wait3A_196 = arith.constant 0 : i32
      %dma_wait3A_197 = arith.constant 0 : i32
      %dma_wait3A_198 = tpu.memref_slice %arg5[%dma_wait3A_196, %dma_wait3A_197] : memref<10000x32xf32, #tpu.memory_space<hbm>> -> memref<10000x32xf32, #tpu.memory_space<hbm>>
      tpu.wait_indirect_dma semaphore(%arg25 : memref<!tpu.dma_semaphore, #tpu.memory_space<semaphore_mem>>) src(%dma_wait3A_198 : memref<10000x32xf32, #tpu.memory_space<hbm>>) dst(%arg15 : memref<512x32xf32, #tpu.memory_space<vmem>>)
      %scan3A_199 = arith.constant 0 : i32
      %scan3A_200 = arith.constant 0 : i32
      %scan3A_201 = arith.constant 128 : i32
      %scan3A_202 = arith.addi %scan3A_200, %scan3A_201 : i32
      %scan3A_203 = arith.constant 1 : i32
      %scan3A_204 = scf.for %scan3A_209 = %scan3A_200 to %scan3A_202 step %scan3A_203 iter_args(%scan3A_210 = %scan3A_199) -> (i32)  : i32 {
        %mul3A_211 = arith.constant 4 : i32
        %mul3A_212 = arith.muli %scan3A_209, %mul3A_211 : i32
        %add3A_213 = arith.constant 0 : i32
        %add3A_214 = arith.addi %mul3A_212, %add3A_213 : i32
        %broadcast_in_dim3A_215 = vector.broadcast %add3A_214 : i32 to vector<16xi32>
        %add3A_216 = arith.addi %add3A_184, %add3A_214 : i32
        %broadcast_in_dim3A_217 = vector.broadcast %add3A_216 : i32 to vector<16xi32>
        %lt3A_218 = arith.constant 330000 : i32
        %lt3A_219 = vector.broadcast %lt3A_218 : i32 to vector<16xi32>
        %lt3A_220 = arith.cmpi slt, %broadcast_in_dim3A_217, %lt3A_219 : vector<16xi32>
        %get3A_221 = arith.index_cast %add3A_214 : i32 to index
        %get3A_222 = arith.constant 0 : index
        %get3A_223 = tpu.vector_load %arg13[%get3A_221, %get3A_222] {strides = array<i32>} : memref<512x32xf32, #tpu.memory_space<vmem>>, vector<16xf32>,
        %get3A_224 = arith.index_cast %add3A_214 : i32 to index
        %get3A_225 = arith.constant 16 : index
        %get3A_226 = tpu.vector_load %arg13[%get3A_224, %get3A_225] {strides = array<i32>} : memref<512x32xf32, #tpu.memory_space<vmem>>, vector<16xf32>,
        %get3A_227 = arith.index_cast %add3A_214 : i32 to index
        %get3A_228 = arith.constant 0 : index
        %get3A_229 = tpu.vector_load %arg15[%get3A_227, %get3A_228] {strides = array<i32>} : memref<512x32xf32, #tpu.memory_space<vmem>>, vector<16xf32>,
        %add3A_230 = arith.addf %get3A_223, %get3A_229 : vector<16xf32>
        %gt3A_231 = arith.constant 0.000000e+00 : f32
        %gt3A_232 = vector.broadcast %gt3A_231 : f32 to vector<16xf32>
        %gt3A_233 = arith.cmpf ogt, %add3A_230, %gt3A_232 : vector<16xf32>
        %mul3A_234 = arith.constant 2.000000e-01 : f32
        %mul3A_235 = vector.broadcast %mul3A_234 : f32 to vector<16xf32>
        %mul3A_236 = arith.mulf %mul3A_235, %add3A_230 : vector<16xf32>
        %select_n3A_237 = arith.select %gt3A_233, %add3A_230, %mul3A_236 : vector<16xi1>, vector<16xf32>
        %mul3A_238 = arith.mulf %select_n3A_237, %get3A_97 : vector<16xf32>
        %get3A_239 = arith.index_cast %add3A_214 : i32 to index
        %get3A_240 = arith.constant 16 : index
        %get3A_241 = tpu.vector_load %arg15[%get3A_239, %get3A_240] {strides = array<i32>} : memref<512x32xf32, #tpu.memory_space<vmem>>, vector<16xf32>,
        %add3A_242 = arith.addf %get3A_226, %get3A_241 : vector<16xf32>
        %gt3A_243 = arith.constant 0.000000e+00 : f32
        %gt3A_244 = vector.broadcast %gt3A_243 : f32 to vector<16xf32>
        %gt3A_245 = arith.cmpf ogt, %add3A_242, %gt3A_244 : vector<16xf32>
        %mul3A_246 = arith.constant 2.000000e-01 : f32
        %mul3A_247 = vector.broadcast %mul3A_246 : f32 to vector<16xf32>
        %mul3A_248 = arith.mulf %mul3A_247, %add3A_242 : vector<16xf32>
        %select_n3A_249 = arith.select %gt3A_245, %add3A_242, %mul3A_248 : vector<16xi1>, vector<16xf32>
        %mul3A_250 = arith.mulf %select_n3A_249, %get3A_99 : vector<16xf32>
        %add3A_251 = arith.addf %mul3A_238, %mul3A_250 : vector<16xf32>
        %xor3A = arith.constant 8 : i32
        %xor3A_252 = vector.broadcast %xor3A : i32 to vector<16xi32>
        %xor3A_253 = arith.xori %iota3A, %xor3A_252 : vector<16xi32>
        %broadcast_in_dim3A_254 = vector.shape_cast %xor3A_253 : vector<16xi32> to vector<16x1xi32>
        %gather3A = vector.shape_cast %broadcast_in_dim3A_254 : vector<16x1xi32> to vector<16xi32>
        %gather3A_255 = tpu.dynamic_gather %add3A_251[%gather3A] in [0] : vector<16xf32>, vector<16xi32> -> vector<16xf32>
        %add3A_256 = arith.addf %add3A_251, %gather3A_255 : vector<16xf32>
        %xor3A_257 = arith.constant 4 : i32
        %xor3A_258 = vector.broadcast %xor3A_257 : i32 to vector<16xi32>
        %xor3A_259 = arith.xori %iota3A, %xor3A_258 : vector<16xi32>
        %broadcast_in_dim3A_260 = vector.shape_cast %xor3A_259 : vector<16xi32> to vector<16x1xi32>
        %gather3A_261 = vector.shape_cast %broadcast_in_dim3A_260 : vector<16x1xi32> to vector<16xi32>
        %gather3A_262 = tpu.dynamic_gather %add3A_256[%gather3A_261] in [0] : vector<16xf32>, vector<16xi32> -> vector<16xf32>
        %add3A_263 = arith.addf %add3A_256, %gather3A_262 : vector<16xf32>
        %xor3A_264 = arith.constant 2 : i32
        %xor3A_265 = vector.broadcast %xor3A_264 : i32 to vector<16xi32>
        %xor3A_266 = arith.xori %iota3A, %xor3A_265 : vector<16xi32>
        %broadcast_in_dim3A_267 = vector.shape_cast %xor3A_266 : vector<16xi32> to vector<16x1xi32>
        %gather3A_268 = vector.shape_cast %broadcast_in_dim3A_267 : vector<16x1xi32> to vector<16xi32>
        %gather3A_269 = tpu.dynamic_gather %add3A_263[%gather3A_268] in [0] : vector<16xf32>, vector<16xi32> -> vector<16xf32>
        %add3A_270 = arith.addf %add3A_263, %gather3A_269 : vector<16xf32>
        %xor3A_271 = arith.constant 1 : i32
        %xor3A_272 = vector.broadcast %xor3A_271 : i32 to vector<16xi32>
        %xor3A_273 = arith.xori %iota3A, %xor3A_272 : vector<16xi32>
        %broadcast_in_dim3A_274 = vector.shape_cast %xor3A_273 : vector<16xi32> to vector<16x1xi32>
        %gather3A_275 = vector.shape_cast %broadcast_in_dim3A_274 : vector<16x1xi32> to vector<16xi32>
        %gather3A_276 = tpu.dynamic_gather %add3A_270[%gather3A_275] in [0] : vector<16xf32>, vector<16xi32> -> vector<16xf32>
        %add3A_277 = arith.addf %add3A_270, %gather3A_276 : vector<16xf32>
        %sub3A = vector.broadcast %reduce_sum3A_95 : f32 to vector<16xf32>
        %sub3A_278 = arith.subf %add3A_277, %sub3A : vector<16xf32>
        %exp3A = math.exp %sub3A_278 : vector<16xf32>
        %jit3A = arith.constant 0.000000e+00 : f32
        %broadcast_in_dim3A_279 = vector.broadcast %jit3A : f32 to vector<16xf32>
        %select_n3A_280 = arith.select %lt3A_220, %exp3A, %broadcast_in_dim3A_279 : vector<16xi1>, vector<16xf32>
        %broadcast_in_dim3A_281 = arith.constant 0 : i32
        %broadcast_in_dim3A_282 = vector.broadcast %broadcast_in_dim3A_281 : i32 to vector<16xi32>
        tpu.vector_store_idx %arg19[%broadcast_in_dim3A_215, %broadcast_in_dim3A_282], %select_n3A_280 masked %eq3A_102 : memref<512x16xf32, #tpu.memory_space<vmem>>[vector<16xi32>, vector<16xi32>], vector<16xf32>, vector<16xi1>
        %mul3A_283 = arith.mulf %get3A_223, %select_n3A_280 : vector<16xf32>
        %swap3A = arith.index_cast %add3A_214 : i32 to index
        %swap3A_284 = arith.constant 0 : index
        %swap3A_285 = tpu.vector_load %arg13[%swap3A, %swap3A_284] {strides = array<i32>} : memref<512x32xf32, #tpu.memory_space<vmem>>, vector<16xf32>,
        tpu.vector_store %arg13[%swap3A, %swap3A_284], %mul3A_283 {strides = array<i32>} : memref<512x32xf32, #tpu.memory_space<vmem>>, vector<16xf32>,
        %mul3A_286 = arith.mulf %get3A_226, %select_n3A_280 : vector<16xf32>
        %swap3A_287 = arith.index_cast %add3A_214 : i32 to index
        %swap3A_288 = arith.constant 16 : index
        %swap3A_289 = tpu.vector_load %arg13[%swap3A_287, %swap3A_288] {strides = array<i32>} : memref<512x32xf32, #tpu.memory_space<vmem>>, vector<16xf32>,
        tpu.vector_store %arg13[%swap3A_287, %swap3A_288], %mul3A_286 {strides = array<i32>} : memref<512x32xf32, #tpu.memory_space<vmem>>, vector<16xf32>,
        %mul3A_290 = arith.constant 4 : i32
        %mul3A_291 = arith.muli %scan3A_209, %mul3A_290 : i32
        %add3A_292 = arith.constant 1 : i32
        %add3A_293 = arith.addi %mul3A_291, %add3A_292 : i32
        %broadcast_in_dim3A_294 = vector.broadcast %add3A_293 : i32 to vector<16xi32>
        %add3A_295 = arith.addi %add3A_184, %add3A_293 : i32
        %broadcast_in_dim3A_296 = vector.broadcast %add3A_295 : i32 to vector<16xi32>
        %lt3A_297 = arith.constant 330000 : i32
        %lt3A_298 = vector.broadcast %lt3A_297 : i32 to vector<16xi32>
        %lt3A_299 = arith.cmpi slt, %broadcast_in_dim3A_296, %lt3A_298 : vector<16xi32>
        %get3A_300 = arith.index_cast %add3A_293 : i32 to index
        %get3A_301 = arith.constant 0 : index
        %get3A_302 = tpu.vector_load %arg13[%get3A_300, %get3A_301] {strides = array<i32>} : memref<512x32xf32, #tpu.memory_space<vmem>>, vector<16xf32>,
        %get3A_303 = arith.index_cast %add3A_293 : i32 to index
        %get3A_304 = arith.constant 16 : index
        %get3A_305 = tpu.vector_load %arg13[%get3A_303, %get3A_304] {strides = array<i32>} : memref<512x32xf32, #tpu.memory_space<vmem>>, vector<16xf32>,
        %get3A_306 = arith.index_cast %add3A_293 : i32 to index
        %get3A_307 = arith.constant 0 : index
        %get3A_308 = tpu.vector_load %arg15[%get3A_306, %get3A_307] {strides = array<i32>} : memref<512x32xf32, #tpu.memory_space<vmem>>, vector<16xf32>,
        %add3A_309 = arith.addf %get3A_302, %get3A_308 : vector<16xf32>
        %gt3A_310 = arith.constant 0.000000e+00 : f32
        %gt3A_311 = vector.broadcast %gt3A_310 : f32 to vector<16xf32>
        %gt3A_312 = arith.cmpf ogt, %add3A_309, %gt3A_311 : vector<16xf32>
        %mul3A_313 = arith.constant 2.000000e-01 : f32
        %mul3A_314 = vector.broadcast %mul3A_313 : f32 to vector<16xf32>
        %mul3A_315 = arith.mulf %mul3A_314, %add3A_309 : vector<16xf32>
        %select_n3A_316 = arith.select %gt3A_312, %add3A_309, %mul3A_315 : vector<16xi1>, vector<16xf32>
        %mul3A_317 = arith.mulf %select_n3A_316, %get3A_97 : vector<16xf32>
        %get3A_318 = arith.index_cast %add3A_293 : i32 to index
        %get3A_319 = arith.constant 16 : index
        %get3A_320 = tpu.vector_load %arg15[%get3A_318, %get3A_319] {strides = array<i32>} : memref<512x32xf32, #tpu.memory_space<vmem>>, vector<16xf32>,
        %add3A_321 = arith.addf %get3A_305, %get3A_320 : vector<16xf32>
        %gt3A_322 = arith.constant 0.000000e+00 : f32
        %gt3A_323 = vector.broadcast %gt3A_322 : f32 to vector<16xf32>
        %gt3A_324 = arith.cmpf ogt, %add3A_321, %gt3A_323 : vector<16xf32>
        %mul3A_325 = arith.constant 2.000000e-01 : f32
        %mul3A_326 = vector.broadcast %mul3A_325 : f32 to vector<16xf32>
        %mul3A_327 = arith.mulf %mul3A_326, %add3A_321 : vector<16xf32>
        %select_n3A_328 = arith.select %gt3A_324, %add3A_321, %mul3A_327 : vector<16xi1>, vector<16xf32>
        %mul3A_329 = arith.mulf %select_n3A_328, %get3A_99 : vector<16xf32>
        %add3A_330 = arith.addf %mul3A_317, %mul3A_329 : vector<16xf32>
        %xor3A_331 = arith.constant 8 : i32
        %xor3A_332 = vector.broadcast %xor3A_331 : i32 to vector<16xi32>
        %xor3A_333 = arith.xori %iota3A, %xor3A_332 : vector<16xi32>
        %broadcast_in_dim3A_334 = vector.shape_cast %xor3A_333 : vector<16xi32> to vector<16x1xi32>
        %gather3A_335 = vector.shape_cast %broadcast_in_dim3A_334 : vector<16x1xi32> to vector<16xi32>
        %gather3A_336 = tpu.dynamic_gather %add3A_330[%gather3A_335] in [0] : vector<16xf32>, vector<16xi32> -> vector<16xf32>
        %add3A_337 = arith.addf %add3A_330, %gather3A_336 : vector<16xf32>
        %xor3A_338 = arith.constant 4 : i32
        %xor3A_339 = vector.broadcast %xor3A_338 : i32 to vector<16xi32>
        %xor3A_340 = arith.xori %iota3A, %xor3A_339 : vector<16xi32>
        %broadcast_in_dim3A_341 = vector.shape_cast %xor3A_340 : vector<16xi32> to vector<16x1xi32>
        %gather3A_342 = vector.shape_cast %broadcast_in_dim3A_341 : vector<16x1xi32> to vector<16xi32>
        %gather3A_343 = tpu.dynamic_gather %add3A_337[%gather3A_342] in [0] : vector<16xf32>, vector<16xi32> -> vector<16xf32>
        %add3A_344 = arith.addf %add3A_337, %gather3A_343 : vector<16xf32>
        %xor3A_345 = arith.constant 2 : i32
        %xor3A_346 = vector.broadcast %xor3A_345 : i32 to vector<16xi32>
        %xor3A_347 = arith.xori %iota3A, %xor3A_346 : vector<16xi32>
        %broadcast_in_dim3A_348 = vector.shape_cast %xor3A_347 : vector<16xi32> to vector<16x1xi32>
        %gather3A_349 = vector.shape_cast %broadcast_in_dim3A_348 : vector<16x1xi32> to vector<16xi32>
        %gather3A_350 = tpu.dynamic_gather %add3A_344[%gather3A_349] in [0] : vector<16xf32>, vector<16xi32> -> vector<16xf32>
        %add3A_351 = arith.addf %add3A_344, %gather3A_350 : vector<16xf32>
        %xor3A_352 = arith.constant 1 : i32
        %xor3A_353 = vector.broadcast %xor3A_352 : i32 to vector<16xi32>
        %xor3A_354 = arith.xori %iota3A, %xor3A_353 : vector<16xi32>
        %broadcast_in_dim3A_355 = vector.shape_cast %xor3A_354 : vector<16xi32> to vector<16x1xi32>
        %gather3A_356 = vector.shape_cast %broadcast_in_dim3A_355 : vector<16x1xi32> to vector<16xi32>
        %gather3A_357 = tpu.dynamic_gather %add3A_351[%gather3A_356] in [0] : vector<16xf32>, vector<16xi32> -> vector<16xf32>
        %add3A_358 = arith.addf %add3A_351, %gather3A_357 : vector<16xf32>
        %sub3A_359 = vector.broadcast %reduce_sum3A_95 : f32 to vector<16xf32>
        %sub3A_360 = arith.subf %add3A_358, %sub3A_359 : vector<16xf32>
        %exp3A_361 = math.exp %sub3A_360 : vector<16xf32>
        %jit3A_362 = arith.constant 0.000000e+00 : f32
        %broadcast_in_dim3A_363 = vector.broadcast %jit3A_362 : f32 to vector<16xf32>
        %select_n3A_364 = arith.select %lt3A_299, %exp3A_361, %broadcast_in_dim3A_363 : vector<16xi1>, vector<16xf32>
        %broadcast_in_dim3A_365 = arith.constant 0 : i32
        %broadcast_in_dim3A_366 = vector.broadcast %broadcast_in_dim3A_365 : i32 to vector<16xi32>
        tpu.vector_store_idx %arg19[%broadcast_in_dim3A_294, %broadcast_in_dim3A_366], %select_n3A_364 masked %eq3A_102 : memref<512x16xf32, #tpu.memory_space<vmem>>[vector<16xi32>, vector<16xi32>], vector<16xf32>, vector<16xi1>
        %mul3A_367 = arith.mulf %get3A_302, %select_n3A_364 : vector<16xf32>
        %swap3A_368 = arith.index_cast %add3A_293 : i32 to index
        %swap3A_369 = arith.constant 0 : index
        %swap3A_370 = tpu.vector_load %arg13[%swap3A_368, %swap3A_369] {strides = array<i32>} : memref<512x32xf32, #tpu.memory_space<vmem>>, vector<16xf32>,
        tpu.vector_store %arg13[%swap3A_368, %swap3A_369], %mul3A_367 {strides = array<i32>} : memref<512x32xf32, #tpu.memory_space<vmem>>, vector<16xf32>,
        %mul3A_371 = arith.mulf %get3A_305, %select_n3A_364 : vector<16xf32>
        %swap3A_372 = arith.index_cast %add3A_293 : i32 to index
        %swap3A_373 = arith.constant 16 : index
        %swap3A_374 = tpu.vector_load %arg13[%swap3A_372, %swap3A_373] {strides = array<i32>} : memref<512x32xf32, #tpu.memory_space<vmem>>, vector<16xf32>,
        tpu.vector_store %arg13[%swap3A_372, %swap3A_373], %mul3A_371 {strides = array<i32>} : memref<512x32xf32, #tpu.memory_space<vmem>>, vector<16xf32>,
        %mul3A_375 = arith.constant 4 : i32
        %mul3A_376 = arith.muli %scan3A_209, %mul3A_375 : i32
        %add3A_377 = arith.constant 2 : i32
        %add3A_378 = arith.addi %mul3A_376, %add3A_377 : i32
        %broadcast_in_dim3A_379 = vector.broadcast %add3A_378 : i32 to vector<16xi32>
        %add3A_380 = arith.addi %add3A_184, %add3A_378 : i32
        %broadcast_in_dim3A_381 = vector.broadcast %add3A_380 : i32 to vector<16xi32>
        %lt3A_382 = arith.constant 330000 : i32
        %lt3A_383 = vector.broadcast %lt3A_382 : i32 to vector<16xi32>
        %lt3A_384 = arith.cmpi slt, %broadcast_in_dim3A_381, %lt3A_383 : vector<16xi32>
        %get3A_385 = arith.index_cast %add3A_378 : i32 to index
        %get3A_386 = arith.constant 0 : index
        %get3A_387 = tpu.vector_load %arg13[%get3A_385, %get3A_386] {strides = array<i32>} : memref<512x32xf32, #tpu.memory_space<vmem>>, vector<16xf32>,
        %get3A_388 = arith.index_cast %add3A_378 : i32 to index
        %get3A_389 = arith.constant 16 : index
        %get3A_390 = tpu.vector_load %arg13[%get3A_388, %get3A_389] {strides = array<i32>} : memref<512x32xf32, #tpu.memory_space<vmem>>, vector<16xf32>,
        %get3A_391 = arith.index_cast %add3A_378 : i32 to index
        %get3A_392 = arith.constant 0 : index
        %get3A_393 = tpu.vector_load %arg15[%get3A_391, %get3A_392] {strides = array<i32>} : memref<512x32xf32, #tpu.memory_space<vmem>>, vector<16xf32>,
        %add3A_394 = arith.addf %get3A_387, %get3A_393 : vector<16xf32>
        %gt3A_395 = arith.constant 0.000000e+00 : f32
        %gt3A_396 = vector.broadcast %gt3A_395 : f32 to vector<16xf32>
        %gt3A_397 = arith.cmpf ogt, %add3A_394, %gt3A_396 : vector<16xf32>
        %mul3A_398 = arith.constant 2.000000e-01 : f32
        %mul3A_399 = vector.broadcast %mul3A_398 : f32 to vector<16xf32>
        %mul3A_400 = arith.mulf %mul3A_399, %add3A_394 : vector<16xf32>
        %select_n3A_401 = arith.select %gt3A_397, %add3A_394, %mul3A_400 : vector<16xi1>, vector<16xf32>
        %mul3A_402 = arith.mulf %select_n3A_401, %get3A_97 : vector<16xf32>
        %get3A_403 = arith.index_cast %add3A_378 : i32 to index
        %get3A_404 = arith.constant 16 : index
        %get3A_405 = tpu.vector_load %arg15[%get3A_403, %get3A_404] {strides = array<i32>} : memref<512x32xf32, #tpu.memory_space<vmem>>, vector<16xf32>,
        %add3A_406 = arith.addf %get3A_390, %get3A_405 : vector<16xf32>
        %gt3A_407 = arith.constant 0.000000e+00 : f32
        %gt3A_408 = vector.broadcast %gt3A_407 : f32 to vector<16xf32>
        %gt3A_409 = arith.cmpf ogt, %add3A_406, %gt3A_408 : vector<16xf32>
        %mul3A_410 = arith.constant 2.000000e-01 : f32
        %mul3A_411 = vector.broadcast %mul3A_410 : f32 to vector<16xf32>
        %mul3A_412 = arith.mulf %mul3A_411, %add3A_406 : vector<16xf32>
        %select_n3A_413 = arith.select %gt3A_409, %add3A_406, %mul3A_412 : vector<16xi1>, vector<16xf32>
        %mul3A_414 = arith.mulf %select_n3A_413, %get3A_99 : vector<16xf32>
        %add3A_415 = arith.addf %mul3A_402, %mul3A_414 : vector<16xf32>
        %xor3A_416 = arith.constant 8 : i32
        %xor3A_417 = vector.broadcast %xor3A_416 : i32 to vector<16xi32>
        %xor3A_418 = arith.xori %iota3A, %xor3A_417 : vector<16xi32>
        %broadcast_in_dim3A_419 = vector.shape_cast %xor3A_418 : vector<16xi32> to vector<16x1xi32>
        %gather3A_420 = vector.shape_cast %broadcast_in_dim3A_419 : vector<16x1xi32> to vector<16xi32>
        %gather3A_421 = tpu.dynamic_gather %add3A_415[%gather3A_420] in [0] : vector<16xf32>, vector<16xi32> -> vector<16xf32>
        %add3A_422 = arith.addf %add3A_415, %gather3A_421 : vector<16xf32>
        %xor3A_423 = arith.constant 4 : i32
        %xor3A_424 = vector.broadcast %xor3A_423 : i32 to vector<16xi32>
        %xor3A_425 = arith.xori %iota3A, %xor3A_424 : vector<16xi32>
        %broadcast_in_dim3A_426 = vector.shape_cast %xor3A_425 : vector<16xi32> to vector<16x1xi32>
        %gather3A_427 = vector.shape_cast %broadcast_in_dim3A_426 : vector<16x1xi32> to vector<16xi32>
        %gather3A_428 = tpu.dynamic_gather %add3A_422[%gather3A_427] in [0] : vector<16xf32>, vector<16xi32> -> vector<16xf32>
        %add3A_429 = arith.addf %add3A_422, %gather3A_428 : vector<16xf32>
        %xor3A_430 = arith.constant 2 : i32
        %xor3A_431 = vector.broadcast %xor3A_430 : i32 to vector<16xi32>
        %xor3A_432 = arith.xori %iota3A, %xor3A_431 : vector<16xi32>
        %broadcast_in_dim3A_433 = vector.shape_cast %xor3A_432 : vector<16xi32> to vector<16x1xi32>
        %gather3A_434 = vector.shape_cast %broadcast_in_dim3A_433 : vector<16x1xi32> to vector<16xi32>
        %gather3A_435 = tpu.dynamic_gather %add3A_429[%gather3A_434] in [0] : vector<16xf32>, vector<16xi32> -> vector<16xf32>
        %add3A_436 = arith.addf %add3A_429, %gather3A_435 : vector<16xf32>
        %xor3A_437 = arith.constant 1 : i32
        %xor3A_438 = vector.broadcast %xor3A_437 : i32 to vector<16xi32>
        %xor3A_439 = arith.xori %iota3A, %xor3A_438 : vector<16xi32>
        %broadcast_in_dim3A_440 = vector.shape_cast %xor3A_439 : vector<16xi32> to vector<16x1xi32>
        %gather3A_441 = vector.shape_cast %broadcast_in_dim3A_440 : vector<16x1xi32> to vector<16xi32>
        %gather3A_442 = tpu.dynamic_gather %add3A_436[%gather3A_441] in [0] : vector<16xf32>, vector<16xi32> -> vector<16xf32>
        %add3A_443 = arith.addf %add3A_436, %gather3A_442 : vector<16xf32>
        %sub3A_444 = vector.broadcast %reduce_sum3A_95 : f32 to vector<16xf32>
        %sub3A_445 = arith.subf %add3A_443, %sub3A_444 : vector<16xf32>
        %exp3A_446 = math.exp %sub3A_445 : vector<16xf32>
        %jit3A_447 = arith.constant 0.000000e+00 : f32
        %broadcast_in_dim3A_448 = vector.broadcast %jit3A_447 : f32 to vector<16xf32>
        %select_n3A_449 = arith.select %lt3A_384, %exp3A_446, %broadcast_in_dim3A_448 : vector<16xi1>, vector<16xf32>
        %broadcast_in_dim3A_450 = arith.constant 0 : i32
        %broadcast_in_dim3A_451 = vector.broadcast %broadcast_in_dim3A_450 : i32 to vector<16xi32>
        tpu.vector_store_idx %arg19[%broadcast_in_dim3A_379, %broadcast_in_dim3A_451], %select_n3A_449 masked %eq3A_102 : memref<512x16xf32, #tpu.memory_space<vmem>>[vector<16xi32>, vector<16xi32>], vector<16xf32>, vector<16xi1>
        %mul3A_452 = arith.mulf %get3A_387, %select_n3A_449 : vector<16xf32>
        %swap3A_453 = arith.index_cast %add3A_378 : i32 to index
        %swap3A_454 = arith.constant 0 : index
        %swap3A_455 = tpu.vector_load %arg13[%swap3A_453, %swap3A_454] {strides = array<i32>} : memref<512x32xf32, #tpu.memory_space<vmem>>, vector<16xf32>,
        tpu.vector_store %arg13[%swap3A_453, %swap3A_454], %mul3A_452 {strides = array<i32>} : memref<512x32xf32, #tpu.memory_space<vmem>>, vector<16xf32>,
        %mul3A_456 = arith.mulf %get3A_390, %select_n3A_449 : vector<16xf32>
        %swap3A_457 = arith.index_cast %add3A_378 : i32 to index
        %swap3A_458 = arith.constant 16 : index
        %swap3A_459 = tpu.vector_load %arg13[%swap3A_457, %swap3A_458] {strides = array<i32>} : memref<512x32xf32, #tpu.memory_space<vmem>>, vector<16xf32>,
        tpu.vector_store %arg13[%swap3A_457, %swap3A_458], %mul3A_456 {strides = array<i32>} : memref<512x32xf32, #tpu.memory_space<vmem>>, vector<16xf32>,
        %mul3A_460 = arith.constant 4 : i32
        %mul3A_461 = arith.muli %scan3A_209, %mul3A_460 : i32
        %add3A_462 = arith.constant 3 : i32
        %add3A_463 = arith.addi %mul3A_461, %add3A_462 : i32
        %broadcast_in_dim3A_464 = vector.broadcast %add3A_463 : i32 to vector<16xi32>
        %add3A_465 = arith.addi %add3A_184, %add3A_463 : i32
        %broadcast_in_dim3A_466 = vector.broadcast %add3A_465 : i32 to vector<16xi32>
        %lt3A_467 = arith.constant 330000 : i32
        %lt3A_468 = vector.broadcast %lt3A_467 : i32 to vector<16xi32>
        %lt3A_469 = arith.cmpi slt, %broadcast_in_dim3A_466, %lt3A_468 : vector<16xi32>
        %get3A_470 = arith.index_cast %add3A_463 : i32 to index
        %get3A_471 = arith.constant 0 : index
        %get3A_472 = tpu.vector_load %arg13[%get3A_470, %get3A_471] {strides = array<i32>} : memref<512x32xf32, #tpu.memory_space<vmem>>, vector<16xf32>,
        %get3A_473 = arith.index_cast %add3A_463 : i32 to index
        %get3A_474 = arith.constant 16 : index
        %get3A_475 = tpu.vector_load %arg13[%get3A_473, %get3A_474] {strides = array<i32>} : memref<512x32xf32, #tpu.memory_space<vmem>>, vector<16xf32>,
        %get3A_476 = arith.index_cast %add3A_463 : i32 to index
        %get3A_477 = arith.constant 0 : index
        %get3A_478 = tpu.vector_load %arg15[%get3A_476, %get3A_477] {strides = array<i32>} : memref<512x32xf32, #tpu.memory_space<vmem>>, vector<16xf32>,
        %add3A_479 = arith.addf %get3A_472, %get3A_478 : vector<16xf32>
        %gt3A_480 = arith.constant 0.000000e+00 : f32
        %gt3A_481 = vector.broadcast %gt3A_480 : f32 to vector<16xf32>
        %gt3A_482 = arith.cmpf ogt, %add3A_479, %gt3A_481 : vector<16xf32>
        %mul3A_483 = arith.constant 2.000000e-01 : f32
        %mul3A_484 = vector.broadcast %mul3A_483 : f32 to vector<16xf32>
        %mul3A_485 = arith.mulf %mul3A_484, %add3A_479 : vector<16xf32>
        %select_n3A_486 = arith.select %gt3A_482, %add3A_479, %mul3A_485 : vector<16xi1>, vector<16xf32>
        %mul3A_487 = arith.mulf %select_n3A_486, %get3A_97 : vector<16xf32>
        %get3A_488 = arith.index_cast %add3A_463 : i32 to index
        %get3A_489 = arith.constant 16 : index
        %get3A_490 = tpu.vector_load %arg15[%get3A_488, %get3A_489] {strides = array<i32>} : memref<512x32xf32, #tpu.memory_space<vmem>>, vector<16xf32>,
        %add3A_491 = arith.addf %get3A_475, %get3A_490 : vector<16xf32>
        %gt3A_492 = arith.constant 0.000000e+00 : f32
        %gt3A_493 = vector.broadcast %gt3A_492 : f32 to vector<16xf32>
        %gt3A_494 = arith.cmpf ogt, %add3A_491, %gt3A_493 : vector<16xf32>
        %mul3A_495 = arith.constant 2.000000e-01 : f32
        %mul3A_496 = vector.broadcast %mul3A_495 : f32 to vector<16xf32>
        %mul3A_497 = arith.mulf %mul3A_496, %add3A_491 : vector<16xf32>
        %select_n3A_498 = arith.select %gt3A_494, %add3A_491, %mul3A_497 : vector<16xi1>, vector<16xf32>
        %mul3A_499 = arith.mulf %select_n3A_498, %get3A_99 : vector<16xf32>
        %add3A_500 = arith.addf %mul3A_487, %mul3A_499 : vector<16xf32>
        %xor3A_501 = arith.constant 8 : i32
        %xor3A_502 = vector.broadcast %xor3A_501 : i32 to vector<16xi32>
        %xor3A_503 = arith.xori %iota3A, %xor3A_502 : vector<16xi32>
        %broadcast_in_dim3A_504 = vector.shape_cast %xor3A_503 : vector<16xi32> to vector<16x1xi32>
        %gather3A_505 = vector.shape_cast %broadcast_in_dim3A_504 : vector<16x1xi32> to vector<16xi32>
        %gather3A_506 = tpu.dynamic_gather %add3A_500[%gather3A_505] in [0] : vector<16xf32>, vector<16xi32> -> vector<16xf32>
        %add3A_507 = arith.addf %add3A_500, %gather3A_506 : vector<16xf32>
        %xor3A_508 = arith.constant 4 : i32
        %xor3A_509 = vector.broadcast %xor3A_508 : i32 to vector<16xi32>
        %xor3A_510 = arith.xori %iota3A, %xor3A_509 : vector<16xi32>
        %broadcast_in_dim3A_511 = vector.shape_cast %xor3A_510 : vector<16xi32> to vector<16x1xi32>
        %gather3A_512 = vector.shape_cast %broadcast_in_dim3A_511 : vector<16x1xi32> to vector<16xi32>
        %gather3A_513 = tpu.dynamic_gather %add3A_507[%gather3A_512] in [0] : vector<16xf32>, vector<16xi32> -> vector<16xf32>
        %add3A_514 = arith.addf %add3A_507, %gather3A_513 : vector<16xf32>
        %xor3A_515 = arith.constant 2 : i32
        %xor3A_516 = vector.broadcast %xor3A_515 : i32 to vector<16xi32>
        %xor3A_517 = arith.xori %iota3A, %xor3A_516 : vector<16xi32>
        %broadcast_in_dim3A_518 = vector.shape_cast %xor3A_517 : vector<16xi32> to vector<16x1xi32>
        %gather3A_519 = vector.shape_cast %broadcast_in_dim3A_518 : vector<16x1xi32> to vector<16xi32>
        %gather3A_520 = tpu.dynamic_gather %add3A_514[%gather3A_519] in [0] : vector<16xf32>, vector<16xi32> -> vector<16xf32>
        %add3A_521 = arith.addf %add3A_514, %gather3A_520 : vector<16xf32>
        %xor3A_522 = arith.constant 1 : i32
        %xor3A_523 = vector.broadcast %xor3A_522 : i32 to vector<16xi32>
        %xor3A_524 = arith.xori %iota3A, %xor3A_523 : vector<16xi32>
        %broadcast_in_dim3A_525 = vector.shape_cast %xor3A_524 : vector<16xi32> to vector<16x1xi32>
        %gather3A_526 = vector.shape_cast %broadcast_in_dim3A_525 : vector<16x1xi32> to vector<16xi32>
        %gather3A_527 = tpu.dynamic_gather %add3A_521[%gather3A_526] in [0] : vector<16xf32>, vector<16xi32> -> vector<16xf32>
        %add3A_528 = arith.addf %add3A_521, %gather3A_527 : vector<16xf32>
        %sub3A_529 = vector.broadcast %reduce_sum3A_95 : f32 to vector<16xf32>
        %sub3A_530 = arith.subf %add3A_528, %sub3A_529 : vector<16xf32>
        %exp3A_531 = math.exp %sub3A_530 : vector<16xf32>
        %jit3A_532 = arith.constant 0.000000e+00 : f32
        %broadcast_in_dim3A_533 = vector.broadcast %jit3A_532 : f32 to vector<16xf32>
        %select_n3A_534 = arith.select %lt3A_469, %exp3A_531, %broadcast_in_dim3A_533 : vector<16xi1>, vector<16xf32>
        %broadcast_in_dim3A_535 = arith.constant 0 : i32
        %broadcast_in_dim3A_536 = vector.broadcast %broadcast_in_dim3A_535 : i32 to vector<16xi32>
        tpu.vector_store_idx %arg19[%broadcast_in_dim3A_464, %broadcast_in_dim3A_536], %select_n3A_534 masked %eq3A_102 : memref<512x16xf32, #tpu.memory_space<vmem>>[vector<16xi32>, vector<16xi32>], vector<16xf32>, vector<16xi1>
        %mul3A_537 = arith.mulf %get3A_472, %select_n3A_534 : vector<16xf32>
        %swap3A_538 = arith.index_cast %add3A_463 : i32 to index
        %swap3A_539 = arith.constant 0 : index
        %swap3A_540 = tpu.vector_load %arg13[%swap3A_538, %swap3A_539] {strides = array<i32>} : memref<512x32xf32, #tpu.memory_space<vmem>>, vector<16xf32>,
        tpu.vector_store %arg13[%swap3A_538, %swap3A_539], %mul3A_537 {strides = array<i32>} : memref<512x32xf32, #tpu.memory_space<vmem>>, vector<16xf32>,
        %mul3A_541 = arith.mulf %get3A_475, %select_n3A_534 : vector<16xf32>
        %swap3A_542 = arith.index_cast %add3A_463 : i32 to index
        %swap3A_543 = arith.constant 16 : index
        %swap3A_544 = tpu.vector_load %arg13[%swap3A_542, %swap3A_543] {strides = array<i32>} : memref<512x32xf32, #tpu.memory_space<vmem>>, vector<16xf32>,
        tpu.vector_store %arg13[%swap3A_542, %swap3A_543], %mul3A_541 {strides = array<i32>} : memref<512x32xf32, #tpu.memory_space<vmem>>, vector<16xf32>,
        %scan3A_545 = arith.constant 0 : i32
        scf.yield %scan3A_545 : i32
      }
      %scan3A_205 = arith.constant 128 : i32
      %run_scoped3A_206 = arith.constant 1 : i32
      "tpu.region"() ({
        %run_scoped3A_209 = tpu.sem_alloc : memref<!tpu.dma_semaphore, #tpu.memory_space<semaphore_mem>>
        %dma_start3A_210 = arith.constant 0 : i32
        %dma_start3A_211 = tpu.memref_slice %arg11[%run_scoped3A_206, %dma_start3A_210] : memref<2x512xi32, #tpu.memory_space<vmem>> -> memref<1x512xi32, #tpu.memory_space<vmem>>
        %dma_start3A_212 = tpu.memref_squeeze %dma_start3A_211 : memref<1x512xi32, #tpu.memory_space<vmem>> -> memref<512xi32, #tpu.memory_space<vmem>>
        %dma_start3A_213 = arith.constant 0 : i32
        %dma_start3A_214 = arith.constant 0 : i32
        %dma_start3A_215 = tpu.memref_slice %arg20[%dma_start3A_213, %dma_start3A_214] : memref<10000x32xf32, #tpu.memory_space<vmem_shared>> -> memref<10000x32xf32, #tpu.memory_space<vmem_shared>>
        tpu.enqueue_indirect_dma source(%arg13 : memref<512x32xf32, #tpu.memory_space<vmem>>) target(%dma_start3A_215 : memref<10000x32xf32, #tpu.memory_space<vmem_shared>>) offsets(%dma_start3A_212 : memref<512xi32, #tpu.memory_space<vmem>>) semaphore(%run_scoped3A_209 : memref<!tpu.dma_semaphore, #tpu.memory_space<semaphore_mem>>) {add = true}
        %dma_wait3A_216 = arith.constant 0 : i32
        %dma_wait3A_217 = tpu.memref_slice %arg11[%run_scoped3A_206, %dma_wait3A_216] : memref<2x512xi32, #tpu.memory_space<vmem>> -> memref<1x512xi32, #tpu.memory_space<vmem>>
        %dma_wait3A_218 = tpu.memref_squeeze %dma_wait3A_217 : memref<1x512xi32, #tpu.memory_space<vmem>> -> memref<512xi32, #tpu.memory_space<vmem>>
        %dma_wait3A_219 = arith.constant 0 : i32
        %dma_wait3A_220 = arith.constant 0 : i32
        %dma_wait3A_221 = tpu.memref_slice %arg20[%dma_wait3A_219, %dma_wait3A_220] : memref<10000x32xf32, #tpu.memory_space<vmem_shared>> -> memref<10000x32xf32, #tpu.memory_space<vmem_shared>>
        tpu.wait_indirect_dma semaphore(%run_scoped3A_209 : memref<!tpu.dma_semaphore, #tpu.memory_space<semaphore_mem>>) src(%arg13 : memref<512x32xf32, #tpu.memory_space<vmem>>) dst(%dma_wait3A_221 : memref<10000x32xf32, #tpu.memory_space<vmem_shared>>)
        tpu.yield
      }) : () -> ()
      %run_scoped3A_207 = arith.constant 1 : i32
      "tpu.region"() ({
        %run_scoped3A_209 = tpu.sem_alloc : memref<!tpu.dma_semaphore, #tpu.memory_space<semaphore_mem>>
        %dma_start3A_210 = arith.constant 0 : i32
        %dma_start3A_211 = tpu.memref_slice %arg11[%run_scoped3A_207, %dma_start3A_210] : memref<2x512xi32, #tpu.memory_space<vmem>> -> memref<1x512xi32, #tpu.memory_space<vmem>>
        %dma_start3A_212 = tpu.memref_squeeze %dma_start3A_211 : memref<1x512xi32, #tpu.memory_space<vmem>> -> memref<512xi32, #tpu.memory_space<vmem>>
        %dma_start3A_213 = arith.constant 0 : i32
        %dma_start3A_214 = arith.constant 0 : i32
        %dma_start3A_215 = tpu.memref_slice %arg21[%dma_start3A_213, %dma_start3A_214] : memref<10000x16xf32, #tpu.memory_space<vmem_shared>> -> memref<10000x16xf32, #tpu.memory_space<vmem_shared>>
        tpu.enqueue_indirect_dma source(%arg19 : memref<512x16xf32, #tpu.memory_space<vmem>>) target(%dma_start3A_215 : memref<10000x16xf32, #tpu.memory_space<vmem_shared>>) offsets(%dma_start3A_212 : memref<512xi32, #tpu.memory_space<vmem>>) semaphore(%run_scoped3A_209 : memref<!tpu.dma_semaphore, #tpu.memory_space<semaphore_mem>>) {add = true}
        %dma_wait3A_216 = arith.constant 0 : i32
        %dma_wait3A_217 = tpu.memref_slice %arg11[%run_scoped3A_207, %dma_wait3A_216] : memref<2x512xi32, #tpu.memory_space<vmem>> -> memref<1x512xi32, #tpu.memory_space<vmem>>
        %dma_wait3A_218 = tpu.memref_squeeze %dma_wait3A_217 : memref<1x512xi32, #tpu.memory_space<vmem>> -> memref<512xi32, #tpu.memory_space<vmem>>
        %dma_wait3A_219 = arith.constant 0 : i32
        %dma_wait3A_220 = arith.constant 0 : i32
        %dma_wait3A_221 = tpu.memref_slice %arg21[%dma_wait3A_219, %dma_wait3A_220] : memref<10000x16xf32, #tpu.memory_space<vmem_shared>> -> memref<10000x16xf32, #tpu.memory_space<vmem_shared>>
        tpu.wait_indirect_dma semaphore(%run_scoped3A_209 : memref<!tpu.dma_semaphore, #tpu.memory_space<semaphore_mem>>) src(%arg19 : memref<512x16xf32, #tpu.memory_space<vmem>>) dst(%dma_wait3A_221 : memref<10000x16xf32, #tpu.memory_space<vmem_shared>>)
        tpu.yield
      }) : () -> ()
      %scan3A_208 = arith.constant 0 : i32
      scf.yield %scan3A_208 : i32
    }
    %scan3A_123 = arith.constant 11 : i32
    %barrier3A_124 = arith.constant 0 : index
    tpu.barrier barrier_id(%barrier3A_124)
    "tpu.region"() ({
      %run_scoped3A_130 = tpu.sem_alloc : memref<!tpu.dma_semaphore, #tpu.memory_space<semaphore_mem>>
      %dma_start3A_131 = arith.constant 0 : i32
      %dma_start3A_132 = tpu.memref_slice %arg8[%arg0, %mul3A_11, %dma_start3A_131] : memref<2x10000x32xf32, #tpu.memory_space<hbm>> -> memref<1x624x32xf32, #tpu.memory_space<hbm>>
      %dma_start3A_133 = tpu.memref_squeeze %dma_start3A_132 : memref<1x624x32xf32, #tpu.memory_space<hbm>> -> memref<624x32xf32, #tpu.memory_space<hbm>>
      %dma_start3A_134 = arith.constant 0 : i32
      %dma_start3A_135 = tpu.memref_slice %arg20[%mul3A_11, %dma_start3A_134] : memref<10000x32xf32, #tpu.memory_space<vmem_shared>> -> memref<624x32xf32, #tpu.memory_space<vmem_shared>>
      tpu.enqueue_dma source(%dma_start3A_135 : memref<624x32xf32, #tpu.memory_space<vmem_shared>>) target(%dma_start3A_133 : memref<624x32xf32, #tpu.memory_space<hbm>>) target_semaphore(%run_scoped3A_130 : memref<!tpu.dma_semaphore, #tpu.memory_space<semaphore_mem>>)
      %dma_wait3A = arith.constant 0 : i32
      %dma_wait3A_136 = tpu.memref_slice %arg8[%arg0, %mul3A_11, %dma_wait3A] : memref<2x10000x32xf32, #tpu.memory_space<hbm>> -> memref<1x624x32xf32, #tpu.memory_space<hbm>>
      %dma_wait3A_137 = tpu.memref_squeeze %dma_wait3A_136 : memref<1x624x32xf32, #tpu.memory_space<hbm>> -> memref<624x32xf32, #tpu.memory_space<hbm>>
      %dma_wait3A_138 = arith.constant 0 : i32
      %dma_wait3A_139 = tpu.memref_slice %arg20[%mul3A_11, %dma_wait3A_138] : memref<10000x32xf32, #tpu.memory_space<vmem_shared>> -> memref<624x32xf32, #tpu.memory_space<vmem_shared>>
      tpu.wait_dma2 semaphore(%run_scoped3A_130 : memref<!tpu.dma_semaphore, #tpu.memory_space<semaphore_mem>>) src(%dma_wait3A_139 : memref<624x32xf32, #tpu.memory_space<vmem_shared>>) dst(%dma_wait3A_137 : memref<624x32xf32, #tpu.memory_space<hbm>>)
      tpu.yield
    }) : () -> ()
    "tpu.region"() ({
      %run_scoped3A_130 = tpu.sem_alloc : memref<!tpu.dma_semaphore, #tpu.memory_space<semaphore_mem>>
      %dma_start3A_131 = arith.constant 0 : i32
      %dma_start3A_132 = tpu.memref_slice %arg9[%arg0, %mul3A_11, %dma_start3A_131] : memref<2x10000x16xf32, #tpu.memory_space<hbm>> -> memref<1x624x16xf32, #tpu.memory_space<hbm>>
      %dma_start3A_133 = tpu.memref_squeeze %dma_start3A_132 : memref<1x624x16xf32, #tpu.memory_space<hbm>> -> memref<624x16xf32, #tpu.memory_space<hbm>>
      %dma_start3A_134 = arith.constant 0 : i32
      %dma_start3A_135 = tpu.memref_slice %arg21[%mul3A_11, %dma_start3A_134] : memref<10000x16xf32, #tpu.memory_space<vmem_shared>> -> memref<624x16xf32, #tpu.memory_space<vmem_shared>>
      tpu.enqueue_dma source(%dma_start3A_135 : memref<624x16xf32, #tpu.memory_space<vmem_shared>>) target(%dma_start3A_133 : memref<624x16xf32, #tpu.memory_space<hbm>>) target_semaphore(%run_scoped3A_130 : memref<!tpu.dma_semaphore, #tpu.memory_space<semaphore_mem>>)
      %dma_wait3A = arith.constant 0 : i32
      %dma_wait3A_136 = tpu.memref_slice %arg9[%arg0, %mul3A_11, %dma_wait3A] : memref<2x10000x16xf32, #tpu.memory_space<hbm>> -> memref<1x624x16xf32, #tpu.memory_space<hbm>>
      %dma_wait3A_137 = tpu.memref_squeeze %dma_wait3A_136 : memref<1x624x16xf32, #tpu.memory_space<hbm>> -> memref<624x16xf32, #tpu.memory_space<hbm>>
      %dma_wait3A_138 = arith.constant 0 : i32
      %dma_wait3A_139 = tpu.memref_slice %arg21[%mul3A_11, %dma_wait3A_138] : memref<10000x16xf32, #tpu.memory_space<vmem_shared>> -> memref<624x16xf32, #tpu.memory_space<vmem_shared>>
      tpu.wait_dma2 semaphore(%run_scoped3A_130 : memref<!tpu.dma_semaphore, #tpu.memory_space<semaphore_mem>>) src(%dma_wait3A_139 : memref<624x16xf32, #tpu.memory_space<vmem_shared>>) dst(%dma_wait3A_137 : memref<624x16xf32, #tpu.memory_space<hbm>>)
      tpu.yield
    }) : () -> ()
    %eq3A_125 = arith.constant 15 : i32
    %eq3A_126 = arith.cmpi eq, %arg1, %eq3A_125 : i32
    %convert_element_type3A_127 = arith.extui %eq3A_126 : i1 to i32
    %cond3A_128 = arith.constant 0 : i32
    %cond3A_129 = arith.cmpi ne, %convert_element_type3A_127, %cond3A_128 : i32
    scf.if %cond3A_129 {
      "tpu.region"() ({
        %run_scoped3A_130 = tpu.sem_alloc : memref<!tpu.dma_semaphore, #tpu.memory_space<semaphore_mem>>
        %dma_start3A_131 = arith.constant 9984 : i32
        %dma_start3A_132 = arith.constant 0 : i32
        %dma_start3A_133 = tpu.memref_slice %arg8[%arg0, %dma_start3A_131, %dma_start3A_132] : memref<2x10000x32xf32, #tpu.memory_space<hbm>> -> memref<1x16x32xf32, #tpu.memory_space<hbm>>
        %dma_start3A_134 = tpu.memref_squeeze %dma_start3A_133 : memref<1x16x32xf32, #tpu.memory_space<hbm>> -> memref<16x32xf32, #tpu.memory_space<hbm>>
        %dma_start3A_135 = arith.constant 9984 : i32
        %dma_start3A_136 = arith.constant 0 : i32
        %dma_start3A_137 = tpu.memref_slice %arg20[%dma_start3A_135, %dma_start3A_136] : memref<10000x32xf32, #tpu.memory_space<vmem_shared>> -> memref<16x32xf32, #tpu.memory_space<vmem_shared>>
        tpu.enqueue_dma source(%dma_start3A_137 : memref<16x32xf32, #tpu.memory_space<vmem_shared>>) target(%dma_start3A_134 : memref<16x32xf32, #tpu.memory_space<hbm>>) target_semaphore(%run_scoped3A_130 : memref<!tpu.dma_semaphore, #tpu.memory_space<semaphore_mem>>)
        %dma_wait3A = arith.constant 9984 : i32
        %dma_wait3A_138 = arith.constant 0 : i32
        %dma_wait3A_139 = tpu.memref_slice %arg8[%arg0, %dma_wait3A, %dma_wait3A_138] : memref<2x10000x32xf32, #tpu.memory_space<hbm>> -> memref<1x16x32xf32, #tpu.memory_space<hbm>>
        %dma_wait3A_140 = tpu.memref_squeeze %dma_wait3A_139 : memref<1x16x32xf32, #tpu.memory_space<hbm>> -> memref<16x32xf32, #tpu.memory_space<hbm>>
        %dma_wait3A_141 = arith.constant 9984 : i32
        %dma_wait3A_142 = arith.constant 0 : i32
        %dma_wait3A_143 = tpu.memref_slice %arg20[%dma_wait3A_141, %dma_wait3A_142] : memref<10000x32xf32, #tpu.memory_space<vmem_shared>> -> memref<16x32xf32, #tpu.memory_space<vmem_shared>>
        tpu.wait_dma2 semaphore(%run_scoped3A_130 : memref<!tpu.dma_semaphore, #tpu.memory_space<semaphore_mem>>) src(%dma_wait3A_143 : memref<16x32xf32, #tpu.memory_space<vmem_shared>>) dst(%dma_wait3A_140 : memref<16x32xf32, #tpu.memory_space<hbm>>)
        tpu.yield
      }) : () -> ()
      "tpu.region"() ({
        %run_scoped3A_130 = tpu.sem_alloc : memref<!tpu.dma_semaphore, #tpu.memory_space<semaphore_mem>>
        %dma_start3A_131 = arith.constant 9984 : i32
        %dma_start3A_132 = arith.constant 0 : i32
        %dma_start3A_133 = tpu.memref_slice %arg9[%arg0, %dma_start3A_131, %dma_start3A_132] : memref<2x10000x16xf32, #tpu.memory_space<hbm>> -> memref<1x16x16xf32, #tpu.memory_space<hbm>>
        %dma_start3A_134 = tpu.memref_squeeze %dma_start3A_133 : memref<1x16x16xf32, #tpu.memory_space<hbm>> -> memref<16x16xf32, #tpu.memory_space<hbm>>
        %dma_start3A_135 = arith.constant 9984 : i32
        %dma_start3A_136 = arith.constant 0 : i32
        %dma_start3A_137 = tpu.memref_slice %arg21[%dma_start3A_135, %dma_start3A_136] : memref<10000x16xf32, #tpu.memory_space<vmem_shared>> -> memref<16x16xf32, #tpu.memory_space<vmem_shared>>
        tpu.enqueue_dma source(%dma_start3A_137 : memref<16x16xf32, #tpu.memory_space<vmem_shared>>) target(%dma_start3A_134 : memref<16x16xf32, #tpu.memory_space<hbm>>) target_semaphore(%run_scoped3A_130 : memref<!tpu.dma_semaphore, #tpu.memory_space<semaphore_mem>>)
        %dma_wait3A = arith.constant 9984 : i32
        %dma_wait3A_138 = arith.constant 0 : i32
        %dma_wait3A_139 = tpu.memref_slice %arg9[%arg0, %dma_wait3A, %dma_wait3A_138] : memref<2x10000x16xf32, #tpu.memory_space<hbm>> -> memref<1x16x16xf32, #tpu.memory_space<hbm>>
        %dma_wait3A_140 = tpu.memref_squeeze %dma_wait3A_139 : memref<1x16x16xf32, #tpu.memory_space<hbm>> -> memref<16x16xf32, #tpu.memory_space<hbm>>
        %dma_wait3A_141 = arith.constant 9984 : i32
        %dma_wait3A_142 = arith.constant 0 : i32
        %dma_wait3A_143 = tpu.memref_slice %arg21[%dma_wait3A_141, %dma_wait3A_142] : memref<10000x16xf32, #tpu.memory_space<vmem_shared>> -> memref<16x16xf32, #tpu.memory_space<vmem_shared>>
        tpu.wait_dma2 semaphore(%run_scoped3A_130 : memref<!tpu.dma_semaphore, #tpu.memory_space<semaphore_mem>>) src(%dma_wait3A_143 : memref<16x16xf32, #tpu.memory_space<vmem_shared>>) dst(%dma_wait3A_140 : memref<16x16xf32, #tpu.memory_space<hbm>>)
        tpu.yield
      }) : () -> ()
    } else {
    }
    return
  }
}

#map = affine_map<(d0, d1) -> (0)>
#map1 = affine_map<(d0, d1) -> (0, 0)>
#map2 = affine_map<(d0, d1) -> (0, 0, 0)>
module attributes {stable_mosaic.version = 14 : i64} {
  func.func @k(%arg0: i32, %arg1: i32, %arg2: memref<360448xi32, #tpu.memory_space<hbm>>, %arg3: memref<360448xi32, #tpu.memory_space<hbm>>, %arg4: memref<10000x128xf32, #tpu.memory_space<hbm>>, %arg5: memref<10000x128xf32, #tpu.memory_space<hbm>>, %arg6: memref<128xf32, #tpu.memory_space<hbm>>, %arg7: memref<4x128xf32, #tpu.memory_space<hbm>>, %arg8: memref<2x10000x128xf32, #tpu.memory_space<hbm>>, %arg9: memref<2x10000x16xf32, #tpu.memory_space<hbm>>, %arg10: memref<2x72xi32, #tpu.memory_space<vmem>>, %arg11: memref<2x72xi32, #tpu.memory_space<vmem>>, %arg12: memref<72x128xf32, #tpu.memory_space<vmem>>, %arg13: memref<72x128xf32, #tpu.memory_space<vmem>>, %arg14: memref<72x128xf32, #tpu.memory_space<vmem>>, %arg15: memref<72x128xf32, #tpu.memory_space<vmem>>, %arg16: memref<128xf32, #tpu.memory_space<vmem>>, %arg17: memref<4x128xf32, #tpu.memory_space<vmem>>, %arg18: memref<72x16xf32, #tpu.memory_space<vmem>>, %arg19: memref<72x16xf32, #tpu.memory_space<vmem>>, %arg20: memref<10000x128xf32, #tpu.memory_space<vmem_shared>>, %arg21: memref<10000x16xf32, #tpu.memory_space<vmem_shared>>, %arg22: memref<!tpu.dma_semaphore, #tpu.memory_space<semaphore_mem>>, %arg23: memref<!tpu.dma_semaphore, #tpu.memory_space<semaphore_mem>>, %arg24: memref<!tpu.dma_semaphore, #tpu.memory_space<semaphore_mem>>, %arg25: memref<!tpu.dma_semaphore, #tpu.memory_space<semaphore_mem>>) attributes {dimension_semantics = [#tpu.dimension_semantics<core_parallel>, #tpu.dimension_semantics<subcore_parallel>], iteration_bounds = array<i64: 2, 16>, scalar_prefetch = 0 : i64, scratch_operands = 16 : i64, tpu.core_type = #tpu.core_type<sc_vector_subcore>, window_params = [{transform_indices = #map}, {transform_indices = #map}, {transform_indices = #map1}, {transform_indices = #map1}, {transform_indices = #map}, {transform_indices = #map1}, {transform_indices = #map2}, {transform_indices = #map2}]} {
    %mul3A = arith.constant 2 : i32
    %mul3A_0 = arith.muli %arg1, %mul3A : i32
    %add3A = arith.addi %mul3A_0, %arg0 : i32
    %mul3A_1 = arith.constant 10368 : i32
    %mul3A_2 = arith.muli %add3A, %mul3A_1 : i32
    %iota3A = tpu.iota {dimensions = array<i32: 0>} : vector<16xi32>
    %broadcast_in_dim3A = arith.constant 0.000000e+00 : f32
    %broadcast_in_dim3A_3 = vector.broadcast %broadcast_in_dim3A : f32 to vector<16xf32>
    %scan3A = arith.constant 0 : i32
    %scan3A_4 = arith.constant 0 : i32
    %scan3A_5 = arith.constant 72 : i32
    %scan3A_6 = arith.addi %scan3A_4, %scan3A_5 : i32
    %scan3A_7 = arith.constant 1 : i32
    %scan3A_8 = scf.for %scan3A_410 = %scan3A_4 to %scan3A_6 step %scan3A_7 iter_args(%scan3A_411 = %scan3A) -> (i32)  : i32 {
      %swap3A = arith.index_cast %scan3A_410 : i32 to index
      %swap3A_412 = arith.constant 0 : index
      %swap3A_413 = tpu.vector_load %arg12[%swap3A, %swap3A_412] {strides = array<i32>} : memref<72x128xf32, #tpu.memory_space<vmem>>, vector<16xf32>,
      tpu.vector_store %arg12[%swap3A, %swap3A_412], %broadcast_in_dim3A_3 {strides = array<i32>} : memref<72x128xf32, #tpu.memory_space<vmem>>, vector<16xf32>,
      %swap3A_414 = arith.index_cast %scan3A_410 : i32 to index
      %swap3A_415 = arith.constant 16 : index
      %swap3A_416 = tpu.vector_load %arg12[%swap3A_414, %swap3A_415] {strides = array<i32>} : memref<72x128xf32, #tpu.memory_space<vmem>>, vector<16xf32>,
      tpu.vector_store %arg12[%swap3A_414, %swap3A_415], %broadcast_in_dim3A_3 {strides = array<i32>} : memref<72x128xf32, #tpu.memory_space<vmem>>, vector<16xf32>,
      %swap3A_417 = arith.index_cast %scan3A_410 : i32 to index
      %swap3A_418 = arith.constant 32 : index
      %swap3A_419 = tpu.vector_load %arg12[%swap3A_417, %swap3A_418] {strides = array<i32>} : memref<72x128xf32, #tpu.memory_space<vmem>>, vector<16xf32>,
      tpu.vector_store %arg12[%swap3A_417, %swap3A_418], %broadcast_in_dim3A_3 {strides = array<i32>} : memref<72x128xf32, #tpu.memory_space<vmem>>, vector<16xf32>,
      %swap3A_420 = arith.index_cast %scan3A_410 : i32 to index
      %swap3A_421 = arith.constant 48 : index
      %swap3A_422 = tpu.vector_load %arg12[%swap3A_420, %swap3A_421] {strides = array<i32>} : memref<72x128xf32, #tpu.memory_space<vmem>>, vector<16xf32>,
      tpu.vector_store %arg12[%swap3A_420, %swap3A_421], %broadcast_in_dim3A_3 {strides = array<i32>} : memref<72x128xf32, #tpu.memory_space<vmem>>, vector<16xf32>,
      %swap3A_423 = arith.index_cast %scan3A_410 : i32 to index
      %swap3A_424 = arith.constant 64 : index
      %swap3A_425 = tpu.vector_load %arg12[%swap3A_423, %swap3A_424] {strides = array<i32>} : memref<72x128xf32, #tpu.memory_space<vmem>>, vector<16xf32>,
      tpu.vector_store %arg12[%swap3A_423, %swap3A_424], %broadcast_in_dim3A_3 {strides = array<i32>} : memref<72x128xf32, #tpu.memory_space<vmem>>, vector<16xf32>,
      %swap3A_426 = arith.index_cast %scan3A_410 : i32 to index
      %swap3A_427 = arith.constant 80 : index
      %swap3A_428 = tpu.vector_load %arg12[%swap3A_426, %swap3A_427] {strides = array<i32>} : memref<72x128xf32, #tpu.memory_space<vmem>>, vector<16xf32>,
      tpu.vector_store %arg12[%swap3A_426, %swap3A_427], %broadcast_in_dim3A_3 {strides = array<i32>} : memref<72x128xf32, #tpu.memory_space<vmem>>, vector<16xf32>,
      %swap3A_429 = arith.index_cast %scan3A_410 : i32 to index
      %swap3A_430 = arith.constant 96 : index
      %swap3A_431 = tpu.vector_load %arg12[%swap3A_429, %swap3A_430] {strides = array<i32>} : memref<72x128xf32, #tpu.memory_space<vmem>>, vector<16xf32>,
      tpu.vector_store %arg12[%swap3A_429, %swap3A_430], %broadcast_in_dim3A_3 {strides = array<i32>} : memref<72x128xf32, #tpu.memory_space<vmem>>, vector<16xf32>,
      %swap3A_432 = arith.index_cast %scan3A_410 : i32 to index
      %swap3A_433 = arith.constant 112 : index
      %swap3A_434 = tpu.vector_load %arg12[%swap3A_432, %swap3A_433] {strides = array<i32>} : memref<72x128xf32, #tpu.memory_space<vmem>>, vector<16xf32>,
      tpu.vector_store %arg12[%swap3A_432, %swap3A_433], %broadcast_in_dim3A_3 {strides = array<i32>} : memref<72x128xf32, #tpu.memory_space<vmem>>, vector<16xf32>,
      %swap3A_435 = arith.index_cast %scan3A_410 : i32 to index
      %swap3A_436 = arith.constant 0 : index
      %swap3A_437 = tpu.vector_load %arg18[%swap3A_435, %swap3A_436] {strides = array<i32>} : memref<72x16xf32, #tpu.memory_space<vmem>>, vector<16xf32>,
      tpu.vector_store %arg18[%swap3A_435, %swap3A_436], %broadcast_in_dim3A_3 {strides = array<i32>} : memref<72x16xf32, #tpu.memory_space<vmem>>, vector<16xf32>,
      %swap3A_438 = arith.index_cast %scan3A_410 : i32 to index
      %swap3A_439 = arith.constant 0 : index
      %swap3A_440 = tpu.vector_load %arg19[%swap3A_438, %swap3A_439] {strides = array<i32>} : memref<72x16xf32, #tpu.memory_space<vmem>>, vector<16xf32>,
      tpu.vector_store %arg19[%swap3A_438, %swap3A_439], %broadcast_in_dim3A_3 {strides = array<i32>} : memref<72x16xf32, #tpu.memory_space<vmem>>, vector<16xf32>,
      %scan3A_441 = arith.constant 0 : i32
      scf.yield %scan3A_441 : i32
    }
    %scan3A_9 = arith.constant 72 : i32
    %mul3A_10 = arith.constant 624 : i32
    %mul3A_11 = arith.muli %arg1, %mul3A_10 : i32
    %add3A_12 = arith.constant 0 : i32
    %add3A_13 = arith.addi %mul3A_11, %add3A_12 : i32
    "tpu.region"() ({
      %run_scoped3A_410 = tpu.sem_alloc : memref<!tpu.dma_semaphore, #tpu.memory_space<semaphore_mem>>
      %dma_start3A_411 = arith.constant 0 : i32
      %dma_start3A_412 = tpu.memref_slice %arg20[%add3A_13, %dma_start3A_411] : memref<10000x128xf32, #tpu.memory_space<vmem_shared>> -> memref<72x128xf32, #tpu.memory_space<vmem_shared>>
      %dma_start3A_413 = arith.constant 0 : i32
      %dma_start3A_414 = tpu.memref_slice %arg20[%add3A_13, %dma_start3A_413] : memref<10000x128xf32, #tpu.memory_space<vmem_shared>> -> memref<72x128xf32, #tpu.memory_space<vmem_shared>>
      tpu.enqueue_dma source(%arg12 : memref<72x128xf32, #tpu.memory_space<vmem>>) target(%dma_start3A_414 : memref<72x128xf32, #tpu.memory_space<vmem_shared>>) target_semaphore(%run_scoped3A_410 : memref<!tpu.dma_semaphore, #tpu.memory_space<semaphore_mem>>)
      %dma_wait3A = arith.constant 0 : i32
      %dma_wait3A_415 = tpu.memref_slice %arg20[%add3A_13, %dma_wait3A] : memref<10000x128xf32, #tpu.memory_space<vmem_shared>> -> memref<72x128xf32, #tpu.memory_space<vmem_shared>>
      %dma_wait3A_416 = arith.constant 0 : i32
      %dma_wait3A_417 = tpu.memref_slice %arg20[%add3A_13, %dma_wait3A_416] : memref<10000x128xf32, #tpu.memory_space<vmem_shared>> -> memref<72x128xf32, #tpu.memory_space<vmem_shared>>
      tpu.wait_dma2 semaphore(%run_scoped3A_410 : memref<!tpu.dma_semaphore, #tpu.memory_space<semaphore_mem>>) src(%arg12 : memref<72x128xf32, #tpu.memory_space<vmem>>) dst(%dma_wait3A_417 : memref<72x128xf32, #tpu.memory_space<vmem_shared>>)
      tpu.yield
    }) : () -> ()
    %add3A_14 = arith.constant 0 : i32
    %add3A_15 = arith.addi %mul3A_11, %add3A_14 : i32
    "tpu.region"() ({
      %run_scoped3A_410 = tpu.sem_alloc : memref<!tpu.dma_semaphore, #tpu.memory_space<semaphore_mem>>
      %dma_start3A_411 = arith.constant 0 : i32
      %dma_start3A_412 = tpu.memref_slice %arg21[%add3A_15, %dma_start3A_411] : memref<10000x16xf32, #tpu.memory_space<vmem_shared>> -> memref<72x16xf32, #tpu.memory_space<vmem_shared>>
      %dma_start3A_413 = arith.constant 0 : i32
      %dma_start3A_414 = tpu.memref_slice %arg21[%add3A_15, %dma_start3A_413] : memref<10000x16xf32, #tpu.memory_space<vmem_shared>> -> memref<72x16xf32, #tpu.memory_space<vmem_shared>>
      tpu.enqueue_dma source(%arg18 : memref<72x16xf32, #tpu.memory_space<vmem>>) target(%dma_start3A_414 : memref<72x16xf32, #tpu.memory_space<vmem_shared>>) target_semaphore(%run_scoped3A_410 : memref<!tpu.dma_semaphore, #tpu.memory_space<semaphore_mem>>)
      %dma_wait3A = arith.constant 0 : i32
      %dma_wait3A_415 = tpu.memref_slice %arg21[%add3A_15, %dma_wait3A] : memref<10000x16xf32, #tpu.memory_space<vmem_shared>> -> memref<72x16xf32, #tpu.memory_space<vmem_shared>>
      %dma_wait3A_416 = arith.constant 0 : i32
      %dma_wait3A_417 = tpu.memref_slice %arg21[%add3A_15, %dma_wait3A_416] : memref<10000x16xf32, #tpu.memory_space<vmem_shared>> -> memref<72x16xf32, #tpu.memory_space<vmem_shared>>
      tpu.wait_dma2 semaphore(%run_scoped3A_410 : memref<!tpu.dma_semaphore, #tpu.memory_space<semaphore_mem>>) src(%arg18 : memref<72x16xf32, #tpu.memory_space<vmem>>) dst(%dma_wait3A_417 : memref<72x16xf32, #tpu.memory_space<vmem_shared>>)
      tpu.yield
    }) : () -> ()
    %add3A_16 = arith.constant 72 : i32
    %add3A_17 = arith.addi %mul3A_11, %add3A_16 : i32
    "tpu.region"() ({
      %run_scoped3A_410 = tpu.sem_alloc : memref<!tpu.dma_semaphore, #tpu.memory_space<semaphore_mem>>
      %dma_start3A_411 = arith.constant 0 : i32
      %dma_start3A_412 = tpu.memref_slice %arg20[%add3A_17, %dma_start3A_411] : memref<10000x128xf32, #tpu.memory_space<vmem_shared>> -> memref<72x128xf32, #tpu.memory_space<vmem_shared>>
      %dma_start3A_413 = arith.constant 0 : i32
      %dma_start3A_414 = tpu.memref_slice %arg20[%add3A_17, %dma_start3A_413] : memref<10000x128xf32, #tpu.memory_space<vmem_shared>> -> memref<72x128xf32, #tpu.memory_space<vmem_shared>>
      tpu.enqueue_dma source(%arg12 : memref<72x128xf32, #tpu.memory_space<vmem>>) target(%dma_start3A_414 : memref<72x128xf32, #tpu.memory_space<vmem_shared>>) target_semaphore(%run_scoped3A_410 : memref<!tpu.dma_semaphore, #tpu.memory_space<semaphore_mem>>)
      %dma_wait3A = arith.constant 0 : i32
      %dma_wait3A_415 = tpu.memref_slice %arg20[%add3A_17, %dma_wait3A] : memref<10000x128xf32, #tpu.memory_space<vmem_shared>> -> memref<72x128xf32, #tpu.memory_space<vmem_shared>>
      %dma_wait3A_416 = arith.constant 0 : i32
      %dma_wait3A_417 = tpu.memref_slice %arg20[%add3A_17, %dma_wait3A_416] : memref<10000x128xf32, #tpu.memory_space<vmem_shared>> -> memref<72x128xf32, #tpu.memory_space<vmem_shared>>
      tpu.wait_dma2 semaphore(%run_scoped3A_410 : memref<!tpu.dma_semaphore, #tpu.memory_space<semaphore_mem>>) src(%arg12 : memref<72x128xf32, #tpu.memory_space<vmem>>) dst(%dma_wait3A_417 : memref<72x128xf32, #tpu.memory_space<vmem_shared>>)
      tpu.yield
    }) : () -> ()
    %add3A_18 = arith.constant 72 : i32
    %add3A_19 = arith.addi %mul3A_11, %add3A_18 : i32
    "tpu.region"() ({
      %run_scoped3A_410 = tpu.sem_alloc : memref<!tpu.dma_semaphore, #tpu.memory_space<semaphore_mem>>
      %dma_start3A_411 = arith.constant 0 : i32
      %dma_start3A_412 = tpu.memref_slice %arg21[%add3A_19, %dma_start3A_411] : memref<10000x16xf32, #tpu.memory_space<vmem_shared>> -> memref<72x16xf32, #tpu.memory_space<vmem_shared>>
      %dma_start3A_413 = arith.constant 0 : i32
      %dma_start3A_414 = tpu.memref_slice %arg21[%add3A_19, %dma_start3A_413] : memref<10000x16xf32, #tpu.memory_space<vmem_shared>> -> memref<72x16xf32, #tpu.memory_space<vmem_shared>>
      tpu.enqueue_dma source(%arg18 : memref<72x16xf32, #tpu.memory_space<vmem>>) target(%dma_start3A_414 : memref<72x16xf32, #tpu.memory_space<vmem_shared>>) target_semaphore(%run_scoped3A_410 : memref<!tpu.dma_semaphore, #tpu.memory_space<semaphore_mem>>)
      %dma_wait3A = arith.constant 0 : i32
      %dma_wait3A_415 = tpu.memref_slice %arg21[%add3A_19, %dma_wait3A] : memref<10000x16xf32, #tpu.memory_space<vmem_shared>> -> memref<72x16xf32, #tpu.memory_space<vmem_shared>>
      %dma_wait3A_416 = arith.constant 0 : i32
      %dma_wait3A_417 = tpu.memref_slice %arg21[%add3A_19, %dma_wait3A_416] : memref<10000x16xf32, #tpu.memory_space<vmem_shared>> -> memref<72x16xf32, #tpu.memory_space<vmem_shared>>
      tpu.wait_dma2 semaphore(%run_scoped3A_410 : memref<!tpu.dma_semaphore, #tpu.memory_space<semaphore_mem>>) src(%arg18 : memref<72x16xf32, #tpu.memory_space<vmem>>) dst(%dma_wait3A_417 : memref<72x16xf32, #tpu.memory_space<vmem_shared>>)
      tpu.yield
    }) : () -> ()
    %add3A_20 = arith.constant 144 : i32
    %add3A_21 = arith.addi %mul3A_11, %add3A_20 : i32
    "tpu.region"() ({
      %run_scoped3A_410 = tpu.sem_alloc : memref<!tpu.dma_semaphore, #tpu.memory_space<semaphore_mem>>
      %dma_start3A_411 = arith.constant 0 : i32
      %dma_start3A_412 = tpu.memref_slice %arg20[%add3A_21, %dma_start3A_411] : memref<10000x128xf32, #tpu.memory_space<vmem_shared>> -> memref<72x128xf32, #tpu.memory_space<vmem_shared>>
      %dma_start3A_413 = arith.constant 0 : i32
      %dma_start3A_414 = tpu.memref_slice %arg20[%add3A_21, %dma_start3A_413] : memref<10000x128xf32, #tpu.memory_space<vmem_shared>> -> memref<72x128xf32, #tpu.memory_space<vmem_shared>>
      tpu.enqueue_dma source(%arg12 : memref<72x128xf32, #tpu.memory_space<vmem>>) target(%dma_start3A_414 : memref<72x128xf32, #tpu.memory_space<vmem_shared>>) target_semaphore(%run_scoped3A_410 : memref<!tpu.dma_semaphore, #tpu.memory_space<semaphore_mem>>)
      %dma_wait3A = arith.constant 0 : i32
      %dma_wait3A_415 = tpu.memref_slice %arg20[%add3A_21, %dma_wait3A] : memref<10000x128xf32, #tpu.memory_space<vmem_shared>> -> memref<72x128xf32, #tpu.memory_space<vmem_shared>>
      %dma_wait3A_416 = arith.constant 0 : i32
      %dma_wait3A_417 = tpu.memref_slice %arg20[%add3A_21, %dma_wait3A_416] : memref<10000x128xf32, #tpu.memory_space<vmem_shared>> -> memref<72x128xf32, #tpu.memory_space<vmem_shared>>
      tpu.wait_dma2 semaphore(%run_scoped3A_410 : memref<!tpu.dma_semaphore, #tpu.memory_space<semaphore_mem>>) src(%arg12 : memref<72x128xf32, #tpu.memory_space<vmem>>) dst(%dma_wait3A_417 : memref<72x128xf32, #tpu.memory_space<vmem_shared>>)
      tpu.yield
    }) : () -> ()
    %add3A_22 = arith.constant 144 : i32
    %add3A_23 = arith.addi %mul3A_11, %add3A_22 : i32
    "tpu.region"() ({
      %run_scoped3A_410 = tpu.sem_alloc : memref<!tpu.dma_semaphore, #tpu.memory_space<semaphore_mem>>
      %dma_start3A_411 = arith.constant 0 : i32
      %dma_start3A_412 = tpu.memref_slice %arg21[%add3A_23, %dma_start3A_411] : memref<10000x16xf32, #tpu.memory_space<vmem_shared>> -> memref<72x16xf32, #tpu.memory_space<vmem_shared>>
      %dma_start3A_413 = arith.constant 0 : i32
      %dma_start3A_414 = tpu.memref_slice %arg21[%add3A_23, %dma_start3A_413] : memref<10000x16xf32, #tpu.memory_space<vmem_shared>> -> memref<72x16xf32, #tpu.memory_space<vmem_shared>>
      tpu.enqueue_dma source(%arg18 : memref<72x16xf32, #tpu.memory_space<vmem>>) target(%dma_start3A_414 : memref<72x16xf32, #tpu.memory_space<vmem_shared>>) target_semaphore(%run_scoped3A_410 : memref<!tpu.dma_semaphore, #tpu.memory_space<semaphore_mem>>)
      %dma_wait3A = arith.constant 0 : i32
      %dma_wait3A_415 = tpu.memref_slice %arg21[%add3A_23, %dma_wait3A] : memref<10000x16xf32, #tpu.memory_space<vmem_shared>> -> memref<72x16xf32, #tpu.memory_space<vmem_shared>>
      %dma_wait3A_416 = arith.constant 0 : i32
      %dma_wait3A_417 = tpu.memref_slice %arg21[%add3A_23, %dma_wait3A_416] : memref<10000x16xf32, #tpu.memory_space<vmem_shared>> -> memref<72x16xf32, #tpu.memory_space<vmem_shared>>
      tpu.wait_dma2 semaphore(%run_scoped3A_410 : memref<!tpu.dma_semaphore, #tpu.memory_space<semaphore_mem>>) src(%arg18 : memref<72x16xf32, #tpu.memory_space<vmem>>) dst(%dma_wait3A_417 : memref<72x16xf32, #tpu.memory_space<vmem_shared>>)
      tpu.yield
    }) : () -> ()
    %add3A_24 = arith.constant 216 : i32
    %add3A_25 = arith.addi %mul3A_11, %add3A_24 : i32
    "tpu.region"() ({
      %run_scoped3A_410 = tpu.sem_alloc : memref<!tpu.dma_semaphore, #tpu.memory_space<semaphore_mem>>
      %dma_start3A_411 = arith.constant 0 : i32
      %dma_start3A_412 = tpu.memref_slice %arg20[%add3A_25, %dma_start3A_411] : memref<10000x128xf32, #tpu.memory_space<vmem_shared>> -> memref<72x128xf32, #tpu.memory_space<vmem_shared>>
      %dma_start3A_413 = arith.constant 0 : i32
      %dma_start3A_414 = tpu.memref_slice %arg20[%add3A_25, %dma_start3A_413] : memref<10000x128xf32, #tpu.memory_space<vmem_shared>> -> memref<72x128xf32, #tpu.memory_space<vmem_shared>>
      tpu.enqueue_dma source(%arg12 : memref<72x128xf32, #tpu.memory_space<vmem>>) target(%dma_start3A_414 : memref<72x128xf32, #tpu.memory_space<vmem_shared>>) target_semaphore(%run_scoped3A_410 : memref<!tpu.dma_semaphore, #tpu.memory_space<semaphore_mem>>)
      %dma_wait3A = arith.constant 0 : i32
      %dma_wait3A_415 = tpu.memref_slice %arg20[%add3A_25, %dma_wait3A] : memref<10000x128xf32, #tpu.memory_space<vmem_shared>> -> memref<72x128xf32, #tpu.memory_space<vmem_shared>>
      %dma_wait3A_416 = arith.constant 0 : i32
      %dma_wait3A_417 = tpu.memref_slice %arg20[%add3A_25, %dma_wait3A_416] : memref<10000x128xf32, #tpu.memory_space<vmem_shared>> -> memref<72x128xf32, #tpu.memory_space<vmem_shared>>
      tpu.wait_dma2 semaphore(%run_scoped3A_410 : memref<!tpu.dma_semaphore, #tpu.memory_space<semaphore_mem>>) src(%arg12 : memref<72x128xf32, #tpu.memory_space<vmem>>) dst(%dma_wait3A_417 : memref<72x128xf32, #tpu.memory_space<vmem_shared>>)
      tpu.yield
    }) : () -> ()
    %add3A_26 = arith.constant 216 : i32
    %add3A_27 = arith.addi %mul3A_11, %add3A_26 : i32
    "tpu.region"() ({
      %run_scoped3A_410 = tpu.sem_alloc : memref<!tpu.dma_semaphore, #tpu.memory_space<semaphore_mem>>
      %dma_start3A_411 = arith.constant 0 : i32
      %dma_start3A_412 = tpu.memref_slice %arg21[%add3A_27, %dma_start3A_411] : memref<10000x16xf32, #tpu.memory_space<vmem_shared>> -> memref<72x16xf32, #tpu.memory_space<vmem_shared>>
      %dma_start3A_413 = arith.constant 0 : i32
      %dma_start3A_414 = tpu.memref_slice %arg21[%add3A_27, %dma_start3A_413] : memref<10000x16xf32, #tpu.memory_space<vmem_shared>> -> memref<72x16xf32, #tpu.memory_space<vmem_shared>>
      tpu.enqueue_dma source(%arg18 : memref<72x16xf32, #tpu.memory_space<vmem>>) target(%dma_start3A_414 : memref<72x16xf32, #tpu.memory_space<vmem_shared>>) target_semaphore(%run_scoped3A_410 : memref<!tpu.dma_semaphore, #tpu.memory_space<semaphore_mem>>)
      %dma_wait3A = arith.constant 0 : i32
      %dma_wait3A_415 = tpu.memref_slice %arg21[%add3A_27, %dma_wait3A] : memref<10000x16xf32, #tpu.memory_space<vmem_shared>> -> memref<72x16xf32, #tpu.memory_space<vmem_shared>>
      %dma_wait3A_416 = arith.constant 0 : i32
      %dma_wait3A_417 = tpu.memref_slice %arg21[%add3A_27, %dma_wait3A_416] : memref<10000x16xf32, #tpu.memory_space<vmem_shared>> -> memref<72x16xf32, #tpu.memory_space<vmem_shared>>
      tpu.wait_dma2 semaphore(%run_scoped3A_410 : memref<!tpu.dma_semaphore, #tpu.memory_space<semaphore_mem>>) src(%arg18 : memref<72x16xf32, #tpu.memory_space<vmem>>) dst(%dma_wait3A_417 : memref<72x16xf32, #tpu.memory_space<vmem_shared>>)
      tpu.yield
    }) : () -> ()
    %add3A_28 = arith.constant 288 : i32
    %add3A_29 = arith.addi %mul3A_11, %add3A_28 : i32
    "tpu.region"() ({
      %run_scoped3A_410 = tpu.sem_alloc : memref<!tpu.dma_semaphore, #tpu.memory_space<semaphore_mem>>
      %dma_start3A_411 = arith.constant 0 : i32
      %dma_start3A_412 = tpu.memref_slice %arg20[%add3A_29, %dma_start3A_411] : memref<10000x128xf32, #tpu.memory_space<vmem_shared>> -> memref<72x128xf32, #tpu.memory_space<vmem_shared>>
      %dma_start3A_413 = arith.constant 0 : i32
      %dma_start3A_414 = tpu.memref_slice %arg20[%add3A_29, %dma_start3A_413] : memref<10000x128xf32, #tpu.memory_space<vmem_shared>> -> memref<72x128xf32, #tpu.memory_space<vmem_shared>>
      tpu.enqueue_dma source(%arg12 : memref<72x128xf32, #tpu.memory_space<vmem>>) target(%dma_start3A_414 : memref<72x128xf32, #tpu.memory_space<vmem_shared>>) target_semaphore(%run_scoped3A_410 : memref<!tpu.dma_semaphore, #tpu.memory_space<semaphore_mem>>)
      %dma_wait3A = arith.constant 0 : i32
      %dma_wait3A_415 = tpu.memref_slice %arg20[%add3A_29, %dma_wait3A] : memref<10000x128xf32, #tpu.memory_space<vmem_shared>> -> memref<72x128xf32, #tpu.memory_space<vmem_shared>>
      %dma_wait3A_416 = arith.constant 0 : i32
      %dma_wait3A_417 = tpu.memref_slice %arg20[%add3A_29, %dma_wait3A_416] : memref<10000x128xf32, #tpu.memory_space<vmem_shared>> -> memref<72x128xf32, #tpu.memory_space<vmem_shared>>
      tpu.wait_dma2 semaphore(%run_scoped3A_410 : memref<!tpu.dma_semaphore, #tpu.memory_space<semaphore_mem>>) src(%arg12 : memref<72x128xf32, #tpu.memory_space<vmem>>) dst(%dma_wait3A_417 : memref<72x128xf32, #tpu.memory_space<vmem_shared>>)
      tpu.yield
    }) : () -> ()
    %add3A_30 = arith.constant 288 : i32
    %add3A_31 = arith.addi %mul3A_11, %add3A_30 : i32
    "tpu.region"() ({
      %run_scoped3A_410 = tpu.sem_alloc : memref<!tpu.dma_semaphore, #tpu.memory_space<semaphore_mem>>
      %dma_start3A_411 = arith.constant 0 : i32
      %dma_start3A_412 = tpu.memref_slice %arg21[%add3A_31, %dma_start3A_411] : memref<10000x16xf32, #tpu.memory_space<vmem_shared>> -> memref<72x16xf32, #tpu.memory_space<vmem_shared>>
      %dma_start3A_413 = arith.constant 0 : i32
      %dma_start3A_414 = tpu.memref_slice %arg21[%add3A_31, %dma_start3A_413] : memref<10000x16xf32, #tpu.memory_space<vmem_shared>> -> memref<72x16xf32, #tpu.memory_space<vmem_shared>>
      tpu.enqueue_dma source(%arg18 : memref<72x16xf32, #tpu.memory_space<vmem>>) target(%dma_start3A_414 : memref<72x16xf32, #tpu.memory_space<vmem_shared>>) target_semaphore(%run_scoped3A_410 : memref<!tpu.dma_semaphore, #tpu.memory_space<semaphore_mem>>)
      %dma_wait3A = arith.constant 0 : i32
      %dma_wait3A_415 = tpu.memref_slice %arg21[%add3A_31, %dma_wait3A] : memref<10000x16xf32, #tpu.memory_space<vmem_shared>> -> memref<72x16xf32, #tpu.memory_space<vmem_shared>>
      %dma_wait3A_416 = arith.constant 0 : i32
      %dma_wait3A_417 = tpu.memref_slice %arg21[%add3A_31, %dma_wait3A_416] : memref<10000x16xf32, #tpu.memory_space<vmem_shared>> -> memref<72x16xf32, #tpu.memory_space<vmem_shared>>
      tpu.wait_dma2 semaphore(%run_scoped3A_410 : memref<!tpu.dma_semaphore, #tpu.memory_space<semaphore_mem>>) src(%arg18 : memref<72x16xf32, #tpu.memory_space<vmem>>) dst(%dma_wait3A_417 : memref<72x16xf32, #tpu.memory_space<vmem_shared>>)
      tpu.yield
    }) : () -> ()
    %add3A_32 = arith.constant 360 : i32
    %add3A_33 = arith.addi %mul3A_11, %add3A_32 : i32
    "tpu.region"() ({
      %run_scoped3A_410 = tpu.sem_alloc : memref<!tpu.dma_semaphore, #tpu.memory_space<semaphore_mem>>
      %dma_start3A_411 = arith.constant 0 : i32
      %dma_start3A_412 = tpu.memref_slice %arg20[%add3A_33, %dma_start3A_411] : memref<10000x128xf32, #tpu.memory_space<vmem_shared>> -> memref<72x128xf32, #tpu.memory_space<vmem_shared>>
      %dma_start3A_413 = arith.constant 0 : i32
      %dma_start3A_414 = tpu.memref_slice %arg20[%add3A_33, %dma_start3A_413] : memref<10000x128xf32, #tpu.memory_space<vmem_shared>> -> memref<72x128xf32, #tpu.memory_space<vmem_shared>>
      tpu.enqueue_dma source(%arg12 : memref<72x128xf32, #tpu.memory_space<vmem>>) target(%dma_start3A_414 : memref<72x128xf32, #tpu.memory_space<vmem_shared>>) target_semaphore(%run_scoped3A_410 : memref<!tpu.dma_semaphore, #tpu.memory_space<semaphore_mem>>)
      %dma_wait3A = arith.constant 0 : i32
      %dma_wait3A_415 = tpu.memref_slice %arg20[%add3A_33, %dma_wait3A] : memref<10000x128xf32, #tpu.memory_space<vmem_shared>> -> memref<72x128xf32, #tpu.memory_space<vmem_shared>>
      %dma_wait3A_416 = arith.constant 0 : i32
      %dma_wait3A_417 = tpu.memref_slice %arg20[%add3A_33, %dma_wait3A_416] : memref<10000x128xf32, #tpu.memory_space<vmem_shared>> -> memref<72x128xf32, #tpu.memory_space<vmem_shared>>
      tpu.wait_dma2 semaphore(%run_scoped3A_410 : memref<!tpu.dma_semaphore, #tpu.memory_space<semaphore_mem>>) src(%arg12 : memref<72x128xf32, #tpu.memory_space<vmem>>) dst(%dma_wait3A_417 : memref<72x128xf32, #tpu.memory_space<vmem_shared>>)
      tpu.yield
    }) : () -> ()
    %add3A_34 = arith.constant 360 : i32
    %add3A_35 = arith.addi %mul3A_11, %add3A_34 : i32
    "tpu.region"() ({
      %run_scoped3A_410 = tpu.sem_alloc : memref<!tpu.dma_semaphore, #tpu.memory_space<semaphore_mem>>
      %dma_start3A_411 = arith.constant 0 : i32
      %dma_start3A_412 = tpu.memref_slice %arg21[%add3A_35, %dma_start3A_411] : memref<10000x16xf32, #tpu.memory_space<vmem_shared>> -> memref<72x16xf32, #tpu.memory_space<vmem_shared>>
      %dma_start3A_413 = arith.constant 0 : i32
      %dma_start3A_414 = tpu.memref_slice %arg21[%add3A_35, %dma_start3A_413] : memref<10000x16xf32, #tpu.memory_space<vmem_shared>> -> memref<72x16xf32, #tpu.memory_space<vmem_shared>>
      tpu.enqueue_dma source(%arg18 : memref<72x16xf32, #tpu.memory_space<vmem>>) target(%dma_start3A_414 : memref<72x16xf32, #tpu.memory_space<vmem_shared>>) target_semaphore(%run_scoped3A_410 : memref<!tpu.dma_semaphore, #tpu.memory_space<semaphore_mem>>)
      %dma_wait3A = arith.constant 0 : i32
      %dma_wait3A_415 = tpu.memref_slice %arg21[%add3A_35, %dma_wait3A] : memref<10000x16xf32, #tpu.memory_space<vmem_shared>> -> memref<72x16xf32, #tpu.memory_space<vmem_shared>>
      %dma_wait3A_416 = arith.constant 0 : i32
      %dma_wait3A_417 = tpu.memref_slice %arg21[%add3A_35, %dma_wait3A_416] : memref<10000x16xf32, #tpu.memory_space<vmem_shared>> -> memref<72x16xf32, #tpu.memory_space<vmem_shared>>
      tpu.wait_dma2 semaphore(%run_scoped3A_410 : memref<!tpu.dma_semaphore, #tpu.memory_space<semaphore_mem>>) src(%arg18 : memref<72x16xf32, #tpu.memory_space<vmem>>) dst(%dma_wait3A_417 : memref<72x16xf32, #tpu.memory_space<vmem_shared>>)
      tpu.yield
    }) : () -> ()
    %add3A_36 = arith.constant 432 : i32
    %add3A_37 = arith.addi %mul3A_11, %add3A_36 : i32
    "tpu.region"() ({
      %run_scoped3A_410 = tpu.sem_alloc : memref<!tpu.dma_semaphore, #tpu.memory_space<semaphore_mem>>
      %dma_start3A_411 = arith.constant 0 : i32
      %dma_start3A_412 = tpu.memref_slice %arg20[%add3A_37, %dma_start3A_411] : memref<10000x128xf32, #tpu.memory_space<vmem_shared>> -> memref<72x128xf32, #tpu.memory_space<vmem_shared>>
      %dma_start3A_413 = arith.constant 0 : i32
      %dma_start3A_414 = tpu.memref_slice %arg20[%add3A_37, %dma_start3A_413] : memref<10000x128xf32, #tpu.memory_space<vmem_shared>> -> memref<72x128xf32, #tpu.memory_space<vmem_shared>>
      tpu.enqueue_dma source(%arg12 : memref<72x128xf32, #tpu.memory_space<vmem>>) target(%dma_start3A_414 : memref<72x128xf32, #tpu.memory_space<vmem_shared>>) target_semaphore(%run_scoped3A_410 : memref<!tpu.dma_semaphore, #tpu.memory_space<semaphore_mem>>)
      %dma_wait3A = arith.constant 0 : i32
      %dma_wait3A_415 = tpu.memref_slice %arg20[%add3A_37, %dma_wait3A] : memref<10000x128xf32, #tpu.memory_space<vmem_shared>> -> memref<72x128xf32, #tpu.memory_space<vmem_shared>>
      %dma_wait3A_416 = arith.constant 0 : i32
      %dma_wait3A_417 = tpu.memref_slice %arg20[%add3A_37, %dma_wait3A_416] : memref<10000x128xf32, #tpu.memory_space<vmem_shared>> -> memref<72x128xf32, #tpu.memory_space<vmem_shared>>
      tpu.wait_dma2 semaphore(%run_scoped3A_410 : memref<!tpu.dma_semaphore, #tpu.memory_space<semaphore_mem>>) src(%arg12 : memref<72x128xf32, #tpu.memory_space<vmem>>) dst(%dma_wait3A_417 : memref<72x128xf32, #tpu.memory_space<vmem_shared>>)
      tpu.yield
    }) : () -> ()
    %add3A_38 = arith.constant 432 : i32
    %add3A_39 = arith.addi %mul3A_11, %add3A_38 : i32
    "tpu.region"() ({
      %run_scoped3A_410 = tpu.sem_alloc : memref<!tpu.dma_semaphore, #tpu.memory_space<semaphore_mem>>
      %dma_start3A_411 = arith.constant 0 : i32
      %dma_start3A_412 = tpu.memref_slice %arg21[%add3A_39, %dma_start3A_411] : memref<10000x16xf32, #tpu.memory_space<vmem_shared>> -> memref<72x16xf32, #tpu.memory_space<vmem_shared>>
      %dma_start3A_413 = arith.constant 0 : i32
      %dma_start3A_414 = tpu.memref_slice %arg21[%add3A_39, %dma_start3A_413] : memref<10000x16xf32, #tpu.memory_space<vmem_shared>> -> memref<72x16xf32, #tpu.memory_space<vmem_shared>>
      tpu.enqueue_dma source(%arg18 : memref<72x16xf32, #tpu.memory_space<vmem>>) target(%dma_start3A_414 : memref<72x16xf32, #tpu.memory_space<vmem_shared>>) target_semaphore(%run_scoped3A_410 : memref<!tpu.dma_semaphore, #tpu.memory_space<semaphore_mem>>)
      %dma_wait3A = arith.constant 0 : i32
      %dma_wait3A_415 = tpu.memref_slice %arg21[%add3A_39, %dma_wait3A] : memref<10000x16xf32, #tpu.memory_space<vmem_shared>> -> memref<72x16xf32, #tpu.memory_space<vmem_shared>>
      %dma_wait3A_416 = arith.constant 0 : i32
      %dma_wait3A_417 = tpu.memref_slice %arg21[%add3A_39, %dma_wait3A_416] : memref<10000x16xf32, #tpu.memory_space<vmem_shared>> -> memref<72x16xf32, #tpu.memory_space<vmem_shared>>
      tpu.wait_dma2 semaphore(%run_scoped3A_410 : memref<!tpu.dma_semaphore, #tpu.memory_space<semaphore_mem>>) src(%arg18 : memref<72x16xf32, #tpu.memory_space<vmem>>) dst(%dma_wait3A_417 : memref<72x16xf32, #tpu.memory_space<vmem_shared>>)
      tpu.yield
    }) : () -> ()
    %add3A_40 = arith.constant 504 : i32
    %add3A_41 = arith.addi %mul3A_11, %add3A_40 : i32
    "tpu.region"() ({
      %run_scoped3A_410 = tpu.sem_alloc : memref<!tpu.dma_semaphore, #tpu.memory_space<semaphore_mem>>
      %dma_start3A_411 = arith.constant 0 : i32
      %dma_start3A_412 = tpu.memref_slice %arg20[%add3A_41, %dma_start3A_411] : memref<10000x128xf32, #tpu.memory_space<vmem_shared>> -> memref<72x128xf32, #tpu.memory_space<vmem_shared>>
      %dma_start3A_413 = arith.constant 0 : i32
      %dma_start3A_414 = tpu.memref_slice %arg20[%add3A_41, %dma_start3A_413] : memref<10000x128xf32, #tpu.memory_space<vmem_shared>> -> memref<72x128xf32, #tpu.memory_space<vmem_shared>>
      tpu.enqueue_dma source(%arg12 : memref<72x128xf32, #tpu.memory_space<vmem>>) target(%dma_start3A_414 : memref<72x128xf32, #tpu.memory_space<vmem_shared>>) target_semaphore(%run_scoped3A_410 : memref<!tpu.dma_semaphore, #tpu.memory_space<semaphore_mem>>)
      %dma_wait3A = arith.constant 0 : i32
      %dma_wait3A_415 = tpu.memref_slice %arg20[%add3A_41, %dma_wait3A] : memref<10000x128xf32, #tpu.memory_space<vmem_shared>> -> memref<72x128xf32, #tpu.memory_space<vmem_shared>>
      %dma_wait3A_416 = arith.constant 0 : i32
      %dma_wait3A_417 = tpu.memref_slice %arg20[%add3A_41, %dma_wait3A_416] : memref<10000x128xf32, #tpu.memory_space<vmem_shared>> -> memref<72x128xf32, #tpu.memory_space<vmem_shared>>
      tpu.wait_dma2 semaphore(%run_scoped3A_410 : memref<!tpu.dma_semaphore, #tpu.memory_space<semaphore_mem>>) src(%arg12 : memref<72x128xf32, #tpu.memory_space<vmem>>) dst(%dma_wait3A_417 : memref<72x128xf32, #tpu.memory_space<vmem_shared>>)
      tpu.yield
    }) : () -> ()
    %add3A_42 = arith.constant 504 : i32
    %add3A_43 = arith.addi %mul3A_11, %add3A_42 : i32
    "tpu.region"() ({
      %run_scoped3A_410 = tpu.sem_alloc : memref<!tpu.dma_semaphore, #tpu.memory_space<semaphore_mem>>
      %dma_start3A_411 = arith.constant 0 : i32
      %dma_start3A_412 = tpu.memref_slice %arg21[%add3A_43, %dma_start3A_411] : memref<10000x16xf32, #tpu.memory_space<vmem_shared>> -> memref<72x16xf32, #tpu.memory_space<vmem_shared>>
      %dma_start3A_413 = arith.constant 0 : i32
      %dma_start3A_414 = tpu.memref_slice %arg21[%add3A_43, %dma_start3A_413] : memref<10000x16xf32, #tpu.memory_space<vmem_shared>> -> memref<72x16xf32, #tpu.memory_space<vmem_shared>>
      tpu.enqueue_dma source(%arg18 : memref<72x16xf32, #tpu.memory_space<vmem>>) target(%dma_start3A_414 : memref<72x16xf32, #tpu.memory_space<vmem_shared>>) target_semaphore(%run_scoped3A_410 : memref<!tpu.dma_semaphore, #tpu.memory_space<semaphore_mem>>)
      %dma_wait3A = arith.constant 0 : i32
      %dma_wait3A_415 = tpu.memref_slice %arg21[%add3A_43, %dma_wait3A] : memref<10000x16xf32, #tpu.memory_space<vmem_shared>> -> memref<72x16xf32, #tpu.memory_space<vmem_shared>>
      %dma_wait3A_416 = arith.constant 0 : i32
      %dma_wait3A_417 = tpu.memref_slice %arg21[%add3A_43, %dma_wait3A_416] : memref<10000x16xf32, #tpu.memory_space<vmem_shared>> -> memref<72x16xf32, #tpu.memory_space<vmem_shared>>
      tpu.wait_dma2 semaphore(%run_scoped3A_410 : memref<!tpu.dma_semaphore, #tpu.memory_space<semaphore_mem>>) src(%arg18 : memref<72x16xf32, #tpu.memory_space<vmem>>) dst(%dma_wait3A_417 : memref<72x16xf32, #tpu.memory_space<vmem_shared>>)
      tpu.yield
    }) : () -> ()
    %add3A_44 = arith.constant 576 : i32
    %add3A_45 = arith.addi %mul3A_11, %add3A_44 : i32
    "tpu.region"() ({
      %run_scoped3A_410 = tpu.sem_alloc : memref<!tpu.dma_semaphore, #tpu.memory_space<semaphore_mem>>
      %dma_start3A_411 = arith.constant 0 : i32
      %dma_start3A_412 = arith.constant 0 : i32
      %dma_start3A_413 = tpu.memref_slice %arg12[%dma_start3A_411, %dma_start3A_412] : memref<72x128xf32, #tpu.memory_space<vmem>> -> memref<48x128xf32, #tpu.memory_space<vmem>>
      %dma_start3A_414 = arith.constant 0 : i32
      %dma_start3A_415 = tpu.memref_slice %arg20[%add3A_45, %dma_start3A_414] : memref<10000x128xf32, #tpu.memory_space<vmem_shared>> -> memref<48x128xf32, #tpu.memory_space<vmem_shared>>
      %dma_start3A_416 = arith.constant 0 : i32
      %dma_start3A_417 = tpu.memref_slice %arg20[%add3A_45, %dma_start3A_416] : memref<10000x128xf32, #tpu.memory_space<vmem_shared>> -> memref<48x128xf32, #tpu.memory_space<vmem_shared>>
      %dma_start3A_418 = arith.constant 0 : i32
      %dma_start3A_419 = arith.constant 0 : i32
      %dma_start3A_420 = tpu.memref_slice %arg12[%dma_start3A_418, %dma_start3A_419] : memref<72x128xf32, #tpu.memory_space<vmem>> -> memref<48x128xf32, #tpu.memory_space<vmem>>
      tpu.enqueue_dma source(%dma_start3A_420 : memref<48x128xf32, #tpu.memory_space<vmem>>) target(%dma_start3A_417 : memref<48x128xf32, #tpu.memory_space<vmem_shared>>) target_semaphore(%run_scoped3A_410 : memref<!tpu.dma_semaphore, #tpu.memory_space<semaphore_mem>>)
      %dma_wait3A = arith.constant 0 : i32
      %dma_wait3A_421 = arith.constant 0 : i32
      %dma_wait3A_422 = tpu.memref_slice %arg12[%dma_wait3A, %dma_wait3A_421] : memref<72x128xf32, #tpu.memory_space<vmem>> -> memref<48x128xf32, #tpu.memory_space<vmem>>
      %dma_wait3A_423 = arith.constant 0 : i32
      %dma_wait3A_424 = tpu.memref_slice %arg20[%add3A_45, %dma_wait3A_423] : memref<10000x128xf32, #tpu.memory_space<vmem_shared>> -> memref<48x128xf32, #tpu.memory_space<vmem_shared>>
      %dma_wait3A_425 = arith.constant 0 : i32
      %dma_wait3A_426 = tpu.memref_slice %arg20[%add3A_45, %dma_wait3A_425] : memref<10000x128xf32, #tpu.memory_space<vmem_shared>> -> memref<48x128xf32, #tpu.memory_space<vmem_shared>>
      %dma_wait3A_427 = arith.constant 0 : i32
      %dma_wait3A_428 = arith.constant 0 : i32
      %dma_wait3A_429 = tpu.memref_slice %arg12[%dma_wait3A_427, %dma_wait3A_428] : memref<72x128xf32, #tpu.memory_space<vmem>> -> memref<48x128xf32, #tpu.memory_space<vmem>>
      tpu.wait_dma2 semaphore(%run_scoped3A_410 : memref<!tpu.dma_semaphore, #tpu.memory_space<semaphore_mem>>) src(%dma_wait3A_429 : memref<48x128xf32, #tpu.memory_space<vmem>>) dst(%dma_wait3A_426 : memref<48x128xf32, #tpu.memory_space<vmem_shared>>)
      tpu.yield
    }) : () -> ()
    %add3A_46 = arith.constant 576 : i32
    %add3A_47 = arith.addi %mul3A_11, %add3A_46 : i32
    "tpu.region"() ({
      %run_scoped3A_410 = tpu.sem_alloc : memref<!tpu.dma_semaphore, #tpu.memory_space<semaphore_mem>>
      %dma_start3A_411 = arith.constant 0 : i32
      %dma_start3A_412 = arith.constant 0 : i32
      %dma_start3A_413 = tpu.memref_slice %arg18[%dma_start3A_411, %dma_start3A_412] : memref<72x16xf32, #tpu.memory_space<vmem>> -> memref<48x16xf32, #tpu.memory_space<vmem>>
      %dma_start3A_414 = arith.constant 0 : i32
      %dma_start3A_415 = tpu.memref_slice %arg21[%add3A_47, %dma_start3A_414] : memref<10000x16xf32, #tpu.memory_space<vmem_shared>> -> memref<48x16xf32, #tpu.memory_space<vmem_shared>>
      %dma_start3A_416 = arith.constant 0 : i32
      %dma_start3A_417 = tpu.memref_slice %arg21[%add3A_47, %dma_start3A_416] : memref<10000x16xf32, #tpu.memory_space<vmem_shared>> -> memref<48x16xf32, #tpu.memory_space<vmem_shared>>
      %dma_start3A_418 = arith.constant 0 : i32
      %dma_start3A_419 = arith.constant 0 : i32
      %dma_start3A_420 = tpu.memref_slice %arg18[%dma_start3A_418, %dma_start3A_419] : memref<72x16xf32, #tpu.memory_space<vmem>> -> memref<48x16xf32, #tpu.memory_space<vmem>>
      tpu.enqueue_dma source(%dma_start3A_420 : memref<48x16xf32, #tpu.memory_space<vmem>>) target(%dma_start3A_417 : memref<48x16xf32, #tpu.memory_space<vmem_shared>>) target_semaphore(%run_scoped3A_410 : memref<!tpu.dma_semaphore, #tpu.memory_space<semaphore_mem>>)
      %dma_wait3A = arith.constant 0 : i32
      %dma_wait3A_421 = arith.constant 0 : i32
      %dma_wait3A_422 = tpu.memref_slice %arg18[%dma_wait3A, %dma_wait3A_421] : memref<72x16xf32, #tpu.memory_space<vmem>> -> memref<48x16xf32, #tpu.memory_space<vmem>>
      %dma_wait3A_423 = arith.constant 0 : i32
      %dma_wait3A_424 = tpu.memref_slice %arg21[%add3A_47, %dma_wait3A_423] : memref<10000x16xf32, #tpu.memory_space<vmem_shared>> -> memref<48x16xf32, #tpu.memory_space<vmem_shared>>
      %dma_wait3A_425 = arith.constant 0 : i32
      %dma_wait3A_426 = tpu.memref_slice %arg21[%add3A_47, %dma_wait3A_425] : memref<10000x16xf32, #tpu.memory_space<vmem_shared>> -> memref<48x16xf32, #tpu.memory_space<vmem_shared>>
      %dma_wait3A_427 = arith.constant 0 : i32
      %dma_wait3A_428 = arith.constant 0 : i32
      %dma_wait3A_429 = tpu.memref_slice %arg18[%dma_wait3A_427, %dma_wait3A_428] : memref<72x16xf32, #tpu.memory_space<vmem>> -> memref<48x16xf32, #tpu.memory_space<vmem>>
      tpu.wait_dma2 semaphore(%run_scoped3A_410 : memref<!tpu.dma_semaphore, #tpu.memory_space<semaphore_mem>>) src(%dma_wait3A_429 : memref<48x16xf32, #tpu.memory_space<vmem>>) dst(%dma_wait3A_426 : memref<48x16xf32, #tpu.memory_space<vmem_shared>>)
      tpu.yield
    }) : () -> ()
    %eq3A = arith.constant 15 : i32
    %eq3A_48 = arith.cmpi eq, %arg1, %eq3A : i32
    %convert_element_type3A = arith.extui %eq3A_48 : i1 to i32
    %cond3A = arith.constant 0 : i32
    %cond3A_49 = arith.cmpi ne, %convert_element_type3A, %cond3A : i32
    scf.if %cond3A_49 {
      "tpu.region"() ({
        %run_scoped3A_410 = tpu.sem_alloc : memref<!tpu.dma_semaphore, #tpu.memory_space<semaphore_mem>>
        %dma_start3A_411 = arith.constant 0 : i32
        %dma_start3A_412 = arith.constant 0 : i32
        %dma_start3A_413 = tpu.memref_slice %arg12[%dma_start3A_411, %dma_start3A_412] : memref<72x128xf32, #tpu.memory_space<vmem>> -> memref<16x128xf32, #tpu.memory_space<vmem>>
        %dma_start3A_414 = arith.constant 9984 : i32
        %dma_start3A_415 = arith.constant 0 : i32
        %dma_start3A_416 = tpu.memref_slice %arg20[%dma_start3A_414, %dma_start3A_415] : memref<10000x128xf32, #tpu.memory_space<vmem_shared>> -> memref<16x128xf32, #tpu.memory_space<vmem_shared>>
        %dma_start3A_417 = arith.constant 9984 : i32
        %dma_start3A_418 = arith.constant 0 : i32
        %dma_start3A_419 = tpu.memref_slice %arg20[%dma_start3A_417, %dma_start3A_418] : memref<10000x128xf32, #tpu.memory_space<vmem_shared>> -> memref<16x128xf32, #tpu.memory_space<vmem_shared>>
        %dma_start3A_420 = arith.constant 0 : i32
        %dma_start3A_421 = arith.constant 0 : i32
        %dma_start3A_422 = tpu.memref_slice %arg12[%dma_start3A_420, %dma_start3A_421] : memref<72x128xf32, #tpu.memory_space<vmem>> -> memref<16x128xf32, #tpu.memory_space<vmem>>
        tpu.enqueue_dma source(%dma_start3A_422 : memref<16x128xf32, #tpu.memory_space<vmem>>) target(%dma_start3A_419 : memref<16x128xf32, #tpu.memory_space<vmem_shared>>) target_semaphore(%run_scoped3A_410 : memref<!tpu.dma_semaphore, #tpu.memory_space<semaphore_mem>>)
        %dma_wait3A = arith.constant 0 : i32
        %dma_wait3A_423 = arith.constant 0 : i32
        %dma_wait3A_424 = tpu.memref_slice %arg12[%dma_wait3A, %dma_wait3A_423] : memref<72x128xf32, #tpu.memory_space<vmem>> -> memref<16x128xf32, #tpu.memory_space<vmem>>
        %dma_wait3A_425 = arith.constant 9984 : i32
        %dma_wait3A_426 = arith.constant 0 : i32
        %dma_wait3A_427 = tpu.memref_slice %arg20[%dma_wait3A_425, %dma_wait3A_426] : memref<10000x128xf32, #tpu.memory_space<vmem_shared>> -> memref<16x128xf32, #tpu.memory_space<vmem_shared>>
        %dma_wait3A_428 = arith.constant 9984 : i32
        %dma_wait3A_429 = arith.constant 0 : i32
        %dma_wait3A_430 = tpu.memref_slice %arg20[%dma_wait3A_428, %dma_wait3A_429] : memref<10000x128xf32, #tpu.memory_space<vmem_shared>> -> memref<16x128xf32, #tpu.memory_space<vmem_shared>>
        %dma_wait3A_431 = arith.constant 0 : i32
        %dma_wait3A_432 = arith.constant 0 : i32
        %dma_wait3A_433 = tpu.memref_slice %arg12[%dma_wait3A_431, %dma_wait3A_432] : memref<72x128xf32, #tpu.memory_space<vmem>> -> memref<16x128xf32, #tpu.memory_space<vmem>>
        tpu.wait_dma2 semaphore(%run_scoped3A_410 : memref<!tpu.dma_semaphore, #tpu.memory_space<semaphore_mem>>) src(%dma_wait3A_433 : memref<16x128xf32, #tpu.memory_space<vmem>>) dst(%dma_wait3A_430 : memref<16x128xf32, #tpu.memory_space<vmem_shared>>)
        tpu.yield
      }) : () -> ()
      "tpu.region"() ({
        %run_scoped3A_410 = tpu.sem_alloc : memref<!tpu.dma_semaphore, #tpu.memory_space<semaphore_mem>>
        %dma_start3A_411 = arith.constant 0 : i32
        %dma_start3A_412 = arith.constant 0 : i32
        %dma_start3A_413 = tpu.memref_slice %arg18[%dma_start3A_411, %dma_start3A_412] : memref<72x16xf32, #tpu.memory_space<vmem>> -> memref<16x16xf32, #tpu.memory_space<vmem>>
        %dma_start3A_414 = arith.constant 9984 : i32
        %dma_start3A_415 = arith.constant 0 : i32
        %dma_start3A_416 = tpu.memref_slice %arg21[%dma_start3A_414, %dma_start3A_415] : memref<10000x16xf32, #tpu.memory_space<vmem_shared>> -> memref<16x16xf32, #tpu.memory_space<vmem_shared>>
        %dma_start3A_417 = arith.constant 9984 : i32
        %dma_start3A_418 = arith.constant 0 : i32
        %dma_start3A_419 = tpu.memref_slice %arg21[%dma_start3A_417, %dma_start3A_418] : memref<10000x16xf32, #tpu.memory_space<vmem_shared>> -> memref<16x16xf32, #tpu.memory_space<vmem_shared>>
        %dma_start3A_420 = arith.constant 0 : i32
        %dma_start3A_421 = arith.constant 0 : i32
        %dma_start3A_422 = tpu.memref_slice %arg18[%dma_start3A_420, %dma_start3A_421] : memref<72x16xf32, #tpu.memory_space<vmem>> -> memref<16x16xf32, #tpu.memory_space<vmem>>
        tpu.enqueue_dma source(%dma_start3A_422 : memref<16x16xf32, #tpu.memory_space<vmem>>) target(%dma_start3A_419 : memref<16x16xf32, #tpu.memory_space<vmem_shared>>) target_semaphore(%run_scoped3A_410 : memref<!tpu.dma_semaphore, #tpu.memory_space<semaphore_mem>>)
        %dma_wait3A = arith.constant 0 : i32
        %dma_wait3A_423 = arith.constant 0 : i32
        %dma_wait3A_424 = tpu.memref_slice %arg18[%dma_wait3A, %dma_wait3A_423] : memref<72x16xf32, #tpu.memory_space<vmem>> -> memref<16x16xf32, #tpu.memory_space<vmem>>
        %dma_wait3A_425 = arith.constant 9984 : i32
        %dma_wait3A_426 = arith.constant 0 : i32
        %dma_wait3A_427 = tpu.memref_slice %arg21[%dma_wait3A_425, %dma_wait3A_426] : memref<10000x16xf32, #tpu.memory_space<vmem_shared>> -> memref<16x16xf32, #tpu.memory_space<vmem_shared>>
        %dma_wait3A_428 = arith.constant 9984 : i32
        %dma_wait3A_429 = arith.constant 0 : i32
        %dma_wait3A_430 = tpu.memref_slice %arg21[%dma_wait3A_428, %dma_wait3A_429] : memref<10000x16xf32, #tpu.memory_space<vmem_shared>> -> memref<16x16xf32, #tpu.memory_space<vmem_shared>>
        %dma_wait3A_431 = arith.constant 0 : i32
        %dma_wait3A_432 = arith.constant 0 : i32
        %dma_wait3A_433 = tpu.memref_slice %arg18[%dma_wait3A_431, %dma_wait3A_432] : memref<72x16xf32, #tpu.memory_space<vmem>> -> memref<16x16xf32, #tpu.memory_space<vmem>>
        tpu.wait_dma2 semaphore(%run_scoped3A_410 : memref<!tpu.dma_semaphore, #tpu.memory_space<semaphore_mem>>) src(%dma_wait3A_433 : memref<16x16xf32, #tpu.memory_space<vmem>>) dst(%dma_wait3A_430 : memref<16x16xf32, #tpu.memory_space<vmem_shared>>)
        tpu.yield
      }) : () -> ()
    } else {
    }
    %barrier3A = arith.constant 0 : index
    tpu.barrier barrier_id(%barrier3A)
    "tpu.region"() ({
      %run_scoped3A_410 = tpu.sem_alloc : memref<!tpu.dma_semaphore, #tpu.memory_space<semaphore_mem>>
      tpu.enqueue_dma source(%arg6 : memref<128xf32, #tpu.memory_space<hbm>>) target(%arg16 : memref<128xf32, #tpu.memory_space<vmem>>) target_semaphore(%run_scoped3A_410 : memref<!tpu.dma_semaphore, #tpu.memory_space<semaphore_mem>>)
      tpu.wait_dma2 semaphore(%run_scoped3A_410 : memref<!tpu.dma_semaphore, #tpu.memory_space<semaphore_mem>>) src(%arg6 : memref<128xf32, #tpu.memory_space<hbm>>) dst(%arg16 : memref<128xf32, #tpu.memory_space<vmem>>)
      tpu.yield
    }) : () -> ()
    "tpu.region"() ({
      %run_scoped3A_410 = tpu.sem_alloc : memref<!tpu.dma_semaphore, #tpu.memory_space<semaphore_mem>>
      tpu.enqueue_dma source(%arg7 : memref<4x128xf32, #tpu.memory_space<hbm>>) target(%arg17 : memref<4x128xf32, #tpu.memory_space<vmem>>) target_semaphore(%run_scoped3A_410 : memref<!tpu.dma_semaphore, #tpu.memory_space<semaphore_mem>>)
      tpu.wait_dma2 semaphore(%run_scoped3A_410 : memref<!tpu.dma_semaphore, #tpu.memory_space<semaphore_mem>>) src(%arg7 : memref<4x128xf32, #tpu.memory_space<hbm>>) dst(%arg17 : memref<4x128xf32, #tpu.memory_space<vmem>>)
      tpu.yield
    }) : () -> ()
    %get3A = arith.constant 0 : i32
    %get3A_50 = arith.index_cast %get3A : i32 to index
    %get3A_51 = arith.constant 0 : index
    %get3A_52 = tpu.vector_load %arg17[%get3A_50, %get3A_51] {strides = array<i32>} : memref<4x128xf32, #tpu.memory_space<vmem>>, vector<16xf32>,
    %get3A_53 = arith.constant 2 : i32
    %get3A_54 = arith.index_cast %get3A_53 : i32 to index
    %get3A_55 = arith.constant 0 : index
    %get3A_56 = tpu.vector_load %arg17[%get3A_54, %get3A_55] {strides = array<i32>} : memref<4x128xf32, #tpu.memory_space<vmem>>, vector<16xf32>,
    %add3A_57 = arith.addf %get3A_52, %get3A_56 : vector<16xf32>
    %get3A_58 = arith.constant 1 : i32
    %get3A_59 = arith.index_cast %get3A_58 : i32 to index
    %get3A_60 = arith.constant 0 : index
    %get3A_61 = tpu.vector_load %arg17[%get3A_59, %get3A_60] {strides = array<i32>} : memref<4x128xf32, #tpu.memory_space<vmem>>, vector<16xf32>,
    %get3A_62 = arith.constant 3 : i32
    %get3A_63 = arith.index_cast %get3A_62 : i32 to index
    %get3A_64 = arith.constant 0 : index
    %get3A_65 = tpu.vector_load %arg17[%get3A_63, %get3A_64] {strides = array<i32>} : memref<4x128xf32, #tpu.memory_space<vmem>>, vector<16xf32>,
    %add3A_66 = arith.addf %get3A_61, %get3A_65 : vector<16xf32>
    %get3A_67 = arith.constant 0 : index
    %get3A_68 = tpu.vector_load %arg16[%get3A_67] {strides = array<i32>} : memref<128xf32, #tpu.memory_space<vmem>>, vector<16xf32>,
    %gt3A = arith.constant 0.000000e+00 : f32
    %gt3A_69 = vector.broadcast %gt3A : f32 to vector<16xf32>
    %gt3A_70 = arith.cmpf ogt, %add3A_57, %gt3A_69 : vector<16xf32>
    %mul3A_71 = arith.constant 2.000000e-01 : f32
    %mul3A_72 = vector.broadcast %mul3A_71 : f32 to vector<16xf32>
    %mul3A_73 = arith.mulf %mul3A_72, %add3A_57 : vector<16xf32>
    %select_n3A = arith.select %gt3A_70, %add3A_57, %mul3A_73 : vector<16xi1>, vector<16xf32>
    %mul3A_74 = arith.mulf %get3A_68, %select_n3A : vector<16xf32>
    %gt3A_75 = arith.constant 0.000000e+00 : f32
    %gt3A_76 = vector.broadcast %gt3A_75 : f32 to vector<16xf32>
    %gt3A_77 = arith.cmpf ogt, %add3A_66, %gt3A_76 : vector<16xf32>
    %mul3A_78 = arith.constant 2.000000e-01 : f32
    %mul3A_79 = vector.broadcast %mul3A_78 : f32 to vector<16xf32>
    %mul3A_80 = arith.mulf %mul3A_79, %add3A_66 : vector<16xf32>
    %select_n3A_81 = arith.select %gt3A_77, %add3A_66, %mul3A_80 : vector<16xi1>, vector<16xf32>
    %mul3A_82 = arith.mulf %get3A_68, %select_n3A_81 : vector<16xf32>
    %max3A = arith.maximumf %mul3A_74, %mul3A_82 : vector<16xf32>
    %get3A_83 = arith.constant 0 : i32
    %get3A_84 = arith.index_cast %get3A_83 : i32 to index
    %get3A_85 = arith.constant 16 : index
    %get3A_86 = tpu.vector_load %arg17[%get3A_84, %get3A_85] {strides = array<i32>} : memref<4x128xf32, #tpu.memory_space<vmem>>, vector<16xf32>,
    %get3A_87 = arith.constant 2 : i32
    %get3A_88 = arith.index_cast %get3A_87 : i32 to index
    %get3A_89 = arith.constant 16 : index
    %get3A_90 = tpu.vector_load %arg17[%get3A_88, %get3A_89] {strides = array<i32>} : memref<4x128xf32, #tpu.memory_space<vmem>>, vector<16xf32>,
    %add3A_91 = arith.addf %get3A_86, %get3A_90 : vector<16xf32>
    %get3A_92 = arith.constant 1 : i32
    %get3A_93 = arith.index_cast %get3A_92 : i32 to index
    %get3A_94 = arith.constant 16 : index
    %get3A_95 = tpu.vector_load %arg17[%get3A_93, %get3A_94] {strides = array<i32>} : memref<4x128xf32, #tpu.memory_space<vmem>>, vector<16xf32>,
    %get3A_96 = arith.constant 3 : i32
    %get3A_97 = arith.index_cast %get3A_96 : i32 to index
    %get3A_98 = arith.constant 16 : index
    %get3A_99 = tpu.vector_load %arg17[%get3A_97, %get3A_98] {strides = array<i32>} : memref<4x128xf32, #tpu.memory_space<vmem>>, vector<16xf32>,
    %add3A_100 = arith.addf %get3A_95, %get3A_99 : vector<16xf32>
    %get3A_101 = arith.constant 16 : index
    %get3A_102 = tpu.vector_load %arg16[%get3A_101] {strides = array<i32>} : memref<128xf32, #tpu.memory_space<vmem>>, vector<16xf32>,
    %gt3A_103 = arith.constant 0.000000e+00 : f32
    %gt3A_104 = vector.broadcast %gt3A_103 : f32 to vector<16xf32>
    %gt3A_105 = arith.cmpf ogt, %add3A_91, %gt3A_104 : vector<16xf32>
    %mul3A_106 = arith.constant 2.000000e-01 : f32
    %mul3A_107 = vector.broadcast %mul3A_106 : f32 to vector<16xf32>
    %mul3A_108 = arith.mulf %mul3A_107, %add3A_91 : vector<16xf32>
    %select_n3A_109 = arith.select %gt3A_105, %add3A_91, %mul3A_108 : vector<16xi1>, vector<16xf32>
    %mul3A_110 = arith.mulf %get3A_102, %select_n3A_109 : vector<16xf32>
    %gt3A_111 = arith.constant 0.000000e+00 : f32
    %gt3A_112 = vector.broadcast %gt3A_111 : f32 to vector<16xf32>
    %gt3A_113 = arith.cmpf ogt, %add3A_100, %gt3A_112 : vector<16xf32>
    %mul3A_114 = arith.constant 2.000000e-01 : f32
    %mul3A_115 = vector.broadcast %mul3A_114 : f32 to vector<16xf32>
    %mul3A_116 = arith.mulf %mul3A_115, %add3A_100 : vector<16xf32>
    %select_n3A_117 = arith.select %gt3A_113, %add3A_100, %mul3A_116 : vector<16xi1>, vector<16xf32>
    %mul3A_118 = arith.mulf %get3A_102, %select_n3A_117 : vector<16xf32>
    %max3A_119 = arith.maximumf %mul3A_110, %mul3A_118 : vector<16xf32>
    %add3A_120 = arith.addf %max3A, %max3A_119 : vector<16xf32>
    %reduce_sum3A = arith.constant true
    %reduce_sum3A_121 = vector.broadcast %reduce_sum3A : i1 to vector<16xi1>
    %reduce_sum3A_122 = tpu.scan <sum>, %add3A_120 masked %reduce_sum3A_121 : vector<16xf32>, vector<16xi1> -> vector<16xf32>
    %reduce_sum3A_123 = vector.extract %reduce_sum3A_122[15] : f32 from vector<16xf32>
    %get3A_124 = arith.constant 0 : i32
    %get3A_125 = arith.index_cast %get3A_124 : i32 to index
    %get3A_126 = arith.constant 32 : index
    %get3A_127 = tpu.vector_load %arg17[%get3A_125, %get3A_126] {strides = array<i32>} : memref<4x128xf32, #tpu.memory_space<vmem>>, vector<16xf32>,
    %get3A_128 = arith.constant 2 : i32
    %get3A_129 = arith.index_cast %get3A_128 : i32 to index
    %get3A_130 = arith.constant 32 : index
    %get3A_131 = tpu.vector_load %arg17[%get3A_129, %get3A_130] {strides = array<i32>} : memref<4x128xf32, #tpu.memory_space<vmem>>, vector<16xf32>,
    %add3A_132 = arith.addf %get3A_127, %get3A_131 : vector<16xf32>
    %get3A_133 = arith.constant 1 : i32
    %get3A_134 = arith.index_cast %get3A_133 : i32 to index
    %get3A_135 = arith.constant 32 : index
    %get3A_136 = tpu.vector_load %arg17[%get3A_134, %get3A_135] {strides = array<i32>} : memref<4x128xf32, #tpu.memory_space<vmem>>, vector<16xf32>,
    %get3A_137 = arith.constant 3 : i32
    %get3A_138 = arith.index_cast %get3A_137 : i32 to index
    %get3A_139 = arith.constant 32 : index
    %get3A_140 = tpu.vector_load %arg17[%get3A_138, %get3A_139] {strides = array<i32>} : memref<4x128xf32, #tpu.memory_space<vmem>>, vector<16xf32>,
    %add3A_141 = arith.addf %get3A_136, %get3A_140 : vector<16xf32>
    %get3A_142 = arith.constant 32 : index
    %get3A_143 = tpu.vector_load %arg16[%get3A_142] {strides = array<i32>} : memref<128xf32, #tpu.memory_space<vmem>>, vector<16xf32>,
    %gt3A_144 = arith.constant 0.000000e+00 : f32
    %gt3A_145 = vector.broadcast %gt3A_144 : f32 to vector<16xf32>
    %gt3A_146 = arith.cmpf ogt, %add3A_132, %gt3A_145 : vector<16xf32>
    %mul3A_147 = arith.constant 2.000000e-01 : f32
    %mul3A_148 = vector.broadcast %mul3A_147 : f32 to vector<16xf32>
    %mul3A_149 = arith.mulf %mul3A_148, %add3A_132 : vector<16xf32>
    %select_n3A_150 = arith.select %gt3A_146, %add3A_132, %mul3A_149 : vector<16xi1>, vector<16xf32>
    %mul3A_151 = arith.mulf %get3A_143, %select_n3A_150 : vector<16xf32>
    %gt3A_152 = arith.constant 0.000000e+00 : f32
    %gt3A_153 = vector.broadcast %gt3A_152 : f32 to vector<16xf32>
    %gt3A_154 = arith.cmpf ogt, %add3A_141, %gt3A_153 : vector<16xf32>
    %mul3A_155 = arith.constant 2.000000e-01 : f32
    %mul3A_156 = vector.broadcast %mul3A_155 : f32 to vector<16xf32>
    %mul3A_157 = arith.mulf %mul3A_156, %add3A_141 : vector<16xf32>
    %select_n3A_158 = arith.select %gt3A_154, %add3A_141, %mul3A_157 : vector<16xi1>, vector<16xf32>
    %mul3A_159 = arith.mulf %get3A_143, %select_n3A_158 : vector<16xf32>
    %max3A_160 = arith.maximumf %mul3A_151, %mul3A_159 : vector<16xf32>
    %get3A_161 = arith.constant 0 : i32
    %get3A_162 = arith.index_cast %get3A_161 : i32 to index
    %get3A_163 = arith.constant 48 : index
    %get3A_164 = tpu.vector_load %arg17[%get3A_162, %get3A_163] {strides = array<i32>} : memref<4x128xf32, #tpu.memory_space<vmem>>, vector<16xf32>,
    %get3A_165 = arith.constant 2 : i32
    %get3A_166 = arith.index_cast %get3A_165 : i32 to index
    %get3A_167 = arith.constant 48 : index
    %get3A_168 = tpu.vector_load %arg17[%get3A_166, %get3A_167] {strides = array<i32>} : memref<4x128xf32, #tpu.memory_space<vmem>>, vector<16xf32>,
    %add3A_169 = arith.addf %get3A_164, %get3A_168 : vector<16xf32>
    %get3A_170 = arith.constant 1 : i32
    %get3A_171 = arith.index_cast %get3A_170 : i32 to index
    %get3A_172 = arith.constant 48 : index
    %get3A_173 = tpu.vector_load %arg17[%get3A_171, %get3A_172] {strides = array<i32>} : memref<4x128xf32, #tpu.memory_space<vmem>>, vector<16xf32>,
    %get3A_174 = arith.constant 3 : i32
    %get3A_175 = arith.index_cast %get3A_174 : i32 to index
    %get3A_176 = arith.constant 48 : index
    %get3A_177 = tpu.vector_load %arg17[%get3A_175, %get3A_176] {strides = array<i32>} : memref<4x128xf32, #tpu.memory_space<vmem>>, vector<16xf32>,
    %add3A_178 = arith.addf %get3A_173, %get3A_177 : vector<16xf32>
    %get3A_179 = arith.constant 48 : index
    %get3A_180 = tpu.vector_load %arg16[%get3A_179] {strides = array<i32>} : memref<128xf32, #tpu.memory_space<vmem>>, vector<16xf32>,
    %gt3A_181 = arith.constant 0.000000e+00 : f32
    %gt3A_182 = vector.broadcast %gt3A_181 : f32 to vector<16xf32>
    %gt3A_183 = arith.cmpf ogt, %add3A_169, %gt3A_182 : vector<16xf32>
    %mul3A_184 = arith.constant 2.000000e-01 : f32
    %mul3A_185 = vector.broadcast %mul3A_184 : f32 to vector<16xf32>
    %mul3A_186 = arith.mulf %mul3A_185, %add3A_169 : vector<16xf32>
    %select_n3A_187 = arith.select %gt3A_183, %add3A_169, %mul3A_186 : vector<16xi1>, vector<16xf32>
    %mul3A_188 = arith.mulf %get3A_180, %select_n3A_187 : vector<16xf32>
    %gt3A_189 = arith.constant 0.000000e+00 : f32
    %gt3A_190 = vector.broadcast %gt3A_189 : f32 to vector<16xf32>
    %gt3A_191 = arith.cmpf ogt, %add3A_178, %gt3A_190 : vector<16xf32>
    %mul3A_192 = arith.constant 2.000000e-01 : f32
    %mul3A_193 = vector.broadcast %mul3A_192 : f32 to vector<16xf32>
    %mul3A_194 = arith.mulf %mul3A_193, %add3A_178 : vector<16xf32>
    %select_n3A_195 = arith.select %gt3A_191, %add3A_178, %mul3A_194 : vector<16xi1>, vector<16xf32>
    %mul3A_196 = arith.mulf %get3A_180, %select_n3A_195 : vector<16xf32>
    %max3A_197 = arith.maximumf %mul3A_188, %mul3A_196 : vector<16xf32>
    %add3A_198 = arith.addf %max3A_160, %max3A_197 : vector<16xf32>
    %reduce_sum3A_199 = arith.constant true
    %reduce_sum3A_200 = vector.broadcast %reduce_sum3A_199 : i1 to vector<16xi1>
    %reduce_sum3A_201 = tpu.scan <sum>, %add3A_198 masked %reduce_sum3A_200 : vector<16xf32>, vector<16xi1> -> vector<16xf32>
    %reduce_sum3A_202 = vector.extract %reduce_sum3A_201[15] : f32 from vector<16xf32>
    %max3A_203 = arith.maximumf %reduce_sum3A_123, %reduce_sum3A_202 : f32
    %get3A_204 = arith.constant 0 : i32
    %get3A_205 = arith.index_cast %get3A_204 : i32 to index
    %get3A_206 = arith.constant 64 : index
    %get3A_207 = tpu.vector_load %arg17[%get3A_205, %get3A_206] {strides = array<i32>} : memref<4x128xf32, #tpu.memory_space<vmem>>, vector<16xf32>,
    %get3A_208 = arith.constant 2 : i32
    %get3A_209 = arith.index_cast %get3A_208 : i32 to index
    %get3A_210 = arith.constant 64 : index
    %get3A_211 = tpu.vector_load %arg17[%get3A_209, %get3A_210] {strides = array<i32>} : memref<4x128xf32, #tpu.memory_space<vmem>>, vector<16xf32>,
    %add3A_212 = arith.addf %get3A_207, %get3A_211 : vector<16xf32>
    %get3A_213 = arith.constant 1 : i32
    %get3A_214 = arith.index_cast %get3A_213 : i32 to index
    %get3A_215 = arith.constant 64 : index
    %get3A_216 = tpu.vector_load %arg17[%get3A_214, %get3A_215] {strides = array<i32>} : memref<4x128xf32, #tpu.memory_space<vmem>>, vector<16xf32>,
    %get3A_217 = arith.constant 3 : i32
    %get3A_218 = arith.index_cast %get3A_217 : i32 to index
    %get3A_219 = arith.constant 64 : index
    %get3A_220 = tpu.vector_load %arg17[%get3A_218, %get3A_219] {strides = array<i32>} : memref<4x128xf32, #tpu.memory_space<vmem>>, vector<16xf32>,
    %add3A_221 = arith.addf %get3A_216, %get3A_220 : vector<16xf32>
    %get3A_222 = arith.constant 64 : index
    %get3A_223 = tpu.vector_load %arg16[%get3A_222] {strides = array<i32>} : memref<128xf32, #tpu.memory_space<vmem>>, vector<16xf32>,
    %gt3A_224 = arith.constant 0.000000e+00 : f32
    %gt3A_225 = vector.broadcast %gt3A_224 : f32 to vector<16xf32>
    %gt3A_226 = arith.cmpf ogt, %add3A_212, %gt3A_225 : vector<16xf32>
    %mul3A_227 = arith.constant 2.000000e-01 : f32
    %mul3A_228 = vector.broadcast %mul3A_227 : f32 to vector<16xf32>
    %mul3A_229 = arith.mulf %mul3A_228, %add3A_212 : vector<16xf32>
    %select_n3A_230 = arith.select %gt3A_226, %add3A_212, %mul3A_229 : vector<16xi1>, vector<16xf32>
    %mul3A_231 = arith.mulf %get3A_223, %select_n3A_230 : vector<16xf32>
    %gt3A_232 = arith.constant 0.000000e+00 : f32
    %gt3A_233 = vector.broadcast %gt3A_232 : f32 to vector<16xf32>
    %gt3A_234 = arith.cmpf ogt, %add3A_221, %gt3A_233 : vector<16xf32>
    %mul3A_235 = arith.constant 2.000000e-01 : f32
    %mul3A_236 = vector.broadcast %mul3A_235 : f32 to vector<16xf32>
    %mul3A_237 = arith.mulf %mul3A_236, %add3A_221 : vector<16xf32>
    %select_n3A_238 = arith.select %gt3A_234, %add3A_221, %mul3A_237 : vector<16xi1>, vector<16xf32>
    %mul3A_239 = arith.mulf %get3A_223, %select_n3A_238 : vector<16xf32>
    %max3A_240 = arith.maximumf %mul3A_231, %mul3A_239 : vector<16xf32>
    %get3A_241 = arith.constant 0 : i32
    %get3A_242 = arith.index_cast %get3A_241 : i32 to index
    %get3A_243 = arith.constant 80 : index
    %get3A_244 = tpu.vector_load %arg17[%get3A_242, %get3A_243] {strides = array<i32>} : memref<4x128xf32, #tpu.memory_space<vmem>>, vector<16xf32>,
    %get3A_245 = arith.constant 2 : i32
    %get3A_246 = arith.index_cast %get3A_245 : i32 to index
    %get3A_247 = arith.constant 80 : index
    %get3A_248 = tpu.vector_load %arg17[%get3A_246, %get3A_247] {strides = array<i32>} : memref<4x128xf32, #tpu.memory_space<vmem>>, vector<16xf32>,
    %add3A_249 = arith.addf %get3A_244, %get3A_248 : vector<16xf32>
    %get3A_250 = arith.constant 1 : i32
    %get3A_251 = arith.index_cast %get3A_250 : i32 to index
    %get3A_252 = arith.constant 80 : index
    %get3A_253 = tpu.vector_load %arg17[%get3A_251, %get3A_252] {strides = array<i32>} : memref<4x128xf32, #tpu.memory_space<vmem>>, vector<16xf32>,
    %get3A_254 = arith.constant 3 : i32
    %get3A_255 = arith.index_cast %get3A_254 : i32 to index
    %get3A_256 = arith.constant 80 : index
    %get3A_257 = tpu.vector_load %arg17[%get3A_255, %get3A_256] {strides = array<i32>} : memref<4x128xf32, #tpu.memory_space<vmem>>, vector<16xf32>,
    %add3A_258 = arith.addf %get3A_253, %get3A_257 : vector<16xf32>
    %get3A_259 = arith.constant 80 : index
    %get3A_260 = tpu.vector_load %arg16[%get3A_259] {strides = array<i32>} : memref<128xf32, #tpu.memory_space<vmem>>, vector<16xf32>,
    %gt3A_261 = arith.constant 0.000000e+00 : f32
    %gt3A_262 = vector.broadcast %gt3A_261 : f32 to vector<16xf32>
    %gt3A_263 = arith.cmpf ogt, %add3A_249, %gt3A_262 : vector<16xf32>
    %mul3A_264 = arith.constant 2.000000e-01 : f32
    %mul3A_265 = vector.broadcast %mul3A_264 : f32 to vector<16xf32>
    %mul3A_266 = arith.mulf %mul3A_265, %add3A_249 : vector<16xf32>
    %select_n3A_267 = arith.select %gt3A_263, %add3A_249, %mul3A_266 : vector<16xi1>, vector<16xf32>
    %mul3A_268 = arith.mulf %get3A_260, %select_n3A_267 : vector<16xf32>
    %gt3A_269 = arith.constant 0.000000e+00 : f32
    %gt3A_270 = vector.broadcast %gt3A_269 : f32 to vector<16xf32>
    %gt3A_271 = arith.cmpf ogt, %add3A_258, %gt3A_270 : vector<16xf32>
    %mul3A_272 = arith.constant 2.000000e-01 : f32
    %mul3A_273 = vector.broadcast %mul3A_272 : f32 to vector<16xf32>
    %mul3A_274 = arith.mulf %mul3A_273, %add3A_258 : vector<16xf32>
    %select_n3A_275 = arith.select %gt3A_271, %add3A_258, %mul3A_274 : vector<16xi1>, vector<16xf32>
    %mul3A_276 = arith.mulf %get3A_260, %select_n3A_275 : vector<16xf32>
    %max3A_277 = arith.maximumf %mul3A_268, %mul3A_276 : vector<16xf32>
    %add3A_278 = arith.addf %max3A_240, %max3A_277 : vector<16xf32>
    %reduce_sum3A_279 = arith.constant true
    %reduce_sum3A_280 = vector.broadcast %reduce_sum3A_279 : i1 to vector<16xi1>
    %reduce_sum3A_281 = tpu.scan <sum>, %add3A_278 masked %reduce_sum3A_280 : vector<16xf32>, vector<16xi1> -> vector<16xf32>
    %reduce_sum3A_282 = vector.extract %reduce_sum3A_281[15] : f32 from vector<16xf32>
    %max3A_283 = arith.maximumf %max3A_203, %reduce_sum3A_282 : f32
    %get3A_284 = arith.constant 0 : i32
    %get3A_285 = arith.index_cast %get3A_284 : i32 to index
    %get3A_286 = arith.constant 96 : index
    %get3A_287 = tpu.vector_load %arg17[%get3A_285, %get3A_286] {strides = array<i32>} : memref<4x128xf32, #tpu.memory_space<vmem>>, vector<16xf32>,
    %get3A_288 = arith.constant 2 : i32
    %get3A_289 = arith.index_cast %get3A_288 : i32 to index
    %get3A_290 = arith.constant 96 : index
    %get3A_291 = tpu.vector_load %arg17[%get3A_289, %get3A_290] {strides = array<i32>} : memref<4x128xf32, #tpu.memory_space<vmem>>, vector<16xf32>,
    %add3A_292 = arith.addf %get3A_287, %get3A_291 : vector<16xf32>
    %get3A_293 = arith.constant 1 : i32
    %get3A_294 = arith.index_cast %get3A_293 : i32 to index
    %get3A_295 = arith.constant 96 : index
    %get3A_296 = tpu.vector_load %arg17[%get3A_294, %get3A_295] {strides = array<i32>} : memref<4x128xf32, #tpu.memory_space<vmem>>, vector<16xf32>,
    %get3A_297 = arith.constant 3 : i32
    %get3A_298 = arith.index_cast %get3A_297 : i32 to index
    %get3A_299 = arith.constant 96 : index
    %get3A_300 = tpu.vector_load %arg17[%get3A_298, %get3A_299] {strides = array<i32>} : memref<4x128xf32, #tpu.memory_space<vmem>>, vector<16xf32>,
    %add3A_301 = arith.addf %get3A_296, %get3A_300 : vector<16xf32>
    %get3A_302 = arith.constant 96 : index
    %get3A_303 = tpu.vector_load %arg16[%get3A_302] {strides = array<i32>} : memref<128xf32, #tpu.memory_space<vmem>>, vector<16xf32>,
    %gt3A_304 = arith.constant 0.000000e+00 : f32
    %gt3A_305 = vector.broadcast %gt3A_304 : f32 to vector<16xf32>
    %gt3A_306 = arith.cmpf ogt, %add3A_292, %gt3A_305 : vector<16xf32>
    %mul3A_307 = arith.constant 2.000000e-01 : f32
    %mul3A_308 = vector.broadcast %mul3A_307 : f32 to vector<16xf32>
    %mul3A_309 = arith.mulf %mul3A_308, %add3A_292 : vector<16xf32>
    %select_n3A_310 = arith.select %gt3A_306, %add3A_292, %mul3A_309 : vector<16xi1>, vector<16xf32>
    %mul3A_311 = arith.mulf %get3A_303, %select_n3A_310 : vector<16xf32>
    %gt3A_312 = arith.constant 0.000000e+00 : f32
    %gt3A_313 = vector.broadcast %gt3A_312 : f32 to vector<16xf32>
    %gt3A_314 = arith.cmpf ogt, %add3A_301, %gt3A_313 : vector<16xf32>
    %mul3A_315 = arith.constant 2.000000e-01 : f32
    %mul3A_316 = vector.broadcast %mul3A_315 : f32 to vector<16xf32>
    %mul3A_317 = arith.mulf %mul3A_316, %add3A_301 : vector<16xf32>
    %select_n3A_318 = arith.select %gt3A_314, %add3A_301, %mul3A_317 : vector<16xi1>, vector<16xf32>
    %mul3A_319 = arith.mulf %get3A_303, %select_n3A_318 : vector<16xf32>
    %max3A_320 = arith.maximumf %mul3A_311, %mul3A_319 : vector<16xf32>
    %get3A_321 = arith.constant 0 : i32
    %get3A_322 = arith.index_cast %get3A_321 : i32 to index
    %get3A_323 = arith.constant 112 : index
    %get3A_324 = tpu.vector_load %arg17[%get3A_322, %get3A_323] {strides = array<i32>} : memref<4x128xf32, #tpu.memory_space<vmem>>, vector<16xf32>,
    %get3A_325 = arith.constant 2 : i32
    %get3A_326 = arith.index_cast %get3A_325 : i32 to index
    %get3A_327 = arith.constant 112 : index
    %get3A_328 = tpu.vector_load %arg17[%get3A_326, %get3A_327] {strides = array<i32>} : memref<4x128xf32, #tpu.memory_space<vmem>>, vector<16xf32>,
    %add3A_329 = arith.addf %get3A_324, %get3A_328 : vector<16xf32>
    %get3A_330 = arith.constant 1 : i32
    %get3A_331 = arith.index_cast %get3A_330 : i32 to index
    %get3A_332 = arith.constant 112 : index
    %get3A_333 = tpu.vector_load %arg17[%get3A_331, %get3A_332] {strides = array<i32>} : memref<4x128xf32, #tpu.memory_space<vmem>>, vector<16xf32>,
    %get3A_334 = arith.constant 3 : i32
    %get3A_335 = arith.index_cast %get3A_334 : i32 to index
    %get3A_336 = arith.constant 112 : index
    %get3A_337 = tpu.vector_load %arg17[%get3A_335, %get3A_336] {strides = array<i32>} : memref<4x128xf32, #tpu.memory_space<vmem>>, vector<16xf32>,
    %add3A_338 = arith.addf %get3A_333, %get3A_337 : vector<16xf32>
    %get3A_339 = arith.constant 112 : index
    %get3A_340 = tpu.vector_load %arg16[%get3A_339] {strides = array<i32>} : memref<128xf32, #tpu.memory_space<vmem>>, vector<16xf32>,
    %gt3A_341 = arith.constant 0.000000e+00 : f32
    %gt3A_342 = vector.broadcast %gt3A_341 : f32 to vector<16xf32>
    %gt3A_343 = arith.cmpf ogt, %add3A_329, %gt3A_342 : vector<16xf32>
    %mul3A_344 = arith.constant 2.000000e-01 : f32
    %mul3A_345 = vector.broadcast %mul3A_344 : f32 to vector<16xf32>
    %mul3A_346 = arith.mulf %mul3A_345, %add3A_329 : vector<16xf32>
    %select_n3A_347 = arith.select %gt3A_343, %add3A_329, %mul3A_346 : vector<16xi1>, vector<16xf32>
    %mul3A_348 = arith.mulf %get3A_340, %select_n3A_347 : vector<16xf32>
    %gt3A_349 = arith.constant 0.000000e+00 : f32
    %gt3A_350 = vector.broadcast %gt3A_349 : f32 to vector<16xf32>
    %gt3A_351 = arith.cmpf ogt, %add3A_338, %gt3A_350 : vector<16xf32>
    %mul3A_352 = arith.constant 2.000000e-01 : f32
    %mul3A_353 = vector.broadcast %mul3A_352 : f32 to vector<16xf32>
    %mul3A_354 = arith.mulf %mul3A_353, %add3A_338 : vector<16xf32>
    %select_n3A_355 = arith.select %gt3A_351, %add3A_338, %mul3A_354 : vector<16xi1>, vector<16xf32>
    %mul3A_356 = arith.mulf %get3A_340, %select_n3A_355 : vector<16xf32>
    %max3A_357 = arith.maximumf %mul3A_348, %mul3A_356 : vector<16xf32>
    %add3A_358 = arith.addf %max3A_320, %max3A_357 : vector<16xf32>
    %reduce_sum3A_359 = arith.constant true
    %reduce_sum3A_360 = vector.broadcast %reduce_sum3A_359 : i1 to vector<16xi1>
    %reduce_sum3A_361 = tpu.scan <sum>, %add3A_358 masked %reduce_sum3A_360 : vector<16xf32>, vector<16xi1> -> vector<16xf32>
    %reduce_sum3A_362 = vector.extract %reduce_sum3A_361[15] : f32 from vector<16xf32>
    %max3A_363 = arith.maximumf %max3A_283, %reduce_sum3A_362 : f32
    %get3A_364 = arith.constant 0 : index
    %get3A_365 = tpu.vector_load %arg16[%get3A_364] {strides = array<i32>} : memref<128xf32, #tpu.memory_space<vmem>>, vector<16xf32>,
    %get3A_366 = arith.constant 16 : index
    %get3A_367 = tpu.vector_load %arg16[%get3A_366] {strides = array<i32>} : memref<128xf32, #tpu.memory_space<vmem>>, vector<16xf32>,
    %get3A_368 = arith.constant 32 : index
    %get3A_369 = tpu.vector_load %arg16[%get3A_368] {strides = array<i32>} : memref<128xf32, #tpu.memory_space<vmem>>, vector<16xf32>,
    %get3A_370 = arith.constant 48 : index
    %get3A_371 = tpu.vector_load %arg16[%get3A_370] {strides = array<i32>} : memref<128xf32, #tpu.memory_space<vmem>>, vector<16xf32>,
    %get3A_372 = arith.constant 64 : index
    %get3A_373 = tpu.vector_load %arg16[%get3A_372] {strides = array<i32>} : memref<128xf32, #tpu.memory_space<vmem>>, vector<16xf32>,
    %get3A_374 = arith.constant 80 : index
    %get3A_375 = tpu.vector_load %arg16[%get3A_374] {strides = array<i32>} : memref<128xf32, #tpu.memory_space<vmem>>, vector<16xf32>,
    %get3A_376 = arith.constant 96 : index
    %get3A_377 = tpu.vector_load %arg16[%get3A_376] {strides = array<i32>} : memref<128xf32, #tpu.memory_space<vmem>>, vector<16xf32>,
    %get3A_378 = arith.constant 112 : index
    %get3A_379 = tpu.vector_load %arg16[%get3A_378] {strides = array<i32>} : memref<128xf32, #tpu.memory_space<vmem>>, vector<16xf32>,
    %eq3A_380 = arith.constant 0 : i32
    %eq3A_381 = vector.broadcast %eq3A_380 : i32 to vector<16xi32>
    %eq3A_382 = arith.cmpi eq, %iota3A, %eq3A_381 : vector<16xi32>
    %run_scoped3A = arith.constant 0 : i32
    "tpu.region"() ({
      %run_scoped3A_410 = tpu.sem_alloc : memref<!tpu.dma_semaphore, #tpu.memory_space<semaphore_mem>>
      %dma_start3A_411 = arith.constant 0 : i32
      %dma_start3A_412 = tpu.memref_slice %arg10[%run_scoped3A, %dma_start3A_411] : memref<2x72xi32, #tpu.memory_space<vmem>> -> memref<1x72xi32, #tpu.memory_space<vmem>>
      %dma_start3A_413 = tpu.memref_squeeze %dma_start3A_412 : memref<1x72xi32, #tpu.memory_space<vmem>> -> memref<72xi32, #tpu.memory_space<vmem>>
      %dma_start3A_414 = tpu.memref_slice %arg2[%mul3A_2] : memref<360448xi32, #tpu.memory_space<hbm>> -> memref<72xi32, #tpu.memory_space<hbm>>
      %dma_start3A_415 = arith.constant 0 : i32
      %dma_start3A_416 = tpu.memref_slice %arg10[%run_scoped3A, %dma_start3A_415] : memref<2x72xi32, #tpu.memory_space<vmem>> -> memref<1x72xi32, #tpu.memory_space<vmem>>
      %dma_start3A_417 = tpu.memref_squeeze %dma_start3A_416 : memref<1x72xi32, #tpu.memory_space<vmem>> -> memref<72xi32, #tpu.memory_space<vmem>>
      %dma_start3A_418 = tpu.memref_slice %arg2[%mul3A_2] : memref<360448xi32, #tpu.memory_space<hbm>> -> memref<72xi32, #tpu.memory_space<hbm>>
      tpu.enqueue_dma source(%dma_start3A_418 : memref<72xi32, #tpu.memory_space<hbm>>) target(%dma_start3A_417 : memref<72xi32, #tpu.memory_space<vmem>>) target_semaphore(%run_scoped3A_410 : memref<!tpu.dma_semaphore, #tpu.memory_space<semaphore_mem>>)
      %dma_wait3A = arith.constant 0 : i32
      %dma_wait3A_419 = tpu.memref_slice %arg10[%run_scoped3A, %dma_wait3A] : memref<2x72xi32, #tpu.memory_space<vmem>> -> memref<1x72xi32, #tpu.memory_space<vmem>>
      %dma_wait3A_420 = tpu.memref_squeeze %dma_wait3A_419 : memref<1x72xi32, #tpu.memory_space<vmem>> -> memref<72xi32, #tpu.memory_space<vmem>>
      %dma_wait3A_421 = tpu.memref_slice %arg2[%mul3A_2] : memref<360448xi32, #tpu.memory_space<hbm>> -> memref<72xi32, #tpu.memory_space<hbm>>
      %dma_wait3A_422 = arith.constant 0 : i32
      %dma_wait3A_423 = tpu.memref_slice %arg10[%run_scoped3A, %dma_wait3A_422] : memref<2x72xi32, #tpu.memory_space<vmem>> -> memref<1x72xi32, #tpu.memory_space<vmem>>
      %dma_wait3A_424 = tpu.memref_squeeze %dma_wait3A_423 : memref<1x72xi32, #tpu.memory_space<vmem>> -> memref<72xi32, #tpu.memory_space<vmem>>
      %dma_wait3A_425 = tpu.memref_slice %arg2[%mul3A_2] : memref<360448xi32, #tpu.memory_space<hbm>> -> memref<72xi32, #tpu.memory_space<hbm>>
      tpu.wait_dma2 semaphore(%run_scoped3A_410 : memref<!tpu.dma_semaphore, #tpu.memory_space<semaphore_mem>>) src(%dma_wait3A_425 : memref<72xi32, #tpu.memory_space<hbm>>) dst(%dma_wait3A_424 : memref<72xi32, #tpu.memory_space<vmem>>)
      tpu.yield
    }) : () -> ()
    %run_scoped3A_383 = arith.constant 0 : i32
    "tpu.region"() ({
      %run_scoped3A_410 = tpu.sem_alloc : memref<!tpu.dma_semaphore, #tpu.memory_space<semaphore_mem>>
      %dma_start3A_411 = arith.constant 0 : i32
      %dma_start3A_412 = tpu.memref_slice %arg11[%run_scoped3A_383, %dma_start3A_411] : memref<2x72xi32, #tpu.memory_space<vmem>> -> memref<1x72xi32, #tpu.memory_space<vmem>>
      %dma_start3A_413 = tpu.memref_squeeze %dma_start3A_412 : memref<1x72xi32, #tpu.memory_space<vmem>> -> memref<72xi32, #tpu.memory_space<vmem>>
      %dma_start3A_414 = tpu.memref_slice %arg3[%mul3A_2] : memref<360448xi32, #tpu.memory_space<hbm>> -> memref<72xi32, #tpu.memory_space<hbm>>
      %dma_start3A_415 = arith.constant 0 : i32
      %dma_start3A_416 = tpu.memref_slice %arg11[%run_scoped3A_383, %dma_start3A_415] : memref<2x72xi32, #tpu.memory_space<vmem>> -> memref<1x72xi32, #tpu.memory_space<vmem>>
      %dma_start3A_417 = tpu.memref_squeeze %dma_start3A_416 : memref<1x72xi32, #tpu.memory_space<vmem>> -> memref<72xi32, #tpu.memory_space<vmem>>
      %dma_start3A_418 = tpu.memref_slice %arg3[%mul3A_2] : memref<360448xi32, #tpu.memory_space<hbm>> -> memref<72xi32, #tpu.memory_space<hbm>>
      tpu.enqueue_dma source(%dma_start3A_418 : memref<72xi32, #tpu.memory_space<hbm>>) target(%dma_start3A_417 : memref<72xi32, #tpu.memory_space<vmem>>) target_semaphore(%run_scoped3A_410 : memref<!tpu.dma_semaphore, #tpu.memory_space<semaphore_mem>>)
      %dma_wait3A = arith.constant 0 : i32
      %dma_wait3A_419 = tpu.memref_slice %arg11[%run_scoped3A_383, %dma_wait3A] : memref<2x72xi32, #tpu.memory_space<vmem>> -> memref<1x72xi32, #tpu.memory_space<vmem>>
      %dma_wait3A_420 = tpu.memref_squeeze %dma_wait3A_419 : memref<1x72xi32, #tpu.memory_space<vmem>> -> memref<72xi32, #tpu.memory_space<vmem>>
      %dma_wait3A_421 = tpu.memref_slice %arg3[%mul3A_2] : memref<360448xi32, #tpu.memory_space<hbm>> -> memref<72xi32, #tpu.memory_space<hbm>>
      %dma_wait3A_422 = arith.constant 0 : i32
      %dma_wait3A_423 = tpu.memref_slice %arg11[%run_scoped3A_383, %dma_wait3A_422] : memref<2x72xi32, #tpu.memory_space<vmem>> -> memref<1x72xi32, #tpu.memory_space<vmem>>
      %dma_wait3A_424 = tpu.memref_squeeze %dma_wait3A_423 : memref<1x72xi32, #tpu.memory_space<vmem>> -> memref<72xi32, #tpu.memory_space<vmem>>
      %dma_wait3A_425 = tpu.memref_slice %arg3[%mul3A_2] : memref<360448xi32, #tpu.memory_space<hbm>> -> memref<72xi32, #tpu.memory_space<hbm>>
      tpu.wait_dma2 semaphore(%run_scoped3A_410 : memref<!tpu.dma_semaphore, #tpu.memory_space<semaphore_mem>>) src(%dma_wait3A_425 : memref<72xi32, #tpu.memory_space<hbm>>) dst(%dma_wait3A_424 : memref<72xi32, #tpu.memory_space<vmem>>)
      tpu.yield
    }) : () -> ()
    %dma_start3A = arith.constant 0 : i32
    %dma_start3A_384 = arith.constant 0 : i32
    %dma_start3A_385 = tpu.memref_slice %arg10[%dma_start3A, %dma_start3A_384] : memref<2x72xi32, #tpu.memory_space<vmem>> -> memref<1x72xi32, #tpu.memory_space<vmem>>
    %dma_start3A_386 = tpu.memref_squeeze %dma_start3A_385 : memref<1x72xi32, #tpu.memory_space<vmem>> -> memref<72xi32, #tpu.memory_space<vmem>>
    %dma_start3A_387 = arith.constant 0 : i32
    %dma_start3A_388 = arith.constant 0 : i32
    %dma_start3A_389 = tpu.memref_slice %arg4[%dma_start3A_387, %dma_start3A_388] : memref<10000x128xf32, #tpu.memory_space<hbm>> -> memref<10000x128xf32, #tpu.memory_space<hbm>>
    tpu.enqueue_indirect_dma source(%dma_start3A_389 : memref<10000x128xf32, #tpu.memory_space<hbm>>) target(%arg12 : memref<72x128xf32, #tpu.memory_space<vmem>>) offsets(%dma_start3A_386 : memref<72xi32, #tpu.memory_space<vmem>>) semaphore(%arg22 : memref<!tpu.dma_semaphore, #tpu.memory_space<semaphore_mem>>)
    %dma_start3A_390 = arith.constant 0 : i32
    %dma_start3A_391 = arith.constant 0 : i32
    %dma_start3A_392 = tpu.memref_slice %arg11[%dma_start3A_390, %dma_start3A_391] : memref<2x72xi32, #tpu.memory_space<vmem>> -> memref<1x72xi32, #tpu.memory_space<vmem>>
    %dma_start3A_393 = tpu.memref_squeeze %dma_start3A_392 : memref<1x72xi32, #tpu.memory_space<vmem>> -> memref<72xi32, #tpu.memory_space<vmem>>
    %dma_start3A_394 = arith.constant 0 : i32
    %dma_start3A_395 = arith.constant 0 : i32
    %dma_start3A_396 = tpu.memref_slice %arg5[%dma_start3A_394, %dma_start3A_395] : memref<10000x128xf32, #tpu.memory_space<hbm>> -> memref<10000x128xf32, #tpu.memory_space<hbm>>
    tpu.enqueue_indirect_dma source(%dma_start3A_396 : memref<10000x128xf32, #tpu.memory_space<hbm>>) target(%arg14 : memref<72x128xf32, #tpu.memory_space<vmem>>) offsets(%dma_start3A_393 : memref<72xi32, #tpu.memory_space<vmem>>) semaphore(%arg24 : memref<!tpu.dma_semaphore, #tpu.memory_space<semaphore_mem>>)
    %scan3A_397 = arith.constant 0 : i32
    %scan3A_398 = arith.constant 0 : i32
    %scan3A_399 = arith.constant 72 : i32
    %scan3A_400 = arith.addi %scan3A_398, %scan3A_399 : i32
    %scan3A_401 = arith.constant 1 : i32
    %scan3A_402 = scf.for %scan3A_410 = %scan3A_398 to %scan3A_400 step %scan3A_401 iter_args(%scan3A_411 = %scan3A_397) -> (i32)  : i32 {
      %mul3A_412 = arith.constant 2 : i32
      %mul3A_413 = arith.muli %mul3A_412, %scan3A_410 : i32
      %mul3A_414 = arith.constant 72 : i32
      %mul3A_415 = arith.muli %mul3A_413, %mul3A_414 : i32
      %add3A_416 = arith.addi %mul3A_2, %mul3A_415 : i32
      %add3A_417 = arith.constant 72 : i32
      %add3A_418 = arith.addi %add3A_416, %add3A_417 : i32
      %run_scoped3A_419 = arith.constant 1 : i32
      "tpu.region"() ({
        %run_scoped3A_489 = tpu.sem_alloc : memref<!tpu.dma_semaphore, #tpu.memory_space<semaphore_mem>>
        %dma_start3A_490 = arith.constant 0 : i32
        %dma_start3A_491 = tpu.memref_slice %arg10[%run_scoped3A_419, %dma_start3A_490] : memref<2x72xi32, #tpu.memory_space<vmem>> -> memref<1x72xi32, #tpu.memory_space<vmem>>
        %dma_start3A_492 = tpu.memref_squeeze %dma_start3A_491 : memref<1x72xi32, #tpu.memory_space<vmem>> -> memref<72xi32, #tpu.memory_space<vmem>>
        %dma_start3A_493 = tpu.memref_slice %arg2[%add3A_418] : memref<360448xi32, #tpu.memory_space<hbm>> -> memref<72xi32, #tpu.memory_space<hbm>>
        %dma_start3A_494 = arith.constant 0 : i32
        %dma_start3A_495 = tpu.memref_slice %arg10[%run_scoped3A_419, %dma_start3A_494] : memref<2x72xi32, #tpu.memory_space<vmem>> -> memref<1x72xi32, #tpu.memory_space<vmem>>
        %dma_start3A_496 = tpu.memref_squeeze %dma_start3A_495 : memref<1x72xi32, #tpu.memory_space<vmem>> -> memref<72xi32, #tpu.memory_space<vmem>>
        %dma_start3A_497 = tpu.memref_slice %arg2[%add3A_418] : memref<360448xi32, #tpu.memory_space<hbm>> -> memref<72xi32, #tpu.memory_space<hbm>>
        tpu.enqueue_dma source(%dma_start3A_497 : memref<72xi32, #tpu.memory_space<hbm>>) target(%dma_start3A_496 : memref<72xi32, #tpu.memory_space<vmem>>) target_semaphore(%run_scoped3A_489 : memref<!tpu.dma_semaphore, #tpu.memory_space<semaphore_mem>>)
        %dma_wait3A_498 = arith.constant 0 : i32
        %dma_wait3A_499 = tpu.memref_slice %arg10[%run_scoped3A_419, %dma_wait3A_498] : memref<2x72xi32, #tpu.memory_space<vmem>> -> memref<1x72xi32, #tpu.memory_space<vmem>>
        %dma_wait3A_500 = tpu.memref_squeeze %dma_wait3A_499 : memref<1x72xi32, #tpu.memory_space<vmem>> -> memref<72xi32, #tpu.memory_space<vmem>>
        %dma_wait3A_501 = tpu.memref_slice %arg2[%add3A_418] : memref<360448xi32, #tpu.memory_space<hbm>> -> memref<72xi32, #tpu.memory_space<hbm>>
        %dma_wait3A_502 = arith.constant 0 : i32
        %dma_wait3A_503 = tpu.memref_slice %arg10[%run_scoped3A_419, %dma_wait3A_502] : memref<2x72xi32, #tpu.memory_space<vmem>> -> memref<1x72xi32, #tpu.memory_space<vmem>>
        %dma_wait3A_504 = tpu.memref_squeeze %dma_wait3A_503 : memref<1x72xi32, #tpu.memory_space<vmem>> -> memref<72xi32, #tpu.memory_space<vmem>>
        %dma_wait3A_505 = tpu.memref_slice %arg2[%add3A_418] : memref<360448xi32, #tpu.memory_space<hbm>> -> memref<72xi32, #tpu.memory_space<hbm>>
        tpu.wait_dma2 semaphore(%run_scoped3A_489 : memref<!tpu.dma_semaphore, #tpu.memory_space<semaphore_mem>>) src(%dma_wait3A_505 : memref<72xi32, #tpu.memory_space<hbm>>) dst(%dma_wait3A_504 : memref<72xi32, #tpu.memory_space<vmem>>)
        tpu.yield
      }) : () -> ()
      %run_scoped3A_420 = arith.constant 1 : i32
      "tpu.region"() ({
        %run_scoped3A_489 = tpu.sem_alloc : memref<!tpu.dma_semaphore, #tpu.memory_space<semaphore_mem>>
        %dma_start3A_490 = arith.constant 0 : i32
        %dma_start3A_491 = tpu.memref_slice %arg11[%run_scoped3A_420, %dma_start3A_490] : memref<2x72xi32, #tpu.memory_space<vmem>> -> memref<1x72xi32, #tpu.memory_space<vmem>>
        %dma_start3A_492 = tpu.memref_squeeze %dma_start3A_491 : memref<1x72xi32, #tpu.memory_space<vmem>> -> memref<72xi32, #tpu.memory_space<vmem>>
        %dma_start3A_493 = tpu.memref_slice %arg3[%add3A_418] : memref<360448xi32, #tpu.memory_space<hbm>> -> memref<72xi32, #tpu.memory_space<hbm>>
        %dma_start3A_494 = arith.constant 0 : i32
        %dma_start3A_495 = tpu.memref_slice %arg11[%run_scoped3A_420, %dma_start3A_494] : memref<2x72xi32, #tpu.memory_space<vmem>> -> memref<1x72xi32, #tpu.memory_space<vmem>>
        %dma_start3A_496 = tpu.memref_squeeze %dma_start3A_495 : memref<1x72xi32, #tpu.memory_space<vmem>> -> memref<72xi32, #tpu.memory_space<vmem>>
        %dma_start3A_497 = tpu.memref_slice %arg3[%add3A_418] : memref<360448xi32, #tpu.memory_space<hbm>> -> memref<72xi32, #tpu.memory_space<hbm>>
        tpu.enqueue_dma source(%dma_start3A_497 : memref<72xi32, #tpu.memory_space<hbm>>) target(%dma_start3A_496 : memref<72xi32, #tpu.memory_space<vmem>>) target_semaphore(%run_scoped3A_489 : memref<!tpu.dma_semaphore, #tpu.memory_space<semaphore_mem>>)
        %dma_wait3A_498 = arith.constant 0 : i32
        %dma_wait3A_499 = tpu.memref_slice %arg11[%run_scoped3A_420, %dma_wait3A_498] : memref<2x72xi32, #tpu.memory_space<vmem>> -> memref<1x72xi32, #tpu.memory_space<vmem>>
        %dma_wait3A_500 = tpu.memref_squeeze %dma_wait3A_499 : memref<1x72xi32, #tpu.memory_space<vmem>> -> memref<72xi32, #tpu.memory_space<vmem>>
        %dma_wait3A_501 = tpu.memref_slice %arg3[%add3A_418] : memref<360448xi32, #tpu.memory_space<hbm>> -> memref<72xi32, #tpu.memory_space<hbm>>
        %dma_wait3A_502 = arith.constant 0 : i32
        %dma_wait3A_503 = tpu.memref_slice %arg11[%run_scoped3A_420, %dma_wait3A_502] : memref<2x72xi32, #tpu.memory_space<vmem>> -> memref<1x72xi32, #tpu.memory_space<vmem>>
        %dma_wait3A_504 = tpu.memref_squeeze %dma_wait3A_503 : memref<1x72xi32, #tpu.memory_space<vmem>> -> memref<72xi32, #tpu.memory_space<vmem>>
        %dma_wait3A_505 = tpu.memref_slice %arg3[%add3A_418] : memref<360448xi32, #tpu.memory_space<hbm>> -> memref<72xi32, #tpu.memory_space<hbm>>
        tpu.wait_dma2 semaphore(%run_scoped3A_489 : memref<!tpu.dma_semaphore, #tpu.memory_space<semaphore_mem>>) src(%dma_wait3A_505 : memref<72xi32, #tpu.memory_space<hbm>>) dst(%dma_wait3A_504 : memref<72xi32, #tpu.memory_space<vmem>>)
        tpu.yield
      }) : () -> ()
      %dma_start3A_421 = arith.constant 1 : i32
      %dma_start3A_422 = arith.constant 0 : i32
      %dma_start3A_423 = tpu.memref_slice %arg10[%dma_start3A_421, %dma_start3A_422] : memref<2x72xi32, #tpu.memory_space<vmem>> -> memref<1x72xi32, #tpu.memory_space<vmem>>
      %dma_start3A_424 = tpu.memref_squeeze %dma_start3A_423 : memref<1x72xi32, #tpu.memory_space<vmem>> -> memref<72xi32, #tpu.memory_space<vmem>>
      %dma_start3A_425 = arith.constant 0 : i32
      %dma_start3A_426 = arith.constant 0 : i32
      %dma_start3A_427 = tpu.memref_slice %arg4[%dma_start3A_425, %dma_start3A_426] : memref<10000x128xf32, #tpu.memory_space<hbm>> -> memref<10000x128xf32, #tpu.memory_space<hbm>>
      tpu.enqueue_indirect_dma source(%dma_start3A_427 : memref<10000x128xf32, #tpu.memory_space<hbm>>) target(%arg13 : memref<72x128xf32, #tpu.memory_space<vmem>>) offsets(%dma_start3A_424 : memref<72xi32, #tpu.memory_space<vmem>>) semaphore(%arg23 : memref<!tpu.dma_semaphore, #tpu.memory_space<semaphore_mem>>)
      %dma_start3A_428 = arith.constant 1 : i32
      %dma_start3A_429 = arith.constant 0 : i32
      %dma_start3A_430 = tpu.memref_slice %arg11[%dma_start3A_428, %dma_start3A_429] : memref<2x72xi32, #tpu.memory_space<vmem>> -> memref<1x72xi32, #tpu.memory_space<vmem>>
      %dma_start3A_431 = tpu.memref_squeeze %dma_start3A_430 : memref<1x72xi32, #tpu.memory_space<vmem>> -> memref<72xi32, #tpu.memory_space<vmem>>
      %dma_start3A_432 = arith.constant 0 : i32
      %dma_start3A_433 = arith.constant 0 : i32
      %dma_start3A_434 = tpu.memref_slice %arg5[%dma_start3A_432, %dma_start3A_433] : memref<10000x128xf32, #tpu.memory_space<hbm>> -> memref<10000x128xf32, #tpu.memory_space<hbm>>
      tpu.enqueue_indirect_dma source(%dma_start3A_434 : memref<10000x128xf32, #tpu.memory_space<hbm>>) target(%arg15 : memref<72x128xf32, #tpu.memory_space<vmem>>) offsets(%dma_start3A_431 : memref<72xi32, #tpu.memory_space<vmem>>) semaphore(%arg25 : memref<!tpu.dma_semaphore, #tpu.memory_space<semaphore_mem>>)
      %dma_wait3A = arith.constant 0 : i32
      %dma_wait3A_435 = arith.constant 0 : i32
      %dma_wait3A_436 = tpu.memref_slice %arg10[%dma_wait3A, %dma_wait3A_435] : memref<2x72xi32, #tpu.memory_space<vmem>> -> memref<1x72xi32, #tpu.memory_space<vmem>>
      %dma_wait3A_437 = tpu.memref_squeeze %dma_wait3A_436 : memref<1x72xi32, #tpu.memory_space<vmem>> -> memref<72xi32, #tpu.memory_space<vmem>>
      %dma_wait3A_438 = arith.constant 0 : i32
      %dma_wait3A_439 = arith.constant 0 : i32
      %dma_wait3A_440 = tpu.memref_slice %arg4[%dma_wait3A_438, %dma_wait3A_439] : memref<10000x128xf32, #tpu.memory_space<hbm>> -> memref<10000x128xf32, #tpu.memory_space<hbm>>
      tpu.wait_indirect_dma semaphore(%arg22 : memref<!tpu.dma_semaphore, #tpu.memory_space<semaphore_mem>>) src(%dma_wait3A_440 : memref<10000x128xf32, #tpu.memory_space<hbm>>) dst(%arg12 : memref<72x128xf32, #tpu.memory_space<vmem>>)
      %dma_wait3A_441 = arith.constant 0 : i32
      %dma_wait3A_442 = arith.constant 0 : i32
      %dma_wait3A_443 = tpu.memref_slice %arg11[%dma_wait3A_441, %dma_wait3A_442] : memref<2x72xi32, #tpu.memory_space<vmem>> -> memref<1x72xi32, #tpu.memory_space<vmem>>
      %dma_wait3A_444 = tpu.memref_squeeze %dma_wait3A_443 : memref<1x72xi32, #tpu.memory_space<vmem>> -> memref<72xi32, #tpu.memory_space<vmem>>
      %dma_wait3A_445 = arith.constant 0 : i32
      %dma_wait3A_446 = arith.constant 0 : i32
      %dma_wait3A_447 = tpu.memref_slice %arg5[%dma_wait3A_445, %dma_wait3A_446] : memref<10000x128xf32, #tpu.memory_space<hbm>> -> memref<10000x128xf32, #tpu.memory_space<hbm>>
      tpu.wait_indirect_dma semaphore(%arg24 : memref<!tpu.dma_semaphore, #tpu.memory_space<semaphore_mem>>) src(%dma_wait3A_447 : memref<10000x128xf32, #tpu.memory_space<hbm>>) dst(%arg14 : memref<72x128xf32, #tpu.memory_space<vmem>>)
      %scan3A_448 = arith.constant 0 : i32
      %scan3A_449 = arith.constant 0 : i32
      %scan3A_450 = arith.constant 72 : i32
      %scan3A_451 = arith.addi %scan3A_449, %scan3A_450 : i32
      %scan3A_452 = arith.constant 1 : i32
      %scan3A_453 = scf.for %scan3A_489 = %scan3A_449 to %scan3A_451 step %scan3A_452 iter_args(%scan3A_490 = %scan3A_448) -> (i32)  : i32 {
        %mul3A_491 = arith.constant 1 : i32
        %mul3A_492 = arith.muli %scan3A_489, %mul3A_491 : i32
        %add3A_493 = arith.constant 0 : i32
        %add3A_494 = arith.addi %mul3A_492, %add3A_493 : i32
        %broadcast_in_dim3A_495 = vector.broadcast %add3A_494 : i32 to vector<16xi32>
        %add3A_496 = arith.addi %add3A_416, %add3A_494 : i32
        %broadcast_in_dim3A_497 = vector.broadcast %add3A_496 : i32 to vector<16xi32>
        %lt3A_498 = arith.constant 330000 : i32
        %lt3A_499 = vector.broadcast %lt3A_498 : i32 to vector<16xi32>
        %lt3A_500 = arith.cmpi slt, %broadcast_in_dim3A_497, %lt3A_499 : vector<16xi32>
        %get3A_501 = arith.index_cast %add3A_494 : i32 to index
        %get3A_502 = arith.constant 0 : index
        %get3A_503 = tpu.vector_load %arg12[%get3A_501, %get3A_502] {strides = array<i32>} : memref<72x128xf32, #tpu.memory_space<vmem>>, vector<16xf32>,
        %get3A_504 = arith.index_cast %add3A_494 : i32 to index
        %get3A_505 = arith.constant 16 : index
        %get3A_506 = tpu.vector_load %arg12[%get3A_504, %get3A_505] {strides = array<i32>} : memref<72x128xf32, #tpu.memory_space<vmem>>, vector<16xf32>,
        %get3A_507 = arith.index_cast %add3A_494 : i32 to index
        %get3A_508 = arith.constant 32 : index
        %get3A_509 = tpu.vector_load %arg12[%get3A_507, %get3A_508] {strides = array<i32>} : memref<72x128xf32, #tpu.memory_space<vmem>>, vector<16xf32>,
        %get3A_510 = arith.index_cast %add3A_494 : i32 to index
        %get3A_511 = arith.constant 48 : index
        %get3A_512 = tpu.vector_load %arg12[%get3A_510, %get3A_511] {strides = array<i32>} : memref<72x128xf32, #tpu.memory_space<vmem>>, vector<16xf32>,
        %get3A_513 = arith.index_cast %add3A_494 : i32 to index
        %get3A_514 = arith.constant 64 : index
        %get3A_515 = tpu.vector_load %arg12[%get3A_513, %get3A_514] {strides = array<i32>} : memref<72x128xf32, #tpu.memory_space<vmem>>, vector<16xf32>,
        %get3A_516 = arith.index_cast %add3A_494 : i32 to index
        %get3A_517 = arith.constant 80 : index
        %get3A_518 = tpu.vector_load %arg12[%get3A_516, %get3A_517] {strides = array<i32>} : memref<72x128xf32, #tpu.memory_space<vmem>>, vector<16xf32>,
        %get3A_519 = arith.index_cast %add3A_494 : i32 to index
        %get3A_520 = arith.constant 96 : index
        %get3A_521 = tpu.vector_load %arg12[%get3A_519, %get3A_520] {strides = array<i32>} : memref<72x128xf32, #tpu.memory_space<vmem>>, vector<16xf32>,
        %get3A_522 = arith.index_cast %add3A_494 : i32 to index
        %get3A_523 = arith.constant 112 : index
        %get3A_524 = tpu.vector_load %arg12[%get3A_522, %get3A_523] {strides = array<i32>} : memref<72x128xf32, #tpu.memory_space<vmem>>, vector<16xf32>,
        %get3A_525 = arith.index_cast %add3A_494 : i32 to index
        %get3A_526 = arith.constant 0 : index
        %get3A_527 = tpu.vector_load %arg14[%get3A_525, %get3A_526] {strides = array<i32>} : memref<72x128xf32, #tpu.memory_space<vmem>>, vector<16xf32>,
        %add3A_528 = arith.addf %get3A_503, %get3A_527 : vector<16xf32>
        %gt3A_529 = arith.constant 0.000000e+00 : f32
        %gt3A_530 = vector.broadcast %gt3A_529 : f32 to vector<16xf32>
        %gt3A_531 = arith.cmpf ogt, %add3A_528, %gt3A_530 : vector<16xf32>
        %mul3A_532 = arith.constant 2.000000e-01 : f32
        %mul3A_533 = vector.broadcast %mul3A_532 : f32 to vector<16xf32>
        %mul3A_534 = arith.mulf %mul3A_533, %add3A_528 : vector<16xf32>
        %select_n3A_535 = arith.select %gt3A_531, %add3A_528, %mul3A_534 : vector<16xi1>, vector<16xf32>
        %mul3A_536 = arith.mulf %select_n3A_535, %get3A_365 : vector<16xf32>
        %get3A_537 = arith.index_cast %add3A_494 : i32 to index
        %get3A_538 = arith.constant 16 : index
        %get3A_539 = tpu.vector_load %arg14[%get3A_537, %get3A_538] {strides = array<i32>} : memref<72x128xf32, #tpu.memory_space<vmem>>, vector<16xf32>,
        %add3A_540 = arith.addf %get3A_506, %get3A_539 : vector<16xf32>
        %gt3A_541 = arith.constant 0.000000e+00 : f32
        %gt3A_542 = vector.broadcast %gt3A_541 : f32 to vector<16xf32>
        %gt3A_543 = arith.cmpf ogt, %add3A_540, %gt3A_542 : vector<16xf32>
        %mul3A_544 = arith.constant 2.000000e-01 : f32
        %mul3A_545 = vector.broadcast %mul3A_544 : f32 to vector<16xf32>
        %mul3A_546 = arith.mulf %mul3A_545, %add3A_540 : vector<16xf32>
        %select_n3A_547 = arith.select %gt3A_543, %add3A_540, %mul3A_546 : vector<16xi1>, vector<16xf32>
        %mul3A_548 = arith.mulf %select_n3A_547, %get3A_367 : vector<16xf32>
        %get3A_549 = arith.index_cast %add3A_494 : i32 to index
        %get3A_550 = arith.constant 32 : index
        %get3A_551 = tpu.vector_load %arg14[%get3A_549, %get3A_550] {strides = array<i32>} : memref<72x128xf32, #tpu.memory_space<vmem>>, vector<16xf32>,
        %add3A_552 = arith.addf %get3A_509, %get3A_551 : vector<16xf32>
        %gt3A_553 = arith.constant 0.000000e+00 : f32
        %gt3A_554 = vector.broadcast %gt3A_553 : f32 to vector<16xf32>
        %gt3A_555 = arith.cmpf ogt, %add3A_552, %gt3A_554 : vector<16xf32>
        %mul3A_556 = arith.constant 2.000000e-01 : f32
        %mul3A_557 = vector.broadcast %mul3A_556 : f32 to vector<16xf32>
        %mul3A_558 = arith.mulf %mul3A_557, %add3A_552 : vector<16xf32>
        %select_n3A_559 = arith.select %gt3A_555, %add3A_552, %mul3A_558 : vector<16xi1>, vector<16xf32>
        %mul3A_560 = arith.mulf %select_n3A_559, %get3A_369 : vector<16xf32>
        %get3A_561 = arith.index_cast %add3A_494 : i32 to index
        %get3A_562 = arith.constant 48 : index
        %get3A_563 = tpu.vector_load %arg14[%get3A_561, %get3A_562] {strides = array<i32>} : memref<72x128xf32, #tpu.memory_space<vmem>>, vector<16xf32>,
        %add3A_564 = arith.addf %get3A_512, %get3A_563 : vector<16xf32>
        %gt3A_565 = arith.constant 0.000000e+00 : f32
        %gt3A_566 = vector.broadcast %gt3A_565 : f32 to vector<16xf32>
        %gt3A_567 = arith.cmpf ogt, %add3A_564, %gt3A_566 : vector<16xf32>
        %mul3A_568 = arith.constant 2.000000e-01 : f32
        %mul3A_569 = vector.broadcast %mul3A_568 : f32 to vector<16xf32>
        %mul3A_570 = arith.mulf %mul3A_569, %add3A_564 : vector<16xf32>
        %select_n3A_571 = arith.select %gt3A_567, %add3A_564, %mul3A_570 : vector<16xi1>, vector<16xf32>
        %mul3A_572 = arith.mulf %select_n3A_571, %get3A_371 : vector<16xf32>
        %get3A_573 = arith.index_cast %add3A_494 : i32 to index
        %get3A_574 = arith.constant 64 : index
        %get3A_575 = tpu.vector_load %arg14[%get3A_573, %get3A_574] {strides = array<i32>} : memref<72x128xf32, #tpu.memory_space<vmem>>, vector<16xf32>,
        %add3A_576 = arith.addf %get3A_515, %get3A_575 : vector<16xf32>
        %gt3A_577 = arith.constant 0.000000e+00 : f32
        %gt3A_578 = vector.broadcast %gt3A_577 : f32 to vector<16xf32>
        %gt3A_579 = arith.cmpf ogt, %add3A_576, %gt3A_578 : vector<16xf32>
        %mul3A_580 = arith.constant 2.000000e-01 : f32
        %mul3A_581 = vector.broadcast %mul3A_580 : f32 to vector<16xf32>
        %mul3A_582 = arith.mulf %mul3A_581, %add3A_576 : vector<16xf32>
        %select_n3A_583 = arith.select %gt3A_579, %add3A_576, %mul3A_582 : vector<16xi1>, vector<16xf32>
        %mul3A_584 = arith.mulf %select_n3A_583, %get3A_373 : vector<16xf32>
        %get3A_585 = arith.index_cast %add3A_494 : i32 to index
        %get3A_586 = arith.constant 80 : index
        %get3A_587 = tpu.vector_load %arg14[%get3A_585, %get3A_586] {strides = array<i32>} : memref<72x128xf32, #tpu.memory_space<vmem>>, vector<16xf32>,
        %add3A_588 = arith.addf %get3A_518, %get3A_587 : vector<16xf32>
        %gt3A_589 = arith.constant 0.000000e+00 : f32
        %gt3A_590 = vector.broadcast %gt3A_589 : f32 to vector<16xf32>
        %gt3A_591 = arith.cmpf ogt, %add3A_588, %gt3A_590 : vector<16xf32>
        %mul3A_592 = arith.constant 2.000000e-01 : f32
        %mul3A_593 = vector.broadcast %mul3A_592 : f32 to vector<16xf32>
        %mul3A_594 = arith.mulf %mul3A_593, %add3A_588 : vector<16xf32>
        %select_n3A_595 = arith.select %gt3A_591, %add3A_588, %mul3A_594 : vector<16xi1>, vector<16xf32>
        %mul3A_596 = arith.mulf %select_n3A_595, %get3A_375 : vector<16xf32>
        %get3A_597 = arith.index_cast %add3A_494 : i32 to index
        %get3A_598 = arith.constant 96 : index
        %get3A_599 = tpu.vector_load %arg14[%get3A_597, %get3A_598] {strides = array<i32>} : memref<72x128xf32, #tpu.memory_space<vmem>>, vector<16xf32>,
        %add3A_600 = arith.addf %get3A_521, %get3A_599 : vector<16xf32>
        %gt3A_601 = arith.constant 0.000000e+00 : f32
        %gt3A_602 = vector.broadcast %gt3A_601 : f32 to vector<16xf32>
        %gt3A_603 = arith.cmpf ogt, %add3A_600, %gt3A_602 : vector<16xf32>
        %mul3A_604 = arith.constant 2.000000e-01 : f32
        %mul3A_605 = vector.broadcast %mul3A_604 : f32 to vector<16xf32>
        %mul3A_606 = arith.mulf %mul3A_605, %add3A_600 : vector<16xf32>
        %select_n3A_607 = arith.select %gt3A_603, %add3A_600, %mul3A_606 : vector<16xi1>, vector<16xf32>
        %mul3A_608 = arith.mulf %select_n3A_607, %get3A_377 : vector<16xf32>
        %get3A_609 = arith.index_cast %add3A_494 : i32 to index
        %get3A_610 = arith.constant 112 : index
        %get3A_611 = tpu.vector_load %arg14[%get3A_609, %get3A_610] {strides = array<i32>} : memref<72x128xf32, #tpu.memory_space<vmem>>, vector<16xf32>,
        %add3A_612 = arith.addf %get3A_524, %get3A_611 : vector<16xf32>
        %gt3A_613 = arith.constant 0.000000e+00 : f32
        %gt3A_614 = vector.broadcast %gt3A_613 : f32 to vector<16xf32>
        %gt3A_615 = arith.cmpf ogt, %add3A_612, %gt3A_614 : vector<16xf32>
        %mul3A_616 = arith.constant 2.000000e-01 : f32
        %mul3A_617 = vector.broadcast %mul3A_616 : f32 to vector<16xf32>
        %mul3A_618 = arith.mulf %mul3A_617, %add3A_612 : vector<16xf32>
        %select_n3A_619 = arith.select %gt3A_615, %add3A_612, %mul3A_618 : vector<16xi1>, vector<16xf32>
        %mul3A_620 = arith.mulf %select_n3A_619, %get3A_379 : vector<16xf32>
        %add3A_621 = arith.addf %mul3A_536, %mul3A_548 : vector<16xf32>
        %xor3A = arith.constant 8 : i32
        %xor3A_622 = vector.broadcast %xor3A : i32 to vector<16xi32>
        %xor3A_623 = arith.xori %iota3A, %xor3A_622 : vector<16xi32>
        %broadcast_in_dim3A_624 = vector.shape_cast %xor3A_623 : vector<16xi32> to vector<16x1xi32>
        %gather3A = vector.shape_cast %broadcast_in_dim3A_624 : vector<16x1xi32> to vector<16xi32>
        %gather3A_625 = tpu.dynamic_gather %add3A_621[%gather3A] in [0] : vector<16xf32>, vector<16xi32> -> vector<16xf32>
        %add3A_626 = arith.addf %add3A_621, %gather3A_625 : vector<16xf32>
        %xor3A_627 = arith.constant 4 : i32
        %xor3A_628 = vector.broadcast %xor3A_627 : i32 to vector<16xi32>
        %xor3A_629 = arith.xori %iota3A, %xor3A_628 : vector<16xi32>
        %broadcast_in_dim3A_630 = vector.shape_cast %xor3A_629 : vector<16xi32> to vector<16x1xi32>
        %gather3A_631 = vector.shape_cast %broadcast_in_dim3A_630 : vector<16x1xi32> to vector<16xi32>
        %gather3A_632 = tpu.dynamic_gather %add3A_626[%gather3A_631] in [0] : vector<16xf32>, vector<16xi32> -> vector<16xf32>
        %add3A_633 = arith.addf %add3A_626, %gather3A_632 : vector<16xf32>
        %xor3A_634 = arith.constant 2 : i32
        %xor3A_635 = vector.broadcast %xor3A_634 : i32 to vector<16xi32>
        %xor3A_636 = arith.xori %iota3A, %xor3A_635 : vector<16xi32>
        %broadcast_in_dim3A_637 = vector.shape_cast %xor3A_636 : vector<16xi32> to vector<16x1xi32>
        %gather3A_638 = vector.shape_cast %broadcast_in_dim3A_637 : vector<16x1xi32> to vector<16xi32>
        %gather3A_639 = tpu.dynamic_gather %add3A_633[%gather3A_638] in [0] : vector<16xf32>, vector<16xi32> -> vector<16xf32>
        %add3A_640 = arith.addf %add3A_633, %gather3A_639 : vector<16xf32>
        %xor3A_641 = arith.constant 1 : i32
        %xor3A_642 = vector.broadcast %xor3A_641 : i32 to vector<16xi32>
        %xor3A_643 = arith.xori %iota3A, %xor3A_642 : vector<16xi32>
        %broadcast_in_dim3A_644 = vector.shape_cast %xor3A_643 : vector<16xi32> to vector<16x1xi32>
        %gather3A_645 = vector.shape_cast %broadcast_in_dim3A_644 : vector<16x1xi32> to vector<16xi32>
        %gather3A_646 = tpu.dynamic_gather %add3A_640[%gather3A_645] in [0] : vector<16xf32>, vector<16xi32> -> vector<16xf32>
        %add3A_647 = arith.addf %add3A_640, %gather3A_646 : vector<16xf32>
        %sub3A = vector.broadcast %max3A_363 : f32 to vector<16xf32>
        %sub3A_648 = arith.subf %add3A_647, %sub3A : vector<16xf32>
        %exp3A = math.exp %sub3A_648 : vector<16xf32>
        %jit3A = arith.constant 0.000000e+00 : f32
        %broadcast_in_dim3A_649 = vector.broadcast %jit3A : f32 to vector<16xf32>
        %select_n3A_650 = arith.select %lt3A_500, %exp3A, %broadcast_in_dim3A_649 : vector<16xi1>, vector<16xf32>
        %broadcast_in_dim3A_651 = arith.constant 0 : i32
        %broadcast_in_dim3A_652 = vector.broadcast %broadcast_in_dim3A_651 : i32 to vector<16xi32>
        tpu.vector_store_idx %arg18[%broadcast_in_dim3A_495, %broadcast_in_dim3A_652], %select_n3A_650 masked %eq3A_382 : memref<72x16xf32, #tpu.memory_space<vmem>>[vector<16xi32>, vector<16xi32>], vector<16xf32>, vector<16xi1>
        %mul3A_653 = arith.mulf %get3A_503, %select_n3A_650 : vector<16xf32>
        %swap3A = arith.index_cast %add3A_494 : i32 to index
        %swap3A_654 = arith.constant 0 : index
        %swap3A_655 = tpu.vector_load %arg12[%swap3A, %swap3A_654] {strides = array<i32>} : memref<72x128xf32, #tpu.memory_space<vmem>>, vector<16xf32>,
        tpu.vector_store %arg12[%swap3A, %swap3A_654], %mul3A_653 {strides = array<i32>} : memref<72x128xf32, #tpu.memory_space<vmem>>, vector<16xf32>,
        %mul3A_656 = arith.mulf %get3A_506, %select_n3A_650 : vector<16xf32>
        %swap3A_657 = arith.index_cast %add3A_494 : i32 to index
        %swap3A_658 = arith.constant 16 : index
        %swap3A_659 = tpu.vector_load %arg12[%swap3A_657, %swap3A_658] {strides = array<i32>} : memref<72x128xf32, #tpu.memory_space<vmem>>, vector<16xf32>,
        tpu.vector_store %arg12[%swap3A_657, %swap3A_658], %mul3A_656 {strides = array<i32>} : memref<72x128xf32, #tpu.memory_space<vmem>>, vector<16xf32>,
        %add3A_660 = arith.addf %mul3A_560, %mul3A_572 : vector<16xf32>
        %xor3A_661 = arith.constant 8 : i32
        %xor3A_662 = vector.broadcast %xor3A_661 : i32 to vector<16xi32>
        %xor3A_663 = arith.xori %iota3A, %xor3A_662 : vector<16xi32>
        %broadcast_in_dim3A_664 = vector.shape_cast %xor3A_663 : vector<16xi32> to vector<16x1xi32>
        %gather3A_665 = vector.shape_cast %broadcast_in_dim3A_664 : vector<16x1xi32> to vector<16xi32>
        %gather3A_666 = tpu.dynamic_gather %add3A_660[%gather3A_665] in [0] : vector<16xf32>, vector<16xi32> -> vector<16xf32>
        %add3A_667 = arith.addf %add3A_660, %gather3A_666 : vector<16xf32>
        %xor3A_668 = arith.constant 4 : i32
        %xor3A_669 = vector.broadcast %xor3A_668 : i32 to vector<16xi32>
        %xor3A_670 = arith.xori %iota3A, %xor3A_669 : vector<16xi32>
        %broadcast_in_dim3A_671 = vector.shape_cast %xor3A_670 : vector<16xi32> to vector<16x1xi32>
        %gather3A_672 = vector.shape_cast %broadcast_in_dim3A_671 : vector<16x1xi32> to vector<16xi32>
        %gather3A_673 = tpu.dynamic_gather %add3A_667[%gather3A_672] in [0] : vector<16xf32>, vector<16xi32> -> vector<16xf32>
        %add3A_674 = arith.addf %add3A_667, %gather3A_673 : vector<16xf32>
        %xor3A_675 = arith.constant 2 : i32
        %xor3A_676 = vector.broadcast %xor3A_675 : i32 to vector<16xi32>
        %xor3A_677 = arith.xori %iota3A, %xor3A_676 : vector<16xi32>
        %broadcast_in_dim3A_678 = vector.shape_cast %xor3A_677 : vector<16xi32> to vector<16x1xi32>
        %gather3A_679 = vector.shape_cast %broadcast_in_dim3A_678 : vector<16x1xi32> to vector<16xi32>
        %gather3A_680 = tpu.dynamic_gather %add3A_674[%gather3A_679] in [0] : vector<16xf32>, vector<16xi32> -> vector<16xf32>
        %add3A_681 = arith.addf %add3A_674, %gather3A_680 : vector<16xf32>
        %xor3A_682 = arith.constant 1 : i32
        %xor3A_683 = vector.broadcast %xor3A_682 : i32 to vector<16xi32>
        %xor3A_684 = arith.xori %iota3A, %xor3A_683 : vector<16xi32>
        %broadcast_in_dim3A_685 = vector.shape_cast %xor3A_684 : vector<16xi32> to vector<16x1xi32>
        %gather3A_686 = vector.shape_cast %broadcast_in_dim3A_685 : vector<16x1xi32> to vector<16xi32>
        %gather3A_687 = tpu.dynamic_gather %add3A_681[%gather3A_686] in [0] : vector<16xf32>, vector<16xi32> -> vector<16xf32>
        %add3A_688 = arith.addf %add3A_681, %gather3A_687 : vector<16xf32>
        %sub3A_689 = vector.broadcast %max3A_363 : f32 to vector<16xf32>
        %sub3A_690 = arith.subf %add3A_688, %sub3A_689 : vector<16xf32>
        %exp3A_691 = math.exp %sub3A_690 : vector<16xf32>
        %jit3A_692 = arith.constant 0.000000e+00 : f32
        %broadcast_in_dim3A_693 = vector.broadcast %jit3A_692 : f32 to vector<16xf32>
        %select_n3A_694 = arith.select %lt3A_500, %exp3A_691, %broadcast_in_dim3A_693 : vector<16xi1>, vector<16xf32>
        %broadcast_in_dim3A_695 = arith.constant 1 : i32
        %broadcast_in_dim3A_696 = vector.broadcast %broadcast_in_dim3A_695 : i32 to vector<16xi32>
        tpu.vector_store_idx %arg18[%broadcast_in_dim3A_495, %broadcast_in_dim3A_696], %select_n3A_694 masked %eq3A_382 : memref<72x16xf32, #tpu.memory_space<vmem>>[vector<16xi32>, vector<16xi32>], vector<16xf32>, vector<16xi1>
        %mul3A_697 = arith.mulf %get3A_509, %select_n3A_694 : vector<16xf32>
        %swap3A_698 = arith.index_cast %add3A_494 : i32 to index
        %swap3A_699 = arith.constant 32 : index
        %swap3A_700 = tpu.vector_load %arg12[%swap3A_698, %swap3A_699] {strides = array<i32>} : memref<72x128xf32, #tpu.memory_space<vmem>>, vector<16xf32>,
        tpu.vector_store %arg12[%swap3A_698, %swap3A_699], %mul3A_697 {strides = array<i32>} : memref<72x128xf32, #tpu.memory_space<vmem>>, vector<16xf32>,
        %mul3A_701 = arith.mulf %get3A_512, %select_n3A_694 : vector<16xf32>
        %swap3A_702 = arith.index_cast %add3A_494 : i32 to index
        %swap3A_703 = arith.constant 48 : index
        %swap3A_704 = tpu.vector_load %arg12[%swap3A_702, %swap3A_703] {strides = array<i32>} : memref<72x128xf32, #tpu.memory_space<vmem>>, vector<16xf32>,
        tpu.vector_store %arg12[%swap3A_702, %swap3A_703], %mul3A_701 {strides = array<i32>} : memref<72x128xf32, #tpu.memory_space<vmem>>, vector<16xf32>,
        %add3A_705 = arith.addf %mul3A_584, %mul3A_596 : vector<16xf32>
        %xor3A_706 = arith.constant 8 : i32
        %xor3A_707 = vector.broadcast %xor3A_706 : i32 to vector<16xi32>
        %xor3A_708 = arith.xori %iota3A, %xor3A_707 : vector<16xi32>
        %broadcast_in_dim3A_709 = vector.shape_cast %xor3A_708 : vector<16xi32> to vector<16x1xi32>
        %gather3A_710 = vector.shape_cast %broadcast_in_dim3A_709 : vector<16x1xi32> to vector<16xi32>
        %gather3A_711 = tpu.dynamic_gather %add3A_705[%gather3A_710] in [0] : vector<16xf32>, vector<16xi32> -> vector<16xf32>
        %add3A_712 = arith.addf %add3A_705, %gather3A_711 : vector<16xf32>
        %xor3A_713 = arith.constant 4 : i32
        %xor3A_714 = vector.broadcast %xor3A_713 : i32 to vector<16xi32>
        %xor3A_715 = arith.xori %iota3A, %xor3A_714 : vector<16xi32>
        %broadcast_in_dim3A_716 = vector.shape_cast %xor3A_715 : vector<16xi32> to vector<16x1xi32>
        %gather3A_717 = vector.shape_cast %broadcast_in_dim3A_716 : vector<16x1xi32> to vector<16xi32>
        %gather3A_718 = tpu.dynamic_gather %add3A_712[%gather3A_717] in [0] : vector<16xf32>, vector<16xi32> -> vector<16xf32>
        %add3A_719 = arith.addf %add3A_712, %gather3A_718 : vector<16xf32>
        %xor3A_720 = arith.constant 2 : i32
        %xor3A_721 = vector.broadcast %xor3A_720 : i32 to vector<16xi32>
        %xor3A_722 = arith.xori %iota3A, %xor3A_721 : vector<16xi32>
        %broadcast_in_dim3A_723 = vector.shape_cast %xor3A_722 : vector<16xi32> to vector<16x1xi32>
        %gather3A_724 = vector.shape_cast %broadcast_in_dim3A_723 : vector<16x1xi32> to vector<16xi32>
        %gather3A_725 = tpu.dynamic_gather %add3A_719[%gather3A_724] in [0] : vector<16xf32>, vector<16xi32> -> vector<16xf32>
        %add3A_726 = arith.addf %add3A_719, %gather3A_725 : vector<16xf32>
        %xor3A_727 = arith.constant 1 : i32
        %xor3A_728 = vector.broadcast %xor3A_727 : i32 to vector<16xi32>
        %xor3A_729 = arith.xori %iota3A, %xor3A_728 : vector<16xi32>
        %broadcast_in_dim3A_730 = vector.shape_cast %xor3A_729 : vector<16xi32> to vector<16x1xi32>
        %gather3A_731 = vector.shape_cast %broadcast_in_dim3A_730 : vector<16x1xi32> to vector<16xi32>
        %gather3A_732 = tpu.dynamic_gather %add3A_726[%gather3A_731] in [0] : vector<16xf32>, vector<16xi32> -> vector<16xf32>
        %add3A_733 = arith.addf %add3A_726, %gather3A_732 : vector<16xf32>
        %sub3A_734 = vector.broadcast %max3A_363 : f32 to vector<16xf32>
        %sub3A_735 = arith.subf %add3A_733, %sub3A_734 : vector<16xf32>
        %exp3A_736 = math.exp %sub3A_735 : vector<16xf32>
        %jit3A_737 = arith.constant 0.000000e+00 : f32
        %broadcast_in_dim3A_738 = vector.broadcast %jit3A_737 : f32 to vector<16xf32>
        %select_n3A_739 = arith.select %lt3A_500, %exp3A_736, %broadcast_in_dim3A_738 : vector<16xi1>, vector<16xf32>
        %broadcast_in_dim3A_740 = arith.constant 2 : i32
        %broadcast_in_dim3A_741 = vector.broadcast %broadcast_in_dim3A_740 : i32 to vector<16xi32>
        tpu.vector_store_idx %arg18[%broadcast_in_dim3A_495, %broadcast_in_dim3A_741], %select_n3A_739 masked %eq3A_382 : memref<72x16xf32, #tpu.memory_space<vmem>>[vector<16xi32>, vector<16xi32>], vector<16xf32>, vector<16xi1>
        %mul3A_742 = arith.mulf %get3A_515, %select_n3A_739 : vector<16xf32>
        %swap3A_743 = arith.index_cast %add3A_494 : i32 to index
        %swap3A_744 = arith.constant 64 : index
        %swap3A_745 = tpu.vector_load %arg12[%swap3A_743, %swap3A_744] {strides = array<i32>} : memref<72x128xf32, #tpu.memory_space<vmem>>, vector<16xf32>,
        tpu.vector_store %arg12[%swap3A_743, %swap3A_744], %mul3A_742 {strides = array<i32>} : memref<72x128xf32, #tpu.memory_space<vmem>>, vector<16xf32>,
        %mul3A_746 = arith.mulf %get3A_518, %select_n3A_739 : vector<16xf32>
        %swap3A_747 = arith.index_cast %add3A_494 : i32 to index
        %swap3A_748 = arith.constant 80 : index
        %swap3A_749 = tpu.vector_load %arg12[%swap3A_747, %swap3A_748] {strides = array<i32>} : memref<72x128xf32, #tpu.memory_space<vmem>>, vector<16xf32>,
        tpu.vector_store %arg12[%swap3A_747, %swap3A_748], %mul3A_746 {strides = array<i32>} : memref<72x128xf32, #tpu.memory_space<vmem>>, vector<16xf32>,
        %add3A_750 = arith.addf %mul3A_608, %mul3A_620 : vector<16xf32>
        %xor3A_751 = arith.constant 8 : i32
        %xor3A_752 = vector.broadcast %xor3A_751 : i32 to vector<16xi32>
        %xor3A_753 = arith.xori %iota3A, %xor3A_752 : vector<16xi32>
        %broadcast_in_dim3A_754 = vector.shape_cast %xor3A_753 : vector<16xi32> to vector<16x1xi32>
        %gather3A_755 = vector.shape_cast %broadcast_in_dim3A_754 : vector<16x1xi32> to vector<16xi32>
        %gather3A_756 = tpu.dynamic_gather %add3A_750[%gather3A_755] in [0] : vector<16xf32>, vector<16xi32> -> vector<16xf32>
        %add3A_757 = arith.addf %add3A_750, %gather3A_756 : vector<16xf32>
        %xor3A_758 = arith.constant 4 : i32
        %xor3A_759 = vector.broadcast %xor3A_758 : i32 to vector<16xi32>
        %xor3A_760 = arith.xori %iota3A, %xor3A_759 : vector<16xi32>
        %broadcast_in_dim3A_761 = vector.shape_cast %xor3A_760 : vector<16xi32> to vector<16x1xi32>
        %gather3A_762 = vector.shape_cast %broadcast_in_dim3A_761 : vector<16x1xi32> to vector<16xi32>
        %gather3A_763 = tpu.dynamic_gather %add3A_757[%gather3A_762] in [0] : vector<16xf32>, vector<16xi32> -> vector<16xf32>
        %add3A_764 = arith.addf %add3A_757, %gather3A_763 : vector<16xf32>
        %xor3A_765 = arith.constant 2 : i32
        %xor3A_766 = vector.broadcast %xor3A_765 : i32 to vector<16xi32>
        %xor3A_767 = arith.xori %iota3A, %xor3A_766 : vector<16xi32>
        %broadcast_in_dim3A_768 = vector.shape_cast %xor3A_767 : vector<16xi32> to vector<16x1xi32>
        %gather3A_769 = vector.shape_cast %broadcast_in_dim3A_768 : vector<16x1xi32> to vector<16xi32>
        %gather3A_770 = tpu.dynamic_gather %add3A_764[%gather3A_769] in [0] : vector<16xf32>, vector<16xi32> -> vector<16xf32>
        %add3A_771 = arith.addf %add3A_764, %gather3A_770 : vector<16xf32>
        %xor3A_772 = arith.constant 1 : i32
        %xor3A_773 = vector.broadcast %xor3A_772 : i32 to vector<16xi32>
        %xor3A_774 = arith.xori %iota3A, %xor3A_773 : vector<16xi32>
        %broadcast_in_dim3A_775 = vector.shape_cast %xor3A_774 : vector<16xi32> to vector<16x1xi32>
        %gather3A_776 = vector.shape_cast %broadcast_in_dim3A_775 : vector<16x1xi32> to vector<16xi32>
        %gather3A_777 = tpu.dynamic_gather %add3A_771[%gather3A_776] in [0] : vector<16xf32>, vector<16xi32> -> vector<16xf32>
        %add3A_778 = arith.addf %add3A_771, %gather3A_777 : vector<16xf32>
        %sub3A_779 = vector.broadcast %max3A_363 : f32 to vector<16xf32>
        %sub3A_780 = arith.subf %add3A_778, %sub3A_779 : vector<16xf32>
        %exp3A_781 = math.exp %sub3A_780 : vector<16xf32>
        %jit3A_782 = arith.constant 0.000000e+00 : f32
        %broadcast_in_dim3A_783 = vector.broadcast %jit3A_782 : f32 to vector<16xf32>
        %select_n3A_784 = arith.select %lt3A_500, %exp3A_781, %broadcast_in_dim3A_783 : vector<16xi1>, vector<16xf32>
        %broadcast_in_dim3A_785 = arith.constant 3 : i32
        %broadcast_in_dim3A_786 = vector.broadcast %broadcast_in_dim3A_785 : i32 to vector<16xi32>
        tpu.vector_store_idx %arg18[%broadcast_in_dim3A_495, %broadcast_in_dim3A_786], %select_n3A_784 masked %eq3A_382 : memref<72x16xf32, #tpu.memory_space<vmem>>[vector<16xi32>, vector<16xi32>], vector<16xf32>, vector<16xi1>
        %mul3A_787 = arith.mulf %get3A_521, %select_n3A_784 : vector<16xf32>
        %swap3A_788 = arith.index_cast %add3A_494 : i32 to index
        %swap3A_789 = arith.constant 96 : index
        %swap3A_790 = tpu.vector_load %arg12[%swap3A_788, %swap3A_789] {strides = array<i32>} : memref<72x128xf32, #tpu.memory_space<vmem>>, vector<16xf32>,
        tpu.vector_store %arg12[%swap3A_788, %swap3A_789], %mul3A_787 {strides = array<i32>} : memref<72x128xf32, #tpu.memory_space<vmem>>, vector<16xf32>,
        %mul3A_791 = arith.mulf %get3A_524, %select_n3A_784 : vector<16xf32>
        %swap3A_792 = arith.index_cast %add3A_494 : i32 to index
        %swap3A_793 = arith.constant 112 : index
        %swap3A_794 = tpu.vector_load %arg12[%swap3A_792, %swap3A_793] {strides = array<i32>} : memref<72x128xf32, #tpu.memory_space<vmem>>, vector<16xf32>,
        tpu.vector_store %arg12[%swap3A_792, %swap3A_793], %mul3A_791 {strides = array<i32>} : memref<72x128xf32, #tpu.memory_space<vmem>>, vector<16xf32>,
        %scan3A_795 = arith.constant 0 : i32
        scf.yield %scan3A_795 : i32
      }
      %scan3A_454 = arith.constant 72 : i32
      %run_scoped3A_455 = arith.constant 0 : i32
      "tpu.region"() ({
        %run_scoped3A_489 = tpu.sem_alloc : memref<!tpu.dma_semaphore, #tpu.memory_space<semaphore_mem>>
        %dma_start3A_490 = arith.constant 0 : i32
        %dma_start3A_491 = tpu.memref_slice %arg11[%run_scoped3A_455, %dma_start3A_490] : memref<2x72xi32, #tpu.memory_space<vmem>> -> memref<1x72xi32, #tpu.memory_space<vmem>>
        %dma_start3A_492 = tpu.memref_squeeze %dma_start3A_491 : memref<1x72xi32, #tpu.memory_space<vmem>> -> memref<72xi32, #tpu.memory_space<vmem>>
        %dma_start3A_493 = arith.constant 0 : i32
        %dma_start3A_494 = arith.constant 0 : i32
        %dma_start3A_495 = tpu.memref_slice %arg20[%dma_start3A_493, %dma_start3A_494] : memref<10000x128xf32, #tpu.memory_space<vmem_shared>> -> memref<10000x128xf32, #tpu.memory_space<vmem_shared>>
        tpu.enqueue_indirect_dma source(%arg12 : memref<72x128xf32, #tpu.memory_space<vmem>>) target(%dma_start3A_495 : memref<10000x128xf32, #tpu.memory_space<vmem_shared>>) offsets(%dma_start3A_492 : memref<72xi32, #tpu.memory_space<vmem>>) semaphore(%run_scoped3A_489 : memref<!tpu.dma_semaphore, #tpu.memory_space<semaphore_mem>>) {add = true}
        %dma_wait3A_496 = arith.constant 0 : i32
        %dma_wait3A_497 = tpu.memref_slice %arg11[%run_scoped3A_455, %dma_wait3A_496] : memref<2x72xi32, #tpu.memory_space<vmem>> -> memref<1x72xi32, #tpu.memory_space<vmem>>
        %dma_wait3A_498 = tpu.memref_squeeze %dma_wait3A_497 : memref<1x72xi32, #tpu.memory_space<vmem>> -> memref<72xi32, #tpu.memory_space<vmem>>
        %dma_wait3A_499 = arith.constant 0 : i32
        %dma_wait3A_500 = arith.constant 0 : i32
        %dma_wait3A_501 = tpu.memref_slice %arg20[%dma_wait3A_499, %dma_wait3A_500] : memref<10000x128xf32, #tpu.memory_space<vmem_shared>> -> memref<10000x128xf32, #tpu.memory_space<vmem_shared>>
        tpu.wait_indirect_dma semaphore(%run_scoped3A_489 : memref<!tpu.dma_semaphore, #tpu.memory_space<semaphore_mem>>) src(%arg12 : memref<72x128xf32, #tpu.memory_space<vmem>>) dst(%dma_wait3A_501 : memref<10000x128xf32, #tpu.memory_space<vmem_shared>>)
        tpu.yield
      }) : () -> ()
      %run_scoped3A_456 = arith.constant 0 : i32
      "tpu.region"() ({
        %run_scoped3A_489 = tpu.sem_alloc : memref<!tpu.dma_semaphore, #tpu.memory_space<semaphore_mem>>
        %dma_start3A_490 = arith.constant 0 : i32
        %dma_start3A_491 = tpu.memref_slice %arg11[%run_scoped3A_456, %dma_start3A_490] : memref<2x72xi32, #tpu.memory_space<vmem>> -> memref<1x72xi32, #tpu.memory_space<vmem>>
        %dma_start3A_492 = tpu.memref_squeeze %dma_start3A_491 : memref<1x72xi32, #tpu.memory_space<vmem>> -> memref<72xi32, #tpu.memory_space<vmem>>
        %dma_start3A_493 = arith.constant 0 : i32
        %dma_start3A_494 = arith.constant 0 : i32
        %dma_start3A_495 = tpu.memref_slice %arg21[%dma_start3A_493, %dma_start3A_494] : memref<10000x16xf32, #tpu.memory_space<vmem_shared>> -> memref<10000x16xf32, #tpu.memory_space<vmem_shared>>
        tpu.enqueue_indirect_dma source(%arg18 : memref<72x16xf32, #tpu.memory_space<vmem>>) target(%dma_start3A_495 : memref<10000x16xf32, #tpu.memory_space<vmem_shared>>) offsets(%dma_start3A_492 : memref<72xi32, #tpu.memory_space<vmem>>) semaphore(%run_scoped3A_489 : memref<!tpu.dma_semaphore, #tpu.memory_space<semaphore_mem>>) {add = true}
        %dma_wait3A_496 = arith.constant 0 : i32
        %dma_wait3A_497 = tpu.memref_slice %arg11[%run_scoped3A_456, %dma_wait3A_496] : memref<2x72xi32, #tpu.memory_space<vmem>> -> memref<1x72xi32, #tpu.memory_space<vmem>>
        %dma_wait3A_498 = tpu.memref_squeeze %dma_wait3A_497 : memref<1x72xi32, #tpu.memory_space<vmem>> -> memref<72xi32, #tpu.memory_space<vmem>>
        %dma_wait3A_499 = arith.constant 0 : i32
        %dma_wait3A_500 = arith.constant 0 : i32
        %dma_wait3A_501 = tpu.memref_slice %arg21[%dma_wait3A_499, %dma_wait3A_500] : memref<10000x16xf32, #tpu.memory_space<vmem_shared>> -> memref<10000x16xf32, #tpu.memory_space<vmem_shared>>
        tpu.wait_indirect_dma semaphore(%run_scoped3A_489 : memref<!tpu.dma_semaphore, #tpu.memory_space<semaphore_mem>>) src(%arg18 : memref<72x16xf32, #tpu.memory_space<vmem>>) dst(%dma_wait3A_501 : memref<10000x16xf32, #tpu.memory_space<vmem_shared>>)
        tpu.yield
      }) : () -> ()
      %add3A_457 = arith.constant 1 : i32
      %add3A_458 = arith.addi %scan3A_410, %add3A_457 : i32
      %lt3A = arith.constant 72 : i32
      %lt3A_459 = arith.cmpi slt, %add3A_458, %lt3A : i32
      %convert_element_type3A_460 = arith.extui %lt3A_459 : i1 to i32
      %cond3A_461 = arith.constant 0 : i32
      %cond3A_462 = arith.cmpi ne, %convert_element_type3A_460, %cond3A_461 : i32
      scf.if %cond3A_462 {
        %add3A_489 = arith.constant 144 : i32
        %add3A_490 = arith.addi %add3A_416, %add3A_489 : i32
        %run_scoped3A_491 = arith.constant 0 : i32
        "tpu.region"() ({
          %run_scoped3A_507 = tpu.sem_alloc : memref<!tpu.dma_semaphore, #tpu.memory_space<semaphore_mem>>
          %dma_start3A_508 = arith.constant 0 : i32
          %dma_start3A_509 = tpu.memref_slice %arg10[%run_scoped3A_491, %dma_start3A_508] : memref<2x72xi32, #tpu.memory_space<vmem>> -> memref<1x72xi32, #tpu.memory_space<vmem>>
          %dma_start3A_510 = tpu.memref_squeeze %dma_start3A_509 : memref<1x72xi32, #tpu.memory_space<vmem>> -> memref<72xi32, #tpu.memory_space<vmem>>
          %dma_start3A_511 = tpu.memref_slice %arg2[%add3A_490] : memref<360448xi32, #tpu.memory_space<hbm>> -> memref<72xi32, #tpu.memory_space<hbm>>
          %dma_start3A_512 = arith.constant 0 : i32
          %dma_start3A_513 = tpu.memref_slice %arg10[%run_scoped3A_491, %dma_start3A_512] : memref<2x72xi32, #tpu.memory_space<vmem>> -> memref<1x72xi32, #tpu.memory_space<vmem>>
          %dma_start3A_514 = tpu.memref_squeeze %dma_start3A_513 : memref<1x72xi32, #tpu.memory_space<vmem>> -> memref<72xi32, #tpu.memory_space<vmem>>
          %dma_start3A_515 = tpu.memref_slice %arg2[%add3A_490] : memref<360448xi32, #tpu.memory_space<hbm>> -> memref<72xi32, #tpu.memory_space<hbm>>
          tpu.enqueue_dma source(%dma_start3A_515 : memref<72xi32, #tpu.memory_space<hbm>>) target(%dma_start3A_514 : memref<72xi32, #tpu.memory_space<vmem>>) target_semaphore(%run_scoped3A_507 : memref<!tpu.dma_semaphore, #tpu.memory_space<semaphore_mem>>)
          %dma_wait3A_516 = arith.constant 0 : i32
          %dma_wait3A_517 = tpu.memref_slice %arg10[%run_scoped3A_491, %dma_wait3A_516] : memref<2x72xi32, #tpu.memory_space<vmem>> -> memref<1x72xi32, #tpu.memory_space<vmem>>
          %dma_wait3A_518 = tpu.memref_squeeze %dma_wait3A_517 : memref<1x72xi32, #tpu.memory_space<vmem>> -> memref<72xi32, #tpu.memory_space<vmem>>
          %dma_wait3A_519 = tpu.memref_slice %arg2[%add3A_490] : memref<360448xi32, #tpu.memory_space<hbm>> -> memref<72xi32, #tpu.memory_space<hbm>>
          %dma_wait3A_520 = arith.constant 0 : i32
          %dma_wait3A_521 = tpu.memref_slice %arg10[%run_scoped3A_491, %dma_wait3A_520] : memref<2x72xi32, #tpu.memory_space<vmem>> -> memref<1x72xi32, #tpu.memory_space<vmem>>
          %dma_wait3A_522 = tpu.memref_squeeze %dma_wait3A_521 : memref<1x72xi32, #tpu.memory_space<vmem>> -> memref<72xi32, #tpu.memory_space<vmem>>
          %dma_wait3A_523 = tpu.memref_slice %arg2[%add3A_490] : memref<360448xi32, #tpu.memory_space<hbm>> -> memref<72xi32, #tpu.memory_space<hbm>>
          tpu.wait_dma2 semaphore(%run_scoped3A_507 : memref<!tpu.dma_semaphore, #tpu.memory_space<semaphore_mem>>) src(%dma_wait3A_523 : memref<72xi32, #tpu.memory_space<hbm>>) dst(%dma_wait3A_522 : memref<72xi32, #tpu.memory_space<vmem>>)
          tpu.yield
        }) : () -> ()
        %run_scoped3A_492 = arith.constant 0 : i32
        "tpu.region"() ({
          %run_scoped3A_507 = tpu.sem_alloc : memref<!tpu.dma_semaphore, #tpu.memory_space<semaphore_mem>>
          %dma_start3A_508 = arith.constant 0 : i32
          %dma_start3A_509 = tpu.memref_slice %arg11[%run_scoped3A_492, %dma_start3A_508] : memref<2x72xi32, #tpu.memory_space<vmem>> -> memref<1x72xi32, #tpu.memory_space<vmem>>
          %dma_start3A_510 = tpu.memref_squeeze %dma_start3A_509 : memref<1x72xi32, #tpu.memory_space<vmem>> -> memref<72xi32, #tpu.memory_space<vmem>>
          %dma_start3A_511 = tpu.memref_slice %arg3[%add3A_490] : memref<360448xi32, #tpu.memory_space<hbm>> -> memref<72xi32, #tpu.memory_space<hbm>>
          %dma_start3A_512 = arith.constant 0 : i32
          %dma_start3A_513 = tpu.memref_slice %arg11[%run_scoped3A_492, %dma_start3A_512] : memref<2x72xi32, #tpu.memory_space<vmem>> -> memref<1x72xi32, #tpu.memory_space<vmem>>
          %dma_start3A_514 = tpu.memref_squeeze %dma_start3A_513 : memref<1x72xi32, #tpu.memory_space<vmem>> -> memref<72xi32, #tpu.memory_space<vmem>>
          %dma_start3A_515 = tpu.memref_slice %arg3[%add3A_490] : memref<360448xi32, #tpu.memory_space<hbm>> -> memref<72xi32, #tpu.memory_space<hbm>>
          tpu.enqueue_dma source(%dma_start3A_515 : memref<72xi32, #tpu.memory_space<hbm>>) target(%dma_start3A_514 : memref<72xi32, #tpu.memory_space<vmem>>) target_semaphore(%run_scoped3A_507 : memref<!tpu.dma_semaphore, #tpu.memory_space<semaphore_mem>>)
          %dma_wait3A_516 = arith.constant 0 : i32
          %dma_wait3A_517 = tpu.memref_slice %arg11[%run_scoped3A_492, %dma_wait3A_516] : memref<2x72xi32, #tpu.memory_space<vmem>> -> memref<1x72xi32, #tpu.memory_space<vmem>>
          %dma_wait3A_518 = tpu.memref_squeeze %dma_wait3A_517 : memref<1x72xi32, #tpu.memory_space<vmem>> -> memref<72xi32, #tpu.memory_space<vmem>>
          %dma_wait3A_519 = tpu.memref_slice %arg3[%add3A_490] : memref<360448xi32, #tpu.memory_space<hbm>> -> memref<72xi32, #tpu.memory_space<hbm>>
          %dma_wait3A_520 = arith.constant 0 : i32
          %dma_wait3A_521 = tpu.memref_slice %arg11[%run_scoped3A_492, %dma_wait3A_520] : memref<2x72xi32, #tpu.memory_space<vmem>> -> memref<1x72xi32, #tpu.memory_space<vmem>>
          %dma_wait3A_522 = tpu.memref_squeeze %dma_wait3A_521 : memref<1x72xi32, #tpu.memory_space<vmem>> -> memref<72xi32, #tpu.memory_space<vmem>>
          %dma_wait3A_523 = tpu.memref_slice %arg3[%add3A_490] : memref<360448xi32, #tpu.memory_space<hbm>> -> memref<72xi32, #tpu.memory_space<hbm>>
          tpu.wait_dma2 semaphore(%run_scoped3A_507 : memref<!tpu.dma_semaphore, #tpu.memory_space<semaphore_mem>>) src(%dma_wait3A_523 : memref<72xi32, #tpu.memory_space<hbm>>) dst(%dma_wait3A_522 : memref<72xi32, #tpu.memory_space<vmem>>)
          tpu.yield
        }) : () -> ()
        %dma_start3A_493 = arith.constant 0 : i32
        %dma_start3A_494 = arith.constant 0 : i32
        %dma_start3A_495 = tpu.memref_slice %arg10[%dma_start3A_493, %dma_start3A_494] : memref<2x72xi32, #tpu.memory_space<vmem>> -> memref<1x72xi32, #tpu.memory_space<vmem>>
        %dma_start3A_496 = tpu.memref_squeeze %dma_start3A_495 : memref<1x72xi32, #tpu.memory_space<vmem>> -> memref<72xi32, #tpu.memory_space<vmem>>
        %dma_start3A_497 = arith.constant 0 : i32
        %dma_start3A_498 = arith.constant 0 : i32
        %dma_start3A_499 = tpu.memref_slice %arg4[%dma_start3A_497, %dma_start3A_498] : memref<10000x128xf32, #tpu.memory_space<hbm>> -> memref<10000x128xf32, #tpu.memory_space<hbm>>
        tpu.enqueue_indirect_dma source(%dma_start3A_499 : memref<10000x128xf32, #tpu.memory_space<hbm>>) target(%arg12 : memref<72x128xf32, #tpu.memory_space<vmem>>) offsets(%dma_start3A_496 : memref<72xi32, #tpu.memory_space<vmem>>) semaphore(%arg22 : memref<!tpu.dma_semaphore, #tpu.memory_space<semaphore_mem>>)
        %dma_start3A_500 = arith.constant 0 : i32
        %dma_start3A_501 = arith.constant 0 : i32
        %dma_start3A_502 = tpu.memref_slice %arg11[%dma_start3A_500, %dma_start3A_501] : memref<2x72xi32, #tpu.memory_space<vmem>> -> memref<1x72xi32, #tpu.memory_space<vmem>>
        %dma_start3A_503 = tpu.memref_squeeze %dma_start3A_502 : memref<1x72xi32, #tpu.memory_space<vmem>> -> memref<72xi32, #tpu.memory_space<vmem>>
        %dma_start3A_504 = arith.constant 0 : i32
        %dma_start3A_505 = arith.constant 0 : i32
        %dma_start3A_506 = tpu.memref_slice %arg5[%dma_start3A_504, %dma_start3A_505] : memref<10000x128xf32, #tpu.memory_space<hbm>> -> memref<10000x128xf32, #tpu.memory_space<hbm>>
        tpu.enqueue_indirect_dma source(%dma_start3A_506 : memref<10000x128xf32, #tpu.memory_space<hbm>>) target(%arg14 : memref<72x128xf32, #tpu.memory_space<vmem>>) offsets(%dma_start3A_503 : memref<72xi32, #tpu.memory_space<vmem>>) semaphore(%arg24 : memref<!tpu.dma_semaphore, #tpu.memory_space<semaphore_mem>>)
      } else {
      }
      %add3A_463 = arith.constant 72 : i32
      %add3A_464 = arith.addi %add3A_416, %add3A_463 : i32
      %dma_wait3A_465 = arith.constant 1 : i32
      %dma_wait3A_466 = arith.constant 0 : i32
      %dma_wait3A_467 = tpu.memref_slice %arg10[%dma_wait3A_465, %dma_wait3A_466] : memref<2x72xi32, #tpu.memory_space<vmem>> -> memref<1x72xi32, #tpu.memory_space<vmem>>
      %dma_wait3A_468 = tpu.memref_squeeze %dma_wait3A_467 : memref<1x72xi32, #tpu.memory_space<vmem>> -> memref<72xi32, #tpu.memory_space<vmem>>
      %dma_wait3A_469 = arith.constant 0 : i32
      %dma_wait3A_470 = arith.constant 0 : i32
      %dma_wait3A_471 = tpu.memref_slice %arg4[%dma_wait3A_469, %dma_wait3A_470] : memref<10000x128xf32, #tpu.memory_space<hbm>> -> memref<10000x128xf32, #tpu.memory_space<hbm>>
      tpu.wait_indirect_dma semaphore(%arg23 : memref<!tpu.dma_semaphore, #tpu.memory_space<semaphore_mem>>) src(%dma_wait3A_471 : memref<10000x128xf32, #tpu.memory_space<hbm>>) dst(%arg13 : memref<72x128xf32, #tpu.memory_space<vmem>>)
      %dma_wait3A_472 = arith.constant 1 : i32
      %dma_wait3A_473 = arith.constant 0 : i32
      %dma_wait3A_474 = tpu.memref_slice %arg11[%dma_wait3A_472, %dma_wait3A_473] : memref<2x72xi32, #tpu.memory_space<vmem>> -> memref<1x72xi32, #tpu.memory_space<vmem>>
      %dma_wait3A_475 = tpu.memref_squeeze %dma_wait3A_474 : memref<1x72xi32, #tpu.memory_space<vmem>> -> memref<72xi32, #tpu.memory_space<vmem>>
      %dma_wait3A_476 = arith.constant 0 : i32
      %dma_wait3A_477 = arith.constant 0 : i32
      %dma_wait3A_478 = tpu.memref_slice %arg5[%dma_wait3A_476, %dma_wait3A_477] : memref<10000x128xf32, #tpu.memory_space<hbm>> -> memref<10000x128xf32, #tpu.memory_space<hbm>>
      tpu.wait_indirect_dma semaphore(%arg25 : memref<!tpu.dma_semaphore, #tpu.memory_space<semaphore_mem>>) src(%dma_wait3A_478 : memref<10000x128xf32, #tpu.memory_space<hbm>>) dst(%arg15 : memref<72x128xf32, #tpu.memory_space<vmem>>)
      %scan3A_479 = arith.constant 0 : i32
      %scan3A_480 = arith.constant 0 : i32
      %scan3A_481 = arith.constant 72 : i32
      %scan3A_482 = arith.addi %scan3A_480, %scan3A_481 : i32
      %scan3A_483 = arith.constant 1 : i32
      %scan3A_484 = scf.for %scan3A_489 = %scan3A_480 to %scan3A_482 step %scan3A_483 iter_args(%scan3A_490 = %scan3A_479) -> (i32)  : i32 {
        %mul3A_491 = arith.constant 1 : i32
        %mul3A_492 = arith.muli %scan3A_489, %mul3A_491 : i32
        %add3A_493 = arith.constant 0 : i32
        %add3A_494 = arith.addi %mul3A_492, %add3A_493 : i32
        %broadcast_in_dim3A_495 = vector.broadcast %add3A_494 : i32 to vector<16xi32>
        %add3A_496 = arith.addi %add3A_464, %add3A_494 : i32
        %broadcast_in_dim3A_497 = vector.broadcast %add3A_496 : i32 to vector<16xi32>
        %lt3A_498 = arith.constant 330000 : i32
        %lt3A_499 = vector.broadcast %lt3A_498 : i32 to vector<16xi32>
        %lt3A_500 = arith.cmpi slt, %broadcast_in_dim3A_497, %lt3A_499 : vector<16xi32>
        %get3A_501 = arith.index_cast %add3A_494 : i32 to index
        %get3A_502 = arith.constant 0 : index
        %get3A_503 = tpu.vector_load %arg13[%get3A_501, %get3A_502] {strides = array<i32>} : memref<72x128xf32, #tpu.memory_space<vmem>>, vector<16xf32>,
        %get3A_504 = arith.index_cast %add3A_494 : i32 to index
        %get3A_505 = arith.constant 16 : index
        %get3A_506 = tpu.vector_load %arg13[%get3A_504, %get3A_505] {strides = array<i32>} : memref<72x128xf32, #tpu.memory_space<vmem>>, vector<16xf32>,
        %get3A_507 = arith.index_cast %add3A_494 : i32 to index
        %get3A_508 = arith.constant 32 : index
        %get3A_509 = tpu.vector_load %arg13[%get3A_507, %get3A_508] {strides = array<i32>} : memref<72x128xf32, #tpu.memory_space<vmem>>, vector<16xf32>,
        %get3A_510 = arith.index_cast %add3A_494 : i32 to index
        %get3A_511 = arith.constant 48 : index
        %get3A_512 = tpu.vector_load %arg13[%get3A_510, %get3A_511] {strides = array<i32>} : memref<72x128xf32, #tpu.memory_space<vmem>>, vector<16xf32>,
        %get3A_513 = arith.index_cast %add3A_494 : i32 to index
        %get3A_514 = arith.constant 64 : index
        %get3A_515 = tpu.vector_load %arg13[%get3A_513, %get3A_514] {strides = array<i32>} : memref<72x128xf32, #tpu.memory_space<vmem>>, vector<16xf32>,
        %get3A_516 = arith.index_cast %add3A_494 : i32 to index
        %get3A_517 = arith.constant 80 : index
        %get3A_518 = tpu.vector_load %arg13[%get3A_516, %get3A_517] {strides = array<i32>} : memref<72x128xf32, #tpu.memory_space<vmem>>, vector<16xf32>,
        %get3A_519 = arith.index_cast %add3A_494 : i32 to index
        %get3A_520 = arith.constant 96 : index
        %get3A_521 = tpu.vector_load %arg13[%get3A_519, %get3A_520] {strides = array<i32>} : memref<72x128xf32, #tpu.memory_space<vmem>>, vector<16xf32>,
        %get3A_522 = arith.index_cast %add3A_494 : i32 to index
        %get3A_523 = arith.constant 112 : index
        %get3A_524 = tpu.vector_load %arg13[%get3A_522, %get3A_523] {strides = array<i32>} : memref<72x128xf32, #tpu.memory_space<vmem>>, vector<16xf32>,
        %get3A_525 = arith.index_cast %add3A_494 : i32 to index
        %get3A_526 = arith.constant 0 : index
        %get3A_527 = tpu.vector_load %arg15[%get3A_525, %get3A_526] {strides = array<i32>} : memref<72x128xf32, #tpu.memory_space<vmem>>, vector<16xf32>,
        %add3A_528 = arith.addf %get3A_503, %get3A_527 : vector<16xf32>
        %gt3A_529 = arith.constant 0.000000e+00 : f32
        %gt3A_530 = vector.broadcast %gt3A_529 : f32 to vector<16xf32>
        %gt3A_531 = arith.cmpf ogt, %add3A_528, %gt3A_530 : vector<16xf32>
        %mul3A_532 = arith.constant 2.000000e-01 : f32
        %mul3A_533 = vector.broadcast %mul3A_532 : f32 to vector<16xf32>
        %mul3A_534 = arith.mulf %mul3A_533, %add3A_528 : vector<16xf32>
        %select_n3A_535 = arith.select %gt3A_531, %add3A_528, %mul3A_534 : vector<16xi1>, vector<16xf32>
        %mul3A_536 = arith.mulf %select_n3A_535, %get3A_365 : vector<16xf32>
        %get3A_537 = arith.index_cast %add3A_494 : i32 to index
        %get3A_538 = arith.constant 16 : index
        %get3A_539 = tpu.vector_load %arg15[%get3A_537, %get3A_538] {strides = array<i32>} : memref<72x128xf32, #tpu.memory_space<vmem>>, vector<16xf32>,
        %add3A_540 = arith.addf %get3A_506, %get3A_539 : vector<16xf32>
        %gt3A_541 = arith.constant 0.000000e+00 : f32
        %gt3A_542 = vector.broadcast %gt3A_541 : f32 to vector<16xf32>
        %gt3A_543 = arith.cmpf ogt, %add3A_540, %gt3A_542 : vector<16xf32>
        %mul3A_544 = arith.constant 2.000000e-01 : f32
        %mul3A_545 = vector.broadcast %mul3A_544 : f32 to vector<16xf32>
        %mul3A_546 = arith.mulf %mul3A_545, %add3A_540 : vector<16xf32>
        %select_n3A_547 = arith.select %gt3A_543, %add3A_540, %mul3A_546 : vector<16xi1>, vector<16xf32>
        %mul3A_548 = arith.mulf %select_n3A_547, %get3A_367 : vector<16xf32>
        %get3A_549 = arith.index_cast %add3A_494 : i32 to index
        %get3A_550 = arith.constant 32 : index
        %get3A_551 = tpu.vector_load %arg15[%get3A_549, %get3A_550] {strides = array<i32>} : memref<72x128xf32, #tpu.memory_space<vmem>>, vector<16xf32>,
        %add3A_552 = arith.addf %get3A_509, %get3A_551 : vector<16xf32>
        %gt3A_553 = arith.constant 0.000000e+00 : f32
        %gt3A_554 = vector.broadcast %gt3A_553 : f32 to vector<16xf32>
        %gt3A_555 = arith.cmpf ogt, %add3A_552, %gt3A_554 : vector<16xf32>
        %mul3A_556 = arith.constant 2.000000e-01 : f32
        %mul3A_557 = vector.broadcast %mul3A_556 : f32 to vector<16xf32>
        %mul3A_558 = arith.mulf %mul3A_557, %add3A_552 : vector<16xf32>
        %select_n3A_559 = arith.select %gt3A_555, %add3A_552, %mul3A_558 : vector<16xi1>, vector<16xf32>
        %mul3A_560 = arith.mulf %select_n3A_559, %get3A_369 : vector<16xf32>
        %get3A_561 = arith.index_cast %add3A_494 : i32 to index
        %get3A_562 = arith.constant 48 : index
        %get3A_563 = tpu.vector_load %arg15[%get3A_561, %get3A_562] {strides = array<i32>} : memref<72x128xf32, #tpu.memory_space<vmem>>, vector<16xf32>,
        %add3A_564 = arith.addf %get3A_512, %get3A_563 : vector<16xf32>
        %gt3A_565 = arith.constant 0.000000e+00 : f32
        %gt3A_566 = vector.broadcast %gt3A_565 : f32 to vector<16xf32>
        %gt3A_567 = arith.cmpf ogt, %add3A_564, %gt3A_566 : vector<16xf32>
        %mul3A_568 = arith.constant 2.000000e-01 : f32
        %mul3A_569 = vector.broadcast %mul3A_568 : f32 to vector<16xf32>
        %mul3A_570 = arith.mulf %mul3A_569, %add3A_564 : vector<16xf32>
        %select_n3A_571 = arith.select %gt3A_567, %add3A_564, %mul3A_570 : vector<16xi1>, vector<16xf32>
        %mul3A_572 = arith.mulf %select_n3A_571, %get3A_371 : vector<16xf32>
        %get3A_573 = arith.index_cast %add3A_494 : i32 to index
        %get3A_574 = arith.constant 64 : index
        %get3A_575 = tpu.vector_load %arg15[%get3A_573, %get3A_574] {strides = array<i32>} : memref<72x128xf32, #tpu.memory_space<vmem>>, vector<16xf32>,
        %add3A_576 = arith.addf %get3A_515, %get3A_575 : vector<16xf32>
        %gt3A_577 = arith.constant 0.000000e+00 : f32
        %gt3A_578 = vector.broadcast %gt3A_577 : f32 to vector<16xf32>
        %gt3A_579 = arith.cmpf ogt, %add3A_576, %gt3A_578 : vector<16xf32>
        %mul3A_580 = arith.constant 2.000000e-01 : f32
        %mul3A_581 = vector.broadcast %mul3A_580 : f32 to vector<16xf32>
        %mul3A_582 = arith.mulf %mul3A_581, %add3A_576 : vector<16xf32>
        %select_n3A_583 = arith.select %gt3A_579, %add3A_576, %mul3A_582 : vector<16xi1>, vector<16xf32>
        %mul3A_584 = arith.mulf %select_n3A_583, %get3A_373 : vector<16xf32>
        %get3A_585 = arith.index_cast %add3A_494 : i32 to index
        %get3A_586 = arith.constant 80 : index
        %get3A_587 = tpu.vector_load %arg15[%get3A_585, %get3A_586] {strides = array<i32>} : memref<72x128xf32, #tpu.memory_space<vmem>>, vector<16xf32>,
        %add3A_588 = arith.addf %get3A_518, %get3A_587 : vector<16xf32>
        %gt3A_589 = arith.constant 0.000000e+00 : f32
        %gt3A_590 = vector.broadcast %gt3A_589 : f32 to vector<16xf32>
        %gt3A_591 = arith.cmpf ogt, %add3A_588, %gt3A_590 : vector<16xf32>
        %mul3A_592 = arith.constant 2.000000e-01 : f32
        %mul3A_593 = vector.broadcast %mul3A_592 : f32 to vector<16xf32>
        %mul3A_594 = arith.mulf %mul3A_593, %add3A_588 : vector<16xf32>
        %select_n3A_595 = arith.select %gt3A_591, %add3A_588, %mul3A_594 : vector<16xi1>, vector<16xf32>
        %mul3A_596 = arith.mulf %select_n3A_595, %get3A_375 : vector<16xf32>
        %get3A_597 = arith.index_cast %add3A_494 : i32 to index
        %get3A_598 = arith.constant 96 : index
        %get3A_599 = tpu.vector_load %arg15[%get3A_597, %get3A_598] {strides = array<i32>} : memref<72x128xf32, #tpu.memory_space<vmem>>, vector<16xf32>,
        %add3A_600 = arith.addf %get3A_521, %get3A_599 : vector<16xf32>
        %gt3A_601 = arith.constant 0.000000e+00 : f32
        %gt3A_602 = vector.broadcast %gt3A_601 : f32 to vector<16xf32>
        %gt3A_603 = arith.cmpf ogt, %add3A_600, %gt3A_602 : vector<16xf32>
        %mul3A_604 = arith.constant 2.000000e-01 : f32
        %mul3A_605 = vector.broadcast %mul3A_604 : f32 to vector<16xf32>
        %mul3A_606 = arith.mulf %mul3A_605, %add3A_600 : vector<16xf32>
        %select_n3A_607 = arith.select %gt3A_603, %add3A_600, %mul3A_606 : vector<16xi1>, vector<16xf32>
        %mul3A_608 = arith.mulf %select_n3A_607, %get3A_377 : vector<16xf32>
        %get3A_609 = arith.index_cast %add3A_494 : i32 to index
        %get3A_610 = arith.constant 112 : index
        %get3A_611 = tpu.vector_load %arg15[%get3A_609, %get3A_610] {strides = array<i32>} : memref<72x128xf32, #tpu.memory_space<vmem>>, vector<16xf32>,
        %add3A_612 = arith.addf %get3A_524, %get3A_611 : vector<16xf32>
        %gt3A_613 = arith.constant 0.000000e+00 : f32
        %gt3A_614 = vector.broadcast %gt3A_613 : f32 to vector<16xf32>
        %gt3A_615 = arith.cmpf ogt, %add3A_612, %gt3A_614 : vector<16xf32>
        %mul3A_616 = arith.constant 2.000000e-01 : f32
        %mul3A_617 = vector.broadcast %mul3A_616 : f32 to vector<16xf32>
        %mul3A_618 = arith.mulf %mul3A_617, %add3A_612 : vector<16xf32>
        %select_n3A_619 = arith.select %gt3A_615, %add3A_612, %mul3A_618 : vector<16xi1>, vector<16xf32>
        %mul3A_620 = arith.mulf %select_n3A_619, %get3A_379 : vector<16xf32>
        %add3A_621 = arith.addf %mul3A_536, %mul3A_548 : vector<16xf32>
        %xor3A = arith.constant 8 : i32
        %xor3A_622 = vector.broadcast %xor3A : i32 to vector<16xi32>
        %xor3A_623 = arith.xori %iota3A, %xor3A_622 : vector<16xi32>
        %broadcast_in_dim3A_624 = vector.shape_cast %xor3A_623 : vector<16xi32> to vector<16x1xi32>
        %gather3A = vector.shape_cast %broadcast_in_dim3A_624 : vector<16x1xi32> to vector<16xi32>
        %gather3A_625 = tpu.dynamic_gather %add3A_621[%gather3A] in [0] : vector<16xf32>, vector<16xi32> -> vector<16xf32>
        %add3A_626 = arith.addf %add3A_621, %gather3A_625 : vector<16xf32>
        %xor3A_627 = arith.constant 4 : i32
        %xor3A_628 = vector.broadcast %xor3A_627 : i32 to vector<16xi32>
        %xor3A_629 = arith.xori %iota3A, %xor3A_628 : vector<16xi32>
        %broadcast_in_dim3A_630 = vector.shape_cast %xor3A_629 : vector<16xi32> to vector<16x1xi32>
        %gather3A_631 = vector.shape_cast %broadcast_in_dim3A_630 : vector<16x1xi32> to vector<16xi32>
        %gather3A_632 = tpu.dynamic_gather %add3A_626[%gather3A_631] in [0] : vector<16xf32>, vector<16xi32> -> vector<16xf32>
        %add3A_633 = arith.addf %add3A_626, %gather3A_632 : vector<16xf32>
        %xor3A_634 = arith.constant 2 : i32
        %xor3A_635 = vector.broadcast %xor3A_634 : i32 to vector<16xi32>
        %xor3A_636 = arith.xori %iota3A, %xor3A_635 : vector<16xi32>
        %broadcast_in_dim3A_637 = vector.shape_cast %xor3A_636 : vector<16xi32> to vector<16x1xi32>
        %gather3A_638 = vector.shape_cast %broadcast_in_dim3A_637 : vector<16x1xi32> to vector<16xi32>
        %gather3A_639 = tpu.dynamic_gather %add3A_633[%gather3A_638] in [0] : vector<16xf32>, vector<16xi32> -> vector<16xf32>
        %add3A_640 = arith.addf %add3A_633, %gather3A_639 : vector<16xf32>
        %xor3A_641 = arith.constant 1 : i32
        %xor3A_642 = vector.broadcast %xor3A_641 : i32 to vector<16xi32>
        %xor3A_643 = arith.xori %iota3A, %xor3A_642 : vector<16xi32>
        %broadcast_in_dim3A_644 = vector.shape_cast %xor3A_643 : vector<16xi32> to vector<16x1xi32>
        %gather3A_645 = vector.shape_cast %broadcast_in_dim3A_644 : vector<16x1xi32> to vector<16xi32>
        %gather3A_646 = tpu.dynamic_gather %add3A_640[%gather3A_645] in [0] : vector<16xf32>, vector<16xi32> -> vector<16xf32>
        %add3A_647 = arith.addf %add3A_640, %gather3A_646 : vector<16xf32>
        %sub3A = vector.broadcast %max3A_363 : f32 to vector<16xf32>
        %sub3A_648 = arith.subf %add3A_647, %sub3A : vector<16xf32>
        %exp3A = math.exp %sub3A_648 : vector<16xf32>
        %jit3A = arith.constant 0.000000e+00 : f32
        %broadcast_in_dim3A_649 = vector.broadcast %jit3A : f32 to vector<16xf32>
        %select_n3A_650 = arith.select %lt3A_500, %exp3A, %broadcast_in_dim3A_649 : vector<16xi1>, vector<16xf32>
        %broadcast_in_dim3A_651 = arith.constant 0 : i32
        %broadcast_in_dim3A_652 = vector.broadcast %broadcast_in_dim3A_651 : i32 to vector<16xi32>
        tpu.vector_store_idx %arg19[%broadcast_in_dim3A_495, %broadcast_in_dim3A_652], %select_n3A_650 masked %eq3A_382 : memref<72x16xf32, #tpu.memory_space<vmem>>[vector<16xi32>, vector<16xi32>], vector<16xf32>, vector<16xi1>
        %mul3A_653 = arith.mulf %get3A_503, %select_n3A_650 : vector<16xf32>
        %swap3A = arith.index_cast %add3A_494 : i32 to index
        %swap3A_654 = arith.constant 0 : index
        %swap3A_655 = tpu.vector_load %arg13[%swap3A, %swap3A_654] {strides = array<i32>} : memref<72x128xf32, #tpu.memory_space<vmem>>, vector<16xf32>,
        tpu.vector_store %arg13[%swap3A, %swap3A_654], %mul3A_653 {strides = array<i32>} : memref<72x128xf32, #tpu.memory_space<vmem>>, vector<16xf32>,
        %mul3A_656 = arith.mulf %get3A_506, %select_n3A_650 : vector<16xf32>
        %swap3A_657 = arith.index_cast %add3A_494 : i32 to index
        %swap3A_658 = arith.constant 16 : index
        %swap3A_659 = tpu.vector_load %arg13[%swap3A_657, %swap3A_658] {strides = array<i32>} : memref<72x128xf32, #tpu.memory_space<vmem>>, vector<16xf32>,
        tpu.vector_store %arg13[%swap3A_657, %swap3A_658], %mul3A_656 {strides = array<i32>} : memref<72x128xf32, #tpu.memory_space<vmem>>, vector<16xf32>,
        %add3A_660 = arith.addf %mul3A_560, %mul3A_572 : vector<16xf32>
        %xor3A_661 = arith.constant 8 : i32
        %xor3A_662 = vector.broadcast %xor3A_661 : i32 to vector<16xi32>
        %xor3A_663 = arith.xori %iota3A, %xor3A_662 : vector<16xi32>
        %broadcast_in_dim3A_664 = vector.shape_cast %xor3A_663 : vector<16xi32> to vector<16x1xi32>
        %gather3A_665 = vector.shape_cast %broadcast_in_dim3A_664 : vector<16x1xi32> to vector<16xi32>
        %gather3A_666 = tpu.dynamic_gather %add3A_660[%gather3A_665] in [0] : vector<16xf32>, vector<16xi32> -> vector<16xf32>
        %add3A_667 = arith.addf %add3A_660, %gather3A_666 : vector<16xf32>
        %xor3A_668 = arith.constant 4 : i32
        %xor3A_669 = vector.broadcast %xor3A_668 : i32 to vector<16xi32>
        %xor3A_670 = arith.xori %iota3A, %xor3A_669 : vector<16xi32>
        %broadcast_in_dim3A_671 = vector.shape_cast %xor3A_670 : vector<16xi32> to vector<16x1xi32>
        %gather3A_672 = vector.shape_cast %broadcast_in_dim3A_671 : vector<16x1xi32> to vector<16xi32>
        %gather3A_673 = tpu.dynamic_gather %add3A_667[%gather3A_672] in [0] : vector<16xf32>, vector<16xi32> -> vector<16xf32>
        %add3A_674 = arith.addf %add3A_667, %gather3A_673 : vector<16xf32>
        %xor3A_675 = arith.constant 2 : i32
        %xor3A_676 = vector.broadcast %xor3A_675 : i32 to vector<16xi32>
        %xor3A_677 = arith.xori %iota3A, %xor3A_676 : vector<16xi32>
        %broadcast_in_dim3A_678 = vector.shape_cast %xor3A_677 : vector<16xi32> to vector<16x1xi32>
        %gather3A_679 = vector.shape_cast %broadcast_in_dim3A_678 : vector<16x1xi32> to vector<16xi32>
        %gather3A_680 = tpu.dynamic_gather %add3A_674[%gather3A_679] in [0] : vector<16xf32>, vector<16xi32> -> vector<16xf32>
        %add3A_681 = arith.addf %add3A_674, %gather3A_680 : vector<16xf32>
        %xor3A_682 = arith.constant 1 : i32
        %xor3A_683 = vector.broadcast %xor3A_682 : i32 to vector<16xi32>
        %xor3A_684 = arith.xori %iota3A, %xor3A_683 : vector<16xi32>
        %broadcast_in_dim3A_685 = vector.shape_cast %xor3A_684 : vector<16xi32> to vector<16x1xi32>
        %gather3A_686 = vector.shape_cast %broadcast_in_dim3A_685 : vector<16x1xi32> to vector<16xi32>
        %gather3A_687 = tpu.dynamic_gather %add3A_681[%gather3A_686] in [0] : vector<16xf32>, vector<16xi32> -> vector<16xf32>
        %add3A_688 = arith.addf %add3A_681, %gather3A_687 : vector<16xf32>
        %sub3A_689 = vector.broadcast %max3A_363 : f32 to vector<16xf32>
        %sub3A_690 = arith.subf %add3A_688, %sub3A_689 : vector<16xf32>
        %exp3A_691 = math.exp %sub3A_690 : vector<16xf32>
        %jit3A_692 = arith.constant 0.000000e+00 : f32
        %broadcast_in_dim3A_693 = vector.broadcast %jit3A_692 : f32 to vector<16xf32>
        %select_n3A_694 = arith.select %lt3A_500, %exp3A_691, %broadcast_in_dim3A_693 : vector<16xi1>, vector<16xf32>
        %broadcast_in_dim3A_695 = arith.constant 1 : i32
        %broadcast_in_dim3A_696 = vector.broadcast %broadcast_in_dim3A_695 : i32 to vector<16xi32>
        tpu.vector_store_idx %arg19[%broadcast_in_dim3A_495, %broadcast_in_dim3A_696], %select_n3A_694 masked %eq3A_382 : memref<72x16xf32, #tpu.memory_space<vmem>>[vector<16xi32>, vector<16xi32>], vector<16xf32>, vector<16xi1>
        %mul3A_697 = arith.mulf %get3A_509, %select_n3A_694 : vector<16xf32>
        %swap3A_698 = arith.index_cast %add3A_494 : i32 to index
        %swap3A_699 = arith.constant 32 : index
        %swap3A_700 = tpu.vector_load %arg13[%swap3A_698, %swap3A_699] {strides = array<i32>} : memref<72x128xf32, #tpu.memory_space<vmem>>, vector<16xf32>,
        tpu.vector_store %arg13[%swap3A_698, %swap3A_699], %mul3A_697 {strides = array<i32>} : memref<72x128xf32, #tpu.memory_space<vmem>>, vector<16xf32>,
        %mul3A_701 = arith.mulf %get3A_512, %select_n3A_694 : vector<16xf32>
        %swap3A_702 = arith.index_cast %add3A_494 : i32 to index
        %swap3A_703 = arith.constant 48 : index
        %swap3A_704 = tpu.vector_load %arg13[%swap3A_702, %swap3A_703] {strides = array<i32>} : memref<72x128xf32, #tpu.memory_space<vmem>>, vector<16xf32>,
        tpu.vector_store %arg13[%swap3A_702, %swap3A_703], %mul3A_701 {strides = array<i32>} : memref<72x128xf32, #tpu.memory_space<vmem>>, vector<16xf32>,
        %add3A_705 = arith.addf %mul3A_584, %mul3A_596 : vector<16xf32>
        %xor3A_706 = arith.constant 8 : i32
        %xor3A_707 = vector.broadcast %xor3A_706 : i32 to vector<16xi32>
        %xor3A_708 = arith.xori %iota3A, %xor3A_707 : vector<16xi32>
        %broadcast_in_dim3A_709 = vector.shape_cast %xor3A_708 : vector<16xi32> to vector<16x1xi32>
        %gather3A_710 = vector.shape_cast %broadcast_in_dim3A_709 : vector<16x1xi32> to vector<16xi32>
        %gather3A_711 = tpu.dynamic_gather %add3A_705[%gather3A_710] in [0] : vector<16xf32>, vector<16xi32> -> vector<16xf32>
        %add3A_712 = arith.addf %add3A_705, %gather3A_711 : vector<16xf32>
        %xor3A_713 = arith.constant 4 : i32
        %xor3A_714 = vector.broadcast %xor3A_713 : i32 to vector<16xi32>
        %xor3A_715 = arith.xori %iota3A, %xor3A_714 : vector<16xi32>
        %broadcast_in_dim3A_716 = vector.shape_cast %xor3A_715 : vector<16xi32> to vector<16x1xi32>
        %gather3A_717 = vector.shape_cast %broadcast_in_dim3A_716 : vector<16x1xi32> to vector<16xi32>
        %gather3A_718 = tpu.dynamic_gather %add3A_712[%gather3A_717] in [0] : vector<16xf32>, vector<16xi32> -> vector<16xf32>
        %add3A_719 = arith.addf %add3A_712, %gather3A_718 : vector<16xf32>
        %xor3A_720 = arith.constant 2 : i32
        %xor3A_721 = vector.broadcast %xor3A_720 : i32 to vector<16xi32>
        %xor3A_722 = arith.xori %iota3A, %xor3A_721 : vector<16xi32>
        %broadcast_in_dim3A_723 = vector.shape_cast %xor3A_722 : vector<16xi32> to vector<16x1xi32>
        %gather3A_724 = vector.shape_cast %broadcast_in_dim3A_723 : vector<16x1xi32> to vector<16xi32>
        %gather3A_725 = tpu.dynamic_gather %add3A_719[%gather3A_724] in [0] : vector<16xf32>, vector<16xi32> -> vector<16xf32>
        %add3A_726 = arith.addf %add3A_719, %gather3A_725 : vector<16xf32>
        %xor3A_727 = arith.constant 1 : i32
        %xor3A_728 = vector.broadcast %xor3A_727 : i32 to vector<16xi32>
        %xor3A_729 = arith.xori %iota3A, %xor3A_728 : vector<16xi32>
        %broadcast_in_dim3A_730 = vector.shape_cast %xor3A_729 : vector<16xi32> to vector<16x1xi32>
        %gather3A_731 = vector.shape_cast %broadcast_in_dim3A_730 : vector<16x1xi32> to vector<16xi32>
        %gather3A_732 = tpu.dynamic_gather %add3A_726[%gather3A_731] in [0] : vector<16xf32>, vector<16xi32> -> vector<16xf32>
        %add3A_733 = arith.addf %add3A_726, %gather3A_732 : vector<16xf32>
        %sub3A_734 = vector.broadcast %max3A_363 : f32 to vector<16xf32>
        %sub3A_735 = arith.subf %add3A_733, %sub3A_734 : vector<16xf32>
        %exp3A_736 = math.exp %sub3A_735 : vector<16xf32>
        %jit3A_737 = arith.constant 0.000000e+00 : f32
        %broadcast_in_dim3A_738 = vector.broadcast %jit3A_737 : f32 to vector<16xf32>
        %select_n3A_739 = arith.select %lt3A_500, %exp3A_736, %broadcast_in_dim3A_738 : vector<16xi1>, vector<16xf32>
        %broadcast_in_dim3A_740 = arith.constant 2 : i32
        %broadcast_in_dim3A_741 = vector.broadcast %broadcast_in_dim3A_740 : i32 to vector<16xi32>
        tpu.vector_store_idx %arg19[%broadcast_in_dim3A_495, %broadcast_in_dim3A_741], %select_n3A_739 masked %eq3A_382 : memref<72x16xf32, #tpu.memory_space<vmem>>[vector<16xi32>, vector<16xi32>], vector<16xf32>, vector<16xi1>
        %mul3A_742 = arith.mulf %get3A_515, %select_n3A_739 : vector<16xf32>
        %swap3A_743 = arith.index_cast %add3A_494 : i32 to index
        %swap3A_744 = arith.constant 64 : index
        %swap3A_745 = tpu.vector_load %arg13[%swap3A_743, %swap3A_744] {strides = array<i32>} : memref<72x128xf32, #tpu.memory_space<vmem>>, vector<16xf32>,
        tpu.vector_store %arg13[%swap3A_743, %swap3A_744], %mul3A_742 {strides = array<i32>} : memref<72x128xf32, #tpu.memory_space<vmem>>, vector<16xf32>,
        %mul3A_746 = arith.mulf %get3A_518, %select_n3A_739 : vector<16xf32>
        %swap3A_747 = arith.index_cast %add3A_494 : i32 to index
        %swap3A_748 = arith.constant 80 : index
        %swap3A_749 = tpu.vector_load %arg13[%swap3A_747, %swap3A_748] {strides = array<i32>} : memref<72x128xf32, #tpu.memory_space<vmem>>, vector<16xf32>,
        tpu.vector_store %arg13[%swap3A_747, %swap3A_748], %mul3A_746 {strides = array<i32>} : memref<72x128xf32, #tpu.memory_space<vmem>>, vector<16xf32>,
        %add3A_750 = arith.addf %mul3A_608, %mul3A_620 : vector<16xf32>
        %xor3A_751 = arith.constant 8 : i32
        %xor3A_752 = vector.broadcast %xor3A_751 : i32 to vector<16xi32>
        %xor3A_753 = arith.xori %iota3A, %xor3A_752 : vector<16xi32>
        %broadcast_in_dim3A_754 = vector.shape_cast %xor3A_753 : vector<16xi32> to vector<16x1xi32>
        %gather3A_755 = vector.shape_cast %broadcast_in_dim3A_754 : vector<16x1xi32> to vector<16xi32>
        %gather3A_756 = tpu.dynamic_gather %add3A_750[%gather3A_755] in [0] : vector<16xf32>, vector<16xi32> -> vector<16xf32>
        %add3A_757 = arith.addf %add3A_750, %gather3A_756 : vector<16xf32>
        %xor3A_758 = arith.constant 4 : i32
        %xor3A_759 = vector.broadcast %xor3A_758 : i32 to vector<16xi32>
        %xor3A_760 = arith.xori %iota3A, %xor3A_759 : vector<16xi32>
        %broadcast_in_dim3A_761 = vector.shape_cast %xor3A_760 : vector<16xi32> to vector<16x1xi32>
        %gather3A_762 = vector.shape_cast %broadcast_in_dim3A_761 : vector<16x1xi32> to vector<16xi32>
        %gather3A_763 = tpu.dynamic_gather %add3A_757[%gather3A_762] in [0] : vector<16xf32>, vector<16xi32> -> vector<16xf32>
        %add3A_764 = arith.addf %add3A_757, %gather3A_763 : vector<16xf32>
        %xor3A_765 = arith.constant 2 : i32
        %xor3A_766 = vector.broadcast %xor3A_765 : i32 to vector<16xi32>
        %xor3A_767 = arith.xori %iota3A, %xor3A_766 : vector<16xi32>
        %broadcast_in_dim3A_768 = vector.shape_cast %xor3A_767 : vector<16xi32> to vector<16x1xi32>
        %gather3A_769 = vector.shape_cast %broadcast_in_dim3A_768 : vector<16x1xi32> to vector<16xi32>
        %gather3A_770 = tpu.dynamic_gather %add3A_764[%gather3A_769] in [0] : vector<16xf32>, vector<16xi32> -> vector<16xf32>
        %add3A_771 = arith.addf %add3A_764, %gather3A_770 : vector<16xf32>
        %xor3A_772 = arith.constant 1 : i32
        %xor3A_773 = vector.broadcast %xor3A_772 : i32 to vector<16xi32>
        %xor3A_774 = arith.xori %iota3A, %xor3A_773 : vector<16xi32>
        %broadcast_in_dim3A_775 = vector.shape_cast %xor3A_774 : vector<16xi32> to vector<16x1xi32>
        %gather3A_776 = vector.shape_cast %broadcast_in_dim3A_775 : vector<16x1xi32> to vector<16xi32>
        %gather3A_777 = tpu.dynamic_gather %add3A_771[%gather3A_776] in [0] : vector<16xf32>, vector<16xi32> -> vector<16xf32>
        %add3A_778 = arith.addf %add3A_771, %gather3A_777 : vector<16xf32>
        %sub3A_779 = vector.broadcast %max3A_363 : f32 to vector<16xf32>
        %sub3A_780 = arith.subf %add3A_778, %sub3A_779 : vector<16xf32>
        %exp3A_781 = math.exp %sub3A_780 : vector<16xf32>
        %jit3A_782 = arith.constant 0.000000e+00 : f32
        %broadcast_in_dim3A_783 = vector.broadcast %jit3A_782 : f32 to vector<16xf32>
        %select_n3A_784 = arith.select %lt3A_500, %exp3A_781, %broadcast_in_dim3A_783 : vector<16xi1>, vector<16xf32>
        %broadcast_in_dim3A_785 = arith.constant 3 : i32
        %broadcast_in_dim3A_786 = vector.broadcast %broadcast_in_dim3A_785 : i32 to vector<16xi32>
        tpu.vector_store_idx %arg19[%broadcast_in_dim3A_495, %broadcast_in_dim3A_786], %select_n3A_784 masked %eq3A_382 : memref<72x16xf32, #tpu.memory_space<vmem>>[vector<16xi32>, vector<16xi32>], vector<16xf32>, vector<16xi1>
        %mul3A_787 = arith.mulf %get3A_521, %select_n3A_784 : vector<16xf32>
        %swap3A_788 = arith.index_cast %add3A_494 : i32 to index
        %swap3A_789 = arith.constant 96 : index
        %swap3A_790 = tpu.vector_load %arg13[%swap3A_788, %swap3A_789] {strides = array<i32>} : memref<72x128xf32, #tpu.memory_space<vmem>>, vector<16xf32>,
        tpu.vector_store %arg13[%swap3A_788, %swap3A_789], %mul3A_787 {strides = array<i32>} : memref<72x128xf32, #tpu.memory_space<vmem>>, vector<16xf32>,
        %mul3A_791 = arith.mulf %get3A_524, %select_n3A_784 : vector<16xf32>
        %swap3A_792 = arith.index_cast %add3A_494 : i32 to index
        %swap3A_793 = arith.constant 112 : index
        %swap3A_794 = tpu.vector_load %arg13[%swap3A_792, %swap3A_793] {strides = array<i32>} : memref<72x128xf32, #tpu.memory_space<vmem>>, vector<16xf32>,
        tpu.vector_store %arg13[%swap3A_792, %swap3A_793], %mul3A_791 {strides = array<i32>} : memref<72x128xf32, #tpu.memory_space<vmem>>, vector<16xf32>,
        %scan3A_795 = arith.constant 0 : i32
        scf.yield %scan3A_795 : i32
      }
      %scan3A_485 = arith.constant 72 : i32
      %run_scoped3A_486 = arith.constant 1 : i32
      "tpu.region"() ({
        %run_scoped3A_489 = tpu.sem_alloc : memref<!tpu.dma_semaphore, #tpu.memory_space<semaphore_mem>>
        %dma_start3A_490 = arith.constant 0 : i32
        %dma_start3A_491 = tpu.memref_slice %arg11[%run_scoped3A_486, %dma_start3A_490] : memref<2x72xi32, #tpu.memory_space<vmem>> -> memref<1x72xi32, #tpu.memory_space<vmem>>
        %dma_start3A_492 = tpu.memref_squeeze %dma_start3A_491 : memref<1x72xi32, #tpu.memory_space<vmem>> -> memref<72xi32, #tpu.memory_space<vmem>>
        %dma_start3A_493 = arith.constant 0 : i32
        %dma_start3A_494 = arith.constant 0 : i32
        %dma_start3A_495 = tpu.memref_slice %arg20[%dma_start3A_493, %dma_start3A_494] : memref<10000x128xf32, #tpu.memory_space<vmem_shared>> -> memref<10000x128xf32, #tpu.memory_space<vmem_shared>>
        tpu.enqueue_indirect_dma source(%arg13 : memref<72x128xf32, #tpu.memory_space<vmem>>) target(%dma_start3A_495 : memref<10000x128xf32, #tpu.memory_space<vmem_shared>>) offsets(%dma_start3A_492 : memref<72xi32, #tpu.memory_space<vmem>>) semaphore(%run_scoped3A_489 : memref<!tpu.dma_semaphore, #tpu.memory_space<semaphore_mem>>) {add = true}
        %dma_wait3A_496 = arith.constant 0 : i32
        %dma_wait3A_497 = tpu.memref_slice %arg11[%run_scoped3A_486, %dma_wait3A_496] : memref<2x72xi32, #tpu.memory_space<vmem>> -> memref<1x72xi32, #tpu.memory_space<vmem>>
        %dma_wait3A_498 = tpu.memref_squeeze %dma_wait3A_497 : memref<1x72xi32, #tpu.memory_space<vmem>> -> memref<72xi32, #tpu.memory_space<vmem>>
        %dma_wait3A_499 = arith.constant 0 : i32
        %dma_wait3A_500 = arith.constant 0 : i32
        %dma_wait3A_501 = tpu.memref_slice %arg20[%dma_wait3A_499, %dma_wait3A_500] : memref<10000x128xf32, #tpu.memory_space<vmem_shared>> -> memref<10000x128xf32, #tpu.memory_space<vmem_shared>>
        tpu.wait_indirect_dma semaphore(%run_scoped3A_489 : memref<!tpu.dma_semaphore, #tpu.memory_space<semaphore_mem>>) src(%arg13 : memref<72x128xf32, #tpu.memory_space<vmem>>) dst(%dma_wait3A_501 : memref<10000x128xf32, #tpu.memory_space<vmem_shared>>)
        tpu.yield
      }) : () -> ()
      %run_scoped3A_487 = arith.constant 1 : i32
      "tpu.region"() ({
        %run_scoped3A_489 = tpu.sem_alloc : memref<!tpu.dma_semaphore, #tpu.memory_space<semaphore_mem>>
        %dma_start3A_490 = arith.constant 0 : i32
        %dma_start3A_491 = tpu.memref_slice %arg11[%run_scoped3A_487, %dma_start3A_490] : memref<2x72xi32, #tpu.memory_space<vmem>> -> memref<1x72xi32, #tpu.memory_space<vmem>>
        %dma_start3A_492 = tpu.memref_squeeze %dma_start3A_491 : memref<1x72xi32, #tpu.memory_space<vmem>> -> memref<72xi32, #tpu.memory_space<vmem>>
        %dma_start3A_493 = arith.constant 0 : i32
        %dma_start3A_494 = arith.constant 0 : i32
        %dma_start3A_495 = tpu.memref_slice %arg21[%dma_start3A_493, %dma_start3A_494] : memref<10000x16xf32, #tpu.memory_space<vmem_shared>> -> memref<10000x16xf32, #tpu.memory_space<vmem_shared>>
        tpu.enqueue_indirect_dma source(%arg19 : memref<72x16xf32, #tpu.memory_space<vmem>>) target(%dma_start3A_495 : memref<10000x16xf32, #tpu.memory_space<vmem_shared>>) offsets(%dma_start3A_492 : memref<72xi32, #tpu.memory_space<vmem>>) semaphore(%run_scoped3A_489 : memref<!tpu.dma_semaphore, #tpu.memory_space<semaphore_mem>>) {add = true}
        %dma_wait3A_496 = arith.constant 0 : i32
        %dma_wait3A_497 = tpu.memref_slice %arg11[%run_scoped3A_487, %dma_wait3A_496] : memref<2x72xi32, #tpu.memory_space<vmem>> -> memref<1x72xi32, #tpu.memory_space<vmem>>
        %dma_wait3A_498 = tpu.memref_squeeze %dma_wait3A_497 : memref<1x72xi32, #tpu.memory_space<vmem>> -> memref<72xi32, #tpu.memory_space<vmem>>
        %dma_wait3A_499 = arith.constant 0 : i32
        %dma_wait3A_500 = arith.constant 0 : i32
        %dma_wait3A_501 = tpu.memref_slice %arg21[%dma_wait3A_499, %dma_wait3A_500] : memref<10000x16xf32, #tpu.memory_space<vmem_shared>> -> memref<10000x16xf32, #tpu.memory_space<vmem_shared>>
        tpu.wait_indirect_dma semaphore(%run_scoped3A_489 : memref<!tpu.dma_semaphore, #tpu.memory_space<semaphore_mem>>) src(%arg19 : memref<72x16xf32, #tpu.memory_space<vmem>>) dst(%dma_wait3A_501 : memref<10000x16xf32, #tpu.memory_space<vmem_shared>>)
        tpu.yield
      }) : () -> ()
      %scan3A_488 = arith.constant 0 : i32
      scf.yield %scan3A_488 : i32
    }
    %scan3A_403 = arith.constant 72 : i32
    %barrier3A_404 = arith.constant 0 : index
    tpu.barrier barrier_id(%barrier3A_404)
    "tpu.region"() ({
      %run_scoped3A_410 = tpu.sem_alloc : memref<!tpu.dma_semaphore, #tpu.memory_space<semaphore_mem>>
      %dma_start3A_411 = arith.constant 0 : i32
      %dma_start3A_412 = tpu.memref_slice %arg8[%arg0, %mul3A_11, %dma_start3A_411] : memref<2x10000x128xf32, #tpu.memory_space<hbm>> -> memref<1x624x128xf32, #tpu.memory_space<hbm>>
      %dma_start3A_413 = tpu.memref_squeeze %dma_start3A_412 : memref<1x624x128xf32, #tpu.memory_space<hbm>> -> memref<624x128xf32, #tpu.memory_space<hbm>>
      %dma_start3A_414 = arith.constant 0 : i32
      %dma_start3A_415 = tpu.memref_slice %arg20[%mul3A_11, %dma_start3A_414] : memref<10000x128xf32, #tpu.memory_space<vmem_shared>> -> memref<624x128xf32, #tpu.memory_space<vmem_shared>>
      tpu.enqueue_dma source(%dma_start3A_415 : memref<624x128xf32, #tpu.memory_space<vmem_shared>>) target(%dma_start3A_413 : memref<624x128xf32, #tpu.memory_space<hbm>>) target_semaphore(%run_scoped3A_410 : memref<!tpu.dma_semaphore, #tpu.memory_space<semaphore_mem>>)
      %dma_wait3A = arith.constant 0 : i32
      %dma_wait3A_416 = tpu.memref_slice %arg8[%arg0, %mul3A_11, %dma_wait3A] : memref<2x10000x128xf32, #tpu.memory_space<hbm>> -> memref<1x624x128xf32, #tpu.memory_space<hbm>>
      %dma_wait3A_417 = tpu.memref_squeeze %dma_wait3A_416 : memref<1x624x128xf32, #tpu.memory_space<hbm>> -> memref<624x128xf32, #tpu.memory_space<hbm>>
      %dma_wait3A_418 = arith.constant 0 : i32
      %dma_wait3A_419 = tpu.memref_slice %arg20[%mul3A_11, %dma_wait3A_418] : memref<10000x128xf32, #tpu.memory_space<vmem_shared>> -> memref<624x128xf32, #tpu.memory_space<vmem_shared>>
      tpu.wait_dma2 semaphore(%run_scoped3A_410 : memref<!tpu.dma_semaphore, #tpu.memory_space<semaphore_mem>>) src(%dma_wait3A_419 : memref<624x128xf32, #tpu.memory_space<vmem_shared>>) dst(%dma_wait3A_417 : memref<624x128xf32, #tpu.memory_space<hbm>>)
      tpu.yield
    }) : () -> ()
    "tpu.region"() ({
      %run_scoped3A_410 = tpu.sem_alloc : memref<!tpu.dma_semaphore, #tpu.memory_space<semaphore_mem>>
      %dma_start3A_411 = arith.constant 0 : i32
      %dma_start3A_412 = tpu.memref_slice %arg9[%arg0, %mul3A_11, %dma_start3A_411] : memref<2x10000x16xf32, #tpu.memory_space<hbm>> -> memref<1x624x16xf32, #tpu.memory_space<hbm>>
      %dma_start3A_413 = tpu.memref_squeeze %dma_start3A_412 : memref<1x624x16xf32, #tpu.memory_space<hbm>> -> memref<624x16xf32, #tpu.memory_space<hbm>>
      %dma_start3A_414 = arith.constant 0 : i32
      %dma_start3A_415 = tpu.memref_slice %arg21[%mul3A_11, %dma_start3A_414] : memref<10000x16xf32, #tpu.memory_space<vmem_shared>> -> memref<624x16xf32, #tpu.memory_space<vmem_shared>>
      tpu.enqueue_dma source(%dma_start3A_415 : memref<624x16xf32, #tpu.memory_space<vmem_shared>>) target(%dma_start3A_413 : memref<624x16xf32, #tpu.memory_space<hbm>>) target_semaphore(%run_scoped3A_410 : memref<!tpu.dma_semaphore, #tpu.memory_space<semaphore_mem>>)
      %dma_wait3A = arith.constant 0 : i32
      %dma_wait3A_416 = tpu.memref_slice %arg9[%arg0, %mul3A_11, %dma_wait3A] : memref<2x10000x16xf32, #tpu.memory_space<hbm>> -> memref<1x624x16xf32, #tpu.memory_space<hbm>>
      %dma_wait3A_417 = tpu.memref_squeeze %dma_wait3A_416 : memref<1x624x16xf32, #tpu.memory_space<hbm>> -> memref<624x16xf32, #tpu.memory_space<hbm>>
      %dma_wait3A_418 = arith.constant 0 : i32
      %dma_wait3A_419 = tpu.memref_slice %arg21[%mul3A_11, %dma_wait3A_418] : memref<10000x16xf32, #tpu.memory_space<vmem_shared>> -> memref<624x16xf32, #tpu.memory_space<vmem_shared>>
      tpu.wait_dma2 semaphore(%run_scoped3A_410 : memref<!tpu.dma_semaphore, #tpu.memory_space<semaphore_mem>>) src(%dma_wait3A_419 : memref<624x16xf32, #tpu.memory_space<vmem_shared>>) dst(%dma_wait3A_417 : memref<624x16xf32, #tpu.memory_space<hbm>>)
      tpu.yield
    }) : () -> ()
    %eq3A_405 = arith.constant 15 : i32
    %eq3A_406 = arith.cmpi eq, %arg1, %eq3A_405 : i32
    %convert_element_type3A_407 = arith.extui %eq3A_406 : i1 to i32
    %cond3A_408 = arith.constant 0 : i32
    %cond3A_409 = arith.cmpi ne, %convert_element_type3A_407, %cond3A_408 : i32
    scf.if %cond3A_409 {
      "tpu.region"() ({
        %run_scoped3A_410 = tpu.sem_alloc : memref<!tpu.dma_semaphore, #tpu.memory_space<semaphore_mem>>
        %dma_start3A_411 = arith.constant 9984 : i32
        %dma_start3A_412 = arith.constant 0 : i32
        %dma_start3A_413 = tpu.memref_slice %arg8[%arg0, %dma_start3A_411, %dma_start3A_412] : memref<2x10000x128xf32, #tpu.memory_space<hbm>> -> memref<1x16x128xf32, #tpu.memory_space<hbm>>
        %dma_start3A_414 = tpu.memref_squeeze %dma_start3A_413 : memref<1x16x128xf32, #tpu.memory_space<hbm>> -> memref<16x128xf32, #tpu.memory_space<hbm>>
        %dma_start3A_415 = arith.constant 9984 : i32
        %dma_start3A_416 = arith.constant 0 : i32
        %dma_start3A_417 = tpu.memref_slice %arg20[%dma_start3A_415, %dma_start3A_416] : memref<10000x128xf32, #tpu.memory_space<vmem_shared>> -> memref<16x128xf32, #tpu.memory_space<vmem_shared>>
        tpu.enqueue_dma source(%dma_start3A_417 : memref<16x128xf32, #tpu.memory_space<vmem_shared>>) target(%dma_start3A_414 : memref<16x128xf32, #tpu.memory_space<hbm>>) target_semaphore(%run_scoped3A_410 : memref<!tpu.dma_semaphore, #tpu.memory_space<semaphore_mem>>)
        %dma_wait3A = arith.constant 9984 : i32
        %dma_wait3A_418 = arith.constant 0 : i32
        %dma_wait3A_419 = tpu.memref_slice %arg8[%arg0, %dma_wait3A, %dma_wait3A_418] : memref<2x10000x128xf32, #tpu.memory_space<hbm>> -> memref<1x16x128xf32, #tpu.memory_space<hbm>>
        %dma_wait3A_420 = tpu.memref_squeeze %dma_wait3A_419 : memref<1x16x128xf32, #tpu.memory_space<hbm>> -> memref<16x128xf32, #tpu.memory_space<hbm>>
        %dma_wait3A_421 = arith.constant 9984 : i32
        %dma_wait3A_422 = arith.constant 0 : i32
        %dma_wait3A_423 = tpu.memref_slice %arg20[%dma_wait3A_421, %dma_wait3A_422] : memref<10000x128xf32, #tpu.memory_space<vmem_shared>> -> memref<16x128xf32, #tpu.memory_space<vmem_shared>>
        tpu.wait_dma2 semaphore(%run_scoped3A_410 : memref<!tpu.dma_semaphore, #tpu.memory_space<semaphore_mem>>) src(%dma_wait3A_423 : memref<16x128xf32, #tpu.memory_space<vmem_shared>>) dst(%dma_wait3A_420 : memref<16x128xf32, #tpu.memory_space<hbm>>)
        tpu.yield
      }) : () -> ()
      "tpu.region"() ({
        %run_scoped3A_410 = tpu.sem_alloc : memref<!tpu.dma_semaphore, #tpu.memory_space<semaphore_mem>>
        %dma_start3A_411 = arith.constant 9984 : i32
        %dma_start3A_412 = arith.constant 0 : i32
        %dma_start3A_413 = tpu.memref_slice %arg9[%arg0, %dma_start3A_411, %dma_start3A_412] : memref<2x10000x16xf32, #tpu.memory_space<hbm>> -> memref<1x16x16xf32, #tpu.memory_space<hbm>>
        %dma_start3A_414 = tpu.memref_squeeze %dma_start3A_413 : memref<1x16x16xf32, #tpu.memory_space<hbm>> -> memref<16x16xf32, #tpu.memory_space<hbm>>
        %dma_start3A_415 = arith.constant 9984 : i32
        %dma_start3A_416 = arith.constant 0 : i32
        %dma_start3A_417 = tpu.memref_slice %arg21[%dma_start3A_415, %dma_start3A_416] : memref<10000x16xf32, #tpu.memory_space<vmem_shared>> -> memref<16x16xf32, #tpu.memory_space<vmem_shared>>
        tpu.enqueue_dma source(%dma_start3A_417 : memref<16x16xf32, #tpu.memory_space<vmem_shared>>) target(%dma_start3A_414 : memref<16x16xf32, #tpu.memory_space<hbm>>) target_semaphore(%run_scoped3A_410 : memref<!tpu.dma_semaphore, #tpu.memory_space<semaphore_mem>>)
        %dma_wait3A = arith.constant 9984 : i32
        %dma_wait3A_418 = arith.constant 0 : i32
        %dma_wait3A_419 = tpu.memref_slice %arg9[%arg0, %dma_wait3A, %dma_wait3A_418] : memref<2x10000x16xf32, #tpu.memory_space<hbm>> -> memref<1x16x16xf32, #tpu.memory_space<hbm>>
        %dma_wait3A_420 = tpu.memref_squeeze %dma_wait3A_419 : memref<1x16x16xf32, #tpu.memory_space<hbm>> -> memref<16x16xf32, #tpu.memory_space<hbm>>
        %dma_wait3A_421 = arith.constant 9984 : i32
        %dma_wait3A_422 = arith.constant 0 : i32
        %dma_wait3A_423 = tpu.memref_slice %arg21[%dma_wait3A_421, %dma_wait3A_422] : memref<10000x16xf32, #tpu.memory_space<vmem_shared>> -> memref<16x16xf32, #tpu.memory_space<vmem_shared>>
        tpu.wait_dma2 semaphore(%run_scoped3A_410 : memref<!tpu.dma_semaphore, #tpu.memory_space<semaphore_mem>>) src(%dma_wait3A_423 : memref<16x16xf32, #tpu.memory_space<vmem_shared>>) dst(%dma_wait3A_420 : memref<16x16xf32, #tpu.memory_space<hbm>>)
        tpu.yield
      }) : () -> ()
    } else {
    }
    return
  }
}

module attributes {stable_mosaic.version = 14 : i64} {
  func.func @_lin2_body(%arg0: i32, %arg1: memref<1000x128xf32, #tpu.memory_space<vmem>>, %arg2: memref<128x128xf32, #tpu.memory_space<vmem>>, %arg3: memref<128xf32, #tpu.memory_space<vmem>>, %arg4: memref<128x128xf32, #tpu.memory_space<vmem>>, %arg5: memref<128xf32, #tpu.memory_space<vmem>>, %arg6: memref<1000x128xf32, #tpu.memory_space<vmem>>, %arg7: memref<1000x128xf32, #tpu.memory_space<vmem>>, %arg8: memref<4x128xf32, #tpu.memory_space<vmem>>) attributes {dimension_semantics = [#tpu.dimension_semantics<arbitrary>], iteration_bounds = array<i64: 10>, scalar_prefetch = 0 : i64, scratch_operands = 0 : i64, tpu.core_type = #tpu.core_type<tc>, window_params = [{transform_indices = @transform_0, window_bounds = array<i64: 1000, 128>}, {pipeline_mode = #tpu.pipeline_mode<synchronous>, transform_indices = @transform_1, window_bounds = array<i64: 128, 128>}, {pipeline_mode = #tpu.pipeline_mode<synchronous>, transform_indices = @transform_2, window_bounds = array<i64: 128>}, {pipeline_mode = #tpu.pipeline_mode<synchronous>, transform_indices = @transform_3, window_bounds = array<i64: 128, 128>}, {pipeline_mode = #tpu.pipeline_mode<synchronous>, transform_indices = @transform_4, window_bounds = array<i64: 128>}, {transform_indices = @transform_5, window_bounds = array<i64: 1000, 128>}, {transform_indices = @transform_6, window_bounds = array<i64: 1000, 128>}, {pipeline_mode = #tpu.pipeline_mode<synchronous>, transform_indices = @transform_7, window_bounds = array<i64: 4, 128>}]} {
    %get3A = arith.constant 0 : index
    %get3A_0 = arith.constant 0 : index
    %get3A_1 = vector.load %arg1[%get3A, %get3A_0] : memref<1000x128xf32, #tpu.memory_space<vmem>>, vector<1000x128xf32>
    %get3A_2 = arith.constant 0 : index
    %get3A_3 = arith.constant 0 : index
    %get3A_4 = vector.load %arg2[%get3A_2, %get3A_3] : memref<128x128xf32, #tpu.memory_space<vmem>>, vector<128x128xf32>
    %dot_general3A = arith.constant dense<0.000000e+00> : vector<1000x128xf32>
    %dot_general3A_5 = tpu.matmul %get3A_1, %get3A_4, %dot_general3A {dimension_numbers = #tpu.dot_dimension_numbers<[1], [0], [0], [1], [0, 0, 1, 1], [], []>, transpose_lhs_hint = false} : vector<1000x128xf32>, vector<128x128xf32>, vector<1000x128xf32> -> vector<1000x128xf32>
    %get3A_6 = arith.constant 0 : index
    %get3A_7 = vector.load %arg3[%get3A_6] : memref<128xf32, #tpu.memory_space<vmem>>, vector<128xf32>
    %broadcast_in_dim3A = vector.shape_cast %get3A_7 : vector<128xf32> to vector<1x128xf32>
    %add3A = vector.broadcast %broadcast_in_dim3A : vector<1x128xf32> to vector<1000x128xf32>
    %add3A_8 = arith.addf %dot_general3A_5, %add3A : vector<1000x128xf32>
    %get3A_9 = arith.constant 0 : index
    %get3A_10 = arith.constant 0 : index
    %get3A_11 = vector.load %arg4[%get3A_9, %get3A_10] : memref<128x128xf32, #tpu.memory_space<vmem>>, vector<128x128xf32>
    %dot_general3A_12 = arith.constant dense<0.000000e+00> : vector<1000x128xf32>
    %dot_general3A_13 = tpu.matmul %get3A_1, %get3A_11, %dot_general3A_12 {dimension_numbers = #tpu.dot_dimension_numbers<[1], [0], [0], [1], [0, 0, 1, 1], [], []>, transpose_lhs_hint = false} : vector<1000x128xf32>, vector<128x128xf32>, vector<1000x128xf32> -> vector<1000x128xf32>
    %get3A_14 = arith.constant 0 : index
    %get3A_15 = vector.load %arg5[%get3A_14] : memref<128xf32, #tpu.memory_space<vmem>>, vector<128xf32>
    %broadcast_in_dim3A_16 = vector.shape_cast %get3A_15 : vector<128xf32> to vector<1x128xf32>
    %add3A_17 = vector.broadcast %broadcast_in_dim3A_16 : vector<1x128xf32> to vector<1000x128xf32>
    %add3A_18 = arith.addf %dot_general3A_13, %add3A_17 : vector<1000x128xf32>
    %swap3A = arith.constant 0 : index
    %swap3A_19 = arith.constant 0 : index
    %swap3A_20 = vector.load %arg6[%swap3A, %swap3A_19] : memref<1000x128xf32, #tpu.memory_space<vmem>>, vector<1000x128xf32>
    tpu.vector_store %arg6[%swap3A, %swap3A_19], %add3A_8 {strides = array<i32>} : memref<1000x128xf32, #tpu.memory_space<vmem>>, vector<1000x128xf32>,
    %swap3A_21 = arith.constant 0 : index
    %swap3A_22 = arith.constant 0 : index
    %swap3A_23 = vector.load %arg7[%swap3A_21, %swap3A_22] : memref<1000x128xf32, #tpu.memory_space<vmem>>, vector<1000x128xf32>
    tpu.vector_store %arg7[%swap3A_21, %swap3A_22], %add3A_18 {strides = array<i32>} : memref<1000x128xf32, #tpu.memory_space<vmem>>, vector<1000x128xf32>,
    %eq3A = arith.constant 0 : i32
    %eq3A_24 = arith.cmpi eq, %arg0, %eq3A : i32
    %reduce_max3A = arith.constant dense<0xFF800000> : vector<128xf32>
    %reduce_max3A_25 = vector.multi_reduction <maximumf>, %add3A_8, %reduce_max3A [0] : vector<1000x128xf32> to vector<128xf32>
    %broadcast_in_dim3A_26 = vector.shape_cast %reduce_max3A_25 : vector<128xf32> to vector<1x128xf32>
    %reduce_min3A = arith.constant dense<0x7F800000> : vector<128xf32>
    %reduce_min3A_27 = vector.multi_reduction <minimumf>, %add3A_8, %reduce_min3A [0] : vector<1000x128xf32> to vector<128xf32>
    %broadcast_in_dim3A_28 = vector.shape_cast %reduce_min3A_27 : vector<128xf32> to vector<1x128xf32>
    %reduce_max3A_29 = arith.constant dense<0xFF800000> : vector<128xf32>
    %reduce_max3A_30 = vector.multi_reduction <maximumf>, %add3A_18, %reduce_max3A_29 [0] : vector<1000x128xf32> to vector<128xf32>
    %broadcast_in_dim3A_31 = vector.shape_cast %reduce_max3A_30 : vector<128xf32> to vector<1x128xf32>
    %reduce_min3A_32 = arith.constant dense<0x7F800000> : vector<128xf32>
    %reduce_min3A_33 = vector.multi_reduction <minimumf>, %add3A_18, %reduce_min3A_32 [0] : vector<1000x128xf32> to vector<128xf32>
    %broadcast_in_dim3A_34 = vector.shape_cast %reduce_min3A_33 : vector<128xf32> to vector<1x128xf32>
    %convert_element_type3A = arith.extui %eq3A_24 : i1 to i32
    %cond3A = arith.constant 0 : i32
    %cond3A_35 = arith.cmpi ne, %convert_element_type3A, %cond3A : i32
    scf.if %cond3A_35 {
      %swap3A_40 = arith.constant 0 : index
      %swap3A_41 = arith.constant 0 : index
      %swap3A_42 = vector.load %arg8[%swap3A_40, %swap3A_41] : memref<4x128xf32, #tpu.memory_space<vmem>>, vector<1x128xf32>
      tpu.vector_store %arg8[%swap3A_40, %swap3A_41], %broadcast_in_dim3A_26 {strides = array<i32>} : memref<4x128xf32, #tpu.memory_space<vmem>>, vector<1x128xf32>,
      %swap3A_43 = arith.constant 1 : index
      %swap3A_44 = arith.constant 0 : index
      %swap3A_45 = vector.load %arg8[%swap3A_43, %swap3A_44] : memref<4x128xf32, #tpu.memory_space<vmem>>, vector<1x128xf32>
      tpu.vector_store %arg8[%swap3A_43, %swap3A_44], %broadcast_in_dim3A_28 {strides = array<i32>} : memref<4x128xf32, #tpu.memory_space<vmem>>, vector<1x128xf32>,
      %swap3A_46 = arith.constant 2 : index
      %swap3A_47 = arith.constant 0 : index
      %swap3A_48 = vector.load %arg8[%swap3A_46, %swap3A_47] : memref<4x128xf32, #tpu.memory_space<vmem>>, vector<1x128xf32>
      tpu.vector_store %arg8[%swap3A_46, %swap3A_47], %broadcast_in_dim3A_31 {strides = array<i32>} : memref<4x128xf32, #tpu.memory_space<vmem>>, vector<1x128xf32>,
      %swap3A_49 = arith.constant 3 : index
      %swap3A_50 = arith.constant 0 : index
      %swap3A_51 = vector.load %arg8[%swap3A_49, %swap3A_50] : memref<4x128xf32, #tpu.memory_space<vmem>>, vector<1x128xf32>
      tpu.vector_store %arg8[%swap3A_49, %swap3A_50], %broadcast_in_dim3A_34 {strides = array<i32>} : memref<4x128xf32, #tpu.memory_space<vmem>>, vector<1x128xf32>,
    } else {
    }
    %not3A = arith.constant true
    %not3A_36 = arith.xori %eq3A_24, %not3A : i1
    %convert_element_type3A_37 = arith.extui %not3A_36 : i1 to i32
    %cond3A_38 = arith.constant 0 : i32
    %cond3A_39 = arith.cmpi ne, %convert_element_type3A_37, %cond3A_38 : i32
    scf.if %cond3A_39 {
      %get3A_40 = arith.constant 0 : index
      %get3A_41 = arith.constant 0 : index
      %get3A_42 = vector.load %arg8[%get3A_40, %get3A_41] : memref<4x128xf32, #tpu.memory_space<vmem>>, vector<1x128xf32>
      %max3A = arith.maximumf %get3A_42, %broadcast_in_dim3A_26 : vector<1x128xf32>
      %swap3A_43 = arith.constant 0 : index
      %swap3A_44 = arith.constant 0 : index
      %swap3A_45 = vector.load %arg8[%swap3A_43, %swap3A_44] : memref<4x128xf32, #tpu.memory_space<vmem>>, vector<1x128xf32>
      tpu.vector_store %arg8[%swap3A_43, %swap3A_44], %max3A {strides = array<i32>} : memref<4x128xf32, #tpu.memory_space<vmem>>, vector<1x128xf32>,
      %get3A_46 = arith.constant 1 : index
      %get3A_47 = arith.constant 0 : index
      %get3A_48 = vector.load %arg8[%get3A_46, %get3A_47] : memref<4x128xf32, #tpu.memory_space<vmem>>, vector<1x128xf32>
      %min3A = arith.minimumf %get3A_48, %broadcast_in_dim3A_28 : vector<1x128xf32>
      %swap3A_49 = arith.constant 1 : index
      %swap3A_50 = arith.constant 0 : index
      %swap3A_51 = vector.load %arg8[%swap3A_49, %swap3A_50] : memref<4x128xf32, #tpu.memory_space<vmem>>, vector<1x128xf32>
      tpu.vector_store %arg8[%swap3A_49, %swap3A_50], %min3A {strides = array<i32>} : memref<4x128xf32, #tpu.memory_space<vmem>>, vector<1x128xf32>,
      %get3A_52 = arith.constant 2 : index
      %get3A_53 = arith.constant 0 : index
      %get3A_54 = vector.load %arg8[%get3A_52, %get3A_53] : memref<4x128xf32, #tpu.memory_space<vmem>>, vector<1x128xf32>
      %max3A_55 = arith.maximumf %get3A_54, %broadcast_in_dim3A_31 : vector<1x128xf32>
      %swap3A_56 = arith.constant 2 : index
      %swap3A_57 = arith.constant 0 : index
      %swap3A_58 = vector.load %arg8[%swap3A_56, %swap3A_57] : memref<4x128xf32, #tpu.memory_space<vmem>>, vector<1x128xf32>
      tpu.vector_store %arg8[%swap3A_56, %swap3A_57], %max3A_55 {strides = array<i32>} : memref<4x128xf32, #tpu.memory_space<vmem>>, vector<1x128xf32>,
      %get3A_59 = arith.constant 3 : index
      %get3A_60 = arith.constant 0 : index
      %get3A_61 = vector.load %arg8[%get3A_59, %get3A_60] : memref<4x128xf32, #tpu.memory_space<vmem>>, vector<1x128xf32>
      %min3A_62 = arith.minimumf %get3A_61, %broadcast_in_dim3A_34 : vector<1x128xf32>
      %swap3A_63 = arith.constant 3 : index
      %swap3A_64 = arith.constant 0 : index
      %swap3A_65 = vector.load %arg8[%swap3A_63, %swap3A_64] : memref<4x128xf32, #tpu.memory_space<vmem>>, vector<1x128xf32>
      tpu.vector_store %arg8[%swap3A_63, %swap3A_64], %min3A_62 {strides = array<i32>} : memref<4x128xf32, #tpu.memory_space<vmem>>, vector<1x128xf32>,
    } else {
    }
    return
  }
  func.func @transform_0(%arg0: i32) -> (i32, i32) {
    %c0_i32 = arith.constant 0 : i32
    %c0_i32_0 = arith.constant 0 : i32
    return %arg0, %c0_i32 : i32, i32
  }
  func.func @transform_1(%arg0: i32) -> (i32, i32) {
    %c0_i32 = arith.constant 0 : i32
    %c0_i32_0 = arith.constant 0 : i32
    %c0_i32_1 = arith.constant 0 : i32
    return %c0_i32, %c0_i32_0 : i32, i32
  }
  func.func @transform_2(%arg0: i32) -> i32 {
    %c0_i32 = arith.constant 0 : i32
    %c0_i32_0 = arith.constant 0 : i32
    return %c0_i32 : i32
  }
  func.func @transform_3(%arg0: i32) -> (i32, i32) {
    %c0_i32 = arith.constant 0 : i32
    %c0_i32_0 = arith.constant 0 : i32
    %c0_i32_1 = arith.constant 0 : i32
    return %c0_i32, %c0_i32_0 : i32, i32
  }
  func.func @transform_4(%arg0: i32) -> i32 {
    %c0_i32 = arith.constant 0 : i32
    %c0_i32_0 = arith.constant 0 : i32
    return %c0_i32 : i32
  }
  func.func @transform_5(%arg0: i32) -> (i32, i32) {
    %c0_i32 = arith.constant 0 : i32
    %c0_i32_0 = arith.constant 0 : i32
    return %arg0, %c0_i32 : i32, i32
  }
  func.func @transform_6(%arg0: i32) -> (i32, i32) {
    %c0_i32 = arith.constant 0 : i32
    %c0_i32_0 = arith.constant 0 : i32
    return %arg0, %c0_i32 : i32, i32
  }
  func.func @transform_7(%arg0: i32) -> (i32, i32) {
    %c0_i32 = arith.constant 0 : i32
    %c0_i32_0 = arith.constant 0 : i32
    %c0_i32_1 = arith.constant 0 : i32
    return %c0_i32, %c0_i32_0 : i32, i32
  }
}

module attributes {stable_mosaic.version = 14 : i64} {
  func.func @_combine_lin_body(%arg0: i32, %arg1: memref<1000x128xf32, #tpu.memory_space<vmem>>, %arg2: memref<1000x128xf32, #tpu.memory_space<vmem>>, %arg3: memref<1000x16xf32, #tpu.memory_space<vmem>>, %arg4: memref<1000x16xf32, #tpu.memory_space<vmem>>, %arg5: memref<128xf32, #tpu.memory_space<vmem>>, %arg6: memref<128x32xf32, #tpu.memory_space<vmem>>, %arg7: memref<32xf32, #tpu.memory_space<vmem>>, %arg8: memref<128x32xf32, #tpu.memory_space<vmem>>, %arg9: memref<32xf32, #tpu.memory_space<vmem>>, %arg10: memref<1000x32xf32, #tpu.memory_space<vmem>>, %arg11: memref<1000x32xf32, #tpu.memory_space<vmem>>, %arg12: memref<4x32xf32, #tpu.memory_space<vmem>>) attributes {dimension_semantics = [#tpu.dimension_semantics<arbitrary>], iteration_bounds = array<i64: 10>, scalar_prefetch = 0 : i64, scratch_operands = 0 : i64, tpu.core_type = #tpu.core_type<tc>, window_params = [{transform_indices = @transform_0, window_bounds = array<i64: 1000, 128>}, {transform_indices = @transform_1, window_bounds = array<i64: 1000, 128>}, {transform_indices = @transform_2, window_bounds = array<i64: 1000, 16>}, {transform_indices = @transform_3, window_bounds = array<i64: 1000, 16>}, {pipeline_mode = #tpu.pipeline_mode<synchronous>, transform_indices = @transform_4, window_bounds = array<i64: 128>}, {pipeline_mode = #tpu.pipeline_mode<synchronous>, transform_indices = @transform_5, window_bounds = array<i64: 128, 32>}, {pipeline_mode = #tpu.pipeline_mode<synchronous>, transform_indices = @transform_6, window_bounds = array<i64: 32>}, {pipeline_mode = #tpu.pipeline_mode<synchronous>, transform_indices = @transform_7, window_bounds = array<i64: 128, 32>}, {pipeline_mode = #tpu.pipeline_mode<synchronous>, transform_indices = @transform_8, window_bounds = array<i64: 32>}, {transform_indices = @transform_9, window_bounds = array<i64: 1000, 32>}, {transform_indices = @transform_10, window_bounds = array<i64: 1000, 32>}, {pipeline_mode = #tpu.pipeline_mode<synchronous>, transform_indices = @transform_11, window_bounds = array<i64: 4, 32>}]} {
    %get3A = arith.constant 0 : index
    %get3A_0 = arith.constant 0 : index
    %get3A_1 = vector.load %arg1[%get3A, %get3A_0] : memref<1000x128xf32, #tpu.memory_space<vmem>>, vector<1000x128xf32>
    %get3A_2 = arith.constant 0 : index
    %get3A_3 = arith.constant 0 : index
    %get3A_4 = vector.load %arg2[%get3A_2, %get3A_3] : memref<1000x128xf32, #tpu.memory_space<vmem>>, vector<1000x128xf32>
    %add3A = arith.addf %get3A_1, %get3A_4 : vector<1000x128xf32>
    %get3A_5 = arith.constant 0 : index
    %get3A_6 = arith.constant 0 : index
    %get3A_7 = vector.load %arg3[%get3A_5, %get3A_6] : memref<1000x16xf32, #tpu.memory_space<vmem>>, vector<1000x16xf32>
    %get3A_8 = arith.constant 0 : index
    %get3A_9 = arith.constant 0 : index
    %get3A_10 = vector.load %arg4[%get3A_8, %get3A_9] : memref<1000x16xf32, #tpu.memory_space<vmem>>, vector<1000x16xf32>
    %add3A_11 = arith.addf %get3A_7, %get3A_10 : vector<1000x16xf32>
    %slice3A = vector.extract_strided_slice %add3A_11 {offsets = [0, 0], sizes = [1000, 1], strides = [1, 1]} : vector<1000x16xf32> to vector<1000x1xf32>
    %broadcast_in_dim3A = vector.shape_cast %slice3A : vector<1000x1xf32> to vector<1000x1xf32>
    %broadcast_in_dim3A_12 = vector.broadcast %broadcast_in_dim3A : vector<1000x1xf32> to vector<1000x32xf32>
    %slice3A_13 = vector.extract_strided_slice %add3A_11 {offsets = [0, 1], sizes = [1000, 1], strides = [1, 1]} : vector<1000x16xf32> to vector<1000x1xf32>
    %broadcast_in_dim3A_14 = vector.shape_cast %slice3A_13 : vector<1000x1xf32> to vector<1000x1xf32>
    %broadcast_in_dim3A_15 = vector.broadcast %broadcast_in_dim3A_14 : vector<1000x1xf32> to vector<1000x32xf32>
    %slice3A_16 = vector.extract_strided_slice %add3A_11 {offsets = [0, 2], sizes = [1000, 1], strides = [1, 1]} : vector<1000x16xf32> to vector<1000x1xf32>
    %broadcast_in_dim3A_17 = vector.shape_cast %slice3A_16 : vector<1000x1xf32> to vector<1000x1xf32>
    %broadcast_in_dim3A_18 = vector.broadcast %broadcast_in_dim3A_17 : vector<1000x1xf32> to vector<1000x32xf32>
    %slice3A_19 = vector.extract_strided_slice %add3A_11 {offsets = [0, 3], sizes = [1000, 1], strides = [1, 1]} : vector<1000x16xf32> to vector<1000x1xf32>
    %broadcast_in_dim3A_20 = vector.shape_cast %slice3A_19 : vector<1000x1xf32> to vector<1000x1xf32>
    %broadcast_in_dim3A_21 = vector.broadcast %broadcast_in_dim3A_20 : vector<1000x1xf32> to vector<1000x32xf32>
    %concatenate3A = tpu.concatenate %broadcast_in_dim3A_12, %broadcast_in_dim3A_15, %broadcast_in_dim3A_18, %broadcast_in_dim3A_21 in 1 : vector<1000x32xf32>, vector<1000x32xf32>, vector<1000x32xf32>, vector<1000x32xf32> -> vector<1000x128xf32>
    %div3A = arith.divf %add3A, %concatenate3A : vector<1000x128xf32>
    %get3A_22 = arith.constant 0 : index
    %get3A_23 = vector.load %arg5[%get3A_22] : memref<128xf32, #tpu.memory_space<vmem>>, vector<128xf32>
    %broadcast_in_dim3A_24 = vector.shape_cast %get3A_23 : vector<128xf32> to vector<1x128xf32>
    %add3A_25 = vector.broadcast %broadcast_in_dim3A_24 : vector<1x128xf32> to vector<1000x128xf32>
    %add3A_26 = arith.addf %div3A, %add3A_25 : vector<1000x128xf32>
    %gt3A = arith.constant 0.000000e+00 : f32
    %gt3A_27 = vector.broadcast %gt3A : f32 to vector<1000x128xf32>
    %gt3A_28 = arith.cmpf ogt, %add3A_26, %gt3A_27 : vector<1000x128xf32>
    %exp3A = math.exp %add3A_26 : vector<1000x128xf32>
    %sub3A = arith.constant 1.000000e+00 : f32
    %sub3A_29 = vector.broadcast %sub3A : f32 to vector<1000x128xf32>
    %sub3A_30 = arith.subf %exp3A, %sub3A_29 : vector<1000x128xf32>
    %select_n3A = arith.select %gt3A_28, %add3A_26, %sub3A_30 : vector<1000x128xi1>, vector<1000x128xf32>
    %get3A_31 = arith.constant 0 : index
    %get3A_32 = arith.constant 0 : index
    %get3A_33 = vector.load %arg6[%get3A_31, %get3A_32] : memref<128x32xf32, #tpu.memory_space<vmem>>, vector<128x32xf32>
    %dot_general3A = arith.constant dense<0.000000e+00> : vector<1000x32xf32>
    %dot_general3A_34 = tpu.matmul %select_n3A, %get3A_33, %dot_general3A {dimension_numbers = #tpu.dot_dimension_numbers<[1], [0], [0], [1], [0, 0, 1, 1], [], []>, transpose_lhs_hint = false} : vector<1000x128xf32>, vector<128x32xf32>, vector<1000x32xf32> -> vector<1000x32xf32>
    %get3A_35 = arith.constant 0 : index
    %get3A_36 = vector.load %arg7[%get3A_35] : memref<32xf32, #tpu.memory_space<vmem>>, vector<32xf32>
    %broadcast_in_dim3A_37 = vector.shape_cast %get3A_36 : vector<32xf32> to vector<1x32xf32>
    %add3A_38 = vector.broadcast %broadcast_in_dim3A_37 : vector<1x32xf32> to vector<1000x32xf32>
    %add3A_39 = arith.addf %dot_general3A_34, %add3A_38 : vector<1000x32xf32>
    %get3A_40 = arith.constant 0 : index
    %get3A_41 = arith.constant 0 : index
    %get3A_42 = vector.load %arg8[%get3A_40, %get3A_41] : memref<128x32xf32, #tpu.memory_space<vmem>>, vector<128x32xf32>
    %dot_general3A_43 = arith.constant dense<0.000000e+00> : vector<1000x32xf32>
    %dot_general3A_44 = tpu.matmul %select_n3A, %get3A_42, %dot_general3A_43 {dimension_numbers = #tpu.dot_dimension_numbers<[1], [0], [0], [1], [0, 0, 1, 1], [], []>, transpose_lhs_hint = false} : vector<1000x128xf32>, vector<128x32xf32>, vector<1000x32xf32> -> vector<1000x32xf32>
    %get3A_45 = arith.constant 0 : index
    %get3A_46 = vector.load %arg9[%get3A_45] : memref<32xf32, #tpu.memory_space<vmem>>, vector<32xf32>
    %broadcast_in_dim3A_47 = vector.shape_cast %get3A_46 : vector<32xf32> to vector<1x32xf32>
    %add3A_48 = vector.broadcast %broadcast_in_dim3A_47 : vector<1x32xf32> to vector<1000x32xf32>
    %add3A_49 = arith.addf %dot_general3A_44, %add3A_48 : vector<1000x32xf32>
    %swap3A = arith.constant 0 : index
    %swap3A_50 = arith.constant 0 : index
    %swap3A_51 = vector.load %arg10[%swap3A, %swap3A_50] : memref<1000x32xf32, #tpu.memory_space<vmem>>, vector<1000x32xf32>
    tpu.vector_store %arg10[%swap3A, %swap3A_50], %add3A_39 {strides = array<i32>} : memref<1000x32xf32, #tpu.memory_space<vmem>>, vector<1000x32xf32>,
    %swap3A_52 = arith.constant 0 : index
    %swap3A_53 = arith.constant 0 : index
    %swap3A_54 = vector.load %arg11[%swap3A_52, %swap3A_53] : memref<1000x32xf32, #tpu.memory_space<vmem>>, vector<1000x32xf32>
    tpu.vector_store %arg11[%swap3A_52, %swap3A_53], %add3A_49 {strides = array<i32>} : memref<1000x32xf32, #tpu.memory_space<vmem>>, vector<1000x32xf32>,
    %eq3A = arith.constant 0 : i32
    %eq3A_55 = arith.cmpi eq, %arg0, %eq3A : i32
    %reduce_max3A = arith.constant dense<0xFF800000> : vector<32xf32>
    %reduce_max3A_56 = vector.multi_reduction <maximumf>, %add3A_39, %reduce_max3A [0] : vector<1000x32xf32> to vector<32xf32>
    %broadcast_in_dim3A_57 = vector.shape_cast %reduce_max3A_56 : vector<32xf32> to vector<1x32xf32>
    %reduce_min3A = arith.constant dense<0x7F800000> : vector<32xf32>
    %reduce_min3A_58 = vector.multi_reduction <minimumf>, %add3A_39, %reduce_min3A [0] : vector<1000x32xf32> to vector<32xf32>
    %broadcast_in_dim3A_59 = vector.shape_cast %reduce_min3A_58 : vector<32xf32> to vector<1x32xf32>
    %reduce_max3A_60 = arith.constant dense<0xFF800000> : vector<32xf32>
    %reduce_max3A_61 = vector.multi_reduction <maximumf>, %add3A_49, %reduce_max3A_60 [0] : vector<1000x32xf32> to vector<32xf32>
    %broadcast_in_dim3A_62 = vector.shape_cast %reduce_max3A_61 : vector<32xf32> to vector<1x32xf32>
    %reduce_min3A_63 = arith.constant dense<0x7F800000> : vector<32xf32>
    %reduce_min3A_64 = vector.multi_reduction <minimumf>, %add3A_49, %reduce_min3A_63 [0] : vector<1000x32xf32> to vector<32xf32>
    %broadcast_in_dim3A_65 = vector.shape_cast %reduce_min3A_64 : vector<32xf32> to vector<1x32xf32>
    %convert_element_type3A = arith.extui %eq3A_55 : i1 to i32
    %cond3A = arith.constant 0 : i32
    %cond3A_66 = arith.cmpi ne, %convert_element_type3A, %cond3A : i32
    scf.if %cond3A_66 {
      %swap3A_71 = arith.constant 0 : index
      %swap3A_72 = arith.constant 0 : index
      %swap3A_73 = vector.load %arg12[%swap3A_71, %swap3A_72] : memref<4x32xf32, #tpu.memory_space<vmem>>, vector<1x32xf32>
      tpu.vector_store %arg12[%swap3A_71, %swap3A_72], %broadcast_in_dim3A_57 {strides = array<i32>} : memref<4x32xf32, #tpu.memory_space<vmem>>, vector<1x32xf32>,
      %swap3A_74 = arith.constant 1 : index
      %swap3A_75 = arith.constant 0 : index
      %swap3A_76 = vector.load %arg12[%swap3A_74, %swap3A_75] : memref<4x32xf32, #tpu.memory_space<vmem>>, vector<1x32xf32>
      tpu.vector_store %arg12[%swap3A_74, %swap3A_75], %broadcast_in_dim3A_59 {strides = array<i32>} : memref<4x32xf32, #tpu.memory_space<vmem>>, vector<1x32xf32>,
      %swap3A_77 = arith.constant 2 : index
      %swap3A_78 = arith.constant 0 : index
      %swap3A_79 = vector.load %arg12[%swap3A_77, %swap3A_78] : memref<4x32xf32, #tpu.memory_space<vmem>>, vector<1x32xf32>
      tpu.vector_store %arg12[%swap3A_77, %swap3A_78], %broadcast_in_dim3A_62 {strides = array<i32>} : memref<4x32xf32, #tpu.memory_space<vmem>>, vector<1x32xf32>,
      %swap3A_80 = arith.constant 3 : index
      %swap3A_81 = arith.constant 0 : index
      %swap3A_82 = vector.load %arg12[%swap3A_80, %swap3A_81] : memref<4x32xf32, #tpu.memory_space<vmem>>, vector<1x32xf32>
      tpu.vector_store %arg12[%swap3A_80, %swap3A_81], %broadcast_in_dim3A_65 {strides = array<i32>} : memref<4x32xf32, #tpu.memory_space<vmem>>, vector<1x32xf32>,
    } else {
    }
    %not3A = arith.constant true
    %not3A_67 = arith.xori %eq3A_55, %not3A : i1
    %convert_element_type3A_68 = arith.extui %not3A_67 : i1 to i32
    %cond3A_69 = arith.constant 0 : i32
    %cond3A_70 = arith.cmpi ne, %convert_element_type3A_68, %cond3A_69 : i32
    scf.if %cond3A_70 {
      %get3A_71 = arith.constant 0 : index
      %get3A_72 = arith.constant 0 : index
      %get3A_73 = vector.load %arg12[%get3A_71, %get3A_72] : memref<4x32xf32, #tpu.memory_space<vmem>>, vector<1x32xf32>
      %max3A = arith.maximumf %get3A_73, %broadcast_in_dim3A_57 : vector<1x32xf32>
      %swap3A_74 = arith.constant 0 : index
      %swap3A_75 = arith.constant 0 : index
      %swap3A_76 = vector.load %arg12[%swap3A_74, %swap3A_75] : memref<4x32xf32, #tpu.memory_space<vmem>>, vector<1x32xf32>
      tpu.vector_store %arg12[%swap3A_74, %swap3A_75], %max3A {strides = array<i32>} : memref<4x32xf32, #tpu.memory_space<vmem>>, vector<1x32xf32>,
      %get3A_77 = arith.constant 1 : index
      %get3A_78 = arith.constant 0 : index
      %get3A_79 = vector.load %arg12[%get3A_77, %get3A_78] : memref<4x32xf32, #tpu.memory_space<vmem>>, vector<1x32xf32>
      %min3A = arith.minimumf %get3A_79, %broadcast_in_dim3A_59 : vector<1x32xf32>
      %swap3A_80 = arith.constant 1 : index
      %swap3A_81 = arith.constant 0 : index
      %swap3A_82 = vector.load %arg12[%swap3A_80, %swap3A_81] : memref<4x32xf32, #tpu.memory_space<vmem>>, vector<1x32xf32>
      tpu.vector_store %arg12[%swap3A_80, %swap3A_81], %min3A {strides = array<i32>} : memref<4x32xf32, #tpu.memory_space<vmem>>, vector<1x32xf32>,
      %get3A_83 = arith.constant 2 : index
      %get3A_84 = arith.constant 0 : index
      %get3A_85 = vector.load %arg12[%get3A_83, %get3A_84] : memref<4x32xf32, #tpu.memory_space<vmem>>, vector<1x32xf32>
      %max3A_86 = arith.maximumf %get3A_85, %broadcast_in_dim3A_62 : vector<1x32xf32>
      %swap3A_87 = arith.constant 2 : index
      %swap3A_88 = arith.constant 0 : index
      %swap3A_89 = vector.load %arg12[%swap3A_87, %swap3A_88] : memref<4x32xf32, #tpu.memory_space<vmem>>, vector<1x32xf32>
      tpu.vector_store %arg12[%swap3A_87, %swap3A_88], %max3A_86 {strides = array<i32>} : memref<4x32xf32, #tpu.memory_space<vmem>>, vector<1x32xf32>,
      %get3A_90 = arith.constant 3 : index
      %get3A_91 = arith.constant 0 : index
      %get3A_92 = vector.load %arg12[%get3A_90, %get3A_91] : memref<4x32xf32, #tpu.memory_space<vmem>>, vector<1x32xf32>
      %min3A_93 = arith.minimumf %get3A_92, %broadcast_in_dim3A_65 : vector<1x32xf32>
      %swap3A_94 = arith.constant 3 : index
      %swap3A_95 = arith.constant 0 : index
      %swap3A_96 = vector.load %arg12[%swap3A_94, %swap3A_95] : memref<4x32xf32, #tpu.memory_space<vmem>>, vector<1x32xf32>
      tpu.vector_store %arg12[%swap3A_94, %swap3A_95], %min3A_93 {strides = array<i32>} : memref<4x32xf32, #tpu.memory_space<vmem>>, vector<1x32xf32>,
    } else {
    }
    return
  }
  func.func @transform_0(%arg0: i32) -> (i32, i32) {
    %c0_i32 = arith.constant 0 : i32
    %c0_i32_0 = arith.constant 0 : i32
    return %arg0, %c0_i32 : i32, i32
  }
  func.func @transform_1(%arg0: i32) -> (i32, i32) {
    %c0_i32 = arith.constant 0 : i32
    %c0_i32_0 = arith.constant 0 : i32
    return %arg0, %c0_i32 : i32, i32
  }
  func.func @transform_2(%arg0: i32) -> (i32, i32) {
    %c0_i32 = arith.constant 0 : i32
    %c0_i32_0 = arith.constant 0 : i32
    return %arg0, %c0_i32 : i32, i32
  }
  func.func @transform_3(%arg0: i32) -> (i32, i32) {
    %c0_i32 = arith.constant 0 : i32
    %c0_i32_0 = arith.constant 0 : i32
    return %arg0, %c0_i32 : i32, i32
  }
  func.func @transform_4(%arg0: i32) -> i32 {
    %c0_i32 = arith.constant 0 : i32
    %c0_i32_0 = arith.constant 0 : i32
    return %c0_i32 : i32
  }
  func.func @transform_5(%arg0: i32) -> (i32, i32) {
    %c0_i32 = arith.constant 0 : i32
    %c0_i32_0 = arith.constant 0 : i32
    %c0_i32_1 = arith.constant 0 : i32
    return %c0_i32, %c0_i32_0 : i32, i32
  }
  func.func @transform_6(%arg0: i32) -> i32 {
    %c0_i32 = arith.constant 0 : i32
    %c0_i32_0 = arith.constant 0 : i32
    return %c0_i32 : i32
  }
  func.func @transform_7(%arg0: i32) -> (i32, i32) {
    %c0_i32 = arith.constant 0 : i32
    %c0_i32_0 = arith.constant 0 : i32
    %c0_i32_1 = arith.constant 0 : i32
    return %c0_i32, %c0_i32_0 : i32, i32
  }
  func.func @transform_8(%arg0: i32) -> i32 {
    %c0_i32 = arith.constant 0 : i32
    %c0_i32_0 = arith.constant 0 : i32
    return %c0_i32 : i32
  }
  func.func @transform_9(%arg0: i32) -> (i32, i32) {
    %c0_i32 = arith.constant 0 : i32
    %c0_i32_0 = arith.constant 0 : i32
    return %arg0, %c0_i32 : i32, i32
  }
  func.func @transform_10(%arg0: i32) -> (i32, i32) {
    %c0_i32 = arith.constant 0 : i32
    %c0_i32_0 = arith.constant 0 : i32
    return %arg0, %c0_i32 : i32, i32
  }
  func.func @transform_11(%arg0: i32) -> (i32, i32) {
    %c0_i32 = arith.constant 0 : i32
    %c0_i32_0 = arith.constant 0 : i32
    %c0_i32_1 = arith.constant 0 : i32
    return %c0_i32, %c0_i32_0 : i32, i32
  }
}

module attributes {stable_mosaic.version = 14 : i64} {
  func.func @_final_body(%arg0: i32, %arg1: memref<1000x32xf32, #tpu.memory_space<vmem>>, %arg2: memref<1000x32xf32, #tpu.memory_space<vmem>>, %arg3: memref<1000x16xf32, #tpu.memory_space<vmem>>, %arg4: memref<1000x16xf32, #tpu.memory_space<vmem>>, %arg5: memref<32xf32, #tpu.memory_space<vmem>>, %arg6: memref<32x1xf32, #tpu.memory_space<vmem>>, %arg7: memref<1xf32, #tpu.memory_space<vmem>>, %arg8: memref<1000x1xf32, #tpu.memory_space<vmem>>) attributes {dimension_semantics = [#tpu.dimension_semantics<arbitrary>], iteration_bounds = array<i64: 10>, scalar_prefetch = 0 : i64, scratch_operands = 0 : i64, tpu.core_type = #tpu.core_type<tc>, window_params = [{transform_indices = @transform_0, window_bounds = array<i64: 1000, 32>}, {transform_indices = @transform_1, window_bounds = array<i64: 1000, 32>}, {transform_indices = @transform_2, window_bounds = array<i64: 1000, 16>}, {transform_indices = @transform_3, window_bounds = array<i64: 1000, 16>}, {pipeline_mode = #tpu.pipeline_mode<synchronous>, transform_indices = @transform_4, window_bounds = array<i64: 32>}, {pipeline_mode = #tpu.pipeline_mode<synchronous>, transform_indices = @transform_5, window_bounds = array<i64: 32, 1>}, {pipeline_mode = #tpu.pipeline_mode<synchronous>, transform_indices = @transform_6, window_bounds = array<i64: 1>}, {transform_indices = @transform_7, window_bounds = array<i64: 1000, 1>}]} {
    %get3A = arith.constant 0 : index
    %get3A_0 = arith.constant 0 : index
    %get3A_1 = vector.load %arg1[%get3A, %get3A_0] : memref<1000x32xf32, #tpu.memory_space<vmem>>, vector<1000x32xf32>
    %get3A_2 = arith.constant 0 : index
    %get3A_3 = arith.constant 0 : index
    %get3A_4 = vector.load %arg2[%get3A_2, %get3A_3] : memref<1000x32xf32, #tpu.memory_space<vmem>>, vector<1000x32xf32>
    %add3A = arith.addf %get3A_1, %get3A_4 : vector<1000x32xf32>
    %get3A_5 = arith.constant 0 : index
    %get3A_6 = arith.constant 0 : index
    %get3A_7 = vector.load %arg3[%get3A_5, %get3A_6] : memref<1000x16xf32, #tpu.memory_space<vmem>>, vector<1000x16xf32>
    %get3A_8 = arith.constant 0 : index
    %get3A_9 = arith.constant 0 : index
    %get3A_10 = vector.load %arg4[%get3A_8, %get3A_9] : memref<1000x16xf32, #tpu.memory_space<vmem>>, vector<1000x16xf32>
    %add3A_11 = arith.addf %get3A_7, %get3A_10 : vector<1000x16xf32>
    %slice3A = vector.extract_strided_slice %add3A_11 {offsets = [0, 0], sizes = [1000, 1], strides = [1, 1]} : vector<1000x16xf32> to vector<1000x1xf32>
    %broadcast_in_dim3A = vector.shape_cast %slice3A : vector<1000x1xf32> to vector<1000x1xf32>
    %broadcast_in_dim3A_12 = vector.broadcast %broadcast_in_dim3A : vector<1000x1xf32> to vector<1000x32xf32>
    %div3A = arith.divf %add3A, %broadcast_in_dim3A_12 : vector<1000x32xf32>
    %get3A_13 = arith.constant 0 : index
    %get3A_14 = vector.load %arg5[%get3A_13] : memref<32xf32, #tpu.memory_space<vmem>>, vector<32xf32>
    %broadcast_in_dim3A_15 = vector.shape_cast %get3A_14 : vector<32xf32> to vector<1x32xf32>
    %add3A_16 = vector.broadcast %broadcast_in_dim3A_15 : vector<1x32xf32> to vector<1000x32xf32>
    %add3A_17 = arith.addf %div3A, %add3A_16 : vector<1000x32xf32>
    %gt3A = arith.constant 0.000000e+00 : f32
    %gt3A_18 = vector.broadcast %gt3A : f32 to vector<1000x32xf32>
    %gt3A_19 = arith.cmpf ogt, %add3A_17, %gt3A_18 : vector<1000x32xf32>
    %exp3A = math.exp %add3A_17 : vector<1000x32xf32>
    %sub3A = arith.constant 1.000000e+00 : f32
    %sub3A_20 = vector.broadcast %sub3A : f32 to vector<1000x32xf32>
    %sub3A_21 = arith.subf %exp3A, %sub3A_20 : vector<1000x32xf32>
    %select_n3A = arith.select %gt3A_19, %add3A_17, %sub3A_21 : vector<1000x32xi1>, vector<1000x32xf32>
    %get3A_22 = arith.constant 0 : index
    %get3A_23 = arith.constant 0 : index
    %get3A_24 = vector.load %arg6[%get3A_22, %get3A_23] : memref<32x1xf32, #tpu.memory_space<vmem>>, vector<32x1xf32>
    %squeeze3A = vector.shape_cast %get3A_24 : vector<32x1xf32> to vector<32xf32>
    %broadcast_in_dim3A_25 = vector.shape_cast %squeeze3A : vector<32xf32> to vector<1x32xf32>
    %mul3A = vector.broadcast %broadcast_in_dim3A_25 : vector<1x32xf32> to vector<1000x32xf32>
    %mul3A_26 = arith.mulf %select_n3A, %mul3A : vector<1000x32xf32>
    %reduce_sum3A = arith.constant dense<0.000000e+00> : vector<1000xf32>
    %reduce_sum3A_27 = vector.multi_reduction <add>, %mul3A_26, %reduce_sum3A [1] : vector<1000x32xf32> to vector<1000xf32>
    %broadcast_in_dim3A_28 = vector.shape_cast %reduce_sum3A_27 : vector<1000xf32> to vector<1000x1xf32>
    %get3A_29 = arith.constant 0 : index
    %get3A_30 = vector.load %arg7[%get3A_29] : memref<1xf32, #tpu.memory_space<vmem>>, vector<1xf32>
    %broadcast_in_dim3A_31 = vector.shape_cast %get3A_30 : vector<1xf32> to vector<1x1xf32>
    %add3A_32 = vector.broadcast %broadcast_in_dim3A_31 : vector<1x1xf32> to vector<1000x1xf32>
    %add3A_33 = arith.addf %broadcast_in_dim3A_28, %add3A_32 : vector<1000x1xf32>
    %logistic3A = arith.negf %add3A_33 : vector<1000x1xf32>
    %logistic3A_34 = math.exp %logistic3A : vector<1000x1xf32>
    %logistic3A_35 = arith.constant 1.000000e+00 : f32
    %logistic3A_36 = vector.broadcast %logistic3A_35 : f32 to vector<1000x1xf32>
    %logistic3A_37 = arith.addf %logistic3A_36, %logistic3A_34 : vector<1000x1xf32>
    %logistic3A_38 = arith.divf %logistic3A_36, %logistic3A_37 : vector<1000x1xf32>
    %swap3A = arith.constant 0 : index
    %swap3A_39 = arith.constant 0 : index
    %swap3A_40 = vector.load %arg8[%swap3A, %swap3A_39] : memref<1000x1xf32, #tpu.memory_space<vmem>>, vector<1000x1xf32>
    tpu.vector_store %arg8[%swap3A, %swap3A_39], %logistic3A_38 {strides = array<i32>} : memref<1000x1xf32, #tpu.memory_space<vmem>>, vector<1000x1xf32>,
    return
  }
  func.func @transform_0(%arg0: i32) -> (i32, i32) {
    %c0_i32 = arith.constant 0 : i32
    %c0_i32_0 = arith.constant 0 : i32
    return %arg0, %c0_i32 : i32, i32
  }
  func.func @transform_1(%arg0: i32) -> (i32, i32) {
    %c0_i32 = arith.constant 0 : i32
    %c0_i32_0 = arith.constant 0 : i32
    return %arg0, %c0_i32 : i32, i32
  }
  func.func @transform_2(%arg0: i32) -> (i32, i32) {
    %c0_i32 = arith.constant 0 : i32
    %c0_i32_0 = arith.constant 0 : i32
    return %arg0, %c0_i32 : i32, i32
  }
  func.func @transform_3(%arg0: i32) -> (i32, i32) {
    %c0_i32 = arith.constant 0 : i32
    %c0_i32_0 = arith.constant 0 : i32
    return %arg0, %c0_i32 : i32, i32
  }
  func.func @transform_4(%arg0: i32) -> i32 {
    %c0_i32 = arith.constant 0 : i32
    %c0_i32_0 = arith.constant 0 : i32
    return %c0_i32 : i32
  }
  func.func @transform_5(%arg0: i32) -> (i32, i32) {
    %c0_i32 = arith.constant 0 : i32
    %c0_i32_0 = arith.constant 0 : i32
    %c0_i32_1 = arith.constant 0 : i32
    return %c0_i32, %c0_i32_0 : i32, i32
  }
  func.func @transform_6(%arg0: i32) -> i32 {
    %c0_i32 = arith.constant 0 : i32
    %c0_i32_0 = arith.constant 0 : i32
    return %c0_i32 : i32
  }
  func.func @transform_7(%arg0: i32) -> (i32, i32) {
    %c0_i32 = arith.constant 0 : i32
    %c0_i32_0 = arith.constant 0 : i32
    return %arg0, %c0_i32 : i32, i32
  }
}

</mosaic_0001>

<sc_bundles>
// kernel: kernel.10.cloned.1.call-start
scs
__scs_entry_jumppad:
0x0: {  	(pc) =	sbr.rel $0x88, $3  }
0x1: {  	(tag) =	ssettag $0x0;
	lr =	simm.s32 $0x1  }
0x2: {  	[smem:$0x3F91] =	sst lr;
	_ =	strace $0xD0000000  }
0x3: {  	_ = 	snop  }
0x4: {  	_ = 	snop  }
0x5: {  	_ = 	snop  }
0x6: {  	_ = 	snop  }
0x7: {  	_ = 	snop  }
__scs_overlays_trampoline_lowered:
0x8: {  	[smem:$0x3FA0] =	sst s0  }
0x9: {  	[smem:$0x3FA1] =	sst s1  }
0xa: {  	[smem:$0x3FA2] =	sst s2  }
0xb: {  	[smem:$0x3FA3] =	sst s3  }
0xc: {  	[smem:$0x3FA4] =	sst s4  }
0xd: {  	[smem:$0x3FA5] =	sst s5  }
0xe: {  	[smem:$0x3FA6] =	sst s6  }
0xf: {  	[smem:$0x3FA7] =	sst s7  }
0x10: {  	[smem:$0x3FA8] =	sst s8  }
0x11: {  	[smem:$0x3FA9] =	sst s9;
	s0 =	simm.s32 @!p0 $0x0  }
0x12: {  	s1 =	sld [smem:$0x3F8F];
	s0 =	simm.s32 @p0 $0x1  }
0x13: {  	[smem:$0x3FAA] =	sst s0;
	s0 =	simm.s32 @!p1 $0x0  }
0x14: {  	s2 =	sld [smem:$0x3F8E];
	s0 =	simm.s32 @p1 $0x1  }
0x15: {  	[smem:$0x3FAB] =	sst s0;
	s0 =	simm.s32 @!p2 $0x0  }
0x16: {  	s3 =	sld [smem:$0x3FDB];
	s0 =	simm.s32 @p2 $0x1  }
0x17: {  	s4 =	simm.s32 $0x1BF5;
	[smem:$0x3FAD] =	sst s0  }
0x18: {  	s0 =	sld [smem:$0x3F90];
	_ =	swait.ge [sflag:s4], $0x0  }
0x19: {  	s7 =	sld [smem:$0x3F91]  }
0x1a: {  	s8 =	sadd.s32 $0xFFFFE003, lr  }
0x1b: {  	s9 =	sadd.s32 $0xFFFFFEF7, lr;
	s5 =	simm.s32 $0xFFFFFFFF;
	p2 =	slt.u32 s8, $0xFFFFF086  }
0x1c: {  	p1 =	slt.u32 s9, $0xF7A;
	s5 =	simm.s32 @!p2 $0x0  }
0x1d: {  	s5 =	simm.s32 @p1 $0x1;
	p0 =	seq.s32 s7, s2  }
0x1e: {  	s7 =	smul.u32 @!p0 $0xF7A, s2;
	p2 =	seq.s32 @!p0 s5, $0x0  }
0x1f: {  	s9 =	smul.u32 $0xF7A, s1;
	s8 =	simm.s32 @!p0 $0x1BF5;
	p2 =	por !p2, p0  }
0x20: {  	[sflag:s8] =	ssyncset.s32 @!p0 $0xFFFFF086;
	s6 =	sadd.s32 @!p0 s3, s7;
	s7 =	simm.s32 @!p0 $0x108  }
0x21: {  	s3 =	sadd.s32 s3, s9;
	s6 =	sadd.s32 @!p0 $0x88, s6;
	s7 =	simm.s32 @p2 $0x1082  }
0x22: {  	[simem:s7], [sflag:s8] =	dma.local @!p0 [hbm:s6], $0xF7A  }
0x23: {  	s9 =	sor.u32 $0xD0000000, s2;
	s6 =	simm.s32 $0x108;
	_ =	swait.ge @!p0 [sflag:s8], $0x0  }
0x24: {  	s3 =	sadd.s32 $0x88, s3;
	s6 =	simm.s32 @!p1 $0x1082;
	[sflag:s4] =	ssyncset.s32 $0xFFFFF086  }
0x25: {  	[simem:s6], [sflag:s4] =	dma.local [hbm:s3], $0xF7A  }
0x26: {  	[smem:$0x3F91] =	sst s1;
	(tag) =	ssettag s2;
	_ =	strace s9  }
0x27: {  	s1 =	sld [smem:$0x3FA1]  }
0x28: {  	s2 =	sld [smem:$0x3FA2]  }
0x29: {  	s4 =	sld [smem:$0x3FA4]  }
0x2a: {  	p0 =	seq.s32 s5, $0x0;
	s5 =	sld [smem:$0x3FA5]  }
0x2b: {  	s6 =	sld [smem:$0x3FA6]  }
0x2c: {  	s7 =	sld [smem:$0x3FA7]  }
0x2d: {  	s3 =	simm.s32 $0x108;
	s8 =	sld [smem:$0x3FA8]  }
0x2e: {  	s3 =	simm.s32 @!p0 $0x1082;
	s9 =	sld [smem:$0x3FA9]  }
0x2f: {  	lr =	sadd.s32 s0, s3;
	s0 =	sld [smem:$0x3FA0]  }
0x30: {  	s3 =	sld [smem:$0x3FA3]  }
0x31: {  	[smem:$0x3FAC] =	sst s10  }
0x32: {  	s10 =	sld [smem:$0x3FAA];
	_ =	sdelay $0x3  }
0x33: {  	p0 =	seq.s32 s10, $0x1;
	s10 =	sld [smem:$0x3FAC];
	_ =	sdelay $0x3  }
0x34: {  	[smem:$0x3FAC] =	sst s10  }
0x35: {  	s10 =	sld [smem:$0x3FAB];
	_ =	sdelay $0x3  }
0x36: {  	p1 =	seq.s32 s10, $0x1;
	s10 =	sld [smem:$0x3FAC];
	_ =	sdelay $0x3  }
0x37: {  	[smem:$0x3FAC] =	sst s10  }
0x38: {  	s10 =	sld [smem:$0x3FAD]  }
0x39: {  	_ = 	snop;
	(pc) =	sbr.ind lr, $3  }
0x3a: {  	_ = 	snop  }
0x3b: {  	_ = 	snop  }
0x3c: {  	p2 =	seq.s32 s10, $0x1;
	s10 =	sld [smem:$0x3FAC]  }
0x3d: {  	_ =	shalt  }
0x3e: {  	_ =	shalt  }
0x3f: {  	_ =	shalt  }
0x40: {  	_ =	shalt  }
0x41: {  	_ =	shalt  }
0x42: {  	_ =	shalt  }
0x43: {  	_ =	shalt  }
0x44: {  	_ =	shalt  }
0x45: {  	_ =	shalt  }
0x46: {  	_ =	shalt  }
0x47: {  	_ =	shalt  }
0x48: {  	_ =	shalt  }
0x49: {  	_ =	shalt  }
0x4a: {  	_ =	shalt  }
0x4b: {  	_ =	shalt  }
0x4c: {  	_ =	shalt  }
0x4d: {  	_ =	shalt  }
0x4e: {  	_ =	shalt  }
0x4f: {  	_ =	shalt  }
0x50: {  	_ =	shalt  }
0x51: {  	_ =	shalt  }
0x52: {  	_ =	shalt  }
0x53: {  	_ =	shalt  }
0x54: {  	_ =	shalt  }
0x55: {  	_ =	shalt  }
0x56: {  	_ =	shalt  }
0x57: {  	_ =	shalt  }
0x58: {  	_ =	shalt  }
0x59: {  	_ =	shalt  }
0x5a: {  	_ =	shalt  }
0x5b: {  	_ =	shalt  }
0x5c: {  	_ =	shalt  }
0x5d: {  	_ =	shalt  }
0x5e: {  	_ =	shalt  }
0x5f: {  	_ =	shalt  }
0x60: {  	_ =	shalt  }
0x61: {  	_ =	shalt  }
0x62: {  	_ =	shalt  }
0x63: {  	_ =	shalt  }
0x64: {  	_ =	shalt  }
0x65: {  	_ =	shalt  }
0x66: {  	_ =	shalt  }
0x67: {  	_ =	shalt  }
0x68: {  	_ =	shalt  }
0x69: {  	_ =	shalt  }
0x6a: {  	_ =	shalt  }
0x6b: {  	_ =	shalt  }
0x6c: {  	_ =	shalt  }
0x6d: {  	_ =	shalt  }
0x6e: {  	_ =	shalt  }
0x6f: {  	_ =	shalt  }
0x70: {  	_ =	shalt  }
0x71: {  	_ =	shalt  }
0x72: {  	_ =	shalt  }
0x73: {  	_ =	shalt  }
0x74: {  	_ =	shalt  }
0x75: {  	_ =	shalt  }
0x76: {  	_ =	shalt  }
0x77: {  	_ =	shalt  }
0x78: {  	_ =	shalt  }
0x79: {  	_ =	shalt  }
0x7a: {  	_ =	shalt  }
0x7b: {  	_ =	shalt  }
0x7c: {  	_ =	shalt  }
0x7d: {  	_ =	shalt  }
0x7e: {  	_ =	shalt  }
0x7f: {  	_ =	shalt  }
0x80: {  	_ =	shalt  }
0x81: {  	_ =	shalt  }
0x82: {  	_ =	shalt  }
0x83: {  	_ =	shalt  }
0x84: {  	_ =	shalt  }
0x85: {  	_ =	shalt  }
0x86: {  	_ =	shalt  }
0x87: {  	_ =	shalt  }
.Lfunc_end0:
.L_simem_size_0:
called_computation.1_lowered:
.L_overlay_start_0:
0x88: {  	s2 =	sld [smem:$0x3FD9]  }
0x89: {  	s3 =	sld [smem:$0x3FFE];
	_ =	sdelay $0x1  }
0x8a: {  	s1 =	srdreg.scid  }
0x8b: {  	s0 =	sand.u32 $0x1, s1  }
0x8c: {  	s17 =	sshll.u32 s0, $0xA;
	s2 =	sadd.s32 s3, s2  }
0x8d: {  	s2 =	sadd.s32 s2, s17  }
0x8e: {  	[smem:$0x3FB8] =	sst s2  }
0x8f: {  	_ = 	snop  }
0x90: {  	s2 =	sld [smem:$0x3FBD]  }
0x91: {  	s18 =	sld [smem:$0x3FD0];
	(tm) =	ssettm $0x1  }
0x92: {  	s4 =	sld [smem:$0x3FFB];
	_ =	sdelay $0x3  }
0x93: {  	_ =	strace s4  }
0x94: {  	s4 =	sld [smem:$0x3FFC];
	_ =	sdelay $0x3  }
0x95: {  	_ =	strace s4  }
0x96: {  	s4 =	sld [smem:$0x3FFD];
	_ =	sdelay $0x3  }
0x97: {  	_ =	strace s4  }
0x98: {  	_ =	strace $0x8FFFFFFF  }
0x99: {  	s19 =	sld [smem:$0x3FDB];
	_ =	sdelay $0x1  }
0x9a: {  	s5 =	simm.s32 $_scs_section_size  }
0x9b: {  	s6 =	simm.s32 $_size__tile_overlayer_lowered;
	s7 =	simm.s32 $_tile_overlayer_lowered  }
0x9c: {  	s22 =	simm.s32 $0x1BFF;
	s21 =	sshll.u32 s7, $0x1;
	s4 =	sadd.s32 s5, s19  }
0x9d: {  	s8 =	simm.s32 $0x0;
	s20 =	sshll.u32 s6, $0x1;
	s6 =	sadd.s32 s21, s4  }
0x9e: {  	[timem:s8], [sflag:s22] =	dma.local [hbm:s6], s20  }
0x9f: {  	_ =	swait.ge [sflag:s22], s20  }
0xa0: {  	s5 =	ssub.s32 $0x0, s20;
	[sflag:s22] =	ssyncset.done $0x0  }
0xa1: {  	[sflag:s22] =	ssyncadd.s32 s5;
	_ =	sdelay $0x1  }
0xa2: {  	s23 =	simm.s32 $0x1B8B  }
0xa3: {  	_ =	swait.ge [sflag:s23], $0x1  }
0xa4: {  	[sflag:s23] =	ssyncset.done $0x0  }
0xa5: {  	s25 =	simm.s32 $0x1B8E;
	s24 =	sld [smem:$0x3FFE];
	[sflag:s23] =	ssyncadd.s32 $0xFFFFFFFF  }
0xa6: {  	s26 =	simm.s32 $execute0_lowered;
	[smem:$0x3FD2] =	sst s25  }
0xa7: {  	s6 =	sshll.u32 s26, $0x1;
	_ =	strace $0x80000049;
	[dreg:$0x1] =	wrdreg $0xFFFFFFFF  }
0xa8: {  	s28 =	simm.s32 $_size_execute0_lowered;
	s4 =	sadd.s32 s4, s6;
	[dreg:$0x0] =	wrdreg $0x0  }
0xa9: {  	s6 =	sshll.u32 s28, $0x1;
	[dreg:$0x2] =	wrdreg s4  }
0xaa: {  	[dreg:$0x3] =	wrdreg s6  }
0xab: {  	[dreg:$0x4] =	wrdreg $0xC0  }
0xac: {  	_ =	task [dreg:s8], $0x5FFFF  }
0xad: {  	[dreg:$0x1] =	wrdreg $0xFFFFFFFF  }
0xae: {  	[dreg:$0x0] =	wrdreg $0x60  }
0xaf: {  	[dreg:$0x2] =	wrdreg s24  }
0xb0: {  	[dreg:$0x3] =	wrdreg s2  }
0xb1: {  	[dreg:$0x4] =	wrdreg s18  }
0xb2: {  	[dreg:$0x5] =	wrdreg $0x148A00  }
0xb3: {  	[dreg:$0x6] =	wrdreg $0x196C00  }
0xb4: {  	[dreg:$0x7] =	wrdreg $0x9  }
0xb5: {  	_ =	task.clear_ibuf [dreg:s8], $0x8FFFF;
	_ =	strace $0x90000049  }
0xb6: {  	s29 =	simm.s32 $0x9;
	_ =	strace $0x8000004B  }
0xb7: {  	_ =	swait.ge [sflag:s29], $0x1  }
0xb8: {  	[sflag:s29] =	ssyncadd.s32 $0xFFFFFFFF  }
0xb9: {  	_ =	strace $0x9000004B  }
0xba: {  	_ =	sfence  }
0xbb: {  	s30 =	sld [smem:$0x0];
	_ =	sdelay $0x2  }
0xbc: {  	s31 =	sshll.u32 s1, $0xD;
	s1 =	sshrl.u32 s1, $0x2  }
0xbd: {  	s3 =	sand.u32 $0x4000, s31;
	s1 =	sadd.s32 s1, s30  }
0xbe: {  	s0 =	sor.u32 s3, s0;
	s1 =	sshll.u32 s1, $0x11  }
0xbf: {  	s0 =	sor.u32 s1, s0  }
0xc0: {  	s0 =	sadd.s32 $0x8F2B, s0  }
0xc1: {  	[sflag:s0] =	ssyncadd.remote.s32 $0x1  }
0xc2: {  	_ =	sfence.sel $0xFFFF  }
0xc3: {  	[dreg:$0x0] =	wrdreg $0xFFFFFFFF;
	(pc) =	sbr.abs _section_cstart, $3  }
0xc4: {  	[dreg:$0x1] =	wrdreg $0xFFFFFFFF  }
0xc5: {  	_ =	task.clear_ibuf [dreg:s8], $0x2FFFF;
	_ =	strace $0x9FFFFFFF  }
0xc6: {  	(tm) =	ssettm $0x7FFFFFFF  }
0xc7: {  	_ =	shalt  }
tec
execute0_lowered:
.L_overlay_start_1:
0x0: {  	(tag) =	ssettag $0x1  }
0x1: {  	s0 =	rddreg [dreg:$0x0]  }
0x2: {  	s5 =	rddreg [dreg:$0x3]  }
0x3: {  	s17 =	rddreg [dreg:$0x4];
	s20 =	simm.s32 $0x0  }
0x4: {  	s1 =	srdreg.scid;
	s16 =	stileid.u32;
	s28 =	simm.s32 $0x5  }
0x5: {  	s29 =	simm.s32 $0x108A0;
	s30 =	simm.s32 $0x600;
	s31 =	simm.s32 $0x4800  }
0x6: {  	[smem:$0x7FF] =	sst s20;
	s1 =	sand.u32 $0x1, s1;
	s15 =	smul.u32 $0x270, s16  }
0x7: {  	s2 =	sshll.u32 s16, $0x1;
	s7 =	sadd.s32 $0xEA00, s0;
	s6 =	smul.u32 $0x4E00, s16  }
0x8: {  	s8 =	sadd.s32 $0x3A00, s0;
	s10 =	sadd.s32 $0x23800, s0;
	s13 =	smul.u32 $0x2700, s16  }
0x9: {  	s11 =	sadd.s32 $0x19A00, s0;
	s3 =	sadd.s32 $0x37400, s0;
	s24 =	smul.u32 $0x5800, s16  }
0xa: {  	s0 =	sadd.s32 $0x2D600, s0;
	s22 =	sadd.s32 $0x4E000, s5;
	s18 =	smul.u32 $0x4E200, s1  }
0xb: {  	p0 =	sne.s32 s16, $0xF;
	s16 =	simm.s32 $0x2;
	s19 =	smul.u32 $0x27100, s1  }
0xc: {  	s2 =	sor.u32 s1, s2;
	s4 =	ssub.s32 $0x2, s1;
	s1 =	smul.u32 $0x2C00, s1  }
0xd: {  	_ =	strace $0x8000004A;
	[dreg:$0xa] =	wrdreg s22;
	s9 =	smul.u32 $0x2C00, s2  }
0xe: {  	s12 =	sshrl.u32 s4, $0x1;
	s2 =	sadd.s32 $0x200, s15;
	s15 =	sadd.s32 s6, s5  }
0xf: {  	s21 =	sadd.s32 s13, s17;
	s4 =	ssub.s32 s4, s12;
	s14 =	sshll.u32 s2, $0x5  }
0x10: {  	s6 =	sadd.s32 s6, s18;
	s12 =	sshrl.u32 s18, $0x3;
	s25 =	sadd.s32 s13, s19  }
0x11: {  	s2 =	sshll.u32 s2, $0x4;
	s26 =	sshrl.u32 s19, $0x3;
	[dreg:$0x7] =	wrdreg s15  }
0x12: {  	v0 =	vimm.s32 $0xFEDCBA98;
	v1 =	vimm.s32 $0x76543210;
	s1 =	sadd.s32 s1, s24;
	[dreg:$0x8] =	wrdreg s21;
	s14 =	sadd.s32 s14, s5  }
0x13: {  	v2 =	vimm.s32 $0xBA98FEDC;
	v3 =	vimm.s32 $0x32107654;
	v4 =	vimm.s32 $0xDCFE98BA;
	s6 =	sshrl.u32 s6, $0x3;
	s5 =	smov.u32 s9;
	[dreg:$0xf] =	wrdreg s1  }
0x14: {  	v5 =	vimm.s32 $0x54761032;
	v6 =	vimm.s32 $0xEFCDAB89;
	v7 =	vimm.s32 $0x67452301;
	s18 =	sshrl.u32 s9, $0x3;
	s2 =	sadd.s32 s2, s17;
	[dreg:$0x9] =	wrdreg s14  }
0x15: {  	v0 =	vunpack.c.l.s4.s8 v0;
	v1 =	vunpack.c.l.s4.s8 v1;
	v2 =	vunpack.c.l.s4.s8 v2;
	s9 =	smov.u32 s17;
	s23 =	sadd.s32 s3, s6;
	[dreg:$0xe] =	wrdreg s2  }
0x16: {  	v3 =	vunpack.c.l.s4.s8 v3;
	v4 =	vunpack.c.l.s4.s8 v4;
	v5 =	vunpack.c.l.s4.s8 v5;
	s3 =	sadd.s32 s3, s12;
	s19 =	sadd.s32 s7, s18;
	[dreg:$0xb] =	wrdreg s23  }
0x17: {  	v6 =	vunpack.c.l.s4.s8 v6;
	v7 =	vunpack.c.l.s4.s8 v7;
	v0 =	vunpack.c.0.s8.s32 v0;
	s12 =	sshrl.u32 s25, $0x3;
	s24 =	sadd.s32 s8, s18;
	[dreg:$0x10] =	wrdreg s19  }
0x18: {  	v2 =	vunpack.c.0.s8.s32 v2;
	v3 =	vunpack.c.0.s8.s32 v3;
	v4 =	vunpack.c.0.s8.s32 v4;
	s1 =	simm.s32 $0x200;
	s14 =	sadd.s32 s0, s12;
	[dreg:$0x11] =	wrdreg s24  }
0x19: {  	v5 =	vunpack.c.0.s8.s32 v5;
	v6 =	vunpack.c.0.s8.s32 v6;
	v7 =	vunpack.c.0.s8.s32 v7;
	s18 =	simm.s32 $0x4;
	s25 =	sadd.s32 $0x9C00, s3;
	[dreg:$0xd] =	wrdreg s14  }
0x1a: {  	v1 =	vunpack.c.0.s8.s32 v1;
	v2 =	vcombine.low v3, v2;
	s0 =	sadd.s32 s0, s26;
	s26 =	smax.u32 s4, $0x1;
	[dreg:$0x12] =	wrdreg s25  }
0x1b: {  	v3 =	vcombine.low v5, v4;
	v4 =	vand.u32 $0xF, v0;
	v5 =	vcombine.low v7, v6;
	s23 =	sadd.s32 $0x27000, s17;
	s4 =	simm.s32 $0x1;
	[dreg:$0x14] =	wrdreg s26  }
0x1c: {  	v0 =	vimm.f32 $0.0e+00;
	v1 =	vcombine.low v4, v1;
	s19 =	simm.s32 $0x128A0;
	s0 =	sadd.s32 $0x4E00, s0;
	[dreg:$0xc] =	wrdreg s23  }
0x1d: {  	v2 =	vand.u32 $0xF, v2;
	v3 =	vand.u32 $0xF, v3;
	v4 =	vand.u32 $0xF, v5;
	s14 =	simm.s32 $0x3;
	[dreg:$0x13] =	wrdreg s0;
	s0 =	simm.s32 $0x400  }
.LBB2_1:
0x1e: {  	s2 =	simm.s32 $0x810  }
0x1f: {  	[tilespmem:s2+$0xFFFFFFF0] =	vst v0  }
0x20: {  	[dreg:$0x6] =	wrdreg s20;
	s3 =	simm.s32 $0x40;
	s6 =	simm.s32 $0x0;
	[tilespmem:s2+$0x0] =	vst v0  }
.LBB2_2:
0x21: {  	p1 =	sne.s32 s3, $0x7FC0  }
0x22: {  	[tilespmem:s6+$0x108A0] =	vst v0;
	s2 =	sadd.s32 $0x20, s2;
	s12 =	smov.u32 s3;
	s3 =	sadd.s32 $0x40, s3  }
.Ltmp0:
0x23: {  	[tilespmem:s6+$0x128A0] =	vst v0;
	(pc) =	sbr.rel @p1 .LBB2_2-.Ltmp0, $3  }
0x24: {  	_ =	sdelay $0x1  }
0x25: {  	[tilespmem:s2+$0xFFFFFFF0] =	vst v0  }
0x26: {  	s6 =	sshra.s32 s12, $0x2;
	[tilespmem:s2+$0x0] =	vst v0  }
0x27: {  	[tilespmem:s6+$0x108A0] =	vst v0  }
0x28: {  	[tilespmem:s6+$0x128A0] =	vst v0;
	s13 =	simm.s32 $0x800  }
0x29: {  	[spmem:s15] =	stream.linear.scatter [tilespmem:s13], [sflag:$0x5], $0x4000, $0x38;
	[tilespmem:$0x1BDD0] =	vst v63  }
0x2a: {  	_ =	swait.ge [sflag:s28], $0x4000  }
0x2b: {  	[sflag:s28] =	ssyncset.done $0x0  }
0x2c: {  	[sflag:s28] =	ssyncadd.s32 $0xFFFFC000  }
0x2d: {  	[spmem:s21] =	stream.linear.scatter [tilespmem:s29], [sflag:$0x5], $0x2000, $0x38;
	[tilespmem:$0x1BDD0] =	vst v63  }
0x2e: {  	_ =	swait.ge [sflag:s28], $0x2000  }
0x2f: {  	[sflag:s28] =	ssyncset.done $0x0  }
0x30: {  	s2 =	rddreg [dreg:$0x9];
	[sflag:s28] =	ssyncadd.s32 $0xFFFFE000  }
0x31: {  	[spmem:s2] =	stream.linear.scatter [tilespmem:s13], [sflag:$0x5], $0xE00, $0x38;
	[tilespmem:$0x1BDD0] =	vst v63  }
0x32: {  	_ =	swait.ge [sflag:s28], $0xE00  }
0x33: {  	[sflag:s28] =	ssyncset.done $0x0  }
0x34: {  	s15 =	rddreg [dreg:$0xe];
	[sflag:s28] =	ssyncadd.s32 $0xFFFFF200  }
0x35: {  	[spmem:s15] =	stream.linear.scatter [tilespmem:s29], [sflag:$0x5], $0x700, $0x38;
	[tilespmem:$0x1BDD0] =	vst v63  }
0x36: {  	_ =	swait.ge [sflag:s28], $0x700  }
0x37: {  	[sflag:s28] =	ssyncset.done $0x0  }
0x38: {  	s2 =	simm.s32 @!p0 $0x800;
	[sflag:s28] =	ssyncadd.s32 $0xFFFFF900  }
0x39: {  	[spmem:s22] =	stream.linear.scatter @!p0 [tilespmem:s2], [sflag:$0x5], $0x200, $0x38;
	[tilespmem:$0x1BDD0] =	vst v63  }
0x3a: {  	s2 =	simm.s32 @!p0 $0x5  }
0x3b: {  	_ =	swait.ge @!p0 [sflag:s2], $0x200  }
0x3c: {  	[sflag:s2] =	ssyncset.done @!p0 $0x0  }
0x3d: {  	s3 =	simm.s32 @!p0 $0x108A0;
	[sflag:s2] =	ssyncadd.s32 @!p0 $0xFFFFFE00  }
0x3e: {  	[spmem:s23] =	stream.linear.scatter @!p0 [tilespmem:s3], [sflag:$0x5], $0x100, $0x38;
	[tilespmem:$0x1BDD0] =	vst v63  }
0x3f: {  	_ =	swait.ge @!p0 [sflag:s2], $0x100  }
0x40: {  	[sflag:s2] =	ssyncset.done @!p0 $0x0  }
0x41: {  	[sflag:s2] =	ssyncadd.s32 @!p0 $0xFFFFFF00  }
0x42: {  	[bflag:$0x0] =	sbarrier.arrive $0xFFFF  }
0x43: {  	s20 =	simm.s32 $0x10800;
	s21 =	simm.s32 $0x0;
	s17 =	rddreg [dreg:$0x1]  }
0x44: {  	[tilespmem:s20], [sflag:$0x5] =	stream.linear.gather [hbm4b:s17+s21], $0x20, $0x38;
	[tilespmem:$0x1BDD0] =	vst v63  }
0x45: {  	_ =	swait.ge [sflag:s28], $0x20  }
0x46: {  	[sflag:s28] =	ssyncset.done $0x0  }
0x47: {  	[sflag:s28] =	ssyncadd.s32 $0xFFFFFFE0  }
0x48: {  	s23 =	simm.s32 $0x10820;
	s22 =	rddreg [dreg:$0x2]  }
0x49: {  	[tilespmem:s23], [sflag:$0x5] =	stream.linear.gather [hbm4b:s22+s21], $0x80, $0x38;
	[tilespmem:$0x1BDD0] =	vst v63  }
0x4a: {  	_ =	swait.ge [sflag:s28], $0x80  }
0x4b: {  	[sflag:s28] =	ssyncset.done $0x0  }
0x4c: {  	[sflag:s28] =	ssyncadd.s32 $0xFFFFFF80  }
0x4d: {  	v5 =	vld [tilespmem:$0x10820]  }
0x4e: {  	v6 =	vld [tilespmem:$0x10860]  }
0x4f: {  	v7 =	vld [tilespmem:$0x10840]  }
0x50: {  	v8 =	vld [tilespmem:$0x10880]  }
0x51: {  	v9 =	vld [tilespmem:$0x10830]  }
0x52: {  	v10 =	vld [tilespmem:$0x10870]  }
0x53: {  	v11 =	vld [tilespmem:$0x10850]  }
0x54: {  	v12 =	vld [tilespmem:$0x10890];
	_ =	sdelay $0x2  }
0x55: {  	v13 =	vadd.f32 v6, v5  }
0x56: {  	v7 =	vadd.f32 v8, v7;
	v5 =	vld [tilespmem:$0x10800];
	v9 =	vadd.f32 v10, v9  }
0x57: {  	v60 =	vadd.f32 v12, v11;
	v6 =	vld [tilespmem:$0x10810];
	v8 =	vmul.f32 $2.000000030e-01, v13;
	vm0 =	vgt.f32 v13, $0.0e+00  }
0x58: {  	v61 =	vmul.f32 $2.000000030e-01, v7;
	v62 =	vmul.f32 $2.000000030e-01, v9;
	vm14 =	vgt.f32 v7, $0.0e+00  }
0x59: {  	vm1 =	vgt.f32 v9, $0.0e+00;
	v63 =	vmul.f32 $2.000000030e-01, v60;
	vm15 =	vgt.f32 v60, $0.0e+00  }
0x5a: {  	v8 =	vsel vm0, v13, v8;
	v7 =	vsel vm14, v7, v61;
	v9 =	vsel vm1, v9, v62  }
0x5b: {  	v10 =	vsel vm15, v60, v63;
	v8 =	vmul.f32 v8, v5;
	v7 =	vmul.f32 v7, v5  }
0x5c: {  	v9 =	vmul.f32 v9, v6;
	v10 =	vmul.f32 v10, v6;
	_ =	sdelay $0x1  }
0x5d: {  	v7 =	vmax.f32 v8, v7;
	v8 =	vmax.f32 v9, v10  }
0x5e: {  	v7 =	vadd.f32 v8, v7;
	_ =	sdelay $0x1  }
0x5f: {  	(xrf2) =	vadd.scan.msk.f32 $0xffff, v7;
	_ =	sdelay $0x8  }
0x60: {  	s24 =	rddreg [dreg:$0x10]  }
0x61: {  	[tilespmem:s21], [sflag:$0x5] =	stream.linear.gather [hbm4b:s24+s21], $0x200, $0x38;
	v7, _, _ =	vpop (xrf2);
	[tilespmem:$0x1BDD0] =	vst v63  }
0x62: {  	_ =	swait.ge [sflag:s28], $0x200  }
0x63: {  	[sflag:s28] =	ssyncset.done $0x0  }
0x64: {  	s25 =	rddreg [dreg:$0x11];
	[sflag:s28] =	ssyncadd.s32 $0xFFFFFE00  }
0x65: {  	[tilespmem:s0], [sflag:$0x5] =	stream.linear.gather [hbm4b:s25+s21], $0x200, $0x38;
	[tilespmem:$0x1BDD0] =	vst v63  }
0x66: {  	_ =	swait.ge [sflag:s28], $0x200  }
0x67: {  	[sflag:s28] =	ssyncset.done $0x0  }
0x68: {  	[sflag:s28] =	ssyncadd.s32 $0xFFFFFE00  }
0x69: {  	[tilespmem:s13], [sflag:$0x1] =	stream.indirect.gather [hbm4b:s10+s1], $0x20, s21, s1, $0xb8;
	[tilespmem:$0x1BDD0] =	vst v63  }
0x6a: {  	s26 =	simm.s32 $0x8800;
	s23 =	simm.s32 $0x0;
	s20 =	rddreg [dreg:$0xf]  }
0x6b: {  	v7 =	vbroadcast v7, $0xF;
	[tilespmem:s26], [sflag:$0x3] =	stream.indirect.gather [hbm4b:s11+s1], $0x20, s0, s1, $0xb8;
	[tilespmem:$0x1BDD0] =	vst v63  }
.LBB2_4:
0x6c: {  	s2 =	sshll.u32 s23, $0xA  }
0x6d: {  	s24 =	sadd.s32 s5, s2  }
0x6e: {  	s2 =	sor.u32 $0x200, s24  }
0x6f: {  	s2 =	sshrl.u32 s2, $0x3  }
0x70: {  	s3 =	sadd.s32 s7, s2  }
0x71: {  	[tilespmem:s1], [sflag:$0x5] =	stream.linear.gather [hbm4b:s3+s21], $0x200, $0x38;
	[tilespmem:$0x1BDD0] =	vst v63  }
0x72: {  	_ =	swait.ge [sflag:s28], $0x200  }
0x73: {  	[sflag:s28] =	ssyncset.done $0x0  }
0x74: {  	s2 =	sadd.s32 s8, s2;
	[sflag:s28] =	ssyncadd.s32 $0xFFFFFE00  }
0x75: {  	[tilespmem:s30], [sflag:$0x5] =	stream.linear.gather [hbm4b:s2+s21], $0x200, $0x38;
	[tilespmem:$0x1BDD0] =	vst v63  }
0x76: {  	_ =	swait.ge [sflag:s28], $0x200  }
0x77: {  	[sflag:s28] =	ssyncset.done $0x0  }
0x78: {  	[sflag:s28] =	ssyncadd.s32 $0xFFFFFE00  }
0x79: {  	[tilespmem:s31], [sflag:$0x2] =	stream.indirect.gather [hbm4b:s10+s1], $0x20, s1, s1, $0xb8;
	[tilespmem:$0x1BDD0] =	vst v63  }
0x7a: {  	s26 =	simm.s32 $0xC800  }
0x7b: {  	[tilespmem:s26], [sflag:$0x4] =	stream.indirect.gather [hbm4b:s11+s1], $0x20, s30, s1, $0xb8;
	[tilespmem:$0x1BDD0] =	vst v63  }
0x7c: {  	_ =	swait.ge [sflag:s4], $0x4000  }
0x7d: {  	[sflag:s4] =	ssyncset.done $0x0  }
0x7e: {  	[sflag:s4] =	ssyncadd.s32 $0xFFFFC000  }
0x7f: {  	_ =	swait.ge [sflag:s14], $0x4000  }
0x80: {  	[sflag:s14] =	ssyncset.done $0x0  }
0x81: {  	s25 =	simm.s32 $0x840;
	[sflag:s14] =	ssyncadd.s32 $0xFFFFC000  }
0x82: {  	v8 =	vld [tilespmem:s25+$0xFFFFFFD0]  }
0x83: {  	s22 =	simm.s32 $0x8840;
	v9 =	vld [tilespmem:s25+$0xFFFFFFC0]  }
0x84: {  	v10 =	vld [tilespmem:s22+$0xFFFFFFC0]  }
0x85: {  	v11 =	vld [tilespmem:s22+$0xFFFFFFD0];
	_ =	sdelay $0x4  }
0x86: {  	v10 =	vadd.f32 v10, v9;
	v11 =	vadd.f32 v11, v8;
	_ =	sdelay $0x1  }
0x87: {  	v12 =	vmul.f32 $2.000000030e-01, v10;
	v13 =	vmul.f32 $2.000000030e-01, v11  }
0x88: {  	vm0 =	vgt.f32 v10, $0.0e+00;
	vm1 =	vgt.f32 v11, $0.0e+00  }
0x89: {  	v10 =	vsel vm0, v10, v12;
	v11 =	vsel vm1, v11, v13  }
0x8a: {  	v10 =	vmul.f32 v10, v5;
	v11 =	vmul.f32 v11, v6;
	_ =	sdelay $0x1  }
0x8b: {  	v10 =	vadd.f32 v11, v10;
	_ =	sdelay $0x1  }
0x8c: {  	v11 =	vperm.xlane v10, v1;
	_ =	sdelay $0x1  }
0x8d: {  	v10 =	vadd.f32 v10, v11;
	_ =	sdelay $0x1  }
0x8e: {  	v11 =	vperm.xlane v10, v2;
	_ =	sdelay $0x1  }
0x8f: {  	v10 =	vadd.f32 v10, v11;
	_ =	sdelay $0x1  }
0x90: {  	v11 =	vperm.xlane v10, v3;
	_ =	sdelay $0x1  }
0x91: {  	v10 =	vadd.f32 v10, v11;
	_ =	sdelay $0x1  }
0x92: {  	v11 =	vperm.xlane v10, v4;
	_ =	sdelay $0x1  }
0x93: {  	v10 =	vadd.f32 v10, v11;
	_ =	sdelay $0x1  }
0x94: {  	v10 =	vsub.f32 v10, v7;
	_ =	sdelay $0x1  }
0x95: {  	v10 =	vmul.f32 $1.442695020e+00, v10;
	_ =	sdelay $0x1  }
0x96: {  	(erf) = vpow2.f32 v10;
	_ =	sdelay $0x5  }
0x97: {  	s3 =	simm.s32 $0x0  }
0x98: {  	v10 =	vmov s3  }
0x99: {  	s6 =	sadd.s32 $0x0, s20  }
0x9a: {  	p1 =	slt.s32 s6, $0x50910;
	v11 =	vpop (erf)  }
0x9b: {  	v11 =	vpsel !p1, $0x0, v11  }
0x9c: {  	v9 =	vmul.f32 v11, v9  }
0x9d: {  	[tilespmem:v10+s29+$0x0] =	vst.idx.msk $0x1, v11;
	v8 =	vmul.f32 v11, v8  }
0x9e: {  	[tilespmem:s25+$0xFFFFFFC0] =	vst v9;
	v9 =	vld [tilespmem:s25+$0xFFFFFFE0]  }
0x9f: {  	[tilespmem:s25+$0xFFFFFFD0] =	vst v8;
	v8 =	vld [tilespmem:s25+$0xFFFFFFF0]  }
0xa0: {  	v10 =	vld [tilespmem:s22+$0xFFFFFFE0]  }
0xa1: {  	v11 =	vld [tilespmem:s22+$0xFFFFFFF0];
	_ =	sdelay $0x4  }
0xa2: {  	v10 =	vadd.f32 v10, v9;
	v11 =	vadd.f32 v11, v8;
	_ =	sdelay $0x1  }
0xa3: {  	v58 =	vmul.f32 $2.000000030e-01, v10;
	v59 =	vmul.f32 $2.000000030e-01, v11  }
0xa4: {  	vm10 =	vgt.f32 v10, $0.0e+00;
	vm11 =	vgt.f32 v11, $0.0e+00  }
0xa5: {  	v10 =	vsel vm10, v10, v58;
	v11 =	vsel vm11, v11, v59  }
0xa6: {  	v10 =	vmul.f32 v10, v5;
	v11 =	vmul.f32 v11, v6;
	_ =	sdelay $0x1  }
0xa7: {  	v10 =	vadd.f32 v11, v10;
	_ =	sdelay $0x1  }
0xa8: {  	v11 =	vperm.xlane v10, v1;
	_ =	sdelay $0x1  }
0xa9: {  	v10 =	vadd.f32 v10, v11;
	_ =	sdelay $0x1  }
0xaa: {  	v11 =	vperm.xlane v10, v2;
	_ =	sdelay $0x1  }
0xab: {  	v10 =	vadd.f32 v10, v11;
	_ =	sdelay $0x1  }
0xac: {  	v11 =	vperm.xlane v10, v3;
	_ =	sdelay $0x1  }
0xad: {  	v10 =	vadd.f32 v10, v11;
	_ =	sdelay $0x1  }
0xae: {  	v11 =	vperm.xlane v10, v4;
	_ =	sdelay $0x1  }
0xaf: {  	v10 =	vadd.f32 v10, v11;
	_ =	sdelay $0x1  }
0xb0: {  	v10 =	vsub.f32 v10, v7;
	_ =	sdelay $0x1  }
0xb1: {  	v10 =	vmul.f32 $1.442695020e+00, v10;
	_ =	sdelay $0x1  }
0xb2: {  	(erf) = vpow2.f32 v10;
	_ =	sdelay $0x5  }
0xb3: {  	s12 =	simm.s32 $0x10  }
0xb4: {  	v10 =	vmov s12  }
0xb5: {  	s13 =	sadd.s32 $0x1, s6  }
0xb6: {  	p5 =	slt.s32 s13, $0x50910;
	v11 =	vpop (erf)  }
0xb7: {  	v11 =	vpsel !p5, $0x0, v11  }
0xb8: {  	v9 =	vmul.f32 v11, v9  }
0xb9: {  	[tilespmem:v10+s29+$0x0] =	vst.idx.msk $0x1, v11;
	v8 =	vmul.f32 v11, v8  }
0xba: {  	v10 =	vld [tilespmem:s25+$0x10];
	[tilespmem:s25+$0xFFFFFFE0] =	vst v9  }
0xbb: {  	[tilespmem:s25+$0xFFFFFFF0] =	vst v8;
	v8 =	vld [tilespmem:s25+$0x0]  }
0xbc: {  	v9 =	vld [tilespmem:s22+$0x0]  }
0xbd: {  	v11 =	vld [tilespmem:s22+$0x10];
	_ =	sdelay $0x4  }
0xbe: {  	v9 =	vadd.f32 v9, v8;
	v11 =	vadd.f32 v11, v10;
	_ =	sdelay $0x1  }
0xbf: {  	v60 =	vmul.f32 $2.000000030e-01, v9;
	v61 =	vmul.f32 $2.000000030e-01, v11  }
0xc0: {  	vm12 =	vgt.f32 v9, $0.0e+00;
	vm13 =	vgt.f32 v11, $0.0e+00  }
0xc1: {  	v9 =	vsel vm12, v9, v60;
	v11 =	vsel vm13, v11, v61  }
0xc2: {  	v9 =	vmul.f32 v9, v5;
	v11 =	vmul.f32 v11, v6;
	_ =	sdelay $0x1  }
0xc3: {  	v9 =	vadd.f32 v11, v9;
	_ =	sdelay $0x1  }
0xc4: {  	v11 =	vperm.xlane v9, v1;
	_ =	sdelay $0x1  }
0xc5: {  	v9 =	vadd.f32 v9, v11;
	_ =	sdelay $0x1  }
0xc6: {  	v11 =	vperm.xlane v9, v2;
	_ =	sdelay $0x1  }
0xc7: {  	v9 =	vadd.f32 v9, v11;
	_ =	sdelay $0x1  }
0xc8: {  	v11 =	vperm.xlane v9, v3;
	_ =	sdelay $0x1  }
0xc9: {  	v9 =	vadd.f32 v9, v11;
	_ =	sdelay $0x1  }
0xca: {  	v11 =	vperm.xlane v9, v4;
	_ =	sdelay $0x1  }
0xcb: {  	v9 =	vadd.f32 v9, v11;
	_ =	sdelay $0x1  }
0xcc: {  	v9 =	vsub.f32 v9, v7;
	_ =	sdelay $0x1  }
0xcd: {  	v9 =	vmul.f32 $1.442695020e+00, v9;
	_ =	sdelay $0x1  }
0xce: {  	(erf) = vpow2.f32 v9;
	_ =	sdelay $0x4  }
0xcf: {  	s15 =	simm.s32 $0x20  }
0xd0: {  	v9 =	vmov s15;
	_ =	sdelay $0x1  }
0xd1: {  	s17 =	sadd.s32 $0x2, s6  }
0xd2: {  	p6 =	slt.s32 s17, $0x50910;
	v11 =	vpop (erf)  }
0xd3: {  	v11 =	vpsel !p6, $0x0, v11  }
0xd4: {  	[tilespmem:v9+s29+$0x0] =	vst.idx.msk $0x1, v11;
	v9 =	vmul.f32 v11, v8  }
0xd5: {  	v10 =	vmul.f32 v11, v10  }
0xd6: {  	v8 =	vld [tilespmem:s25+$0x30];
	[tilespmem:s25+$0x0] =	vst v9  }
0xd7: {  	[tilespmem:s25+$0x10] =	vst v10;
	v9 =	vld [tilespmem:s25+$0x20]  }
0xd8: {  	v10 =	vld [tilespmem:s22+$0x20]  }
0xd9: {  	v11 =	vld [tilespmem:s22+$0x30];
	_ =	sdelay $0x4  }
0xda: {  	v10 =	vadd.f32 v10, v9;
	v11 =	vadd.f32 v11, v8;
	_ =	sdelay $0x1  }
0xdb: {  	v62 =	vmul.f32 $2.000000030e-01, v10;
	v63 =	vmul.f32 $2.000000030e-01, v11  }
0xdc: {  	vm14 =	vgt.f32 v10, $0.0e+00;
	vm15 =	vgt.f32 v11, $0.0e+00  }
0xdd: {  	v10 =	vsel vm14, v10, v62;
	v11 =	vsel vm15, v11, v63  }
0xde: {  	v10 =	vmul.f32 v10, v5;
	v11 =	vmul.f32 v11, v6;
	_ =	sdelay $0x1  }
0xdf: {  	v10 =	vadd.f32 v11, v10;
	_ =	sdelay $0x1  }
0xe0: {  	v11 =	vperm.xlane v10, v1;
	_ =	sdelay $0x1  }
0xe1: {  	v10 =	vadd.f32 v10, v11;
	_ =	sdelay $0x1  }
0xe2: {  	v11 =	vperm.xlane v10, v2;
	_ =	sdelay $0x1  }
0xe3: {  	v10 =	vadd.f32 v10, v11;
	_ =	sdelay $0x1  }
0xe4: {  	v11 =	vperm.xlane v10, v3;
	_ =	sdelay $0x1  }
0xe5: {  	v10 =	vadd.f32 v10, v11;
	_ =	sdelay $0x1  }
0xe6: {  	v11 =	vperm.xlane v10, v4;
	_ =	sdelay $0x1  }
0xe7: {  	v10 =	vadd.f32 v10, v11;
	_ =	sdelay $0x1  }
0xe8: {  	v10 =	vsub.f32 v10, v7;
	_ =	sdelay $0x1  }
0xe9: {  	v10 =	vmul.f32 $1.442695020e+00, v10;
	_ =	sdelay $0x1  }
0xea: {  	(erf) = vpow2.f32 v10;
	_ =	sdelay $0x1  }
0xeb: {  	s2 =	sadd.s32 $0x3, s6;
	s26 =	simm.s32 $0x30  }
0xec: {  	s13 =	simm.s32 $0x4;
	p2 =	slt.s32 s2, $0x50910;
	s12 =	simm.s32 $0x840;
	v10 =	vmov s26  }
.LBB2_5:
0xed: {  	_ =	sdelay $0x2  }
0xee: {  	p1 =	sne.s32 s13, $0x1FC;
	s25 =	sadd.s32 $0x80, s25;
	s22 =	sadd.s32 $0x80, s22  }
0xef: {  	s2 =	smov.u32 s13;
	s13 =	sadd.s32 $0x4, s13  }
0xf0: {  	v11 =	vpop (erf)  }
0xf1: {  	v11 =	vpsel !p2, $0x0, v11  }
0xf2: {  	[tilespmem:v10+s29+$0x0] =	vst.idx.msk $0x1, v11;
	v9 =	vmul.f32 v11, v9;
	v8 =	vmul.f32 v11, v8;
	_ =	sdelay $0x1  }
0xf3: {  	v10 =	vld [tilespmem:s25+$0xFFFFFFD0];
	[tilespmem:s12+$0x20] =	vst v9  }
0xf4: {  	v9 =	vld [tilespmem:s25+$0xFFFFFFC0];
	[tilespmem:s12+$0x30] =	vst v8;
	s12 =	smov.u32 s25  }
0xf5: {  	v8 =	vld [tilespmem:s22+$0xFFFFFFC0]  }
0xf6: {  	v11 =	vld [tilespmem:s22+$0xFFFFFFD0];
	_ =	sdelay $0x4  }
0xf7: {  	v8 =	vadd.f32 v8, v9;
	v11 =	vadd.f32 v11, v10;
	_ =	sdelay $0x1  }
0xf8: {  	v12 =	vmul.f32 $2.000000030e-01, v8;
	v13 =	vmul.f32 $2.000000030e-01, v11  }
0xf9: {  	vm0 =	vgt.f32 v8, $0.0e+00;
	vm1 =	vgt.f32 v11, $0.0e+00  }
0xfa: {  	v8 =	vsel vm0, v8, v12;
	v11 =	vsel vm1, v11, v13  }
0xfb: {  	v8 =	vmul.f32 v8, v5;
	v11 =	vmul.f32 v11, v6;
	_ =	sdelay $0x1  }
0xfc: {  	v8 =	vadd.f32 v11, v8;
	_ =	sdelay $0x1  }
0xfd: {  	v11 =	vperm.xlane v8, v1;
	_ =	sdelay $0x1  }
0xfe: {  	v8 =	vadd.f32 v8, v11;
	_ =	sdelay $0x1  }
0xff: {  	v11 =	vperm.xlane v8, v2;
	_ =	sdelay $0x1  }
0x100: {  	v8 =	vadd.f32 v8, v11;
	_ =	sdelay $0x1  }
0x101: {  	v11 =	vperm.xlane v8, v3;
	_ =	sdelay $0x1  }
0x102: {  	v8 =	vadd.f32 v8, v11;
	_ =	sdelay $0x1  }
0x103: {  	v11 =	vperm.xlane v8, v4;
	_ =	sdelay $0x1  }
0x104: {  	v8 =	vadd.f32 v8, v11;
	_ =	sdelay $0x1  }
0x105: {  	v8 =	vsub.f32 v8, v7;
	_ =	sdelay $0x1  }
0x106: {  	v8 =	vmul.f32 $1.442695020e+00, v8;
	_ =	sdelay $0x1  }
0x107: {  	(erf) = vpow2.f32 v8;
	_ =	sdelay $0x5  }
0x108: {  	s3 =	sshll.u32 s2, $0x4  }
0x109: {  	s26 =	sadd.s32 $0x10, s3;
	s6 =	sadd.s32 $0x20, s3;
	s15 =	sadd.s32 $0x30, s3;
	v8 =	vmov s3  }
0x10a: {  	s3 =	sadd.s32 s2, s20  }
0x10b: {  	p2 =	slt.s32 s3, $0x50910;
	s2 =	sadd.s32 $0x2, s3;
	s17 =	sadd.s32 $0x3, s3;
	v11 =	vpop (erf)  }
0x10c: {  	v11 =	vpsel !p2, $0x0, v11  }
0x10d: {  	v9 =	vmul.f32 v11, v9;
	v10 =	vmul.f32 v11, v10  }
0x10e: {  	[tilespmem:v8+s29+$0x0] =	vst.idx.msk $0x1, v11  }
0x10f: {  	[tilespmem:s25+$0xFFFFFFC0] =	vst v9;
	v8 =	vld [tilespmem:s25+$0xFFFFFFE0]  }
0x110: {  	[tilespmem:s25+$0xFFFFFFD0] =	vst v10;
	v9 =	vld [tilespmem:s25+$0xFFFFFFF0]  }
0x111: {  	v10 =	vld [tilespmem:s22+$0xFFFFFFE0]  }
0x112: {  	v11 =	vld [tilespmem:s22+$0xFFFFFFF0];
	_ =	sdelay $0x3  }
0x113: {  	v10 =	vadd.f32 v10, v8  }
0x114: {  	v11 =	vadd.f32 v11, v9  }
0x115: {  	vm0 =	vgt.f32 v10, $0.0e+00;
	v12 =	vmul.f32 $2.000000030e-01, v10  }
0x116: {  	vm1 =	vgt.f32 v11, $0.0e+00;
	v13 =	vmul.f32 $2.000000030e-01, v11  }
0x117: {  	v10 =	vsel vm0, v10, v12  }
0x118: {  	v10 =	vmul.f32 v10, v5;
	v11 =	vsel vm1, v11, v13  }
0x119: {  	v11 =	vmul.f32 v11, v6;
	_ =	sdelay $0x1  }
0x11a: {  	v10 =	vadd.f32 v11, v10;
	_ =	sdelay $0x1  }
0x11b: {  	v11 =	vperm.xlane v10, v1;
	_ =	sdelay $0x1  }
0x11c: {  	v10 =	vadd.f32 v10, v11;
	_ =	sdelay $0x1  }
0x11d: {  	v11 =	vperm.xlane v10, v2;
	_ =	sdelay $0x1  }
0x11e: {  	v10 =	vadd.f32 v10, v11;
	_ =	sdelay $0x1  }
0x11f: {  	v11 =	vperm.xlane v10, v3;
	_ =	sdelay $0x1  }
0x120: {  	v10 =	vadd.f32 v10, v11;
	_ =	sdelay $0x1  }
0x121: {  	v11 =	vperm.xlane v10, v4;
	_ =	sdelay $0x1  }
0x122: {  	v10 =	vadd.f32 v10, v11;
	_ =	sdelay $0x1  }
0x123: {  	v10 =	vsub.f32 v10, v7;
	_ =	sdelay $0x1  }
0x124: {  	v10 =	vmul.f32 $1.442695020e+00, v10;
	_ =	sdelay $0x1  }
0x125: {  	(erf) = vpow2.f32 v10;
	_ =	sdelay $0x4  }
0x126: {  	v10 =	vmov s26  }
0x127: {  	s3 =	sadd.s32 $0x1, s3  }
0x128: {  	p2 =	slt.s32 s3, $0x50910;
	_ =	sdelay $0x1  }
0x129: {  	v11 =	vpop (erf)  }
0x12a: {  	v11 =	vpsel !p2, $0x0, v11  }
0x12b: {  	[tilespmem:v10+s29+$0x0] =	vst.idx.msk $0x1, v11;
	v8 =	vmul.f32 v11, v8;
	v9 =	vmul.f32 v11, v9  }
0x12c: {  	v10 =	vld [tilespmem:s25+$0x10]  }
0x12d: {  	[tilespmem:s25+$0xFFFFFFE0] =	vst v8  }
0x12e: {  	[tilespmem:s25+$0xFFFFFFF0] =	vst v9;
	v8 =	vld [tilespmem:s25+$0x0]  }
0x12f: {  	v9 =	vld [tilespmem:s22+$0x0]  }
0x130: {  	v11 =	vld [tilespmem:s22+$0x10];
	_ =	sdelay $0x3  }
0x131: {  	v9 =	vadd.f32 v9, v8  }
0x132: {  	v11 =	vadd.f32 v11, v10  }
0x133: {  	vm0 =	vgt.f32 v9, $0.0e+00;
	v12 =	vmul.f32 $2.000000030e-01, v9  }
0x134: {  	vm1 =	vgt.f32 v11, $0.0e+00;
	v13 =	vmul.f32 $2.000000030e-01, v11  }
0x135: {  	v9 =	vsel vm0, v9, v12  }
0x136: {  	v9 =	vmul.f32 v9, v5;
	v11 =	vsel vm1, v11, v13  }
0x137: {  	v11 =	vmul.f32 v11, v6;
	_ =	sdelay $0x1  }
0x138: {  	v9 =	vadd.f32 v11, v9;
	_ =	sdelay $0x1  }
0x139: {  	v11 =	vperm.xlane v9, v1;
	_ =	sdelay $0x1  }
0x13a: {  	v9 =	vadd.f32 v9, v11;
	_ =	sdelay $0x1  }
0x13b: {  	v11 =	vperm.xlane v9, v2;
	_ =	sdelay $0x1  }
0x13c: {  	v9 =	vadd.f32 v9, v11;
	_ =	sdelay $0x1  }
0x13d: {  	v11 =	vperm.xlane v9, v3;
	_ =	sdelay $0x1  }
0x13e: {  	v9 =	vadd.f32 v9, v11;
	_ =	sdelay $0x1  }
0x13f: {  	v11 =	vperm.xlane v9, v4;
	_ =	sdelay $0x1  }
0x140: {  	v9 =	vadd.f32 v9, v11;
	_ =	sdelay $0x1  }
0x141: {  	v9 =	vsub.f32 v9, v7;
	_ =	sdelay $0x1  }
0x142: {  	v9 =	vmul.f32 $1.442695020e+00, v9;
	_ =	sdelay $0x1  }
0x143: {  	(erf) = vpow2.f32 v9;
	_ =	sdelay $0x2  }
0x144: {  	v9 =	vmov s6;
	_ =	sdelay $0x1  }
0x145: {  	p2 =	slt.s32 s2, $0x50910;
	_ =	sdelay $0x3  }
0x146: {  	v11 =	vpop (erf)  }
0x147: {  	v11 =	vpsel !p2, $0x0, v11  }
0x148: {  	[tilespmem:v9+s29+$0x0] =	vst.idx.msk $0x1, v11;
	v9 =	vmul.f32 v11, v8;
	v10 =	vmul.f32 v11, v10  }
0x149: {  	v8 =	vld [tilespmem:s25+$0x30]  }
0x14a: {  	[tilespmem:s25+$0x0] =	vst v9  }
0x14b: {  	[tilespmem:s25+$0x10] =	vst v10;
	v9 =	vld [tilespmem:s25+$0x20]  }
0x14c: {  	v10 =	vld [tilespmem:s22+$0x20]  }
0x14d: {  	v11 =	vld [tilespmem:s22+$0x30];
	_ =	sdelay $0x3  }
0x14e: {  	v10 =	vadd.f32 v10, v9  }
0x14f: {  	v11 =	vadd.f32 v11, v8  }
0x150: {  	vm0 =	vgt.f32 v10, $0.0e+00;
	v12 =	vmul.f32 $2.000000030e-01, v10  }
0x151: {  	vm1 =	vgt.f32 v11, $0.0e+00;
	v13 =	vmul.f32 $2.000000030e-01, v11  }
0x152: {  	v10 =	vsel vm0, v10, v12  }
0x153: {  	v10 =	vmul.f32 v10, v5;
	v11 =	vsel vm1, v11, v13  }
0x154: {  	v11 =	vmul.f32 v11, v6;
	_ =	sdelay $0x1  }
0x155: {  	v10 =	vadd.f32 v11, v10;
	_ =	sdelay $0x1  }
0x156: {  	v11 =	vperm.xlane v10, v1;
	_ =	sdelay $0x1  }
0x157: {  	v10 =	vadd.f32 v10, v11;
	_ =	sdelay $0x1  }
0x158: {  	v11 =	vperm.xlane v10, v2;
	_ =	sdelay $0x1  }
0x159: {  	v10 =	vadd.f32 v10, v11;
	_ =	sdelay $0x1  }
0x15a: {  	v11 =	vperm.xlane v10, v3;
	_ =	sdelay $0x1  }
0x15b: {  	v10 =	vadd.f32 v10, v11;
	_ =	sdelay $0x1  }
0x15c: {  	v11 =	vperm.xlane v10, v4;
	_ =	sdelay $0x1  }
0x15d: {  	v10 =	vadd.f32 v10, v11;
	_ =	sdelay $0x1  }
0x15e: {  	v10 =	vsub.f32 v10, v7;
	_ =	sdelay $0x1  }
0x15f: {  	v10 =	vmul.f32 $1.442695020e+00, v10  }
.Ltmp1:
0x160: {  	(pc) =	sbr.rel @p1 .LBB2_5-.Ltmp1, $3  }
0x161: {  	(erf) = vpow2.f32 v10  }
0x162: {  	v10 =	vmov s15;
	_ =	sdelay $0x1  }
0x163: {  	p2 =	slt.s32 s17, $0x50910  }
0x164: {  	_ =	sdelay $0x4  }
0x165: {  	v11 =	vpop (erf)  }
0x166: {  	v11 =	vpsel !p2, $0x0, v11  }
0x167: {  	v9 =	vmul.f32 v11, v9  }
0x168: {  	[tilespmem:v10+s29+$0x0] =	vst.idx.msk $0x1, v11;
	v8 =	vmul.f32 v11, v8  }
0x169: {  	[tilespmem:s12+$0x20] =	vst v9  }
0x16a: {  	s2 =	rddreg [dreg:$0x3];
	s3 =	simm.s32 $0x800;
	[tilespmem:s12+$0x30] =	vst v8  }
0x16b: {  	[spmem:s2] =	stream.indirect.scatter.add.f32 [tilespmem:s3], [sflag:$0x5], $0x20, s0, s1, $0xb8;
	[tilespmem:$0x1BDD0] =	vst v63  }
0x16c: {  	_ =	swait.ge [sflag:s28], $0x4000  }
0x16d: {  	[sflag:s28] =	ssyncset.done $0x0  }
0x16e: {  	p1 =	seq.s32 s23, $0xA;
	[sflag:s28] =	ssyncadd.s32 $0xFFFFC000  }
0x16f: {  	[spmem:s9] =	stream.indirect.scatter.add.f32 [tilespmem:s29], [sflag:$0x5], $0x10, s0, s1, $0xb8;
	[tilespmem:$0x1BDD0] =	vst v63  }
0x170: {  	s2 =	sshrl.u32 @!p1 s24, $0x3;
	_ =	swait.ge [sflag:s28], $0x2000  }
0x171: {  	s2 =	sadd.s32 @!p1 $0x80, s2;
	[sflag:s28] =	ssyncset.done $0x0  }
0x172: {  	s6 =	simm.s32 @!p1 $0x0;
	s3 =	sadd.s32 @!p1 s7, s2;
	[sflag:s28] =	ssyncadd.s32 $0xFFFFE000  }
0x173: {  	[tilespmem:s6], [sflag:$0x5] =	stream.linear.gather @!p1 [hbm4b:s3+s6], $0x200, $0x38;
	[tilespmem:$0x1BDD0] =	vst v63  }
0x174: {  	s3 =	simm.s32 @!p1 $0x5  }
0x175: {  	_ =	swait.ge @!p1 [sflag:s3], $0x200  }
0x176: {  	[sflag:s3] =	ssyncset.done @!p1 $0x0  }
0x177: {  	s12 =	simm.s32 @!p1 $0x400;
	s2 =	sadd.s32 @!p1 s8, s2;
	[sflag:s3] =	ssyncadd.s32 @!p1 $0xFFFFFE00  }
0x178: {  	[tilespmem:s12], [sflag:$0x5] =	stream.linear.gather @!p1 [hbm4b:s2+s6], $0x200, $0x38;
	[tilespmem:$0x1BDD0] =	vst v63  }
0x179: {  	_ =	swait.ge @!p1 [sflag:s3], $0x200  }
0x17a: {  	[sflag:s3] =	ssyncset.done @!p1 $0x0  }
0x17b: {  	s2 =	simm.s32 @!p1 $0x200;
	[sflag:s3] =	ssyncadd.s32 @!p1 $0xFFFFFE00;
	s3 =	simm.s32 @!p1 $0x800  }
0x17c: {  	[tilespmem:s3], [sflag:$0x1] =	stream.indirect.gather @!p1 [hbm4b:s10+s2], $0x20, s6, s2, $0xb8;
	[tilespmem:$0x1BDD0] =	vst v63  }
0x17d: {  	s3 =	simm.s32 @!p1 $0x8800  }
0x17e: {  	[tilespmem:s3], [sflag:$0x3] =	stream.indirect.gather @!p1 [hbm4b:s11+s2], $0x20, s12, s2, $0xb8;
	[tilespmem:$0x1BDD0] =	vst v63  }
0x17f: {  	_ =	swait.ge [sflag:s16], $0x4000  }
0x180: {  	[sflag:s16] =	ssyncset.done $0x0  }
0x181: {  	[sflag:s16] =	ssyncadd.s32 $0xFFFFC000  }
0x182: {  	_ =	swait.ge [sflag:s18], $0x4000  }
0x183: {  	[sflag:s18] =	ssyncset.done $0x0  }
0x184: {  	s24 =	simm.s32 $0x4840;
	[sflag:s18] =	ssyncadd.s32 $0xFFFFC000  }
0x185: {  	v8 =	vld [tilespmem:s24+$0xFFFFFFD0]  }
0x186: {  	s25 =	simm.s32 $0xC840;
	v9 =	vld [tilespmem:s24+$0xFFFFFFC0]  }
0x187: {  	v10 =	vld [tilespmem:s25+$0xFFFFFFC0]  }
0x188: {  	v11 =	vld [tilespmem:s25+$0xFFFFFFD0];
	_ =	sdelay $0x4  }
0x189: {  	v10 =	vadd.f32 v10, v9;
	v11 =	vadd.f32 v11, v8;
	_ =	sdelay $0x1  }
0x18a: {  	v12 =	vmul.f32 $2.000000030e-01, v10;
	v13 =	vmul.f32 $2.000000030e-01, v11  }
0x18b: {  	vm0 =	vgt.f32 v10, $0.0e+00;
	vm1 =	vgt.f32 v11, $0.0e+00  }
0x18c: {  	v10 =	vsel vm0, v10, v12;
	v11 =	vsel vm1, v11, v13  }
0x18d: {  	v10 =	vmul.f32 v10, v5;
	v11 =	vmul.f32 v11, v6;
	_ =	sdelay $0x1  }
0x18e: {  	v10 =	vadd.f32 v11, v10;
	_ =	sdelay $0x1  }
0x18f: {  	v11 =	vperm.xlane v10, v1;
	_ =	sdelay $0x1  }
0x190: {  	v10 =	vadd.f32 v10, v11;
	_ =	sdelay $0x1  }
0x191: {  	v11 =	vperm.xlane v10, v2;
	_ =	sdelay $0x1  }
0x192: {  	v10 =	vadd.f32 v10, v11;
	_ =	sdelay $0x1  }
0x193: {  	v11 =	vperm.xlane v10, v3;
	_ =	sdelay $0x1  }
0x194: {  	v10 =	vadd.f32 v10, v11;
	_ =	sdelay $0x1  }
0x195: {  	v11 =	vperm.xlane v10, v4;
	_ =	sdelay $0x1  }
0x196: {  	v10 =	vadd.f32 v10, v11;
	_ =	sdelay $0x1  }
0x197: {  	v10 =	vsub.f32 v10, v7;
	_ =	sdelay $0x1  }
0x198: {  	v10 =	vmul.f32 $1.442695020e+00, v10;
	_ =	sdelay $0x1  }
0x199: {  	(erf) = vpow2.f32 v10;
	_ =	sdelay $0x5  }
0x19a: {  	s2 =	simm.s32 $0x0  }
0x19b: {  	s6 =	sadd.s32 $0x1, s20;
	v10 =	vmov s2  }
0x19c: {  	s12 =	sadd.s32 $0x1FF, s6  }
0x19d: {  	p4 =	slt.s32 s12, $0x50910;
	v11 =	vpop (erf)  }
0x19e: {  	v11 =	vpsel !p4, $0x0, v11  }
0x19f: {  	v9 =	vmul.f32 v11, v9  }
0x1a0: {  	[tilespmem:v10+s19+$0x0] =	vst.idx.msk $0x1, v11;
	v8 =	vmul.f32 v11, v8  }
0x1a1: {  	[tilespmem:s24+$0xFFFFFFC0] =	vst v9;
	v9 =	vld [tilespmem:s24+$0xFFFFFFE0]  }
0x1a2: {  	[tilespmem:s24+$0xFFFFFFD0] =	vst v8;
	v8 =	vld [tilespmem:s24+$0xFFFFFFF0]  }
0x1a3: {  	v10 =	vld [tilespmem:s25+$0xFFFFFFE0]  }
0x1a4: {  	v11 =	vld [tilespmem:s25+$0xFFFFFFF0];
	_ =	sdelay $0x4  }
0x1a5: {  	v10 =	vadd.f32 v10, v9;
	v11 =	vadd.f32 v11, v8;
	_ =	sdelay $0x1  }
0x1a6: {  	v58 =	vmul.f32 $2.000000030e-01, v10;
	v59 =	vmul.f32 $2.000000030e-01, v11  }
0x1a7: {  	vm10 =	vgt.f32 v10, $0.0e+00;
	vm11 =	vgt.f32 v11, $0.0e+00  }
0x1a8: {  	v10 =	vsel vm10, v10, v58;
	v11 =	vsel vm11, v11, v59  }
0x1a9: {  	v10 =	vmul.f32 v10, v5;
	v11 =	vmul.f32 v11, v6;
	_ =	sdelay $0x1  }
0x1aa: {  	v10 =	vadd.f32 v11, v10;
	_ =	sdelay $0x1  }
0x1ab: {  	v11 =	vperm.xlane v10, v1;
	_ =	sdelay $0x1  }
0x1ac: {  	v10 =	vadd.f32 v10, v11;
	_ =	sdelay $0x1  }
0x1ad: {  	v11 =	vperm.xlane v10, v2;
	_ =	sdelay $0x1  }
0x1ae: {  	v10 =	vadd.f32 v10, v11;
	_ =	sdelay $0x1  }
0x1af: {  	v11 =	vperm.xlane v10, v3;
	_ =	sdelay $0x1  }
0x1b0: {  	v10 =	vadd.f32 v10, v11;
	_ =	sdelay $0x1  }
0x1b1: {  	v11 =	vperm.xlane v10, v4;
	_ =	sdelay $0x1  }
0x1b2: {  	v10 =	vadd.f32 v10, v11;
	_ =	sdelay $0x1  }
0x1b3: {  	v10 =	vsub.f32 v10, v7;
	_ =	sdelay $0x1  }
0x1b4: {  	v10 =	vmul.f32 $1.442695020e+00, v10;
	_ =	sdelay $0x1  }
0x1b5: {  	(erf) = vpow2.f32 v10;
	_ =	sdelay $0x5  }
0x1b6: {  	s13 =	simm.s32 $0x10  }
0x1b7: {  	v10 =	vmov s13  }
0x1b8: {  	s15 =	sadd.s32 $0x200, s6  }
0x1b9: {  	p5 =	slt.s32 s15, $0x50910;
	v11 =	vpop (erf)  }
0x1ba: {  	v11 =	vpsel !p5, $0x0, v11  }
0x1bb: {  	v9 =	vmul.f32 v11, v9  }
0x1bc: {  	[tilespmem:v10+s19+$0x0] =	vst.idx.msk $0x1, v11;
	v8 =	vmul.f32 v11, v8  }
0x1bd: {  	v10 =	vld [tilespmem:s24+$0x10];
	[tilespmem:s24+$0xFFFFFFE0] =	vst v9  }
0x1be: {  	[tilespmem:s24+$0xFFFFFFF0] =	vst v8;
	v8 =	vld [tilespmem:s24+$0x0]  }
0x1bf: {  	v9 =	vld [tilespmem:s25+$0x0]  }
0x1c0: {  	v11 =	vld [tilespmem:s25+$0x10];
	_ =	sdelay $0x4  }
0x1c1: {  	v9 =	vadd.f32 v9, v8;
	v11 =	vadd.f32 v11, v10;
	_ =	sdelay $0x1  }
0x1c2: {  	v60 =	vmul.f32 $2.000000030e-01, v9;
	v61 =	vmul.f32 $2.000000030e-01, v11  }
0x1c3: {  	vm12 =	vgt.f32 v9, $0.0e+00;
	vm13 =	vgt.f32 v11, $0.0e+00  }
0x1c4: {  	v9 =	vsel vm12, v9, v60;
	v11 =	vsel vm13, v11, v61  }
0x1c5: {  	v9 =	vmul.f32 v9, v5;
	v11 =	vmul.f32 v11, v6;
	_ =	sdelay $0x1  }
0x1c6: {  	v9 =	vadd.f32 v11, v9;
	_ =	sdelay $0x1  }
0x1c7: {  	v11 =	vperm.xlane v9, v1;
	_ =	sdelay $0x1  }
0x1c8: {  	v9 =	vadd.f32 v9, v11;
	_ =	sdelay $0x1  }
0x1c9: {  	v11 =	vperm.xlane v9, v2;
	_ =	sdelay $0x1  }
0x1ca: {  	v9 =	vadd.f32 v9, v11;
	_ =	sdelay $0x1  }
0x1cb: {  	v11 =	vperm.xlane v9, v3;
	_ =	sdelay $0x1  }
0x1cc: {  	v9 =	vadd.f32 v9, v11;
	_ =	sdelay $0x1  }
0x1cd: {  	v11 =	vperm.xlane v9, v4;
	_ =	sdelay $0x1  }
0x1ce: {  	v9 =	vadd.f32 v9, v11;
	_ =	sdelay $0x1  }
0x1cf: {  	v9 =	vsub.f32 v9, v7;
	_ =	sdelay $0x1  }
0x1d0: {  	v9 =	vmul.f32 $1.442695020e+00, v9;
	_ =	sdelay $0x1  }
0x1d1: {  	(erf) = vpow2.f32 v9;
	_ =	sdelay $0x4  }
0x1d2: {  	s17 =	simm.s32 $0x20  }
0x1d3: {  	v9 =	vmov s17;
	_ =	sdelay $0x1  }
0x1d4: {  	s22 =	sadd.s32 $0x201, s6  }
0x1d5: {  	p6 =	slt.s32 s22, $0x50910;
	v11 =	vpop (erf)  }
0x1d6: {  	v11 =	vpsel !p6, $0x0, v11  }
0x1d7: {  	[tilespmem:v9+s19+$0x0] =	vst.idx.msk $0x1, v11;
	v9 =	vmul.f32 v11, v8  }
0x1d8: {  	v10 =	vmul.f32 v11, v10  }
0x1d9: {  	v8 =	vld [tilespmem:s24+$0x30];
	[tilespmem:s24+$0x0] =	vst v9  }
0x1da: {  	[tilespmem:s24+$0x10] =	vst v10;
	v9 =	vld [tilespmem:s24+$0x20]  }
0x1db: {  	v10 =	vld [tilespmem:s25+$0x20]  }
0x1dc: {  	v11 =	vld [tilespmem:s25+$0x30];
	_ =	sdelay $0x4  }
0x1dd: {  	v10 =	vadd.f32 v10, v9;
	v11 =	vadd.f32 v11, v8;
	_ =	sdelay $0x1  }
0x1de: {  	v62 =	vmul.f32 $2.000000030e-01, v10;
	v63 =	vmul.f32 $2.000000030e-01, v11  }
0x1df: {  	vm14 =	vgt.f32 v10, $0.0e+00;
	vm15 =	vgt.f32 v11, $0.0e+00  }
0x1e0: {  	v10 =	vsel vm14, v10, v62;
	v11 =	vsel vm15, v11, v63  }
0x1e1: {  	v10 =	vmul.f32 v10, v5;
	v11 =	vmul.f32 v11, v6;
	_ =	sdelay $0x1  }
0x1e2: {  	v10 =	vadd.f32 v11, v10;
	_ =	sdelay $0x1  }
0x1e3: {  	v11 =	vperm.xlane v10, v1;
	_ =	sdelay $0x1  }
0x1e4: {  	v10 =	vadd.f32 v10, v11;
	_ =	sdelay $0x1  }
0x1e5: {  	v11 =	vperm.xlane v10, v2;
	_ =	sdelay $0x1  }
0x1e6: {  	v10 =	vadd.f32 v10, v11;
	_ =	sdelay $0x1  }
0x1e7: {  	v11 =	vperm.xlane v10, v3;
	_ =	sdelay $0x1  }
0x1e8: {  	v10 =	vadd.f32 v10, v11;
	_ =	sdelay $0x1  }
0x1e9: {  	v11 =	vperm.xlane v10, v4;
	_ =	sdelay $0x1  }
0x1ea: {  	v10 =	vadd.f32 v10, v11;
	_ =	sdelay $0x1  }
0x1eb: {  	v10 =	vsub.f32 v10, v7;
	_ =	sdelay $0x1  }
0x1ec: {  	v10 =	vmul.f32 $1.442695020e+00, v10;
	_ =	sdelay $0x1  }
0x1ed: {  	(erf) = vpow2.f32 v10;
	_ =	sdelay $0x1  }
0x1ee: {  	s23 =	sadd.s32 $0x1, s23;
	s26 =	simm.s32 $0x30;
	s2 =	sadd.s32 $0x202, s6  }
0x1ef: {  	s22 =	simm.s32 $0x4840;
	s12 =	simm.s32 $0x5;
	p2 =	slt.s32 s2, $0x50910;
	v10 =	vmov s26  }
.LBB2_7:
0x1f0: {  	_ =	sdelay $0x2  }
0x1f1: {  	p1 =	sne.s32 s12, $0x1FD;
	s24 =	sadd.s32 $0x80, s24;
	s25 =	sadd.s32 $0x80, s25  }
0x1f2: {  	s6 =	smov.u32 s12;
	s12 =	sadd.s32 $0x4, s12  }
0x1f3: {  	v11 =	vpop (erf)  }
0x1f4: {  	v11 =	vpsel !p2, $0x0, v11  }
0x1f5: {  	[tilespmem:v10+s19+$0x0] =	vst.idx.msk $0x1, v11;
	v9 =	vmul.f32 v11, v9;
	v8 =	vmul.f32 v11, v8;
	_ =	sdelay $0x1  }
0x1f6: {  	v10 =	vld [tilespmem:s24+$0xFFFFFFD0];
	[tilespmem:s22+$0x20] =	vst v9  }
0x1f7: {  	v9 =	vld [tilespmem:s24+$0xFFFFFFC0];
	[tilespmem:s22+$0x30] =	vst v8;
	s22 =	smov.u32 s24  }
0x1f8: {  	v8 =	vld [tilespmem:s25+$0xFFFFFFC0]  }
0x1f9: {  	v11 =	vld [tilespmem:s25+$0xFFFFFFD0];
	_ =	sdelay $0x4  }
0x1fa: {  	v8 =	vadd.f32 v8, v9;
	v11 =	vadd.f32 v11, v10;
	_ =	sdelay $0x1  }
0x1fb: {  	v12 =	vmul.f32 $2.000000030e-01, v8;
	v13 =	vmul.f32 $2.000000030e-01, v11  }
0x1fc: {  	vm0 =	vgt.f32 v8, $0.0e+00;
	vm1 =	vgt.f32 v11, $0.0e+00  }
0x1fd: {  	v8 =	vsel vm0, v8, v12;
	v11 =	vsel vm1, v11, v13  }
0x1fe: {  	v8 =	vmul.f32 v8, v5;
	v11 =	vmul.f32 v11, v6;
	_ =	sdelay $0x1  }
0x1ff: {  	v8 =	vadd.f32 v11, v8;
	_ =	sdelay $0x1  }
0x200: {  	v11 =	vperm.xlane v8, v1;
	_ =	sdelay $0x1  }
0x201: {  	v8 =	vadd.f32 v8, v11;
	_ =	sdelay $0x1  }
0x202: {  	v11 =	vperm.xlane v8, v2;
	_ =	sdelay $0x1  }
0x203: {  	v8 =	vadd.f32 v8, v11;
	_ =	sdelay $0x1  }
0x204: {  	v11 =	vperm.xlane v8, v3;
	_ =	sdelay $0x1  }
0x205: {  	v8 =	vadd.f32 v8, v11;
	_ =	sdelay $0x1  }
0x206: {  	v11 =	vperm.xlane v8, v4;
	_ =	sdelay $0x1  }
0x207: {  	v8 =	vadd.f32 v8, v11;
	_ =	sdelay $0x1  }
0x208: {  	v8 =	vsub.f32 v8, v7;
	_ =	sdelay $0x1  }
0x209: {  	v8 =	vmul.f32 $1.442695020e+00, v8;
	_ =	sdelay $0x1  }
0x20a: {  	(erf) = vpow2.f32 v8;
	_ =	sdelay $0x4  }
0x20b: {  	s2 =	sshll.u32 s6, $0x4  }
0x20c: {  	s3 =	sadd.s32 $0xFFFFFFF0, s2;
	s17 =	sadd.s32 $0x10, s2;
	s13 =	sadd.s32 $0x20, s2  }
0x20d: {  	s15 =	sadd.s32 s6, s20;
	v8 =	vmov s3  }
0x20e: {  	s26 =	sadd.s32 $0x200, s15;
	s6 =	sadd.s32 $0x201, s15;
	s3 =	sadd.s32 $0x1FF, s15  }
0x20f: {  	s15 =	sadd.s32 $0x202, s15;
	p2 =	slt.s32 s3, $0x50910;
	v11 =	vpop (erf)  }
0x210: {  	v11 =	vpsel !p2, $0x0, v11  }
0x211: {  	v9 =	vmul.f32 v11, v9;
	v10 =	vmul.f32 v11, v10  }
0x212: {  	[tilespmem:v8+s19+$0x0] =	vst.idx.msk $0x1, v11  }
0x213: {  	[tilespmem:s24+$0xFFFFFFC0] =	vst v9;
	v8 =	vld [tilespmem:s24+$0xFFFFFFE0]  }
0x214: {  	[tilespmem:s24+$0xFFFFFFD0] =	vst v10;
	v9 =	vld [tilespmem:s24+$0xFFFFFFF0]  }
0x215: {  	v10 =	vld [tilespmem:s25+$0xFFFFFFE0]  }
0x216: {  	v11 =	vld [tilespmem:s25+$0xFFFFFFF0];
	_ =	sdelay $0x3  }
0x217: {  	v10 =	vadd.f32 v10, v8  }
0x218: {  	v11 =	vadd.f32 v11, v9  }
0x219: {  	vm0 =	vgt.f32 v10, $0.0e+00;
	v12 =	vmul.f32 $2.000000030e-01, v10  }
0x21a: {  	vm1 =	vgt.f32 v11, $0.0e+00;
	v13 =	vmul.f32 $2.000000030e-01, v11  }
0x21b: {  	v10 =	vsel vm0, v10, v12  }
0x21c: {  	v10 =	vmul.f32 v10, v5;
	v11 =	vsel vm1, v11, v13  }
0x21d: {  	v11 =	vmul.f32 v11, v6;
	_ =	sdelay $0x1  }
0x21e: {  	v10 =	vadd.f32 v11, v10;
	_ =	sdelay $0x1  }
0x21f: {  	v11 =	vperm.xlane v10, v1;
	_ =	sdelay $0x1  }
0x220: {  	v10 =	vadd.f32 v10, v11;
	_ =	sdelay $0x1  }
0x221: {  	v11 =	vperm.xlane v10, v2;
	_ =	sdelay $0x1  }
0x222: {  	v10 =	vadd.f32 v10, v11;
	_ =	sdelay $0x1  }
0x223: {  	v11 =	vperm.xlane v10, v3;
	_ =	sdelay $0x1  }
0x224: {  	v10 =	vadd.f32 v10, v11;
	_ =	sdelay $0x1  }
0x225: {  	v11 =	vperm.xlane v10, v4;
	_ =	sdelay $0x1  }
0x226: {  	v10 =	vadd.f32 v10, v11;
	_ =	sdelay $0x1  }
0x227: {  	v10 =	vsub.f32 v10, v7;
	_ =	sdelay $0x1  }
0x228: {  	v10 =	vmul.f32 $1.442695020e+00, v10;
	_ =	sdelay $0x1  }
0x229: {  	(erf) = vpow2.f32 v10;
	_ =	sdelay $0x4  }
0x22a: {  	v10 =	vmov s2;
	_ =	sdelay $0x1  }
0x22b: {  	p2 =	slt.s32 s26, $0x50910;
	_ =	sdelay $0x1  }
0x22c: {  	v11 =	vpop (erf)  }
0x22d: {  	v11 =	vpsel !p2, $0x0, v11  }
0x22e: {  	[tilespmem:v10+s19+$0x0] =	vst.idx.msk $0x1, v11;
	v8 =	vmul.f32 v11, v8;
	v9 =	vmul.f32 v11, v9  }
0x22f: {  	v10 =	vld [tilespmem:s24+$0x10]  }
0x230: {  	[tilespmem:s24+$0xFFFFFFE0] =	vst v8  }
0x231: {  	[tilespmem:s24+$0xFFFFFFF0] =	vst v9;
	v8 =	vld [tilespmem:s24+$0x0]  }
0x232: {  	v9 =	vld [tilespmem:s25+$0x0]  }
0x233: {  	v11 =	vld [tilespmem:s25+$0x10];
	_ =	sdelay $0x3  }
0x234: {  	v9 =	vadd.f32 v9, v8  }
0x235: {  	v11 =	vadd.f32 v11, v10  }
0x236: {  	vm0 =	vgt.f32 v9, $0.0e+00;
	v12 =	vmul.f32 $2.000000030e-01, v9  }
0x237: {  	vm1 =	vgt.f32 v11, $0.0e+00;
	v13 =	vmul.f32 $2.000000030e-01, v11  }
0x238: {  	v9 =	vsel vm0, v9, v12  }
0x239: {  	v9 =	vmul.f32 v9, v5;
	v11 =	vsel vm1, v11, v13  }
0x23a: {  	v11 =	vmul.f32 v11, v6;
	_ =	sdelay $0x1  }
0x23b: {  	v9 =	vadd.f32 v11, v9;
	_ =	sdelay $0x1  }
0x23c: {  	v11 =	vperm.xlane v9, v1;
	_ =	sdelay $0x1  }
0x23d: {  	v9 =	vadd.f32 v9, v11;
	_ =	sdelay $0x1  }
0x23e: {  	v11 =	vperm.xlane v9, v2;
	_ =	sdelay $0x1  }
0x23f: {  	v9 =	vadd.f32 v9, v11;
	_ =	sdelay $0x1  }
0x240: {  	v11 =	vperm.xlane v9, v3;
	_ =	sdelay $0x1  }
0x241: {  	v9 =	vadd.f32 v9, v11;
	_ =	sdelay $0x1  }
0x242: {  	v11 =	vperm.xlane v9, v4;
	_ =	sdelay $0x1  }
0x243: {  	v9 =	vadd.f32 v9, v11;
	_ =	sdelay $0x1  }
0x244: {  	v9 =	vsub.f32 v9, v7;
	_ =	sdelay $0x1  }
0x245: {  	v9 =	vmul.f32 $1.442695020e+00, v9;
	_ =	sdelay $0x1  }
0x246: {  	(erf) = vpow2.f32 v9;
	_ =	sdelay $0x2  }
0x247: {  	v9 =	vmov s17;
	_ =	sdelay $0x1  }
0x248: {  	p2 =	slt.s32 s6, $0x50910;
	_ =	sdelay $0x3  }
0x249: {  	v11 =	vpop (erf)  }
0x24a: {  	v11 =	vpsel !p2, $0x0, v11  }
0x24b: {  	[tilespmem:v9+s19+$0x0] =	vst.idx.msk $0x1, v11;
	v9 =	vmul.f32 v11, v8;
	v10 =	vmul.f32 v11, v10  }
0x24c: {  	v8 =	vld [tilespmem:s24+$0x30]  }
0x24d: {  	[tilespmem:s24+$0x0] =	vst v9  }
0x24e: {  	[tilespmem:s24+$0x10] =	vst v10;
	v9 =	vld [tilespmem:s24+$0x20]  }
0x24f: {  	v10 =	vld [tilespmem:s25+$0x20]  }
0x250: {  	v11 =	vld [tilespmem:s25+$0x30];
	_ =	sdelay $0x3  }
0x251: {  	v10 =	vadd.f32 v10, v9  }
0x252: {  	v11 =	vadd.f32 v11, v8  }
0x253: {  	vm0 =	vgt.f32 v10, $0.0e+00;
	v12 =	vmul.f32 $2.000000030e-01, v10  }
0x254: {  	vm1 =	vgt.f32 v11, $0.0e+00;
	v13 =	vmul.f32 $2.000000030e-01, v11  }
0x255: {  	v10 =	vsel vm0, v10, v12  }
0x256: {  	v10 =	vmul.f32 v10, v5;
	v11 =	vsel vm1, v11, v13  }
0x257: {  	v11 =	vmul.f32 v11, v6;
	_ =	sdelay $0x1  }
0x258: {  	v10 =	vadd.f32 v11, v10;
	_ =	sdelay $0x1  }
0x259: {  	v11 =	vperm.xlane v10, v1;
	_ =	sdelay $0x1  }
0x25a: {  	v10 =	vadd.f32 v10, v11;
	_ =	sdelay $0x1  }
0x25b: {  	v11 =	vperm.xlane v10, v2;
	_ =	sdelay $0x1  }
0x25c: {  	v10 =	vadd.f32 v10, v11;
	_ =	sdelay $0x1  }
0x25d: {  	v11 =	vperm.xlane v10, v3;
	_ =	sdelay $0x1  }
0x25e: {  	v10 =	vadd.f32 v10, v11;
	_ =	sdelay $0x1  }
0x25f: {  	v11 =	vperm.xlane v10, v4;
	_ =	sdelay $0x1  }
0x260: {  	v10 =	vadd.f32 v10, v11;
	_ =	sdelay $0x1  }
0x261: {  	v10 =	vsub.f32 v10, v7;
	_ =	sdelay $0x1  }
0x262: {  	v10 =	vmul.f32 $1.442695020e+00, v10  }
.Ltmp2:
0x263: {  	(pc) =	sbr.rel @p1 .LBB2_7-.Ltmp2, $3  }
0x264: {  	(erf) = vpow2.f32 v10  }
0x265: {  	v10 =	vmov s13;
	_ =	sdelay $0x1  }
0x266: {  	p2 =	slt.s32 s15, $0x50910  }
0x267: {  	_ =	sdelay $0x4  }
0x268: {  	v11 =	vpop (erf)  }
0x269: {  	v11 =	vpsel !p2, $0x0, v11  }
0x26a: {  	v9 =	vmul.f32 v11, v9  }
0x26b: {  	[tilespmem:v10+s19+$0x0] =	vst.idx.msk $0x1, v11;
	v8 =	vmul.f32 v11, v8  }
0x26c: {  	[tilespmem:s22+$0x20] =	vst v9  }
0x26d: {  	s2 =	rddreg [dreg:$0x3];
	[tilespmem:s22+$0x30] =	vst v8  }
0x26e: {  	[spmem:s2] =	stream.indirect.scatter.add.f32 [tilespmem:s31], [sflag:$0x5], $0x20, s30, s1, $0xb8;
	[tilespmem:$0x1BDD0] =	vst v63  }
0x26f: {  	_ =	swait.ge [sflag:s28], $0x4000  }
0x270: {  	p1 =	sne.s32 s23, $0xB;
	[sflag:s28] =	ssyncset.done $0x0  }
.Ltmp3:
0x271: {  	[sflag:s28] =	ssyncadd.s32 $0xFFFFC000;
	(pc) =	sbr.rel @p1 .LBB2_4-.Ltmp3, $4  }
0x272: {  	[spmem:s9] =	stream.indirect.scatter.add.f32 [tilespmem:s19], [sflag:$0x5], $0x10, s30, s1, $0xb8;
	[tilespmem:$0x1BDD0] =	vst v63  }
0x273: {  	_ =	swait.ge [sflag:s28], $0x2000  }
0x274: {  	[sflag:s28] =	ssyncset.done $0x0  }
0x275: {  	s20 =	sadd.s32 $0x400, s20;
	[sflag:s28] =	ssyncadd.s32 $0xFFFFE000  }
0x276: {  	s2 =	stileid.u32;
	[bflag:$0x0] =	sbarrier.arrive $0xFFFF  }
0x277: {  	s2 =	sshll.u32 s2, $0x6;
	s15 =	rddreg [dreg:$0x7]  }
0x278: {  	s6 =	rddreg [dreg:$0xb];
	s2 =	sor.u32 $0x1C05, s2;
	s3 =	sshrl.u32 s15, $0x3  }
0x279: {  	[hbm:s6], [sflag:s2] =	dma.local [spmem:s3], $0x9C0  }
0x27a: {  	_ =	swait.ge [sflag:s28], $0x9C0  }
0x27b: {  	[sflag:s28] =	ssyncset.done $0x0;
	s21 =	rddreg [dreg:$0x8]  }
0x27c: {  	s25 =	rddreg [dreg:$0xd];
	[sflag:s28] =	ssyncadd.s32 $0xFFFFF640;
	s24 =	sshrl.u32 s21, $0x3  }
0x27d: {  	[hbm:s25], [sflag:s2] =	dma.local [spmem:s24], $0x4E0  }
0x27e: {  	_ =	swait.ge [sflag:s28], $0x4E0  }
0x27f: {  	[sflag:s28] =	ssyncset.done $0x0;
	s22 =	rddreg [dreg:$0xa]  }
0x280: {  	s6 =	rddreg [dreg:$0x12];
	[sflag:s28] =	ssyncadd.s32 $0xFFFFFB20;
	s3 =	sshrl.u32 @!p0 s22, $0x3  }
0x281: {  	[hbm:s6], [sflag:s2] =	dma.local @!p0 [spmem:s3], $0x40  }
0x282: {  	s3 =	simm.s32 @!p0 $0x5  }
0x283: {  	_ =	swait.ge @!p0 [sflag:s3], $0x40  }
0x284: {  	[sflag:s3] =	ssyncset.done @!p0 $0x0;
	s23 =	rddreg [dreg:$0xc]  }
0x285: {  	s12 =	rddreg [dreg:$0x13];
	[sflag:s3] =	ssyncadd.s32 @!p0 $0xFFFFFFC0;
	s6 =	sshrl.u32 @!p0 s23, $0x3  }
0x286: {  	[hbm:s12], [sflag:s2] =	dma.local @!p0 [spmem:s6], $0x20  }
0x287: {  	_ =	swait.ge @!p0 [sflag:s3], $0x20  }
0x288: {  	s20 =	rddreg [dreg:$0x6]  }
0x289: {  	s26 =	rddreg [dreg:$0x14];
	s20 =	sadd.s32 $0x1, s20  }
0x28a: {  	p1 =	sne.s32 s20, s26  }
.Ltmp4:
0x28b: {  	_ = 	snop;
	(pc) =	sbr.rel @p1 .LBB2_1-.Ltmp4, $3  }
0x28c: {  	_ =	sdelay $0x1  }
0x28d: {  	[sflag:s3] =	ssyncset.done @!p0 $0x0  }
0x28e: {  	[sflag:s3] =	ssyncadd.s32 @!p0 $0xFFFFFFE0  }
0x28f: {  	_ =	sfence.sel $0x180000  }
0x290: {  	[bflag:$0x0] =	sbarrier.arrive $0xFFFF  }
0x291: {  	_ =	strace $0x9000004A  }
0x292: {  	s0 =	stileid.u32;
	[bflag:$0x2] =	sbarrier.arrive $0xFFFF  }
0x293: {  	p0 =	sne.s32 s0, $0x0;
	s0 =	rddreg [dreg:$0x5]  }
0x294: {  	s0 =	sadd.s32 @!p0 $0x100000, s0  }
0x295: {  	[sflag:s0] =	ssyncadd.tile.s32 @!p0 $0x1;
	_ =	shalt  }
.Lfunc_end2:
_tile_overlayer_lowered:
.L_overlay_start_2:
0x296: {  	(tag) =	ssettag $0x2  }
0x297: {  	s0 =	rddreg [dreg:$0x0];
	s2 =	stileid.u32  }
0x298: {  	s1 =	rddreg [dreg:$0x1];
	p0 =	sne.s32 s2, $0x0  }
0x299: {  	s3 =	rddreg [dreg:$0x2];
	[bflag:$0x3] =	sbarrier.arrive $0xFFFF;
	s2 =	simm.s32 @!p0 $0x1C05  }
0x29a: {  	[timem:s3], [sflag:s2] =	dma.local @!p0 [hbm:s0], s1  }
0x29b: {  	s0 =	simm.s32 @!p0 $0x5  }
0x29c: {  	_ =	swait.ge @!p0 [sflag:s0], s1  }
0x29d: {  	s1 =	ssub.s32 @!p0 $0x0, s1;
	[sflag:s0] =	ssyncset.done @!p0 $0x0  }
0x29e: {  	[sflag:s0] =	ssyncadd.s32 @!p0 s1  }
0x29f: {  	[bflag:$0x3] =	sbarrier.arrive $0xFFFF  }
0x2a0: {  	_ =	shalt  }

// kernel: kernel.7.cloned.1.call-start
scs
__scs_entry_jumppad:
0x0: {  	(pc) =	sbr.rel $0x88, $3  }
0x1: {  	(tag) =	ssettag $0x0;
	lr =	simm.s32 $0x1  }
0x2: {  	[smem:$0x3F91] =	sst lr;
	_ =	strace $0xD0000000  }
0x3: {  	_ = 	snop  }
0x4: {  	_ = 	snop  }
0x5: {  	_ = 	snop  }
0x6: {  	_ = 	snop  }
0x7: {  	_ = 	snop  }
__scs_overlays_trampoline_lowered:
0x8: {  	[smem:$0x3FA0] =	sst s0  }
0x9: {  	[smem:$0x3FA1] =	sst s1  }
0xa: {  	[smem:$0x3FA2] =	sst s2  }
0xb: {  	[smem:$0x3FA3] =	sst s3  }
0xc: {  	[smem:$0x3FA4] =	sst s4  }
0xd: {  	[smem:$0x3FA5] =	sst s5  }
0xe: {  	[smem:$0x3FA6] =	sst s6  }
0xf: {  	[smem:$0x3FA7] =	sst s7  }
0x10: {  	[smem:$0x3FA8] =	sst s8  }
0x11: {  	[smem:$0x3FA9] =	sst s9;
	s0 =	simm.s32 @!p0 $0x0  }
0x12: {  	s1 =	sld [smem:$0x3F8F];
	s0 =	simm.s32 @p0 $0x1  }
0x13: {  	[smem:$0x3FAA] =	sst s0;
	s0 =	simm.s32 @!p1 $0x0  }
0x14: {  	s2 =	sld [smem:$0x3F8E];
	s0 =	simm.s32 @p1 $0x1  }
0x15: {  	[smem:$0x3FAB] =	sst s0;
	s0 =	simm.s32 @!p2 $0x0  }
0x16: {  	s3 =	sld [smem:$0x3FDB];
	s0 =	simm.s32 @p2 $0x1  }
0x17: {  	s4 =	simm.s32 $0x1BF5;
	[smem:$0x3FAD] =	sst s0  }
0x18: {  	s0 =	sld [smem:$0x3F90];
	_ =	swait.ge [sflag:s4], $0x0  }
0x19: {  	s7 =	sld [smem:$0x3F91]  }
0x1a: {  	s8 =	sadd.s32 $0xFFFFE003, lr  }
0x1b: {  	s9 =	sadd.s32 $0xFFFFFEF7, lr;
	s5 =	simm.s32 $0xFFFFFFFF;
	p2 =	slt.u32 s8, $0xFFFFF086  }
0x1c: {  	p1 =	slt.u32 s9, $0xF7A;
	s5 =	simm.s32 @!p2 $0x0  }
0x1d: {  	s5 =	simm.s32 @p1 $0x1;
	p0 =	seq.s32 s7, s2  }
0x1e: {  	s7 =	smul.u32 @!p0 $0xF7A, s2;
	p2 =	seq.s32 @!p0 s5, $0x0  }
0x1f: {  	s9 =	smul.u32 $0xF7A, s1;
	s8 =	simm.s32 @!p0 $0x1BF5;
	p2 =	por !p2, p0  }
0x20: {  	[sflag:s8] =	ssyncset.s32 @!p0 $0xFFFFF086;
	s6 =	sadd.s32 @!p0 s3, s7;
	s7 =	simm.s32 @!p0 $0x108  }
0x21: {  	s3 =	sadd.s32 s3, s9;
	s6 =	sadd.s32 @!p0 $0x88, s6;
	s7 =	simm.s32 @p2 $0x1082  }
0x22: {  	[simem:s7], [sflag:s8] =	dma.local @!p0 [hbm:s6], $0xF7A  }
0x23: {  	s9 =	sor.u32 $0xD0000000, s2;
	s6 =	simm.s32 $0x108;
	_ =	swait.ge @!p0 [sflag:s8], $0x0  }
0x24: {  	s3 =	sadd.s32 $0x88, s3;
	s6 =	simm.s32 @!p1 $0x1082;
	[sflag:s4] =	ssyncset.s32 $0xFFFFF086  }
0x25: {  	[simem:s6], [sflag:s4] =	dma.local [hbm:s3], $0xF7A  }
0x26: {  	[smem:$0x3F91] =	sst s1;
	(tag) =	ssettag s2;
	_ =	strace s9  }
0x27: {  	s1 =	sld [smem:$0x3FA1]  }
0x28: {  	s2 =	sld [smem:$0x3FA2]  }
0x29: {  	s4 =	sld [smem:$0x3FA4]  }
0x2a: {  	p0 =	seq.s32 s5, $0x0;
	s5 =	sld [smem:$0x3FA5]  }
0x2b: {  	s6 =	sld [smem:$0x3FA6]  }
0x2c: {  	s7 =	sld [smem:$0x3FA7]  }
0x2d: {  	s3 =	simm.s32 $0x108;
	s8 =	sld [smem:$0x3FA8]  }
0x2e: {  	s3 =	simm.s32 @!p0 $0x1082;
	s9 =	sld [smem:$0x3FA9]  }
0x2f: {  	lr =	sadd.s32 s0, s3;
	s0 =	sld [smem:$0x3FA0]  }
0x30: {  	s3 =	sld [smem:$0x3FA3]  }
0x31: {  	[smem:$0x3FAC] =	sst s10  }
0x32: {  	s10 =	sld [smem:$0x3FAA];
	_ =	sdelay $0x3  }
0x33: {  	p0 =	seq.s32 s10, $0x1;
	s10 =	sld [smem:$0x3FAC];
	_ =	sdelay $0x3  }
0x34: {  	[smem:$0x3FAC] =	sst s10  }
0x35: {  	s10 =	sld [smem:$0x3FAB];
	_ =	sdelay $0x3  }
0x36: {  	p1 =	seq.s32 s10, $0x1;
	s10 =	sld [smem:$0x3FAC];
	_ =	sdelay $0x3  }
0x37: {  	[smem:$0x3FAC] =	sst s10  }
0x38: {  	s10 =	sld [smem:$0x3FAD]  }
0x39: {  	_ = 	snop;
	(pc) =	sbr.ind lr, $3  }
0x3a: {  	_ = 	snop  }
0x3b: {  	_ = 	snop  }
0x3c: {  	p2 =	seq.s32 s10, $0x1;
	s10 =	sld [smem:$0x3FAC]  }
0x3d: {  	_ =	shalt  }
0x3e: {  	_ =	shalt  }
0x3f: {  	_ =	shalt  }
0x40: {  	_ =	shalt  }
0x41: {  	_ =	shalt  }
0x42: {  	_ =	shalt  }
0x43: {  	_ =	shalt  }
0x44: {  	_ =	shalt  }
0x45: {  	_ =	shalt  }
0x46: {  	_ =	shalt  }
0x47: {  	_ =	shalt  }
0x48: {  	_ =	shalt  }
0x49: {  	_ =	shalt  }
0x4a: {  	_ =	shalt  }
0x4b: {  	_ =	shalt  }
0x4c: {  	_ =	shalt  }
0x4d: {  	_ =	shalt  }
0x4e: {  	_ =	shalt  }
0x4f: {  	_ =	shalt  }
0x50: {  	_ =	shalt  }
0x51: {  	_ =	shalt  }
0x52: {  	_ =	shalt  }
0x53: {  	_ =	shalt  }
0x54: {  	_ =	shalt  }
0x55: {  	_ =	shalt  }
0x56: {  	_ =	shalt  }
0x57: {  	_ =	shalt  }
0x58: {  	_ =	shalt  }
0x59: {  	_ =	shalt  }
0x5a: {  	_ =	shalt  }
0x5b: {  	_ =	shalt  }
0x5c: {  	_ =	shalt  }
0x5d: {  	_ =	shalt  }
0x5e: {  	_ =	shalt  }
0x5f: {  	_ =	shalt  }
0x60: {  	_ =	shalt  }
0x61: {  	_ =	shalt  }
0x62: {  	_ =	shalt  }
0x63: {  	_ =	shalt  }
0x64: {  	_ =	shalt  }
0x65: {  	_ =	shalt  }
0x66: {  	_ =	shalt  }
0x67: {  	_ =	shalt  }
0x68: {  	_ =	shalt  }
0x69: {  	_ =	shalt  }
0x6a: {  	_ =	shalt  }
0x6b: {  	_ =	shalt  }
0x6c: {  	_ =	shalt  }
0x6d: {  	_ =	shalt  }
0x6e: {  	_ =	shalt  }
0x6f: {  	_ =	shalt  }
0x70: {  	_ =	shalt  }
0x71: {  	_ =	shalt  }
0x72: {  	_ =	shalt  }
0x73: {  	_ =	shalt  }
0x74: {  	_ =	shalt  }
0x75: {  	_ =	shalt  }
0x76: {  	_ =	shalt  }
0x77: {  	_ =	shalt  }
0x78: {  	_ =	shalt  }
0x79: {  	_ =	shalt  }
0x7a: {  	_ =	shalt  }
0x7b: {  	_ =	shalt  }
0x7c: {  	_ =	shalt  }
0x7d: {  	_ =	shalt  }
0x7e: {  	_ =	shalt  }
0x7f: {  	_ =	shalt  }
0x80: {  	_ =	shalt  }
0x81: {  	_ =	shalt  }
0x82: {  	_ =	shalt  }
0x83: {  	_ =	shalt  }
0x84: {  	_ =	shalt  }
0x85: {  	_ =	shalt  }
0x86: {  	_ =	shalt  }
0x87: {  	_ =	shalt  }
.Lfunc_end0:
.L_simem_size_0:
called_computation_lowered:
.L_overlay_start_0:
0x88: {  	s2 =	sld [smem:$0x3FD9]  }
0x89: {  	s3 =	sld [smem:$0x3FFE];
	_ =	sdelay $0x1  }
0x8a: {  	s1 =	srdreg.scid  }
0x8b: {  	s0 =	sand.u32 $0x1, s1  }
0x8c: {  	s17 =	sshll.u32 s0, $0xA;
	s2 =	sadd.s32 s3, s2  }
0x8d: {  	s2 =	sadd.s32 s2, s17  }
0x8e: {  	[smem:$0x3FB8] =	sst s2  }
0x8f: {  	_ = 	snop  }
0x90: {  	s2 =	sld [smem:$0x3FD0];
	(tm) =	ssettm $0x1  }
0x91: {  	s18 =	sld [smem:$0x3FFB];
	_ =	sdelay $0x3  }
0x92: {  	_ =	strace s18  }
0x93: {  	s3 =	sld [smem:$0x3FFC];
	_ =	sdelay $0x3  }
0x94: {  	_ =	strace s3  }
0x95: {  	s3 =	sld [smem:$0x3FFD];
	_ =	sdelay $0x3  }
0x96: {  	_ =	strace s3  }
0x97: {  	_ =	strace $0x8FFFFFFF  }
0x98: {  	s19 =	sld [smem:$0x3FDB];
	_ =	sdelay $0x1  }
0x99: {  	s4 =	simm.s32 $_scs_section_size  }
0x9a: {  	s5 =	simm.s32 $_size__tile_overlayer_lowered;
	s6 =	simm.s32 $_tile_overlayer_lowered  }
0x9b: {  	s22 =	simm.s32 $0x1BFF;
	s21 =	sshll.u32 s6, $0x1;
	s3 =	sadd.s32 s4, s19  }
0x9c: {  	s7 =	simm.s32 $0x0;
	s20 =	sshll.u32 s5, $0x1;
	s5 =	sadd.s32 s21, s3  }
0x9d: {  	[timem:s7], [sflag:s22] =	dma.local [hbm:s5], s20  }
0x9e: {  	_ =	swait.ge [sflag:s22], s20  }
0x9f: {  	s4 =	ssub.s32 $0x0, s20;
	[sflag:s22] =	ssyncset.done $0x0  }
0xa0: {  	[sflag:s22] =	ssyncadd.s32 s4;
	_ =	sdelay $0x1  }
0xa1: {  	s23 =	simm.s32 $0x1B8B  }
0xa2: {  	_ =	swait.ge [sflag:s23], $0x1  }
0xa3: {  	[sflag:s23] =	ssyncset.done $0x0  }
0xa4: {  	s25 =	simm.s32 $0x1B8E;
	s24 =	sld [smem:$0x3FFE];
	[sflag:s23] =	ssyncadd.s32 $0xFFFFFFFF  }
0xa5: {  	s26 =	simm.s32 $execute0_lowered;
	[smem:$0x3FD2] =	sst s25  }
0xa6: {  	s5 =	sshll.u32 s26, $0x1;
	_ =	strace $0x80000046;
	[dreg:$0x1] =	wrdreg $0xFFFFFFFF  }
0xa7: {  	s28 =	simm.s32 $_size_execute0_lowered;
	s3 =	sadd.s32 s3, s5;
	[dreg:$0x0] =	wrdreg $0x0  }
0xa8: {  	s5 =	sshll.u32 s28, $0x1;
	[dreg:$0x2] =	wrdreg s3  }
0xa9: {  	[dreg:$0x3] =	wrdreg s5  }
0xaa: {  	[dreg:$0x4] =	wrdreg $0xC0  }
0xab: {  	_ =	task [dreg:s7], $0x5FFFF  }
0xac: {  	[dreg:$0x1] =	wrdreg $0xFFFFFFFF  }
0xad: {  	[dreg:$0x0] =	wrdreg $0x60  }
0xae: {  	[dreg:$0x2] =	wrdreg s24  }
0xaf: {  	[dreg:$0x3] =	wrdreg s2  }
0xb0: {  	[dreg:$0x4] =	wrdreg $0x9CA00  }
0xb1: {  	[dreg:$0x5] =	wrdreg $0x1D5200  }
0xb2: {  	[dreg:$0x6] =	wrdreg $0x9  }
0xb3: {  	_ =	task.clear_ibuf [dreg:s7], $0x7FFFF;
	_ =	strace $0x90000046  }
0xb4: {  	s29 =	simm.s32 $0x9;
	_ =	strace $0x80000048  }
0xb5: {  	_ =	swait.ge [sflag:s29], $0x1  }
0xb6: {  	[sflag:s29] =	ssyncadd.s32 $0xFFFFFFFF  }
0xb7: {  	_ =	strace $0x90000048  }
0xb8: {  	_ =	sfence  }
0xb9: {  	s30 =	sld [smem:$0x0];
	_ =	sdelay $0x2  }
0xba: {  	s31 =	sshll.u32 s1, $0xD;
	s1 =	sshrl.u32 s1, $0x2  }
0xbb: {  	s3 =	sand.u32 $0x4000, s31;
	s1 =	sadd.s32 s1, s30  }
0xbc: {  	s0 =	sor.u32 s3, s0;
	s1 =	sshll.u32 s1, $0x11  }
0xbd: {  	s0 =	sor.u32 s1, s0  }
0xbe: {  	s0 =	sadd.s32 $0x8F2B, s0  }
0xbf: {  	[sflag:s0] =	ssyncadd.remote.s32 $0x1  }
0xc0: {  	_ =	sfence.sel $0xFFFF  }
0xc1: {  	[dreg:$0x0] =	wrdreg $0xFFFFFFFF;
	(pc) =	sbr.abs _section_cstart, $3  }
0xc2: {  	[dreg:$0x1] =	wrdreg $0xFFFFFFFF  }
0xc3: {  	_ =	task.clear_ibuf [dreg:s7], $0x2FFFF;
	_ =	strace $0x9FFFFFFF  }
0xc4: {  	(tm) =	ssettm $0x7FFFFFFF  }
0xc5: {  	_ =	shalt  }
tec
execute0_lowered:
.L_overlay_start_1:
0x0: {  	(tag) =	ssettag $0x1  }
0x1: {  	s0 =	rddreg [dreg:$0x0]  }
0x2: {  	s2 =	rddreg [dreg:$0x2]  }
0x3: {  	s4 =	rddreg [dreg:$0x3];
	s18 =	simm.s32 $0x0;
	s1 =	srdreg.scid  }
0x4: {  	s17 =	stileid.u32;
	s28 =	simm.s32 $0x2520;
	s30 =	simm.s32 $0x1  }
0x5: {  	s31 =	simm.s32 $0x3;
	[smem:$0x7FF] =	sst s18;
	s12 =	smul.u32 $0x13800, s17  }
0x6: {  	s1 =	sand.u32 $0x1, s1;
	s3 =	sshll.u32 s17, $0x1;
	s14 =	smul.u32 $0x2700, s17  }
0x7: {  	s6 =	sadd.s32 $0xEA00, s0;
	s7 =	sadd.s32 $0x3A00, s0;
	s21 =	smul.u32 $0x5100, s17  }
0x8: {  	s8 =	sadd.s32 $0x19C00, s0;
	s10 =	sadd.s32 $0x40E00, s0;
	s15 =	smul.u32 $0x138800, s1  }
0x9: {  	s22 =	sadd.s32 $0x19A00, s0;
	s5 =	sadd.s32 $0x71E00, s0;
	s26 =	smul.u32 $0x27100, s1  }
0xa: {  	s3 =	sor.u32 s1, s3;
	s11 =	ssub.s32 $0x2, s1;
	s1 =	smul.u32 $0x2880, s1  }
0xb: {  	s13 =	sadd.s32 $0x68000, s0;
	p0 =	sne.s32 s17, $0xF;
	s9 =	smul.u32 $0x2880, s3  }
0xc: {  	_ =	strace $0x80000047;
	[dreg:$0x6] =	wrdreg s22;
	s3 =	smul.u32 $0x270, s17  }
0xd: {  	s23 =	sshrl.u32 s11, $0x1;
	s19 =	sadd.s32 s12, s2;
	s20 =	sadd.s32 s14, s4  }
0xe: {  	s0 =	ssub.s32 s11, s23;
	s12 =	sadd.s32 s12, s15;
	[dreg:$0x7] =	wrdreg s19  }
0xf: {  	s15 =	sshrl.u32 s15, $0x3;
	s14 =	sadd.s32 s14, s26;
	[dreg:$0x8] =	wrdreg s20  }
0x10: {  	s24 =	sadd.s32 $0x48, s3;
	s25 =	sshrl.u32 s12, $0x3;
	s29 =	sadd.s32 $0x90, s3  }
0x11: {  	s14 =	sshrl.u32 s14, $0x3;
	s12 =	sshrl.u32 s26, $0x3;
	s0 =	smax.u32 s0, $0x1  }
0x12: {  	s16 =	sshll.u32 s24, $0x7;
	s11 =	sshll.u32 s24, $0x4;
	s14 =	sadd.s32 s13, s14  }
0x13: {  	s12 =	sadd.s32 s13, s12;
	s22 =	sshll.u32 s29, $0x7;
	s23 =	sshll.u32 s29, $0x4  }
0x14: {  	s24 =	sadd.s32 $0xD8, s3;
	s13 =	sadd.s32 $0x120, s3;
	[smem:$0x7FA] =	sst s0  }
0x15: {  	s16 =	sadd.s32 s16, s2;
	s11 =	sadd.s32 s11, s4;
	[dreg:$0xc] =	wrdreg s14  }
0x16: {  	s26 =	sadd.s32 s23, s4;
	s29 =	sshll.u32 s24, $0x7;
	[dreg:$0x9] =	wrdreg s16  }
0x17: {  	s14 =	sshll.u32 s13, $0x7;
	s23 =	sadd.s32 $0x1B0, s3;
	[dreg:$0xa] =	wrdreg s11  }
0x18: {  	s11 =	sadd.s32 s5, s25;
	s5 =	sadd.s32 s5, s15;
	[dreg:$0xf] =	wrdreg s26  }
0x19: {  	s15 =	sadd.s32 s1, s21;
	s25 =	sadd.s32 s22, s2;
	[dreg:$0xb] =	wrdreg s11  }
0x1a: {  	s1 =	sshll.u32 s24, $0x4;
	s21 =	sadd.s32 $0x168, s3;
	[dreg:$0xe] =	wrdreg s25  }
0x1b: {  	s24 =	sshll.u32 s23, $0x7;
	s11 =	sadd.s32 s29, s2;
	[dreg:$0xd] =	wrdreg s15  }
0x1c: {  	s26 =	sadd.s32 $0x1F8, s3;
	s1 =	sadd.s32 s1, s4;
	[dreg:$0x10] =	wrdreg s11  }
0x1d: {  	s25 =	sshll.u32 s23, $0x4;
	s23 =	sadd.s32 $0x4E00, s12;
	[dreg:$0x11] =	wrdreg s1  }
0x1e: {  	s11 =	sshll.u32 s13, $0x4;
	s1 =	sadd.s32 s14, s2;
	[dreg:$0x1c] =	wrdreg s23  }
0x1f: {  	s22 =	sshll.u32 s21, $0x7;
	[dreg:$0x12] =	wrdreg s1;
	s16 =	sadd.s32 s11, s4  }
0x20: {  	s13 =	sshll.u32 s26, $0x7;
	s11 =	sadd.s32 s22, s2;
	[dreg:$0x13] =	wrdreg s16  }
0x21: {  	s29 =	sadd.s32 $0x240, s3;
	s3 =	sadd.s32 s13, s2;
	[dreg:$0x14] =	wrdreg s11  }
0x22: {  	s1 =	sshll.u32 s21, $0x4;
	s22 =	sadd.s32 $0x27000, s5;
	[dreg:$0x18] =	wrdreg s3  }
0x23: {  	v0 =	vimm.s32 $0xFEDCBA98;
	v1 =	vimm.s32 $0x76543210;
	v2 =	vimm.s32 $0xBA98FEDC;
	s14 =	sshll.u32 s26, $0x4;
	s1 =	sadd.s32 s1, s4;
	[dreg:$0x1b] =	wrdreg s22  }
0x24: {  	v3 =	vimm.s32 $0x32107654;
	v4 =	vimm.s32 $0xDCFE98BA;
	v5 =	vimm.s32 $0x54761032;
	s0 =	simm.s32 $0x2;
	s3 =	sadd.s32 s14, s4;
	[dreg:$0x15] =	wrdreg s1  }
0x25: {  	v6 =	vimm.s32 $0xEFCDAB89;
	v7 =	vimm.s32 $0x67452301;
	s23 =	simm.s32 $0x93A0;
	s14 =	sadd.s32 $0x138000, s2;
	[dreg:$0x19] =	wrdreg s3  }
0x26: {  	v0 =	vunpack.c.l.s4.s8 v0;
	v1 =	vunpack.c.l.s4.s8 v1;
	v2 =	vunpack.c.l.s4.s8 v2;
	s16 =	sshll.u32 s29, $0x7;
	s1 =	sadd.s32 s24, s2;
	[smem:$0x7FC] =	sst s14  }
0x27: {  	v3 =	vunpack.c.l.s4.s8 v3;
	v4 =	vunpack.c.l.s4.s8 v4;
	v5 =	vunpack.c.l.s4.s8 v5;
	s22 =	simm.s32 $0x5;
	s21 =	sadd.s32 s16, s2;
	[dreg:$0x16] =	wrdreg s1  }
0x28: {  	v6 =	vunpack.c.l.s4.s8 v6;
	v7 =	vunpack.c.l.s4.s8 v7;
	v0 =	vunpack.c.0.s8.s32 v0;
	s24 =	sshrl.u32 s9, $0x3;
	s16 =	sadd.s32 $0x27000, s4;
	[dreg:$0x1a] =	wrdreg s21  }
0x29: {  	v2 =	vunpack.c.0.s8.s32 v2;
	v3 =	vunpack.c.0.s8.s32 v3;
	v4 =	vunpack.c.0.s8.s32 v4;
	s3 =	simm.s32 $0x9820;
	s1 =	sadd.s32 s25, s4;
	[smem:$0x7FD] =	sst s16  }
0x2a: {  	v5 =	vunpack.c.0.s8.s32 v5;
	v6 =	vunpack.c.0.s8.s32 v6;
	v7 =	vunpack.c.0.s8.s32 v7;
	s25 =	sadd.s32 s6, s24;
	s26 =	sadd.s32 s7, s24;
	[dreg:$0x17] =	wrdreg s1  }
0x2b: {  	v1 =	vunpack.c.0.s8.s32 v1;
	v2 =	vcombine.low v3, v2;
	s21 =	simm.s32 $0x120;
	s24 =	simm.s32 $0x90;
	[dreg:$0x1e] =	wrdreg s25  }
0x2c: {  	v3 =	vcombine.low v5, v4;
	v4 =	vand.u32 $0xF, v0;
	v5 =	vcombine.low v7, v6;
	s1 =	sshll.u32 s29, $0x4;
	[dreg:$0x1f] =	wrdreg s26;
	s29 =	sor.u32 $0x48, s15  }
0x2d: {  	v0 =	vimm.f32 $0.0e+00;
	v1 =	vcombine.low v4, v1;
	s25 =	simm.s32 $0x48;
	s1 =	sadd.s32 s1, s4;
	[smem:$0x7FB] =	sst s29  }
0x2e: {  	v2 =	vand.u32 $0xF, v2;
	v3 =	vand.u32 $0xF, v3;
	v4 =	vand.u32 $0xF, v5;
	s26 =	simm.s32 $0xD8;
	[dreg:$0x1d] =	wrdreg s1;
	s1 =	simm.s32 $0x4  }
.LBB2_1:
0x2f: {  	s5 =	simm.s32 $0x160  }
0x30: {  	[tilespmem:s5+$0x20] =	vst v0  }
0x31: {  	[tilespmem:s5+$0x10] =	vst v0  }
0x32: {  	[tilespmem:s5+$0x0] =	vst v0  }
0x33: {  	[tilespmem:s5+$0xFFFFFFF0] =	vst v0  }
0x34: {  	[tilespmem:s5+$0xFFFFFFE0] =	vst v0  }
0x35: {  	[tilespmem:s5+$0xFFFFFFD0] =	vst v0  }
0x36: {  	[tilespmem:s5+$0xFFFFFFC0] =	vst v0  }
0x37: {  	[dreg:$0x5] =	wrdreg s18;
	s12 =	simm.s32 $0x0;
	s11 =	simm.s32 $0x40;
	[tilespmem:s5+$0x30] =	vst v0  }
.LBB2_2:
0x38: {  	p1 =	sne.s32 s11, $0x11C0;
	[tilespmem:s12+$0x9820] =	vst v0  }
0x39: {  	s5 =	sadd.s32 $0x80, s5;
	[tilespmem:s12+$0x93A0] =	vst v0  }
0x3a: {  	[tilespmem:s5+$0x20] =	vst v0  }
0x3b: {  	[tilespmem:s5+$0x10] =	vst v0  }
0x3c: {  	[tilespmem:s5+$0x0] =	vst v0  }
.Ltmp0:
0x3d: {  	[tilespmem:s5+$0xFFFFFFF0] =	vst v0;
	(pc) =	sbr.rel @p1 .LBB2_2-.Ltmp0, $4  }
0x3e: {  	[tilespmem:s5+$0xFFFFFFE0] =	vst v0  }
0x3f: {  	[tilespmem:s5+$0xFFFFFFD0] =	vst v0  }
0x40: {  	[tilespmem:s5+$0xFFFFFFC0] =	vst v0  }
0x41: {  	s12 =	sshra.s32 s11, $0x2;
	s11 =	sadd.s32 $0x40, s11;
	[tilespmem:s5+$0x30] =	vst v0  }
0x42: {  	[tilespmem:s12+$0x9820] =	vst v0  }
0x43: {  	[tilespmem:s12+$0x93A0] =	vst v0  }
0x44: {  	[spmem:s19] =	stream.linear.scatter [tilespmem:s21], [sflag:$0x5], $0x2400, $0x38;
	[tilespmem:$0x1FC30] =	vst v63  }
0x45: {  	_ =	swait.ge [sflag:s22], $0x2400  }
0x46: {  	[sflag:s22] =	ssyncset.done $0x0  }
0x47: {  	[sflag:s22] =	ssyncadd.s32 $0xFFFFDC00  }
0x48: {  	[spmem:s20] =	stream.linear.scatter [tilespmem:s23], [sflag:$0x5], $0x480, $0x38;
	[tilespmem:$0x1FC30] =	vst v63  }
0x49: {  	_ =	swait.ge [sflag:s22], $0x480  }
0x4a: {  	[sflag:s22] =	ssyncset.done $0x0  }
0x4b: {  	s5 =	rddreg [dreg:$0x9];
	[sflag:s22] =	ssyncadd.s32 $0xFFFFFB80  }
0x4c: {  	[spmem:s5] =	stream.linear.scatter [tilespmem:s21], [sflag:$0x5], $0x2400, $0x38;
	[tilespmem:$0x1FC30] =	vst v63  }
0x4d: {  	_ =	swait.ge [sflag:s22], $0x2400  }
0x4e: {  	[sflag:s22] =	ssyncset.done $0x0  }
0x4f: {  	s18 =	rddreg [dreg:$0xa];
	[sflag:s22] =	ssyncadd.s32 $0xFFFFDC00  }
0x50: {  	[spmem:s18] =	stream.linear.scatter [tilespmem:s23], [sflag:$0x5], $0x480, $0x38;
	[tilespmem:$0x1FC30] =	vst v63  }
0x51: {  	_ =	swait.ge [sflag:s22], $0x480  }
0x52: {  	[sflag:s22] =	ssyncset.done $0x0  }
0x53: {  	s19 =	rddreg [dreg:$0xe];
	[sflag:s22] =	ssyncadd.s32 $0xFFFFFB80  }
0x54: {  	[spmem:s19] =	stream.linear.scatter [tilespmem:s21], [sflag:$0x5], $0x2400, $0x38;
	[tilespmem:$0x1FC30] =	vst v63  }
0x55: {  	_ =	swait.ge [sflag:s22], $0x2400  }
0x56: {  	[sflag:s22] =	ssyncset.done $0x0  }
0x57: {  	s20 =	rddreg [dreg:$0xf];
	[sflag:s22] =	ssyncadd.s32 $0xFFFFDC00  }
0x58: {  	[spmem:s20] =	stream.linear.scatter [tilespmem:s23], [sflag:$0x5], $0x480, $0x38;
	[tilespmem:$0x1FC30] =	vst v63  }
0x59: {  	_ =	swait.ge [sflag:s22], $0x480  }
0x5a: {  	[sflag:s22] =	ssyncset.done $0x0  }
0x5b: {  	s29 =	rddreg [dreg:$0x10];
	[sflag:s22] =	ssyncadd.s32 $0xFFFFFB80  }
0x5c: {  	[spmem:s29] =	stream.linear.scatter [tilespmem:s21], [sflag:$0x5], $0x2400, $0x38;
	[tilespmem:$0x1FC30] =	vst v63  }
0x5d: {  	_ =	swait.ge [sflag:s22], $0x2400  }
0x5e: {  	[sflag:s22] =	ssyncset.done $0x0  }
0x5f: {  	s11 =	rddreg [dreg:$0x11];
	[sflag:s22] =	ssyncadd.s32 $0xFFFFDC00  }
0x60: {  	[spmem:s11] =	stream.linear.scatter [tilespmem:s23], [sflag:$0x5], $0x480, $0x38;
	[tilespmem:$0x1FC30] =	vst v63  }
0x61: {  	_ =	swait.ge [sflag:s22], $0x480  }
0x62: {  	[sflag:s22] =	ssyncset.done $0x0  }
0x63: {  	s12 =	rddreg [dreg:$0x12];
	[sflag:s22] =	ssyncadd.s32 $0xFFFFFB80  }
0x64: {  	[spmem:s12] =	stream.linear.scatter [tilespmem:s21], [sflag:$0x5], $0x2400, $0x38;
	[tilespmem:$0x1FC30] =	vst v63  }
0x65: {  	_ =	swait.ge [sflag:s22], $0x2400  }
0x66: {  	[sflag:s22] =	ssyncset.done $0x0  }
0x67: {  	s13 =	rddreg [dreg:$0x13];
	[sflag:s22] =	ssyncadd.s32 $0xFFFFDC00  }
0x68: {  	[spmem:s13] =	stream.linear.scatter [tilespmem:s23], [sflag:$0x5], $0x480, $0x38;
	[tilespmem:$0x1FC30] =	vst v63  }
0x69: {  	_ =	swait.ge [sflag:s22], $0x480  }
0x6a: {  	[sflag:s22] =	ssyncset.done $0x0  }
0x6b: {  	s15 =	rddreg [dreg:$0x14];
	[sflag:s22] =	ssyncadd.s32 $0xFFFFFB80  }
0x6c: {  	[spmem:s15] =	stream.linear.scatter [tilespmem:s21], [sflag:$0x5], $0x2400, $0x38;
	[tilespmem:$0x1FC30] =	vst v63  }
0x6d: {  	_ =	swait.ge [sflag:s22], $0x2400  }
0x6e: {  	[sflag:s22] =	ssyncset.done $0x0  }
0x6f: {  	s17 =	rddreg [dreg:$0x15];
	[sflag:s22] =	ssyncadd.s32 $0xFFFFDC00  }
0x70: {  	[spmem:s17] =	stream.linear.scatter [tilespmem:s23], [sflag:$0x5], $0x480, $0x38;
	[tilespmem:$0x1FC30] =	vst v63  }
0x71: {  	_ =	swait.ge [sflag:s22], $0x480  }
0x72: {  	[sflag:s22] =	ssyncset.done $0x0  }
0x73: {  	s18 =	rddreg [dreg:$0x16];
	[sflag:s22] =	ssyncadd.s32 $0xFFFFFB80  }
0x74: {  	[spmem:s18] =	stream.linear.scatter [tilespmem:s21], [sflag:$0x5], $0x2400, $0x38;
	[tilespmem:$0x1FC30] =	vst v63  }
0x75: {  	_ =	swait.ge [sflag:s22], $0x2400  }
0x76: {  	[sflag:s22] =	ssyncset.done $0x0  }
0x77: {  	s19 =	rddreg [dreg:$0x17];
	[sflag:s22] =	ssyncadd.s32 $0xFFFFDC00  }
0x78: {  	[spmem:s19] =	stream.linear.scatter [tilespmem:s23], [sflag:$0x5], $0x480, $0x38;
	[tilespmem:$0x1FC30] =	vst v63  }
0x79: {  	_ =	swait.ge [sflag:s22], $0x480  }
0x7a: {  	[sflag:s22] =	ssyncset.done $0x0  }
0x7b: {  	s20 =	rddreg [dreg:$0x18];
	[sflag:s22] =	ssyncadd.s32 $0xFFFFFB80  }
0x7c: {  	[spmem:s20] =	stream.linear.scatter [tilespmem:s21], [sflag:$0x5], $0x2400, $0x38;
	[tilespmem:$0x1FC30] =	vst v63  }
0x7d: {  	_ =	swait.ge [sflag:s22], $0x2400  }
0x7e: {  	[sflag:s22] =	ssyncset.done $0x0  }
0x7f: {  	s29 =	rddreg [dreg:$0x19];
	[sflag:s22] =	ssyncadd.s32 $0xFFFFDC00  }
0x80: {  	[spmem:s29] =	stream.linear.scatter [tilespmem:s23], [sflag:$0x5], $0x480, $0x38;
	[tilespmem:$0x1FC30] =	vst v63  }
0x81: {  	_ =	swait.ge [sflag:s22], $0x480  }
0x82: {  	[sflag:s22] =	ssyncset.done $0x0  }
0x83: {  	s11 =	rddreg [dreg:$0x1a];
	[sflag:s22] =	ssyncadd.s32 $0xFFFFFB80  }
0x84: {  	[spmem:s11] =	stream.linear.scatter [tilespmem:s21], [sflag:$0x5], $0x1800, $0x38;
	[tilespmem:$0x1FC30] =	vst v63  }
0x85: {  	_ =	swait.ge [sflag:s22], $0x1800  }
0x86: {  	[sflag:s22] =	ssyncset.done $0x0  }
0x87: {  	s12 =	rddreg [dreg:$0x1d];
	[sflag:s22] =	ssyncadd.s32 $0xFFFFE800  }
0x88: {  	[spmem:s12] =	stream.linear.scatter [tilespmem:s23], [sflag:$0x5], $0x300, $0x38;
	[tilespmem:$0x1FC30] =	vst v63  }
0x89: {  	_ =	swait.ge [sflag:s22], $0x300  }
0x8a: {  	[sflag:s22] =	ssyncset.done $0x0  }
0x8b: {  	s5 =	simm.s32 @!p0 $0x120;
	[sflag:s22] =	ssyncadd.s32 $0xFFFFFD00  }
0x8c: {  	[spmem:s14] =	stream.linear.scatter @!p0 [tilespmem:s5], [sflag:$0x5], $0x800, $0x38;
	[tilespmem:$0x1FC30] =	vst v63  }
0x8d: {  	s5 =	simm.s32 @!p0 $0x5  }
0x8e: {  	_ =	swait.ge @!p0 [sflag:s5], $0x800  }
0x8f: {  	[sflag:s5] =	ssyncset.done @!p0 $0x0  }
0x90: {  	s11 =	simm.s32 @!p0 $0x93A0;
	[sflag:s5] =	ssyncadd.s32 @!p0 $0xFFFFF800  }
0x91: {  	[spmem:s16] =	stream.linear.scatter @!p0 [tilespmem:s11], [sflag:$0x5], $0x100, $0x38;
	[tilespmem:$0x1FC30] =	vst v63  }
0x92: {  	_ =	swait.ge @!p0 [sflag:s5], $0x100  }
0x93: {  	[sflag:s5] =	ssyncset.done @!p0 $0x0  }
0x94: {  	[sflag:s5] =	ssyncadd.s32 @!p0 $0xFFFFFF00  }
0x95: {  	[bflag:$0x0] =	sbarrier.arrive $0xFFFF  }
0x96: {  	s14 =	simm.s32 $0x9120;
	s11 =	simm.s32 $0x0;
	s13 =	rddreg [dreg:$0x6]  }
0x97: {  	[tilespmem:s14], [sflag:$0x5] =	stream.linear.gather [hbm4b:s13+s11], $0x80, $0x38;
	[tilespmem:$0x1FC30] =	vst v63  }
0x98: {  	_ =	swait.ge [sflag:s22], $0x80  }
0x99: {  	[sflag:s22] =	ssyncset.done $0x0  }
0x9a: {  	[sflag:s22] =	ssyncadd.s32 $0xFFFFFF80  }
0x9b: {  	s16 =	simm.s32 $0x91A0;
	s15 =	rddreg [dreg:$0x1]  }
0x9c: {  	[tilespmem:s16], [sflag:$0x5] =	stream.linear.gather [hbm4b:s15+s11], $0x200, $0x38;
	[tilespmem:$0x1FC30] =	vst v63  }
0x9d: {  	_ =	swait.ge [sflag:s22], $0x200  }
0x9e: {  	[sflag:s22] =	ssyncset.done $0x0  }
0x9f: {  	[sflag:s22] =	ssyncadd.s32 $0xFFFFFE00  }
0xa0: {  	v8 =	vld [tilespmem:$0x91A0]  }
0xa1: {  	v9 =	vld [tilespmem:$0x92A0]  }
0xa2: {  	v10 =	vld [tilespmem:$0x9220]  }
0xa3: {  	v11 =	vld [tilespmem:$0x9320]  }
0xa4: {  	v5 =	vld [tilespmem:$0x9120]  }
0xa5: {  	v12 =	vld [tilespmem:$0x91B0]  }
0xa6: {  	v13 =	vld [tilespmem:$0x92B0]  }
0xa7: {  	v14 =	vld [tilespmem:$0x9230]  }
0xa8: {  	v15 =	vld [tilespmem:$0x9330]  }
0xa9: {  	v16 =	vld [tilespmem:$0x91C0]  }
0xaa: {  	v17 =	vld [tilespmem:$0x92C0]  }
0xab: {  	v18 =	vld [tilespmem:$0x9240]  }
0xac: {  	v19 =	vld [tilespmem:$0x9340]  }
0xad: {  	v49 =	vld [tilespmem:$0x9280]  }
0xae: {  	v51 =	vld [tilespmem:$0x9380]  }
0xaf: {  	v52 =	vld [tilespmem:$0x9210]  }
0xb0: {  	v53 =	vld [tilespmem:$0x9310]  }
0xb1: {  	v55 =	vld [tilespmem:$0x9290]  }
0xb2: {  	v56 =	vld [tilespmem:$0x9390]  }
0xb3: {  	v6 =	vld [tilespmem:$0x9130];
	v8 =	vadd.f32 v9, v8  }
0xb4: {  	v7 =	vld [tilespmem:$0x9140];
	v10 =	vadd.f32 v11, v10;
	v12 =	vadd.f32 v13, v12  }
0xb5: {  	v20 =	vld [tilespmem:$0x92D0];
	v14 =	vadd.f32 v15, v14;
	v16 =	vadd.f32 v17, v16  }
0xb6: {  	v24 =	vld [tilespmem:$0x91E0];
	v18 =	vadd.f32 v19, v18;
	v17 =	vadd.f32 v51, v49  }
0xb7: {  	v39 =	vld [tilespmem:$0x92E0];
	v19 =	vadd.f32 v53, v52;
	v60 =	vadd.f32 v56, v55;
	v11 =	vmul.f32 $2.000000030e-01, v8  }
0xb8: {  	v40 =	vld [tilespmem:$0x9260];
	vm0 =	vgt.f32 v8, $0.0e+00;
	v21 =	vmul.f32 $2.000000030e-01, v10;
	v22 =	vmul.f32 $2.000000030e-01, v12  }
0xb9: {  	v41 =	vld [tilespmem:$0x9360];
	vm14 =	vgt.f32 v10, $0.0e+00;
	vm1 =	vgt.f32 v12, $0.0e+00;
	v23 =	vmul.f32 $2.000000030e-01, v14  }
0xba: {  	v9 =	vld [tilespmem:$0x91D0];
	vm15 =	vgt.f32 v14, $0.0e+00;
	vm4 =	vgt.f32 v16, $0.0e+00;
	v43 =	vmul.f32 $2.000000030e-01, v18  }
0xbb: {  	v13 =	vld [tilespmem:$0x9250];
	vm5 =	vgt.f32 v18, $0.0e+00;
	v58 =	vmul.f32 $2.000000030e-01, v17;
	vm13 =	vgt.f32 v17, $0.0e+00  }
0xbc: {  	v15 =	vld [tilespmem:$0x9350];
	v61 =	vmul.f32 $2.000000030e-01, v19;
	v62 =	vmul.f32 $2.000000030e-01, v60;
	v11 =	vsel vm0, v8, v11  }
0xbd: {  	v42 =	vld [tilespmem:$0x91F0];
	v10 =	vsel vm14, v10, v21;
	v12 =	vsel vm1, v12, v22;
	v14 =	vsel vm15, v14, v23  }
0xbe: {  	v44 =	vld [tilespmem:$0x9270];
	v21 =	vadd.f32 v39, v24;
	v11 =	vmul.f32 v11, v5;
	v10 =	vmul.f32 v10, v5  }
0xbf: {  	v46 =	vld [tilespmem:$0x9200];
	v17 =	vsel vm13, v17, v58;
	v12 =	vmul.f32 v12, v6;
	v14 =	vmul.f32 v14, v6  }
0xc0: {  	v48 =	vld [tilespmem:$0x9300];
	vm14 =	vgt.f32 v19, $0.0e+00;
	vm15 =	vgt.f32 v60, $0.0e+00;
	v9 =	vadd.f32 v20, v9  }
0xc1: {  	v13 =	vadd.f32 v15, v13;
	v10 =	vmax.f32 v11, v10;
	v11 =	vmax.f32 v12, v14;
	v14 =	vld [tilespmem:$0x92F0]  }
0xc2: {  	v15 =	vld [tilespmem:$0x9370];
	v19 =	vsel vm14, v19, v61;
	v45 =	vadd.f32 v11, v10;
	v11 =	vmul.f32 $2.000000030e-01, v9  }
0xc3: {  	v8 =	vld [tilespmem:$0x9150];
	v50 =	vmul.f32 $2.000000030e-01, v21;
	v12 =	vmul.f32 $2.000000030e-01, v16;
	vm6 =	vgt.f32 v9, $0.0e+00  }
0xc4: {  	v47 =	vmul.f32 $2.000000030e-01, v13;
	v11 =	vsel vm6, v9, v11;
	v9 =	vadd.f32 v41, v40  }
0xc5: {  	v10 =	vsel vm5, v18, v43;
	v18 =	vadd.f32 v48, v46;
	v12 =	vsel vm4, v16, v12  }
0xc6: {  	v10 =	vmul.f32 v10, v7;
	v25 =	vmul.f32 $2.000000030e-01, v9;
	v14 =	vadd.f32 v14, v42  }
0xc7: {  	v12 =	vmul.f32 v12, v7;
	v15 =	vadd.f32 v15, v44;
	vm9 =	vgt.f32 v9, $0.0e+00  }
0xc8: {  	v59 =	vmul.f32 v11, v8;
	v11 =	vld [tilespmem:$0x9180];
	v54 =	vsel vm9, v9, v25;
	v9 =	vmul.f32 $2.000000030e-01, v14  }
0xc9: {  	v57 =	vmax.f32 v12, v10;
	v12 =	vmul.f32 $2.000000030e-01, v18;
	v10 =	vld [tilespmem:$0x9170];
	vm10 =	vgt.f32 v14, $0.0e+00  }
0xca: {  	vm7 =	vgt.f32 v13, $0.0e+00;
	vm12 =	vgt.f32 v18, $0.0e+00;
	v14 =	vsel vm10, v14, v9;
	v9 =	vld [tilespmem:$0x9160]  }
0xcb: {  	v13 =	vsel vm7, v13, v47;
	v26 =	vmul.f32 $2.000000030e-01, v15;
	v18 =	vsel vm12, v18, v12;
	v12 =	vld [tilespmem:$0x9190]  }
0xcc: {  	vm8 =	vgt.f32 v21, $0.0e+00;
	v13 =	vmul.f32 v13, v8;
	vm11 =	vgt.f32 v15, $0.0e+00  }
0xcd: {  	v15 =	vsel vm11, v15, v26;
	v18 =	vmul.f32 v18, v11;
	v17 =	vmul.f32 v17, v11  }
0xce: {  	v21 =	vsel vm8, v21, v50;
	v14 =	vmul.f32 v14, v10;
	v15 =	vmul.f32 v15, v10  }
0xcf: {  	v20 =	vsel vm15, v60, v62;
	v21 =	vmul.f32 v21, v9;
	v22 =	vmul.f32 v54, v9  }
0xd0: {  	v13 =	vmax.f32 v59, v13;
	v19 =	vmul.f32 v19, v12;
	v20 =	vmul.f32 v20, v12  }
0xd1: {  	v13 =	vadd.f32 v13, v57;
	v14 =	vmax.f32 v14, v15;
	v21 =	vmax.f32 v21, v22  }
0xd2: {  	(xrf2) =	vadd.scan.msk.f32 $0xffff, v45;
	v15 =	vmax.f32 v18, v17;
	v63 =	vmax.f32 v19, v20;
	v14 =	vadd.f32 v14, v21  }
0xd3: {  	(xrf2) =	vadd.scan.msk.f32 $0xffff, v13;
	v13 =	vadd.f32 v63, v15  }
0xd4: {  	(xrf2) =	vadd.scan.msk.f32 $0xffff, v14  }
0xd5: {  	(xrf2) =	vadd.scan.msk.f32 $0xffff, v13;
	_ =	sdelay $0x6  }
0xd6: {  	v13, _, _ =	vpop (xrf2)  }
0xd7: {  	v14, _, _ =	vpop (xrf2);
	(v2sf) =	vpush v13, $0xF  }
0xd8: {  	(v2sf) =	vpush v14, $0xF;
	v13, _, _ =	vpop (xrf2)  }
0xd9: {  	(v2sf) =	vpush v13, $0xF;
	v13, _, _ =	vpop (xrf2)  }
0xda: {  	(v2sf) =	vpush v13, $0xF;
	_ =	sdelay $0x9  }
0xdb: {  	s15 =	rddreg [dreg:$0x1e]  }
0xdc: {  	[tilespmem:s11], [sflag:$0x5] =	stream.linear.gather [hbm4b:s15+s11], $0x48, $0x38;
	[tilespmem:$0x1FC30] =	vst v63  }
0xdd: {  	s17 =	spop (v2sf)  }
0xde: {  	s18 =	spop (v2sf)  }
0xdf: {  	s13 =	spop (v2sf)  }
0xe0: {  	s19 =	spop (v2sf)  }
0xe1: {  	_ =	swait.ge [sflag:s22], $0x48  }
0xe2: {  	[sflag:s22] =	ssyncset.done $0x0  }
0xe3: {  	s20 =	rddreg [dreg:$0x1f];
	[sflag:s22] =	ssyncadd.s32 $0xFFFFFFB8  }
0xe4: {  	[tilespmem:s24], [sflag:$0x5] =	stream.linear.gather [hbm4b:s20+s11], $0x48, $0x38;
	[tilespmem:$0x1FC30] =	vst v63  }
0xe5: {  	_ =	swait.ge [sflag:s22], $0x48  }
0xe6: {  	s29 =	simm.s32 $0x4920;
	s5 =	smax.f32 s17, s18;
	[sflag:s22] =	ssyncset.done $0x0  }
0xe7: {  	s5 =	smax.f32 s5, s13;
	s20 =	sld [smem:$0x7FB];
	[sflag:s22] =	ssyncadd.s32 $0xFFFFFFB8  }
0xe8: {  	[tilespmem:s21], [sflag:$0x1] =	stream.indirect.gather [hbm4b:s8+s25], $0x80, s11, s25, $0xb8;
	[tilespmem:$0x1FC30] =	vst v63  }
0xe9: {  	s15 =	simm.s32 $0x0;
	s5 =	smax.f32 s5, s19;
	s18 =	rddreg [dreg:$0xd]  }
0xea: {  	v13 =	vmov s5;
	[tilespmem:s29], [sflag:$0x3] =	stream.indirect.gather [hbm4b:s10+s25], $0x80, s24, s25, $0xb8;
	[tilespmem:$0x1FC30] =	vst v63  }
.LBB2_4:
0xeb: {  	s5 =	smul.u32 $0x90, s15;
	_ =	sdelay $0x1  }
0xec: {  	s16 =	sadd.s32 s9, s5  }
0xed: {  	s5 =	sadd.s32 $0x48, s16  }
0xee: {  	s5 =	sshrl.u32 s5, $0x3  }
0xef: {  	s12 =	sadd.s32 s6, s5  }
0xf0: {  	[tilespmem:s25], [sflag:$0x5] =	stream.linear.gather [hbm4b:s12+s11], $0x48, $0x38;
	[tilespmem:$0x1FC30] =	vst v63  }
0xf1: {  	_ =	swait.ge [sflag:s22], $0x48  }
0xf2: {  	[sflag:s22] =	ssyncset.done $0x0  }
0xf3: {  	s5 =	sadd.s32 s7, s5;
	[sflag:s22] =	ssyncadd.s32 $0xFFFFFFB8  }
0xf4: {  	[tilespmem:s26], [sflag:$0x5] =	stream.linear.gather [hbm4b:s5+s11], $0x48, $0x38;
	[tilespmem:$0x1FC30] =	vst v63  }
0xf5: {  	_ =	swait.ge [sflag:s22], $0x48  }
0xf6: {  	[sflag:s22] =	ssyncset.done $0x0  }
0xf7: {  	[sflag:s22] =	ssyncadd.s32 $0xFFFFFFB8  }
0xf8: {  	[tilespmem:s28], [sflag:$0x2] =	stream.indirect.gather [hbm4b:s8+s25], $0x80, s25, s25, $0xb8;
	[tilespmem:$0x1FC30] =	vst v63  }
0xf9: {  	s29 =	simm.s32 $0x6D20  }
0xfa: {  	[tilespmem:s29], [sflag:$0x4] =	stream.indirect.gather [hbm4b:s10+s25], $0x80, s26, s25, $0xb8;
	[tilespmem:$0x1FC30] =	vst v63  }
0xfb: {  	_ =	swait.ge [sflag:s30], $0x2400  }
0xfc: {  	[sflag:s30] =	ssyncset.done $0x0  }
0xfd: {  	[sflag:s30] =	ssyncadd.s32 $0xFFFFDC00  }
0xfe: {  	_ =	swait.ge [sflag:s31], $0x2400  }
0xff: {  	[sflag:s31] =	ssyncset.done $0x0  }
0x100: {  	s13 =	simm.s32 $0x160;
	[sflag:s31] =	ssyncadd.s32 $0xFFFFDC00  }
0x101: {  	v19 =	vld [tilespmem:s13+$0xFFFFFFC0]  }
0x102: {  	s17 =	simm.s32 $0x4960;
	v16 =	vld [tilespmem:s13+$0xFFFFFFD0]  }
0x103: {  	v15 =	vld [tilespmem:s17+$0xFFFFFFC0]  }
0x104: {  	v20 =	vld [tilespmem:s17+$0xFFFFFFD0]  }
0x105: {  	v18 =	vld [tilespmem:s13+$0xFFFFFFF0]  }
0x106: {  	v21 =	vld [tilespmem:s17+$0xFFFFFFF0]  }
0x107: {  	v14 =	vld [tilespmem:s13+$0x0]  }
0x108: {  	v17 =	vld [tilespmem:s13+$0xFFFFFFE0]  }
0x109: {  	v22 =	vld [tilespmem:s17+$0xFFFFFFE0];
	v20 =	vadd.f32 v20, v16;
	v23 =	vadd.f32 v15, v19  }
0x10a: {  	v27 =	vld [tilespmem:s17+$0x0]  }
0x10b: {  	v21 =	vadd.f32 v21, v18;
	v24 =	vmul.f32 $2.000000030e-01, v20;
	v26 =	vmul.f32 $2.000000030e-01, v23  }
0x10c: {  	v25 =	vld [tilespmem:s17+$0x10];
	vm0 =	vgt.f32 v20, $0.0e+00;
	vm1 =	vgt.f32 v23, $0.0e+00  }
0x10d: {  	v15 =	vld [tilespmem:s13+$0x10];
	v28 =	vmul.f32 $2.000000030e-01, v21;
	v20 =	vsel vm0, v20, v24;
	v23 =	vsel vm1, v23, v26  }
0x10e: {  	v26 =	vadd.f32 v22, v17;
	vm0 =	vgt.f32 v21, $0.0e+00;
	v24 =	vmul.f32 v20, v6;
	v20 =	vld [tilespmem:s13+$0x20]  }
0x10f: {  	v22 =	vmul.f32 v23, v5;
	v23 =	vadd.f32 v27, v14;
	v21 =	vsel vm0, v21, v28;
	v27 =	vld [tilespmem:s17+$0x20]  }
0x110: {  	v28 =	vmul.f32 v21, v8;
	v21 =	vld [tilespmem:s13+$0x30]  }
0x111: {  	v24 =	vadd.f32 v24, v22;
	v22 =	vld [tilespmem:s17+$0x30]  }
0x112: {  	v25 =	vadd.f32 v25, v15;
	v29 =	vmul.f32 $2.000000030e-01, v26  }
0x113: {  	vm1 =	vgt.f32 v26, $0.0e+00;
	vm0 =	vgt.f32 v23, $0.0e+00  }
0x114: {  	v30 =	vmul.f32 $2.000000030e-01, v23;
	v26 =	vsel vm1, v26, v29;
	v29 =	vmul.f32 $2.000000030e-01, v25  }
0x115: {  	s19 =	simm.s32 $0x1;
	s14 =	simm.s32 $0x160;
	s12 =	simm.s32 $0x0;
	vm1 =	vgt.f32 v25, $0.0e+00;
	v26 =	vmul.f32 v26, v7;
	v31 =	vperm.xlane v24, v1  }
.LBB2_5:
0x116: {  	p1 =	sne.s32 s19, $0x47;
	v25 =	vsel vm1, v25, v29;
	v27 =	vadd.f32 v27, v20;
	v22 =	vadd.f32 v22, v21;
	s17 =	sadd.s32 $0x80, s17;
	s13 =	sadd.s32 $0x80, s13  }
0x117: {  	s5 =	smov.u32 s19;
	s19 =	sadd.s32 $0x1, s19;
	v23 =	vsel vm0, v23, v30;
	v24 =	vadd.f32 v31, v24  }
0x118: {  	v26 =	vadd.f32 v28, v26;
	v23 =	vmul.f32 v23, v9;
	v29 =	vmul.f32 $2.000000030e-01, v27  }
0x119: {  	v25 =	vmul.f32 v25, v10;
	vm0 =	vgt.f32 v27, $0.0e+00;
	v28 =	vperm.xlane v24, v2  }
0x11a: {  	vm1 =	vgt.f32 v22, $0.0e+00;
	v30 =	vmul.f32 $2.000000030e-01, v22;
	v31 =	vperm.xlane v26, v1  }
0x11b: {  	v27 =	vsel vm0, v27, v29;
	v23 =	vadd.f32 v25, v23;
	v24 =	vadd.f32 v28, v24  }
0x11c: {  	v22 =	vsel vm1, v22, v30;
	v26 =	vadd.f32 v31, v26;
	v25 =	vmul.f32 v27, v11  }
0x11d: {  	v22 =	vmul.f32 v22, v12;
	v27 =	vperm.xlane v23, v1  }
0x11e: {  	v29 =	vperm.xlane v26, v2;
	v28 =	vperm.xlane v24, v3  }
0x11f: {  	v22 =	vadd.f32 v22, v25;
	v23 =	vadd.f32 v27, v23  }
0x120: {  	v25 =	vadd.f32 v29, v26;
	v24 =	vadd.f32 v28, v24  }
0x121: {  	v27 =	vperm.xlane v22, v1;
	v26 =	vperm.xlane v23, v2  }
0x122: {  	v29 =	vperm.xlane v25, v3;
	v28 =	vperm.xlane v24, v4  }
0x123: {  	v22 =	vadd.f32 v27, v22;
	v23 =	vadd.f32 v26, v23  }
0x124: {  	v25 =	vadd.f32 v29, v25;
	v24 =	vadd.f32 v28, v24  }
0x125: {  	v27 =	vperm.xlane v22, v2;
	v26 =	vperm.xlane v23, v3  }
0x126: {  	v28 =	vperm.xlane v25, v4;
	v24 =	vsub.f32 v24, v13  }
0x127: {  	v22 =	vadd.f32 v27, v22;
	v23 =	vadd.f32 v26, v23  }
0x128: {  	v25 =	vadd.f32 v28, v25;
	v24 =	vmul.f32 $1.442695020e+00, v24  }
0x129: {  	v27 =	vperm.xlane v22, v3;
	v26 =	vperm.xlane v23, v4  }
0x12a: {  	v25 =	vsub.f32 v25, v13;
	(erf) = vpow2.f32 v24  }
0x12b: {  	v22 =	vadd.f32 v27, v22;
	v23 =	vadd.f32 v26, v23  }
0x12c: {  	v24 =	vmul.f32 $1.442695020e+00, v25  }
0x12d: {  	v25 =	vperm.xlane v22, v4;
	v23 =	vsub.f32 v23, v13  }
0x12e: {  	(erf) = vpow2.f32 v24  }
0x12f: {  	s29 =	sshll.u32 s12, $0x4;
	v22 =	vadd.f32 v25, v22;
	v23 =	vmul.f32 $1.442695020e+00, v23  }
0x130: {  	v24 =	vmov s29  }
0x131: {  	v22 =	vsub.f32 v22, v13;
	(erf) = vpow2.f32 v23  }
0x132: {  	s29 =	sadd.s32 s12, s18;
	s12 =	smov.u32 s5  }
0x133: {  	p2 =	slt.s32 s29, $0x50910;
	v22 =	vmul.f32 $1.442695020e+00, v22;
	v23 =	vpop (erf)  }
0x134: {  	v25 =	vor.u32 $0x1, v24;
	v23 =	vpsel !p2, $0x0, v23  }
0x135: {  	[tilespmem:v24+s23+$0x0] =	vst.idx.msk $0x1, v23;
	v26 =	vmul.f32 v23, v19;
	(erf) = vpow2.f32 v22  }
0x136: {  	v16 =	vmul.f32 v23, v16  }
0x137: {  	[tilespmem:s14+$0xFFFFFFC0] =	vst v26;
	v19 =	vpop (erf)  }
0x138: {  	[tilespmem:s14+$0xFFFFFFD0] =	vst v16;
	v16 =	vpsel !p2, $0x0, v19;
	v19 =	vor.u32 $0x2, v24  }
0x139: {  	[tilespmem:v25+s23+$0x0] =	vst.idx.msk $0x1, v16;
	v17 =	vmul.f32 v16, v17;
	v16 =	vmul.f32 v16, v18  }
0x13a: {  	v18 =	vpop (erf)  }
0x13b: {  	[tilespmem:s14+$0xFFFFFFE0] =	vst v17;
	v17 =	vpsel !p2, $0x0, v18;
	v18 =	vor.u32 $0x3, v24  }
0x13c: {  	[tilespmem:s14+$0xFFFFFFF0] =	vst v16;
	v16 =	vmul.f32 v17, v14;
	v15 =	vmul.f32 v17, v15  }
0x13d: {  	[tilespmem:v19+s23+$0x0] =	vst.idx.msk $0x1, v17  }
0x13e: {  	[tilespmem:s14+$0x0] =	vst v16;
	v14 =	vpop (erf)  }
0x13f: {  	[tilespmem:s14+$0x10] =	vst v15;
	v14 =	vpsel !p2, $0x0, v14  }
0x140: {  	[tilespmem:v18+s23+$0x0] =	vst.idx.msk $0x1, v14;
	v15 =	vmul.f32 v14, v20;
	v14 =	vmul.f32 v14, v21  }
0x141: {  	v19 =	vld [tilespmem:s13+$0xFFFFFFC0]  }
0x142: {  	v16 =	vld [tilespmem:s13+$0xFFFFFFD0];
	[tilespmem:s14+$0x20] =	vst v15  }
0x143: {  	[tilespmem:s14+$0x30] =	vst v14;
	s14 =	smov.u32 s13  }
0x144: {  	v15 =	vld [tilespmem:s17+$0xFFFFFFC0]  }
0x145: {  	v20 =	vld [tilespmem:s17+$0xFFFFFFD0]  }
0x146: {  	v14 =	vld [tilespmem:s13+$0x0]  }
0x147: {  	v17 =	vld [tilespmem:s13+$0xFFFFFFE0]  }
0x148: {  	v18 =	vld [tilespmem:s13+$0xFFFFFFF0]  }
0x149: {  	v21 =	vadd.f32 v15, v19;
	v22 =	vld [tilespmem:s17+$0xFFFFFFF0]  }
0x14a: {  	v23 =	vadd.f32 v20, v16;
	v24 =	vld [tilespmem:s17+$0xFFFFFFE0]  }
0x14b: {  	v15 =	vld [tilespmem:s13+$0x10];
	v20 =	vmul.f32 $2.000000030e-01, v21  }
0x14c: {  	vm0 =	vgt.f32 v21, $0.0e+00;
	v25 =	vmul.f32 $2.000000030e-01, v23;
	v26 =	vld [tilespmem:s17+$0x10]  }
0x14d: {  	v21 =	vsel vm0, v21, v20;
	vm0 =	vgt.f32 v23, $0.0e+00;
	v28 =	vld [tilespmem:s17+$0x0]  }
0x14e: {  	v20 =	vld [tilespmem:s13+$0x20];
	v23 =	vsel vm0, v23, v25;
	v29 =	vadd.f32 v22, v18  }
0x14f: {  	v30 =	vmul.f32 v23, v6;
	v31 =	vadd.f32 v24, v17;
	v22 =	vld [tilespmem:s17+$0x30]  }
0x150: {  	v24 =	vmul.f32 v21, v5;
	v32 =	vmul.f32 $2.000000030e-01, v29;
	v27 =	vld [tilespmem:s17+$0x20]  }
.Ltmp1:
0x151: {  	vm0 =	vgt.f32 v29, $0.0e+00;
	v21 =	vld [tilespmem:s13+$0x30];
	v33 =	vmul.f32 $2.000000030e-01, v31;
	v25 =	vadd.f32 v26, v15;
	(pc) =	sbr.rel @p1 .LBB2_5-.Ltmp1, $4  }
0x152: {  	vm1 =	vgt.f32 v31, $0.0e+00;
	v24 =	vadd.f32 v30, v24;
	v23 =	vadd.f32 v28, v14  }
0x153: {  	v28 =	vsel vm0, v29, v32;
	v26 =	vsel vm1, v31, v33;
	v29 =	vmul.f32 $2.000000030e-01, v25  }
0x154: {  	v28 =	vmul.f32 v28, v8;
	vm1 =	vgt.f32 v25, $0.0e+00;
	v26 =	vmul.f32 v26, v7  }
0x155: {  	v31 =	vperm.xlane v24, v1;
	vm0 =	vgt.f32 v23, $0.0e+00;
	v30 =	vmul.f32 $2.000000030e-01, v23  }
0x156: {  	v25 =	vsel vm1, v25, v29;
	v27 =	vadd.f32 v27, v20;
	v22 =	vadd.f32 v22, v21  }
0x157: {  	v26 =	vadd.f32 v28, v26;
	v23 =	vsel vm0, v23, v30;
	v25 =	vmul.f32 v25, v10  }
0x158: {  	v24 =	vadd.f32 v31, v24;
	v23 =	vmul.f32 v23, v9;
	v29 =	vmul.f32 $2.000000030e-01, v27  }
0x159: {  	vm0 =	vgt.f32 v27, $0.0e+00;
	v28 =	vmul.f32 $2.000000030e-01, v22;
	v31 =	vperm.xlane v26, v1  }
0x15a: {  	vm1 =	vgt.f32 v22, $0.0e+00;
	v30 =	vperm.xlane v24, v2;
	v27 =	vsel vm0, v27, v29  }
0x15b: {  	v23 =	vadd.f32 v25, v23;
	v22 =	vsel vm1, v22, v28;
	v26 =	vadd.f32 v31, v26  }
0x15c: {  	v25 =	vmul.f32 v27, v11;
	v22 =	vmul.f32 v22, v12;
	v24 =	vadd.f32 v30, v24  }
0x15d: {  	v27 =	vperm.xlane v23, v1  }
0x15e: {  	v28 =	vperm.xlane v26, v2;
	v22 =	vadd.f32 v22, v25;
	v25 =	vperm.xlane v24, v3  }
0x15f: {  	v23 =	vadd.f32 v27, v23  }
0x160: {  	v26 =	vadd.f32 v28, v26;
	v27 =	vperm.xlane v22, v1;
	v24 =	vadd.f32 v25, v24  }
0x161: {  	v25 =	vperm.xlane v23, v2  }
0x162: {  	v28 =	vperm.xlane v26, v3;
	v22 =	vadd.f32 v27, v22;
	v27 =	vperm.xlane v24, v4  }
0x163: {  	v23 =	vadd.f32 v25, v23  }
0x164: {  	v25 =	vadd.f32 v28, v26;
	v26 =	vperm.xlane v22, v2;
	v24 =	vadd.f32 v27, v24  }
0x165: {  	v27 =	vperm.xlane v23, v3  }
0x166: {  	v28 =	vperm.xlane v25, v4;
	v22 =	vadd.f32 v26, v22;
	v24 =	vsub.f32 v24, v13  }
0x167: {  	v23 =	vadd.f32 v27, v23  }
0x168: {  	v25 =	vadd.f32 v28, v25;
	v26 =	vperm.xlane v22, v3;
	v24 =	vmul.f32 $1.442695020e+00, v24  }
0x169: {  	v27 =	vperm.xlane v23, v4  }
0x16a: {  	v25 =	vsub.f32 v25, v13;
	v22 =	vadd.f32 v26, v22;
	(erf) = vpow2.f32 v24  }
0x16b: {  	v23 =	vadd.f32 v27, v23  }
0x16c: {  	v24 =	vmul.f32 $1.442695020e+00, v25;
	v25 =	vperm.xlane v22, v4  }
0x16d: {  	v23 =	vsub.f32 v23, v13  }
0x16e: {  	(erf) = vpow2.f32 v24;
	v22 =	vadd.f32 v25, v22  }
0x16f: {  	v23 =	vmul.f32 $1.442695020e+00, v23  }
0x170: {  	v22 =	vsub.f32 v22, v13  }
0x171: {  	s5 =	sshll.u32 s12, $0x4;
	(erf) = vpow2.f32 v23  }
0x172: {  	s29 =	sadd.s32 s12, s18;
	v23 =	vmov s5;
	v22 =	vmul.f32 $1.442695020e+00, v22  }
0x173: {  	p1 =	slt.s32 s29, $0x50910;
	v24 =	vpop (erf)  }
0x174: {  	(erf) = vpow2.f32 v22;
	v22 =	vpsel !p1, $0x0, v24  }
0x175: {  	v24 =	vor.u32 $0x1, v23  }
0x176: {  	v19 =	vmul.f32 v22, v19  }
0x177: {  	v16 =	vmul.f32 v22, v16;
	[tilespmem:v23+s23+$0x0] =	vst.idx.msk $0x1, v22;
	v22 =	vpop (erf)  }
0x178: {  	[tilespmem:s14+$0xFFFFFFC0] =	vst v19;
	v19 =	vpsel !p1, $0x0, v22  }
0x179: {  	[tilespmem:s14+$0xFFFFFFD0] =	vst v16;
	v22 =	vor.u32 $0x2, v23;
	v16 =	vmul.f32 v19, v17  }
0x17a: {  	[tilespmem:v24+s23+$0x0] =	vst.idx.msk $0x1, v19;
	v17 =	vmul.f32 v19, v18;
	v18 =	vpop (erf)  }
0x17b: {  	[tilespmem:s14+$0xFFFFFFE0] =	vst v16;
	v16 =	vpsel !p1, $0x0, v18  }
0x17c: {  	v18 =	vor.u32 $0x3, v23  }
0x17d: {  	[tilespmem:s14+$0xFFFFFFF0] =	vst v17;
	v14 =	vmul.f32 v16, v14  }
0x17e: {  	v15 =	vmul.f32 v16, v15;
	[tilespmem:v22+s23+$0x0] =	vst.idx.msk $0x1, v16;
	v16 =	vpop (erf)  }
0x17f: {  	[tilespmem:s14+$0x0] =	vst v14;
	v14 =	vpsel !p1, $0x0, v16  }
0x180: {  	[tilespmem:s14+$0x10] =	vst v15;
	v15 =	vmul.f32 v14, v20  }
0x181: {  	[tilespmem:v18+s23+$0x0] =	vst.idx.msk $0x1, v14;
	v14 =	vmul.f32 v14, v21  }
0x182: {  	[tilespmem:s14+$0x20] =	vst v15  }
0x183: {  	[tilespmem:s14+$0x30] =	vst v14  }
0x184: {  	[spmem:s2] =	stream.indirect.scatter.add.f32 [tilespmem:s21], [sflag:$0x5], $0x80, s24, s25, $0xb8;
	[tilespmem:$0x1FC30] =	vst v63  }
0x185: {  	_ =	swait.ge [sflag:s22], $0x2400  }
0x186: {  	[sflag:s22] =	ssyncset.done $0x0  }
0x187: {  	p1 =	seq.s32 s15, $0x47;
	[sflag:s22] =	ssyncadd.s32 $0xFFFFDC00  }
0x188: {  	[spmem:s4] =	stream.indirect.scatter.add.f32 [tilespmem:s23], [sflag:$0x5], $0x10, s24, s25, $0xb8;
	[tilespmem:$0x1FC30] =	vst v63  }
0x189: {  	s5 =	sshrl.u32 @!p1 s16, $0x3;
	_ =	swait.ge [sflag:s22], $0x480  }
0x18a: {  	s5 =	sadd.s32 @!p1 $0x12, s5;
	[sflag:s22] =	ssyncset.done $0x0  }
0x18b: {  	s13 =	simm.s32 @!p1 $0x0;
	s12 =	sadd.s32 @!p1 s6, s5;
	[sflag:s22] =	ssyncadd.s32 $0xFFFFFB80  }
0x18c: {  	[tilespmem:s13], [sflag:$0x5] =	stream.linear.gather @!p1 [hbm4b:s12+s13], $0x48, $0x38;
	[tilespmem:$0x1FC30] =	vst v63  }
0x18d: {  	s12 =	simm.s32 @!p1 $0x5  }
0x18e: {  	_ =	swait.ge @!p1 [sflag:s12], $0x48  }
0x18f: {  	[sflag:s12] =	ssyncset.done @!p1 $0x0  }
0x190: {  	s5 =	sadd.s32 @!p1 s7, s5;
	s14 =	simm.s32 @!p1 $0x90;
	[sflag:s12] =	ssyncadd.s32 @!p1 $0xFFFFFFB8  }
0x191: {  	[tilespmem:s14], [sflag:$0x5] =	stream.linear.gather @!p1 [hbm4b:s5+s13], $0x48, $0x38;
	[tilespmem:$0x1FC30] =	vst v63  }
0x192: {  	_ =	swait.ge @!p1 [sflag:s12], $0x48  }
0x193: {  	[sflag:s12] =	ssyncset.done @!p1 $0x0  }
0x194: {  	s5 =	simm.s32 @!p1 $0x48;
	[sflag:s12] =	ssyncadd.s32 @!p1 $0xFFFFFFB8;
	s12 =	simm.s32 @!p1 $0x120  }
0x195: {  	[tilespmem:s12], [sflag:$0x1] =	stream.indirect.gather @!p1 [hbm4b:s8+s5], $0x80, s13, s5, $0xb8;
	[tilespmem:$0x1FC30] =	vst v63  }
0x196: {  	s12 =	simm.s32 @!p1 $0x4920  }
0x197: {  	[tilespmem:s12], [sflag:$0x3] =	stream.indirect.gather @!p1 [hbm4b:s10+s5], $0x80, s14, s5, $0xb8;
	[tilespmem:$0x1FC30] =	vst v63  }
0x198: {  	_ =	swait.ge [sflag:s0], $0x2400  }
0x199: {  	[sflag:s0] =	ssyncset.done $0x0  }
0x19a: {  	[sflag:s0] =	ssyncadd.s32 $0xFFFFDC00  }
0x19b: {  	_ =	swait.ge [sflag:s1], $0x2400  }
0x19c: {  	[sflag:s1] =	ssyncset.done $0x0  }
0x19d: {  	s12 =	simm.s32 $0x2560;
	[sflag:s1] =	ssyncadd.s32 $0xFFFFDC00  }
0x19e: {  	v19 =	vld [tilespmem:s12+$0xFFFFFFC0]  }
0x19f: {  	s13 =	simm.s32 $0x6D60;
	v16 =	vld [tilespmem:s12+$0xFFFFFFD0]  }
0x1a0: {  	v15 =	vld [tilespmem:s13+$0xFFFFFFC0]  }
0x1a1: {  	v20 =	vld [tilespmem:s13+$0xFFFFFFD0]  }
0x1a2: {  	v18 =	vld [tilespmem:s12+$0xFFFFFFF0]  }
0x1a3: {  	v21 =	vld [tilespmem:s13+$0xFFFFFFF0]  }
0x1a4: {  	v14 =	vld [tilespmem:s12+$0x0]  }
0x1a5: {  	v17 =	vld [tilespmem:s12+$0xFFFFFFE0]  }
0x1a6: {  	v22 =	vld [tilespmem:s13+$0xFFFFFFE0];
	v20 =	vadd.f32 v20, v16;
	v23 =	vadd.f32 v15, v19  }
0x1a7: {  	v27 =	vld [tilespmem:s13+$0x0]  }
0x1a8: {  	v21 =	vadd.f32 v21, v18;
	v24 =	vmul.f32 $2.000000030e-01, v20;
	v26 =	vmul.f32 $2.000000030e-01, v23  }
0x1a9: {  	v25 =	vld [tilespmem:s13+$0x10];
	vm0 =	vgt.f32 v20, $0.0e+00;
	vm1 =	vgt.f32 v23, $0.0e+00  }
0x1aa: {  	v15 =	vld [tilespmem:s12+$0x10];
	v28 =	vmul.f32 $2.000000030e-01, v21;
	v20 =	vsel vm0, v20, v24;
	v23 =	vsel vm1, v23, v26  }
0x1ab: {  	v26 =	vadd.f32 v22, v17;
	vm0 =	vgt.f32 v21, $0.0e+00;
	v24 =	vmul.f32 v20, v6;
	v20 =	vld [tilespmem:s12+$0x20]  }
0x1ac: {  	v22 =	vmul.f32 v23, v5;
	v23 =	vadd.f32 v27, v14;
	v21 =	vsel vm0, v21, v28;
	v27 =	vld [tilespmem:s13+$0x20]  }
0x1ad: {  	v28 =	vmul.f32 v21, v8;
	v21 =	vld [tilespmem:s12+$0x30]  }
0x1ae: {  	v24 =	vadd.f32 v24, v22;
	v22 =	vld [tilespmem:s13+$0x30]  }
0x1af: {  	v25 =	vadd.f32 v25, v15;
	v29 =	vmul.f32 $2.000000030e-01, v26  }
0x1b0: {  	vm1 =	vgt.f32 v26, $0.0e+00;
	vm0 =	vgt.f32 v23, $0.0e+00  }
0x1b1: {  	s17 =	simm.s32 $0x1;
	v30 =	vmul.f32 $2.000000030e-01, v23;
	v26 =	vsel vm1, v26, v29;
	v29 =	vmul.f32 $2.000000030e-01, v25  }
0x1b2: {  	s15 =	sadd.s32 $0x1, s15;
	s16 =	simm.s32 $0x0;
	s14 =	simm.s32 $0x2560;
	vm1 =	vgt.f32 v25, $0.0e+00;
	v26 =	vmul.f32 v26, v7;
	v31 =	vperm.xlane v24, v1  }
.LBB2_7:
0x1b3: {  	p1 =	sne.s32 s17, $0x47;
	v25 =	vsel vm1, v25, v29;
	v27 =	vadd.f32 v27, v20;
	v22 =	vadd.f32 v22, v21;
	s13 =	sadd.s32 $0x80, s13;
	s12 =	sadd.s32 $0x80, s12  }
0x1b4: {  	s5 =	smov.u32 s17;
	s17 =	sadd.s32 $0x1, s17;
	v23 =	vsel vm0, v23, v30;
	v24 =	vadd.f32 v31, v24  }
0x1b5: {  	v26 =	vadd.f32 v28, v26;
	v23 =	vmul.f32 v23, v9;
	v29 =	vmul.f32 $2.000000030e-01, v27  }
0x1b6: {  	v25 =	vmul.f32 v25, v10;
	vm0 =	vgt.f32 v27, $0.0e+00;
	v28 =	vperm.xlane v24, v2  }
0x1b7: {  	vm1 =	vgt.f32 v22, $0.0e+00;
	v30 =	vmul.f32 $2.000000030e-01, v22;
	v31 =	vperm.xlane v26, v1  }
0x1b8: {  	v27 =	vsel vm0, v27, v29;
	v23 =	vadd.f32 v25, v23;
	v24 =	vadd.f32 v28, v24  }
0x1b9: {  	v22 =	vsel vm1, v22, v30;
	v26 =	vadd.f32 v31, v26;
	v25 =	vmul.f32 v27, v11  }
0x1ba: {  	v22 =	vmul.f32 v22, v12;
	v27 =	vperm.xlane v23, v1  }
0x1bb: {  	v29 =	vperm.xlane v26, v2;
	v28 =	vperm.xlane v24, v3  }
0x1bc: {  	v22 =	vadd.f32 v22, v25;
	v23 =	vadd.f32 v27, v23  }
0x1bd: {  	v25 =	vadd.f32 v29, v26;
	v24 =	vadd.f32 v28, v24  }
0x1be: {  	v27 =	vperm.xlane v22, v1;
	v26 =	vperm.xlane v23, v2  }
0x1bf: {  	v29 =	vperm.xlane v25, v3;
	v28 =	vperm.xlane v24, v4  }
0x1c0: {  	v22 =	vadd.f32 v27, v22;
	v23 =	vadd.f32 v26, v23  }
0x1c1: {  	v25 =	vadd.f32 v29, v25;
	v24 =	vadd.f32 v28, v24  }
0x1c2: {  	v27 =	vperm.xlane v22, v2;
	v26 =	vperm.xlane v23, v3  }
0x1c3: {  	v28 =	vperm.xlane v25, v4;
	v24 =	vsub.f32 v24, v13  }
0x1c4: {  	v22 =	vadd.f32 v27, v22;
	v23 =	vadd.f32 v26, v23  }
0x1c5: {  	v25 =	vadd.f32 v28, v25;
	v24 =	vmul.f32 $1.442695020e+00, v24  }
0x1c6: {  	v27 =	vperm.xlane v22, v3;
	v26 =	vperm.xlane v23, v4  }
0x1c7: {  	v25 =	vsub.f32 v25, v13;
	(erf) = vpow2.f32 v24  }
0x1c8: {  	v22 =	vadd.f32 v27, v22;
	v23 =	vadd.f32 v26, v23  }
0x1c9: {  	v24 =	vmul.f32 $1.442695020e+00, v25  }
0x1ca: {  	v25 =	vperm.xlane v22, v4;
	v23 =	vsub.f32 v23, v13  }
0x1cb: {  	(erf) = vpow2.f32 v24  }
0x1cc: {  	s19 =	sshll.u32 s16, $0x4;
	v22 =	vadd.f32 v25, v22;
	v23 =	vmul.f32 $1.442695020e+00, v23  }
0x1cd: {  	v24 =	vmov s19  }
0x1ce: {  	v22 =	vsub.f32 v22, v13;
	(erf) = vpow2.f32 v23  }
0x1cf: {  	s19 =	sadd.s32 s16, s20;
	s16 =	smov.u32 s5  }
0x1d0: {  	p2 =	slt.s32 s19, $0x50910;
	v22 =	vmul.f32 $1.442695020e+00, v22;
	v23 =	vpop (erf)  }
0x1d1: {  	v25 =	vor.u32 $0x1, v24;
	v23 =	vpsel !p2, $0x0, v23  }
0x1d2: {  	[tilespmem:v24+s3+$0x0] =	vst.idx.msk $0x1, v23;
	v26 =	vmul.f32 v23, v19;
	(erf) = vpow2.f32 v22  }
0x1d3: {  	v16 =	vmul.f32 v23, v16  }
0x1d4: {  	[tilespmem:s14+$0xFFFFFFC0] =	vst v26;
	v19 =	vpop (erf)  }
0x1d5: {  	[tilespmem:s14+$0xFFFFFFD0] =	vst v16;
	v16 =	vpsel !p2, $0x0, v19;
	v19 =	vor.u32 $0x2, v24  }
0x1d6: {  	[tilespmem:v25+s3+$0x0] =	vst.idx.msk $0x1, v16;
	v17 =	vmul.f32 v16, v17;
	v16 =	vmul.f32 v16, v18  }
0x1d7: {  	v18 =	vpop (erf)  }
0x1d8: {  	[tilespmem:s14+$0xFFFFFFE0] =	vst v17;
	v17 =	vpsel !p2, $0x0, v18;
	v18 =	vor.u32 $0x3, v24  }
0x1d9: {  	[tilespmem:s14+$0xFFFFFFF0] =	vst v16;
	v16 =	vmul.f32 v17, v14;
	v15 =	vmul.f32 v17, v15  }
0x1da: {  	[tilespmem:v19+s3+$0x0] =	vst.idx.msk $0x1, v17  }
0x1db: {  	[tilespmem:s14+$0x0] =	vst v16;
	v14 =	vpop (erf)  }
0x1dc: {  	[tilespmem:s14+$0x10] =	vst v15;
	v14 =	vpsel !p2, $0x0, v14  }
0x1dd: {  	[tilespmem:v18+s3+$0x0] =	vst.idx.msk $0x1, v14;
	v15 =	vmul.f32 v14, v20;
	v14 =	vmul.f32 v14, v21  }
0x1de: {  	v19 =	vld [tilespmem:s12+$0xFFFFFFC0]  }
0x1df: {  	v16 =	vld [tilespmem:s12+$0xFFFFFFD0];
	[tilespmem:s14+$0x20] =	vst v15  }
0x1e0: {  	[tilespmem:s14+$0x30] =	vst v14;
	s14 =	smov.u32 s12  }
0x1e1: {  	v15 =	vld [tilespmem:s13+$0xFFFFFFC0]  }
0x1e2: {  	v20 =	vld [tilespmem:s13+$0xFFFFFFD0]  }
0x1e3: {  	v14 =	vld [tilespmem:s12+$0x0]  }
0x1e4: {  	v17 =	vld [tilespmem:s12+$0xFFFFFFE0]  }
0x1e5: {  	v18 =	vld [tilespmem:s12+$0xFFFFFFF0]  }
0x1e6: {  	v21 =	vadd.f32 v15, v19;
	v22 =	vld [tilespmem:s13+$0xFFFFFFF0]  }
0x1e7: {  	v23 =	vadd.f32 v20, v16;
	v24 =	vld [tilespmem:s13+$0xFFFFFFE0]  }
0x1e8: {  	v15 =	vld [tilespmem:s12+$0x10];
	v20 =	vmul.f32 $2.000000030e-01, v21  }
0x1e9: {  	vm0 =	vgt.f32 v21, $0.0e+00;
	v25 =	vmul.f32 $2.000000030e-01, v23;
	v26 =	vld [tilespmem:s13+$0x10]  }
0x1ea: {  	v21 =	vsel vm0, v21, v20;
	vm0 =	vgt.f32 v23, $0.0e+00;
	v28 =	vld [tilespmem:s13+$0x0]  }
0x1eb: {  	v20 =	vld [tilespmem:s12+$0x20];
	v23 =	vsel vm0, v23, v25;
	v29 =	vadd.f32 v22, v18  }
0x1ec: {  	v30 =	vmul.f32 v23, v6;
	v31 =	vadd.f32 v24, v17;
	v22 =	vld [tilespmem:s13+$0x30]  }
0x1ed: {  	v24 =	vmul.f32 v21, v5;
	v32 =	vmul.f32 $2.000000030e-01, v29;
	v27 =	vld [tilespmem:s13+$0x20]  }
.Ltmp2:
0x1ee: {  	vm0 =	vgt.f32 v29, $0.0e+00;
	v21 =	vld [tilespmem:s12+$0x30];
	v33 =	vmul.f32 $2.000000030e-01, v31;
	v25 =	vadd.f32 v26, v15;
	(pc) =	sbr.rel @p1 .LBB2_7-.Ltmp2, $4  }
0x1ef: {  	vm1 =	vgt.f32 v31, $0.0e+00;
	v24 =	vadd.f32 v30, v24;
	v23 =	vadd.f32 v28, v14  }
0x1f0: {  	v28 =	vsel vm0, v29, v32;
	v26 =	vsel vm1, v31, v33;
	v29 =	vmul.f32 $2.000000030e-01, v25  }
0x1f1: {  	v28 =	vmul.f32 v28, v8;
	vm1 =	vgt.f32 v25, $0.0e+00;
	v26 =	vmul.f32 v26, v7  }
0x1f2: {  	v31 =	vperm.xlane v24, v1;
	vm0 =	vgt.f32 v23, $0.0e+00;
	v30 =	vmul.f32 $2.000000030e-01, v23  }
0x1f3: {  	v25 =	vsel vm1, v25, v29;
	v27 =	vadd.f32 v27, v20  }
0x1f4: {  	v22 =	vadd.f32 v22, v21;
	v26 =	vadd.f32 v28, v26;
	v23 =	vsel vm0, v23, v30  }
0x1f5: {  	v24 =	vadd.f32 v31, v24;
	v25 =	vmul.f32 v25, v10;
	v23 =	vmul.f32 v23, v9  }
0x1f6: {  	v35 =	vmul.f32 $2.000000030e-01, v27;
	vm14 =	vgt.f32 v27, $0.0e+00;
	v36 =	vmul.f32 $2.000000030e-01, v22  }
0x1f7: {  	vm15 =	vgt.f32 v22, $0.0e+00;
	v38 =	vperm.xlane v26, v1;
	v37 =	vperm.xlane v24, v2  }
0x1f8: {  	v27 =	vsel vm14, v27, v35;
	v23 =	vadd.f32 v25, v23;
	v22 =	vsel vm15, v22, v36  }
0x1f9: {  	v26 =	vadd.f32 v38, v26;
	v39 =	vmul.f32 v27, v11;
	v22 =	vmul.f32 v22, v12  }
0x1fa: {  	v24 =	vadd.f32 v37, v24;
	v40 =	vperm.xlane v23, v1  }
0x1fb: {  	v41 =	vperm.xlane v26, v2;
	v22 =	vadd.f32 v22, v39  }
0x1fc: {  	v42 =	vperm.xlane v24, v3;
	v23 =	vadd.f32 v40, v23  }
0x1fd: {  	v26 =	vadd.f32 v41, v26;
	v43 =	vperm.xlane v22, v1  }
0x1fe: {  	v24 =	vadd.f32 v42, v24;
	v44 =	vperm.xlane v23, v2  }
0x1ff: {  	v28 =	vperm.xlane v26, v3;
	v22 =	vadd.f32 v43, v22  }
0x200: {  	v45 =	vperm.xlane v24, v4;
	v23 =	vadd.f32 v44, v23  }
0x201: {  	v46 =	vadd.f32 v28, v26;
	v47 =	vperm.xlane v22, v2  }
0x202: {  	v24 =	vadd.f32 v45, v24;
	v48 =	vperm.xlane v23, v3  }
0x203: {  	v28 =	vperm.xlane v46, v4;
	v22 =	vadd.f32 v47, v22  }
0x204: {  	v24 =	vsub.f32 v24, v13;
	v23 =	vadd.f32 v48, v23  }
0x205: {  	v25 =	vadd.f32 v28, v46;
	v26 =	vperm.xlane v22, v3  }
0x206: {  	v24 =	vmul.f32 $1.442695020e+00, v24;
	v27 =	vperm.xlane v23, v4  }
0x207: {  	v25 =	vsub.f32 v25, v13;
	v22 =	vadd.f32 v26, v22  }
0x208: {  	(erf) = vpow2.f32 v24;
	v23 =	vadd.f32 v27, v23  }
0x209: {  	v49 =	vmul.f32 $1.442695020e+00, v25;
	v50 =	vperm.xlane v22, v4  }
0x20a: {  	v23 =	vsub.f32 v23, v13  }
0x20b: {  	(erf) = vpow2.f32 v49;
	v22 =	vadd.f32 v50, v22  }
0x20c: {  	v23 =	vmul.f32 $1.442695020e+00, v23  }
0x20d: {  	v22 =	vsub.f32 v22, v13  }
0x20e: {  	s5 =	sshll.u32 s16, $0x4;
	(erf) = vpow2.f32 v23  }
0x20f: {  	v51 =	vmov s5;
	v22 =	vmul.f32 $1.442695020e+00, v22  }
0x210: {  	s29 =	sadd.s32 s16, s20  }
0x211: {  	p1 =	slt.s32 s29, $0x50910;
	v52 =	vpop (erf);
	(erf) = vpow2.f32 v22  }
0x212: {  	v54 =	vor.u32 $0x1, v51;
	v53 =	vpsel !p1, $0x0, v52  }
0x213: {  	v19 =	vmul.f32 v53, v19  }
0x214: {  	[tilespmem:v51+s3+$0x0] =	vst.idx.msk $0x1, v53;
	v16 =	vmul.f32 v53, v16;
	v55 =	vpop (erf)  }
0x215: {  	v57 =	vor.u32 $0x2, v51;
	[tilespmem:s14+$0xFFFFFFC0] =	vst v19;
	v56 =	vpsel !p1, $0x0, v55  }
0x216: {  	[tilespmem:s14+$0xFFFFFFD0] =	vst v16;
	v58 =	vmul.f32 v56, v17  }
0x217: {  	[tilespmem:v54+s3+$0x0] =	vst.idx.msk $0x1, v56;
	v59 =	vmul.f32 v56, v18;
	v60 =	vpop (erf)  }
0x218: {  	v62 =	vor.u32 $0x3, v51;
	[tilespmem:s14+$0xFFFFFFE0] =	vst v58;
	v61 =	vpsel !p1, $0x0, v60  }
0x219: {  	[tilespmem:s14+$0xFFFFFFF0] =	vst v59;
	v14 =	vmul.f32 v61, v14  }
0x21a: {  	v15 =	vmul.f32 v61, v15;
	[tilespmem:v57+s3+$0x0] =	vst.idx.msk $0x1, v61;
	v63 =	vpop (erf)  }
0x21b: {  	[tilespmem:s14+$0x0] =	vst v14;
	v14 =	vpsel !p1, $0x0, v63  }
0x21c: {  	[tilespmem:s14+$0x10] =	vst v15;
	v15 =	vmul.f32 v14, v20  }
0x21d: {  	[tilespmem:v62+s3+$0x0] =	vst.idx.msk $0x1, v14;
	v14 =	vmul.f32 v14, v21  }
0x21e: {  	[tilespmem:s14+$0x20] =	vst v15  }
0x21f: {  	[tilespmem:s14+$0x30] =	vst v14  }
0x220: {  	[spmem:s2] =	stream.indirect.scatter.add.f32 [tilespmem:s28], [sflag:$0x5], $0x80, s26, s25, $0xb8;
	[tilespmem:$0x1FC30] =	vst v63  }
0x221: {  	_ =	swait.ge [sflag:s22], $0x2400  }
0x222: {  	p1 =	sne.s32 s15, $0x48;
	[sflag:s22] =	ssyncset.done $0x0  }
.Ltmp3:
0x223: {  	[sflag:s22] =	ssyncadd.s32 $0xFFFFDC00;
	(pc) =	sbr.rel @p1 .LBB2_4-.Ltmp3, $4  }
0x224: {  	[spmem:s4] =	stream.indirect.scatter.add.f32 [tilespmem:s3], [sflag:$0x5], $0x10, s26, s25, $0xb8;
	[tilespmem:$0x1FC30] =	vst v63  }
0x225: {  	_ =	swait.ge [sflag:s22], $0x480  }
0x226: {  	[sflag:s22] =	ssyncset.done $0x0  }
0x227: {  	s18 =	sadd.s32 $0x90, s18;
	s20 =	sadd.s32 $0x90, s20;
	[sflag:s22] =	ssyncadd.s32 $0xFFFFFB80  }
0x228: {  	s5 =	stileid.u32;
	[bflag:$0x0] =	sbarrier.arrive $0xFFFF  }
0x229: {  	s5 =	sshll.u32 s5, $0x6;
	s19 =	rddreg [dreg:$0x7]  }
0x22a: {  	s12 =	rddreg [dreg:$0xb];
	s5 =	sor.u32 $0x1C05, s5;
	s11 =	sshrl.u32 s19, $0x3  }
0x22b: {  	[hbm:s12], [sflag:s5] =	dma.local [spmem:s11], $0x2700  }
0x22c: {  	_ =	swait.ge [sflag:s22], $0x2700  }
0x22d: {  	[sflag:s22] =	ssyncset.done $0x0;
	s20 =	rddreg [dreg:$0x8]  }
0x22e: {  	s18 =	rddreg [dreg:$0xc];
	[sflag:s22] =	ssyncadd.s32 $0xFFFFD900;
	s17 =	sshrl.u32 s20, $0x3  }
0x22f: {  	[hbm:s18], [sflag:s5] =	dma.local [spmem:s17], $0x4E0  }
0x230: {  	_ =	swait.ge [sflag:s22], $0x4E0  }
0x231: {  	s14 =	sld [smem:$0x7FC];
	_ =	sdelay $0x1  }
0x232: {  	[sflag:s22] =	ssyncset.done $0x0  }
0x233: {  	s12 =	rddreg [dreg:$0x1b];
	[sflag:s22] =	ssyncadd.s32 $0xFFFFFB20;
	s11 =	sshrl.u32 @!p0 s14, $0x3  }
0x234: {  	[hbm:s12], [sflag:s5] =	dma.local @!p0 [spmem:s11], $0x100  }
0x235: {  	s11 =	simm.s32 @!p0 $0x5  }
0x236: {  	_ =	swait.ge @!p0 [sflag:s11], $0x100  }
0x237: {  	s16 =	sld [smem:$0x7FD];
	_ =	sdelay $0x1  }
0x238: {  	[sflag:s11] =	ssyncset.done @!p0 $0x0  }
0x239: {  	s13 =	rddreg [dreg:$0x1c];
	[sflag:s11] =	ssyncadd.s32 @!p0 $0xFFFFFF00;
	s12 =	sshrl.u32 @!p0 s16, $0x3  }
0x23a: {  	[hbm:s13], [sflag:s5] =	dma.local @!p0 [spmem:s12], $0x20  }
0x23b: {  	_ =	swait.ge @!p0 [sflag:s11], $0x20  }
0x23c: {  	s29 =	sld [smem:$0x7FA]  }
0x23d: {  	s18 =	rddreg [dreg:$0x5]  }
0x23e: {  	s18 =	sadd.s32 $0x1, s18  }
0x23f: {  	p1 =	sne.s32 s18, s29  }
.Ltmp4:
0x240: {  	_ = 	snop;
	(pc) =	sbr.rel @p1 .LBB2_1-.Ltmp4, $3  }
0x241: {  	_ =	sdelay $0x1  }
0x242: {  	[sflag:s11] =	ssyncset.done @!p0 $0x0  }
0x243: {  	[sflag:s11] =	ssyncadd.s32 @!p0 $0xFFFFFFE0  }
0x244: {  	_ =	sfence.sel $0x180000  }
0x245: {  	[bflag:$0x0] =	sbarrier.arrive $0xFFFF  }
0x246: {  	_ =	strace $0x90000047  }
0x247: {  	s0 =	stileid.u32;
	[bflag:$0x2] =	sbarrier.arrive $0xFFFF  }
0x248: {  	p0 =	sne.s32 s0, $0x0;
	s0 =	rddreg [dreg:$0x4]  }
0x249: {  	s0 =	sadd.s32 @!p0 $0x100000, s0  }
0x24a: {  	[sflag:s0] =	ssyncadd.tile.s32 @!p0 $0x1;
	_ =	shalt  }
.Lfunc_end2:
_tile_overlayer_lowered:
.L_overlay_start_2:
0x24b: {  	(tag) =	ssettag $0x2  }
0x24c: {  	s0 =	rddreg [dreg:$0x0];
	s2 =	stileid.u32  }
0x24d: {  	s1 =	rddreg [dreg:$0x1];
	p0 =	sne.s32 s2, $0x0  }
0x24e: {  	s3 =	rddreg [dreg:$0x2];
	[bflag:$0x3] =	sbarrier.arrive $0xFFFF;
	s2 =	simm.s32 @!p0 $0x1C05  }
0x24f: {  	[timem:s3], [sflag:s2] =	dma.local @!p0 [hbm:s0], s1  }
0x250: {  	s0 =	simm.s32 @!p0 $0x5  }
0x251: {  	_ =	swait.ge @!p0 [sflag:s0], s1  }
0x252: {  	s1 =	ssub.s32 @!p0 $0x0, s1;
	[sflag:s0] =	ssyncset.done @!p0 $0x0  }
0x253: {  	[sflag:s0] =	ssyncadd.s32 @!p0 s1  }
0x254: {  	[bflag:$0x3] =	sbarrier.arrive $0xFFFF  }
0x255: {  	_ =	shalt  }

</sc_bundles>
